<compile_context>
chip_gen: v7x
topology: tpu7x:2x2x1
jax: 0.10.2.dev20260603
libtpu: 0.0.44.dev20260713+nightly
codegen_flags: <defaults>
</compile_context>

<pallas_src>
import jax
import jax.numpy as jnp
from jax import lax
from jax.experimental import pallas as pl
from jax.experimental.pallas import tpu as pltpu
from jax.experimental.pallas import tpu_sc as plsc

N_ASPECTS = 16
A_MIN, A_MAX = 1.0, 5.0
R_MIN, R_MAX = 1.0, 5.0
SCALE = (R_MAX - R_MIN) / (A_MAX - A_MIN)
OFFSET = R_MIN - SCALE * A_MIN

NUM_WORKERS = 32
W = 128
GROUPS = 32
GW = 16 * W


def _absa_body(uids, iids, ar_t, ut, it, out_u, out_i,
               uid_v, iid_v, buf, upc_v, ar_v, outu_v, outi_v, sem):
    b_per_w = GROUPS * 16
    wid = lax.axis_index("s") * 2 + lax.axis_index("c")
    base = pl.multiple_of(wid * b_per_w, b_per_w)

    pltpu.sync_copy(uids.at[pl.ds(base, b_per_w)], uid_v)
    pltpu.sync_copy(iids.at[pl.ds(base, b_per_w)], iid_v)
    pltpu.sync_copy(ar_t.at[:, pl.ds(base, b_per_w)], ar_v)

    lanes = lax.iota(jnp.int32, 16)

    def make_pass(ids_ref, tab, is_user):
        def fire(g, slot):
            off = pl.multiple_of(g * 16, 16)
            so = pl.multiple_of(slot * GW, GW)
            idv = ids_ref[pl.ds(off, 16)]
            for j in range(16):
                u = idv[j]
                ub = pl.multiple_of((u >> 7) << 7, 128)
                pltpu.async_copy(
                    tab.at[pl.ds(0, 8), pl.ds(ub, W)],
                    buf.at[pl.ds(0, 8), pl.ds(so + j * W, W)], sem)
                pltpu.async_copy(
                    tab.at[pl.ds(8, 8), pl.ds(ub, W)],
                    buf.at[pl.ds(8, 8), pl.ds(so + j * W, W)], sem)

        def drain(slot):
            so = pl.multiple_of(slot * GW, GW)
            pltpu.make_async_copy(
                tab.at[:, pl.ds(0, GW)], buf.at[:, pl.ds(so, GW)], sem).wait()

        def group(g, carry):
            slot = g - (g // 3) * 3
            drain(slot)

            nxt = g + 2
            nslot = nxt - (nxt // 3) * 3

            @pl.when(nxt < GROUPS)
            def _():
                fire(nxt, nslot)

            off = pl.multiple_of(g * 16, 16)
            so = pl.multiple_of(slot * GW, GW)
            idv = ids_ref[pl.ds(off, 16)]
            col = so + (idv & (W - 1)) + lanes * W
            acc = jnp.zeros((16,), jnp.float32)
            for a in range(N_ASPECTS):
                row = jnp.full((16,), a, jnp.int32)
                vals = plsc.load_gather(buf, [row, col])
                valc = jnp.minimum(jnp.maximum(vals, A_MIN), A_MAX)
                if is_user:
                    upc_v[a, pl.ds(off, 16)] = valc
                    other = ar_v[a, pl.ds(off, 16)]
                else:
                    other = upc_v[a, pl.ds(off, 16)]
                acc = acc + valc * other
            out_ref = outu_v if is_user else outi_v
            out_ref[pl.ds(off, 16)] = acc * SCALE + OFFSET
            return carry

        fire(0, 0)
        fire(1, 1)
        lax.fori_loop(0, GROUPS, group, 0)

    make_pass(uid_v, ut, True)
    make_pass(iid_v, it, False)

    pltpu.sync_copy(outu_v, out_u.at[pl.ds(base, b_per_w)])
    pltpu.sync_copy(outi_v, out_i.at[pl.ds(base, b_per_w)])


def kernel(U_ids, I_ids, A_ratings, users_parameters, items_parameters):
    B = U_ids.shape[0]
    b_per_w = B // NUM_WORKERS
    mesh = plsc.VectorSubcoreMesh(core_axis_name="c", subcore_axis_name="s")
    f = pl.kernel(
        _absa_body,
        out_type=(
            jax.ShapeDtypeStruct((B,), jnp.float32),
            jax.ShapeDtypeStruct((B,), jnp.float32),
        ),
        mesh=mesh,
        compiler_params=pltpu.CompilerParams(
            needs_layout_passes=False, use_tc_tiling_on_sc=True),
        scratch_types=[
            pltpu.VMEM((b_per_w,), jnp.int32),
            pltpu.VMEM((b_per_w,), jnp.int32),
            pltpu.VMEM((16, 3 * GW), jnp.float32),
            pltpu.VMEM((16, b_per_w), jnp.float32),
            pltpu.VMEM((16, b_per_w), jnp.float32),
            pltpu.VMEM((b_per_w,), jnp.float32),
            pltpu.VMEM((b_per_w,), jnp.float32),
            pltpu.SemaphoreType.DMA,
        ],
    )
    return f(U_ids.astype(jnp.int32), I_ids.astype(jnp.int32),
             A_ratings.T, users_parameters.T, items_parameters.T)

# --- scband reference (transcript-rebuilt; emitter-appended) ---
"""Pipeline reference for scband-absarecommender-66443144069604 (READ-ONLY COPY).

The authoritative reference and input builder live on the scoring server;
editing this copy changes nothing except your own understanding.
"""

import jax, jax.numpy as jnp
import numpy as np

N_USERS = 1000000
N_ITEMS = 1000000
BATCH = 16384
N_ASPECTS = 16
A_MIN, A_MAX = 1.0, 5.0
R_MIN, R_MAX = 1.0, 5.0


def _rescale(x, a, b, c, d):
    return c + (d - c) * ((x - a) / (b - a))


def setup_inputs(seed: int = 0) -> dict:
    key = jax.random.key(seed)
    k1, k2, k3, k4, k5 = jax.random.split(key, 5)
    U_ids = jax.random.randint(k1, (BATCH,), 0, N_USERS, dtype=jnp.int64 if jax.config.jax_enable_x64 else jnp.int32)
    I_ids = jax.random.randint(k2, (BATCH,), 0, N_ITEMS, dtype=jnp.int64 if jax.config.jax_enable_x64 else jnp.int32)
    # aspect ratings live in [aspect_min_rating, aspect_max_rating]
    A_ratings = A_MIN + (A_MAX - A_MIN) * jax.random.uniform(k3, (BATCH, N_ASPECTS), dtype=jnp.float32)
    # learned per-user / per-item aspect parameter tables
    users_parameters = A_MIN + (A_MAX - A_MIN) * jax.random.uniform(k4, (N_USERS, N_ASPECTS), dtype=jnp.float32)
    items_parameters = A_MIN + (A_MAX - A_MIN) * jax.random.uniform(k5, (N_ITEMS, N_ASPECTS), dtype=jnp.float32)
    return {
        "U_ids": U_ids,
        "I_ids": I_ids,
        "A_ratings": A_ratings,
        "users_parameters": users_parameters,
        "items_parameters": items_parameters,
    }


def reference(U_ids, I_ids, A_ratings, users_parameters, items_parameters):
    # --- ABSARecommender.forward ---
    # no_grad block: gather + clamp user and item aspect parameters
    U_params = jnp.clip(jnp.take(users_parameters, U_ids, axis=0), A_MIN, A_MAX)
    I_params = jnp.clip(jnp.take(items_parameters, I_ids, axis=0), A_MIN, A_MAX)
    # force=True and A_ratings is not None -> use provided A_ratings
    used_A_ratings = A_ratings
    # user_profile(U_ids, used_A_ratings): fresh lookup + weighted sum + global rescale
    batch_users_params = jnp.clip(jnp.take(users_parameters, U_ids, axis=0), A_MIN, A_MAX)
    u_pred = jnp.sum(batch_users_params * used_A_ratings, axis=1)
    U_R_hat = _rescale(u_pred, A_MIN, A_MAX, R_MIN, R_MAX)
    # item_profile(I_ids, U_params, A_ratings): symmetric item-side prediction
    batch_items_params = jnp.clip(jnp.take(items_parameters, I_ids, axis=0), A_MIN, A_MAX)
    i_pred = jnp.sum(batch_items_params * U_params, axis=1)
    I_R_hat = _rescale(i_pred, A_MIN, A_MAX, R_MIN, R_MAX)
    return (jnp.squeeze(U_R_hat), jnp.squeeze(I_R_hat))

if __name__ == "__main__":
    import jax
    _d = setup_inputs()
    print(jax.jit(kernel)(*tuple(_d.values())))

</pallas_src>

<mosaic_0001>
#map = affine_map<(d0, d1) -> (0)>
#map1 = affine_map<(d0, d1) -> (0, 0)>
module attributes {stable_mosaic.version = 14 : i64} {
  func.func @_absa_body(%arg0: i32, %arg1: i32, %arg2: memref<16384xi32, #tpu.memory_space<hbm>>, %arg3: memref<16384xi32, #tpu.memory_space<hbm>>, %arg4: memref<16x16384xf32, #tpu.memory_space<hbm>>, %arg5: memref<16x1000000xf32, #tpu.memory_space<hbm>>, %arg6: memref<16x1000000xf32, #tpu.memory_space<hbm>>, %arg7: memref<16384xf32, #tpu.memory_space<hbm>>, %arg8: memref<16384xf32, #tpu.memory_space<hbm>>, %arg9: memref<512xi32, #tpu.memory_space<vmem>>, %arg10: memref<512xi32, #tpu.memory_space<vmem>>, %arg11: memref<16x6144xf32, #tpu.memory_space<vmem>>, %arg12: memref<16x512xf32, #tpu.memory_space<vmem>>, %arg13: memref<16x512xf32, #tpu.memory_space<vmem>>, %arg14: memref<512xf32, #tpu.memory_space<vmem>>, %arg15: memref<512xf32, #tpu.memory_space<vmem>>, %arg16: memref<!tpu.dma_semaphore, #tpu.memory_space<semaphore_mem>>) attributes {dimension_semantics = [#tpu.dimension_semantics<core_parallel>, #tpu.dimension_semantics<subcore_parallel>], iteration_bounds = array<i64: 2, 16>, scalar_prefetch = 0 : i64, scratch_operands = 8 : i64, tpu.core_type = #tpu.core_type<sc_vector_subcore>, window_params = [{transform_indices = #map}, {transform_indices = #map}, {transform_indices = #map1}, {transform_indices = #map1}, {transform_indices = #map1}, {transform_indices = #map}, {transform_indices = #map}]} {
    %mul3A = arith.constant 2 : i32
    %mul3A_0 = arith.muli %arg1, %mul3A : i32
    %add3A = arith.addi %mul3A_0, %arg0 : i32
    %mul3A_1 = arith.constant 512 : i32
    %mul3A_2 = arith.muli %add3A, %mul3A_1 : i32
    %multiple_of3A = tpu.assume_multiple %mul3A_2, 512 : i32
    "tpu.region"() ({
      %run_scoped3A = tpu.sem_alloc : memref<!tpu.dma_semaphore, #tpu.memory_space<semaphore_mem>>
      %dma_start3A_1760 = tpu.memref_slice %arg2[%multiple_of3A] : memref<16384xi32, #tpu.memory_space<hbm>> -> memref<512xi32, #tpu.memory_space<hbm>>
      %dma_start3A_1761 = tpu.memref_slice %arg2[%multiple_of3A] : memref<16384xi32, #tpu.memory_space<hbm>> -> memref<512xi32, #tpu.memory_space<hbm>>
      tpu.enqueue_dma source(%dma_start3A_1761 : memref<512xi32, #tpu.memory_space<hbm>>) target(%arg9 : memref<512xi32, #tpu.memory_space<vmem>>) target_semaphore(%run_scoped3A : memref<!tpu.dma_semaphore, #tpu.memory_space<semaphore_mem>>)
      %dma_wait3A = tpu.memref_slice %arg2[%multiple_of3A] : memref<16384xi32, #tpu.memory_space<hbm>> -> memref<512xi32, #tpu.memory_space<hbm>>
      %dma_wait3A_1762 = tpu.memref_slice %arg2[%multiple_of3A] : memref<16384xi32, #tpu.memory_space<hbm>> -> memref<512xi32, #tpu.memory_space<hbm>>
      tpu.wait_dma2 semaphore(%run_scoped3A : memref<!tpu.dma_semaphore, #tpu.memory_space<semaphore_mem>>) src(%dma_wait3A_1762 : memref<512xi32, #tpu.memory_space<hbm>>) dst(%arg9 : memref<512xi32, #tpu.memory_space<vmem>>)
      tpu.yield
    }) : () -> ()
    "tpu.region"() ({
      %run_scoped3A = tpu.sem_alloc : memref<!tpu.dma_semaphore, #tpu.memory_space<semaphore_mem>>
      %dma_start3A_1760 = tpu.memref_slice %arg3[%multiple_of3A] : memref<16384xi32, #tpu.memory_space<hbm>> -> memref<512xi32, #tpu.memory_space<hbm>>
      %dma_start3A_1761 = tpu.memref_slice %arg3[%multiple_of3A] : memref<16384xi32, #tpu.memory_space<hbm>> -> memref<512xi32, #tpu.memory_space<hbm>>
      tpu.enqueue_dma source(%dma_start3A_1761 : memref<512xi32, #tpu.memory_space<hbm>>) target(%arg10 : memref<512xi32, #tpu.memory_space<vmem>>) target_semaphore(%run_scoped3A : memref<!tpu.dma_semaphore, #tpu.memory_space<semaphore_mem>>)
      %dma_wait3A = tpu.memref_slice %arg3[%multiple_of3A] : memref<16384xi32, #tpu.memory_space<hbm>> -> memref<512xi32, #tpu.memory_space<hbm>>
      %dma_wait3A_1762 = tpu.memref_slice %arg3[%multiple_of3A] : memref<16384xi32, #tpu.memory_space<hbm>> -> memref<512xi32, #tpu.memory_space<hbm>>
      tpu.wait_dma2 semaphore(%run_scoped3A : memref<!tpu.dma_semaphore, #tpu.memory_space<semaphore_mem>>) src(%dma_wait3A_1762 : memref<512xi32, #tpu.memory_space<hbm>>) dst(%arg10 : memref<512xi32, #tpu.memory_space<vmem>>)
      tpu.yield
    }) : () -> ()
    "tpu.region"() ({
      %run_scoped3A = tpu.sem_alloc : memref<!tpu.dma_semaphore, #tpu.memory_space<semaphore_mem>>
      %dma_start3A_1760 = arith.constant 0 : i32
      %dma_start3A_1761 = tpu.memref_slice %arg4[%dma_start3A_1760, %multiple_of3A] : memref<16x16384xf32, #tpu.memory_space<hbm>> -> memref<16x512xf32, #tpu.memory_space<hbm>>
      %dma_start3A_1762 = arith.constant 0 : i32
      %dma_start3A_1763 = tpu.memref_slice %arg4[%dma_start3A_1762, %multiple_of3A] : memref<16x16384xf32, #tpu.memory_space<hbm>> -> memref<16x512xf32, #tpu.memory_space<hbm>>
      tpu.enqueue_dma source(%dma_start3A_1763 : memref<16x512xf32, #tpu.memory_space<hbm>>) target(%arg13 : memref<16x512xf32, #tpu.memory_space<vmem>>) target_semaphore(%run_scoped3A : memref<!tpu.dma_semaphore, #tpu.memory_space<semaphore_mem>>)
      %dma_wait3A = arith.constant 0 : i32
      %dma_wait3A_1764 = tpu.memref_slice %arg4[%dma_wait3A, %multiple_of3A] : memref<16x16384xf32, #tpu.memory_space<hbm>> -> memref<16x512xf32, #tpu.memory_space<hbm>>
      %dma_wait3A_1765 = arith.constant 0 : i32
      %dma_wait3A_1766 = tpu.memref_slice %arg4[%dma_wait3A_1765, %multiple_of3A] : memref<16x16384xf32, #tpu.memory_space<hbm>> -> memref<16x512xf32, #tpu.memory_space<hbm>>
      tpu.wait_dma2 semaphore(%run_scoped3A : memref<!tpu.dma_semaphore, #tpu.memory_space<semaphore_mem>>) src(%dma_wait3A_1766 : memref<16x512xf32, #tpu.memory_space<hbm>>) dst(%arg13 : memref<16x512xf32, #tpu.memory_space<vmem>>)
      tpu.yield
    }) : () -> ()
    %iota3A = tpu.iota {dimensions = array<i32: 0>} : vector<16xi32>
    %multiple_of3A_3 = arith.constant 0 : i32
    %multiple_of3A_4 = tpu.assume_multiple %multiple_of3A_3, 16 : i32
    %multiple_of3A_5 = arith.constant 0 : i32
    %multiple_of3A_6 = tpu.assume_multiple %multiple_of3A_5, 2048 : i32
    %get3A = arith.index_cast %multiple_of3A_4 : i32 to index
    %get3A_7 = tpu.vector_load %arg9[%get3A] {strides = array<i32>} : memref<512xi32, #tpu.memory_space<vmem>>, vector<16xi32>,
    %slice3A = vector.extract_strided_slice %get3A_7 {offsets = [0], sizes = [1], strides = [1]} : vector<16xi32> to vector<1xi32>
    %squeeze3A = vector.extract %slice3A[0] : i32 from vector<1xi32>
    %shift_right_arithmetic3A = arith.constant 7 : i32
    %shift_right_arithmetic3A_8 = arith.shrsi %squeeze3A, %shift_right_arithmetic3A : i32
    %shift_left3A = arith.constant 7 : i32
    %shift_left3A_9 = arith.shli %shift_right_arithmetic3A_8, %shift_left3A : i32
    %multiple_of3A_10 = tpu.assume_multiple %shift_left3A_9, 128 : i32
    %add3A_11 = arith.constant 0 : i32
    %add3A_12 = arith.addi %multiple_of3A_6, %add3A_11 : i32
    %dma_start3A = arith.constant 0 : i32
    %dma_start3A_13 = tpu.memref_slice %arg11[%dma_start3A, %add3A_12] : memref<16x6144xf32, #tpu.memory_space<vmem>> -> memref<8x128xf32, #tpu.memory_space<vmem>>
    %dma_start3A_14 = arith.constant 0 : i32
    %dma_start3A_15 = tpu.memref_slice %arg5[%dma_start3A_14, %multiple_of3A_10] : memref<16x1000000xf32, #tpu.memory_space<hbm>> -> memref<8x128xf32, #tpu.memory_space<hbm>>
    %dma_start3A_16 = arith.constant 0 : i32
    %dma_start3A_17 = tpu.memref_slice %arg11[%dma_start3A_16, %add3A_12] : memref<16x6144xf32, #tpu.memory_space<vmem>> -> memref<8x128xf32, #tpu.memory_space<vmem>>
    %dma_start3A_18 = arith.constant 0 : i32
    %dma_start3A_19 = tpu.memref_slice %arg5[%dma_start3A_18, %multiple_of3A_10] : memref<16x1000000xf32, #tpu.memory_space<hbm>> -> memref<8x128xf32, #tpu.memory_space<hbm>>
    tpu.enqueue_dma source(%dma_start3A_19 : memref<8x128xf32, #tpu.memory_space<hbm>>) target(%dma_start3A_17 : memref<8x128xf32, #tpu.memory_space<vmem>>) target_semaphore(%arg16 : memref<!tpu.dma_semaphore, #tpu.memory_space<semaphore_mem>>)
    %add3A_20 = arith.constant 0 : i32
    %add3A_21 = arith.addi %multiple_of3A_6, %add3A_20 : i32
    %dma_start3A_22 = arith.constant 8 : i32
    %dma_start3A_23 = tpu.memref_slice %arg11[%dma_start3A_22, %add3A_21] : memref<16x6144xf32, #tpu.memory_space<vmem>> -> memref<8x128xf32, #tpu.memory_space<vmem>>
    %dma_start3A_24 = arith.constant 8 : i32
    %dma_start3A_25 = tpu.memref_slice %arg5[%dma_start3A_24, %multiple_of3A_10] : memref<16x1000000xf32, #tpu.memory_space<hbm>> -> memref<8x128xf32, #tpu.memory_space<hbm>>
    %dma_start3A_26 = arith.constant 8 : i32
    %dma_start3A_27 = tpu.memref_slice %arg11[%dma_start3A_26, %add3A_21] : memref<16x6144xf32, #tpu.memory_space<vmem>> -> memref<8x128xf32, #tpu.memory_space<vmem>>
    %dma_start3A_28 = arith.constant 8 : i32
    %dma_start3A_29 = tpu.memref_slice %arg5[%dma_start3A_28, %multiple_of3A_10] : memref<16x1000000xf32, #tpu.memory_space<hbm>> -> memref<8x128xf32, #tpu.memory_space<hbm>>
    tpu.enqueue_dma source(%dma_start3A_29 : memref<8x128xf32, #tpu.memory_space<hbm>>) target(%dma_start3A_27 : memref<8x128xf32, #tpu.memory_space<vmem>>) target_semaphore(%arg16 : memref<!tpu.dma_semaphore, #tpu.memory_space<semaphore_mem>>)
    %slice3A_30 = vector.extract_strided_slice %get3A_7 {offsets = [1], sizes = [1], strides = [1]} : vector<16xi32> to vector<1xi32>
    %squeeze3A_31 = vector.extract %slice3A_30[0] : i32 from vector<1xi32>
    %shift_right_arithmetic3A_32 = arith.constant 7 : i32
    %shift_right_arithmetic3A_33 = arith.shrsi %squeeze3A_31, %shift_right_arithmetic3A_32 : i32
    %shift_left3A_34 = arith.constant 7 : i32
    %shift_left3A_35 = arith.shli %shift_right_arithmetic3A_33, %shift_left3A_34 : i32
    %multiple_of3A_36 = tpu.assume_multiple %shift_left3A_35, 128 : i32
    %add3A_37 = arith.constant 128 : i32
    %add3A_38 = arith.addi %multiple_of3A_6, %add3A_37 : i32
    %dma_start3A_39 = arith.constant 0 : i32
    %dma_start3A_40 = tpu.memref_slice %arg11[%dma_start3A_39, %add3A_38] : memref<16x6144xf32, #tpu.memory_space<vmem>> -> memref<8x128xf32, #tpu.memory_space<vmem>>
    %dma_start3A_41 = arith.constant 0 : i32
    %dma_start3A_42 = tpu.memref_slice %arg5[%dma_start3A_41, %multiple_of3A_36] : memref<16x1000000xf32, #tpu.memory_space<hbm>> -> memref<8x128xf32, #tpu.memory_space<hbm>>
    %dma_start3A_43 = arith.constant 0 : i32
    %dma_start3A_44 = tpu.memref_slice %arg11[%dma_start3A_43, %add3A_38] : memref<16x6144xf32, #tpu.memory_space<vmem>> -> memref<8x128xf32, #tpu.memory_space<vmem>>
    %dma_start3A_45 = arith.constant 0 : i32
    %dma_start3A_46 = tpu.memref_slice %arg5[%dma_start3A_45, %multiple_of3A_36] : memref<16x1000000xf32, #tpu.memory_space<hbm>> -> memref<8x128xf32, #tpu.memory_space<hbm>>
    tpu.enqueue_dma source(%dma_start3A_46 : memref<8x128xf32, #tpu.memory_space<hbm>>) target(%dma_start3A_44 : memref<8x128xf32, #tpu.memory_space<vmem>>) target_semaphore(%arg16 : memref<!tpu.dma_semaphore, #tpu.memory_space<semaphore_mem>>)
    %add3A_47 = arith.constant 128 : i32
    %add3A_48 = arith.addi %multiple_of3A_6, %add3A_47 : i32
    %dma_start3A_49 = arith.constant 8 : i32
    %dma_start3A_50 = tpu.memref_slice %arg11[%dma_start3A_49, %add3A_48] : memref<16x6144xf32, #tpu.memory_space<vmem>> -> memref<8x128xf32, #tpu.memory_space<vmem>>
    %dma_start3A_51 = arith.constant 8 : i32
    %dma_start3A_52 = tpu.memref_slice %arg5[%dma_start3A_51, %multiple_of3A_36] : memref<16x1000000xf32, #tpu.memory_space<hbm>> -> memref<8x128xf32, #tpu.memory_space<hbm>>
    %dma_start3A_53 = arith.constant 8 : i32
    %dma_start3A_54 = tpu.memref_slice %arg11[%dma_start3A_53, %add3A_48] : memref<16x6144xf32, #tpu.memory_space<vmem>> -> memref<8x128xf32, #tpu.memory_space<vmem>>
    %dma_start3A_55 = arith.constant 8 : i32
    %dma_start3A_56 = tpu.memref_slice %arg5[%dma_start3A_55, %multiple_of3A_36] : memref<16x1000000xf32, #tpu.memory_space<hbm>> -> memref<8x128xf32, #tpu.memory_space<hbm>>
    tpu.enqueue_dma source(%dma_start3A_56 : memref<8x128xf32, #tpu.memory_space<hbm>>) target(%dma_start3A_54 : memref<8x128xf32, #tpu.memory_space<vmem>>) target_semaphore(%arg16 : memref<!tpu.dma_semaphore, #tpu.memory_space<semaphore_mem>>)
    %slice3A_57 = vector.extract_strided_slice %get3A_7 {offsets = [2], sizes = [1], strides = [1]} : vector<16xi32> to vector<1xi32>
    %squeeze3A_58 = vector.extract %slice3A_57[0] : i32 from vector<1xi32>
    %shift_right_arithmetic3A_59 = arith.constant 7 : i32
    %shift_right_arithmetic3A_60 = arith.shrsi %squeeze3A_58, %shift_right_arithmetic3A_59 : i32
    %shift_left3A_61 = arith.constant 7 : i32
    %shift_left3A_62 = arith.shli %shift_right_arithmetic3A_60, %shift_left3A_61 : i32
    %multiple_of3A_63 = tpu.assume_multiple %shift_left3A_62, 128 : i32
    %add3A_64 = arith.constant 256 : i32
    %add3A_65 = arith.addi %multiple_of3A_6, %add3A_64 : i32
    %dma_start3A_66 = arith.constant 0 : i32
    %dma_start3A_67 = tpu.memref_slice %arg11[%dma_start3A_66, %add3A_65] : memref<16x6144xf32, #tpu.memory_space<vmem>> -> memref<8x128xf32, #tpu.memory_space<vmem>>
    %dma_start3A_68 = arith.constant 0 : i32
    %dma_start3A_69 = tpu.memref_slice %arg5[%dma_start3A_68, %multiple_of3A_63] : memref<16x1000000xf32, #tpu.memory_space<hbm>> -> memref<8x128xf32, #tpu.memory_space<hbm>>
    %dma_start3A_70 = arith.constant 0 : i32
    %dma_start3A_71 = tpu.memref_slice %arg11[%dma_start3A_70, %add3A_65] : memref<16x6144xf32, #tpu.memory_space<vmem>> -> memref<8x128xf32, #tpu.memory_space<vmem>>
    %dma_start3A_72 = arith.constant 0 : i32
    %dma_start3A_73 = tpu.memref_slice %arg5[%dma_start3A_72, %multiple_of3A_63] : memref<16x1000000xf32, #tpu.memory_space<hbm>> -> memref<8x128xf32, #tpu.memory_space<hbm>>
    tpu.enqueue_dma source(%dma_start3A_73 : memref<8x128xf32, #tpu.memory_space<hbm>>) target(%dma_start3A_71 : memref<8x128xf32, #tpu.memory_space<vmem>>) target_semaphore(%arg16 : memref<!tpu.dma_semaphore, #tpu.memory_space<semaphore_mem>>)
    %add3A_74 = arith.constant 256 : i32
    %add3A_75 = arith.addi %multiple_of3A_6, %add3A_74 : i32
    %dma_start3A_76 = arith.constant 8 : i32
    %dma_start3A_77 = tpu.memref_slice %arg11[%dma_start3A_76, %add3A_75] : memref<16x6144xf32, #tpu.memory_space<vmem>> -> memref<8x128xf32, #tpu.memory_space<vmem>>
    %dma_start3A_78 = arith.constant 8 : i32
    %dma_start3A_79 = tpu.memref_slice %arg5[%dma_start3A_78, %multiple_of3A_63] : memref<16x1000000xf32, #tpu.memory_space<hbm>> -> memref<8x128xf32, #tpu.memory_space<hbm>>
    %dma_start3A_80 = arith.constant 8 : i32
    %dma_start3A_81 = tpu.memref_slice %arg11[%dma_start3A_80, %add3A_75] : memref<16x6144xf32, #tpu.memory_space<vmem>> -> memref<8x128xf32, #tpu.memory_space<vmem>>
    %dma_start3A_82 = arith.constant 8 : i32
    %dma_start3A_83 = tpu.memref_slice %arg5[%dma_start3A_82, %multiple_of3A_63] : memref<16x1000000xf32, #tpu.memory_space<hbm>> -> memref<8x128xf32, #tpu.memory_space<hbm>>
    tpu.enqueue_dma source(%dma_start3A_83 : memref<8x128xf32, #tpu.memory_space<hbm>>) target(%dma_start3A_81 : memref<8x128xf32, #tpu.memory_space<vmem>>) target_semaphore(%arg16 : memref<!tpu.dma_semaphore, #tpu.memory_space<semaphore_mem>>)
    %slice3A_84 = vector.extract_strided_slice %get3A_7 {offsets = [3], sizes = [1], strides = [1]} : vector<16xi32> to vector<1xi32>
    %squeeze3A_85 = vector.extract %slice3A_84[0] : i32 from vector<1xi32>
    %shift_right_arithmetic3A_86 = arith.constant 7 : i32
    %shift_right_arithmetic3A_87 = arith.shrsi %squeeze3A_85, %shift_right_arithmetic3A_86 : i32
    %shift_left3A_88 = arith.constant 7 : i32
    %shift_left3A_89 = arith.shli %shift_right_arithmetic3A_87, %shift_left3A_88 : i32
    %multiple_of3A_90 = tpu.assume_multiple %shift_left3A_89, 128 : i32
    %add3A_91 = arith.constant 384 : i32
    %add3A_92 = arith.addi %multiple_of3A_6, %add3A_91 : i32
    %dma_start3A_93 = arith.constant 0 : i32
    %dma_start3A_94 = tpu.memref_slice %arg11[%dma_start3A_93, %add3A_92] : memref<16x6144xf32, #tpu.memory_space<vmem>> -> memref<8x128xf32, #tpu.memory_space<vmem>>
    %dma_start3A_95 = arith.constant 0 : i32
    %dma_start3A_96 = tpu.memref_slice %arg5[%dma_start3A_95, %multiple_of3A_90] : memref<16x1000000xf32, #tpu.memory_space<hbm>> -> memref<8x128xf32, #tpu.memory_space<hbm>>
    %dma_start3A_97 = arith.constant 0 : i32
    %dma_start3A_98 = tpu.memref_slice %arg11[%dma_start3A_97, %add3A_92] : memref<16x6144xf32, #tpu.memory_space<vmem>> -> memref<8x128xf32, #tpu.memory_space<vmem>>
    %dma_start3A_99 = arith.constant 0 : i32
    %dma_start3A_100 = tpu.memref_slice %arg5[%dma_start3A_99, %multiple_of3A_90] : memref<16x1000000xf32, #tpu.memory_space<hbm>> -> memref<8x128xf32, #tpu.memory_space<hbm>>
    tpu.enqueue_dma source(%dma_start3A_100 : memref<8x128xf32, #tpu.memory_space<hbm>>) target(%dma_start3A_98 : memref<8x128xf32, #tpu.memory_space<vmem>>) target_semaphore(%arg16 : memref<!tpu.dma_semaphore, #tpu.memory_space<semaphore_mem>>)
    %add3A_101 = arith.constant 384 : i32
    %add3A_102 = arith.addi %multiple_of3A_6, %add3A_101 : i32
    %dma_start3A_103 = arith.constant 8 : i32
    %dma_start3A_104 = tpu.memref_slice %arg11[%dma_start3A_103, %add3A_102] : memref<16x6144xf32, #tpu.memory_space<vmem>> -> memref<8x128xf32, #tpu.memory_space<vmem>>
    %dma_start3A_105 = arith.constant 8 : i32
    %dma_start3A_106 = tpu.memref_slice %arg5[%dma_start3A_105, %multiple_of3A_90] : memref<16x1000000xf32, #tpu.memory_space<hbm>> -> memref<8x128xf32, #tpu.memory_space<hbm>>
    %dma_start3A_107 = arith.constant 8 : i32
    %dma_start3A_108 = tpu.memref_slice %arg11[%dma_start3A_107, %add3A_102] : memref<16x6144xf32, #tpu.memory_space<vmem>> -> memref<8x128xf32, #tpu.memory_space<vmem>>
    %dma_start3A_109 = arith.constant 8 : i32
    %dma_start3A_110 = tpu.memref_slice %arg5[%dma_start3A_109, %multiple_of3A_90] : memref<16x1000000xf32, #tpu.memory_space<hbm>> -> memref<8x128xf32, #tpu.memory_space<hbm>>
    tpu.enqueue_dma source(%dma_start3A_110 : memref<8x128xf32, #tpu.memory_space<hbm>>) target(%dma_start3A_108 : memref<8x128xf32, #tpu.memory_space<vmem>>) target_semaphore(%arg16 : memref<!tpu.dma_semaphore, #tpu.memory_space<semaphore_mem>>)
    %slice3A_111 = vector.extract_strided_slice %get3A_7 {offsets = [4], sizes = [1], strides = [1]} : vector<16xi32> to vector<1xi32>
    %squeeze3A_112 = vector.extract %slice3A_111[0] : i32 from vector<1xi32>
    %shift_right_arithmetic3A_113 = arith.constant 7 : i32
    %shift_right_arithmetic3A_114 = arith.shrsi %squeeze3A_112, %shift_right_arithmetic3A_113 : i32
    %shift_left3A_115 = arith.constant 7 : i32
    %shift_left3A_116 = arith.shli %shift_right_arithmetic3A_114, %shift_left3A_115 : i32
    %multiple_of3A_117 = tpu.assume_multiple %shift_left3A_116, 128 : i32
    %add3A_118 = arith.constant 512 : i32
    %add3A_119 = arith.addi %multiple_of3A_6, %add3A_118 : i32
    %dma_start3A_120 = arith.constant 0 : i32
    %dma_start3A_121 = tpu.memref_slice %arg11[%dma_start3A_120, %add3A_119] : memref<16x6144xf32, #tpu.memory_space<vmem>> -> memref<8x128xf32, #tpu.memory_space<vmem>>
    %dma_start3A_122 = arith.constant 0 : i32
    %dma_start3A_123 = tpu.memref_slice %arg5[%dma_start3A_122, %multiple_of3A_117] : memref<16x1000000xf32, #tpu.memory_space<hbm>> -> memref<8x128xf32, #tpu.memory_space<hbm>>
    %dma_start3A_124 = arith.constant 0 : i32
    %dma_start3A_125 = tpu.memref_slice %arg11[%dma_start3A_124, %add3A_119] : memref<16x6144xf32, #tpu.memory_space<vmem>> -> memref<8x128xf32, #tpu.memory_space<vmem>>
    %dma_start3A_126 = arith.constant 0 : i32
    %dma_start3A_127 = tpu.memref_slice %arg5[%dma_start3A_126, %multiple_of3A_117] : memref<16x1000000xf32, #tpu.memory_space<hbm>> -> memref<8x128xf32, #tpu.memory_space<hbm>>
    tpu.enqueue_dma source(%dma_start3A_127 : memref<8x128xf32, #tpu.memory_space<hbm>>) target(%dma_start3A_125 : memref<8x128xf32, #tpu.memory_space<vmem>>) target_semaphore(%arg16 : memref<!tpu.dma_semaphore, #tpu.memory_space<semaphore_mem>>)
    %add3A_128 = arith.constant 512 : i32
    %add3A_129 = arith.addi %multiple_of3A_6, %add3A_128 : i32
    %dma_start3A_130 = arith.constant 8 : i32
    %dma_start3A_131 = tpu.memref_slice %arg11[%dma_start3A_130, %add3A_129] : memref<16x6144xf32, #tpu.memory_space<vmem>> -> memref<8x128xf32, #tpu.memory_space<vmem>>
    %dma_start3A_132 = arith.constant 8 : i32
    %dma_start3A_133 = tpu.memref_slice %arg5[%dma_start3A_132, %multiple_of3A_117] : memref<16x1000000xf32, #tpu.memory_space<hbm>> -> memref<8x128xf32, #tpu.memory_space<hbm>>
    %dma_start3A_134 = arith.constant 8 : i32
    %dma_start3A_135 = tpu.memref_slice %arg11[%dma_start3A_134, %add3A_129] : memref<16x6144xf32, #tpu.memory_space<vmem>> -> memref<8x128xf32, #tpu.memory_space<vmem>>
    %dma_start3A_136 = arith.constant 8 : i32
    %dma_start3A_137 = tpu.memref_slice %arg5[%dma_start3A_136, %multiple_of3A_117] : memref<16x1000000xf32, #tpu.memory_space<hbm>> -> memref<8x128xf32, #tpu.memory_space<hbm>>
    tpu.enqueue_dma source(%dma_start3A_137 : memref<8x128xf32, #tpu.memory_space<hbm>>) target(%dma_start3A_135 : memref<8x128xf32, #tpu.memory_space<vmem>>) target_semaphore(%arg16 : memref<!tpu.dma_semaphore, #tpu.memory_space<semaphore_mem>>)
    %slice3A_138 = vector.extract_strided_slice %get3A_7 {offsets = [5], sizes = [1], strides = [1]} : vector<16xi32> to vector<1xi32>
    %squeeze3A_139 = vector.extract %slice3A_138[0] : i32 from vector<1xi32>
    %shift_right_arithmetic3A_140 = arith.constant 7 : i32
    %shift_right_arithmetic3A_141 = arith.shrsi %squeeze3A_139, %shift_right_arithmetic3A_140 : i32
    %shift_left3A_142 = arith.constant 7 : i32
    %shift_left3A_143 = arith.shli %shift_right_arithmetic3A_141, %shift_left3A_142 : i32
    %multiple_of3A_144 = tpu.assume_multiple %shift_left3A_143, 128 : i32
    %add3A_145 = arith.constant 640 : i32
    %add3A_146 = arith.addi %multiple_of3A_6, %add3A_145 : i32
    %dma_start3A_147 = arith.constant 0 : i32
    %dma_start3A_148 = tpu.memref_slice %arg11[%dma_start3A_147, %add3A_146] : memref<16x6144xf32, #tpu.memory_space<vmem>> -> memref<8x128xf32, #tpu.memory_space<vmem>>
    %dma_start3A_149 = arith.constant 0 : i32
    %dma_start3A_150 = tpu.memref_slice %arg5[%dma_start3A_149, %multiple_of3A_144] : memref<16x1000000xf32, #tpu.memory_space<hbm>> -> memref<8x128xf32, #tpu.memory_space<hbm>>
    %dma_start3A_151 = arith.constant 0 : i32
    %dma_start3A_152 = tpu.memref_slice %arg11[%dma_start3A_151, %add3A_146] : memref<16x6144xf32, #tpu.memory_space<vmem>> -> memref<8x128xf32, #tpu.memory_space<vmem>>
    %dma_start3A_153 = arith.constant 0 : i32
    %dma_start3A_154 = tpu.memref_slice %arg5[%dma_start3A_153, %multiple_of3A_144] : memref<16x1000000xf32, #tpu.memory_space<hbm>> -> memref<8x128xf32, #tpu.memory_space<hbm>>
    tpu.enqueue_dma source(%dma_start3A_154 : memref<8x128xf32, #tpu.memory_space<hbm>>) target(%dma_start3A_152 : memref<8x128xf32, #tpu.memory_space<vmem>>) target_semaphore(%arg16 : memref<!tpu.dma_semaphore, #tpu.memory_space<semaphore_mem>>)
    %add3A_155 = arith.constant 640 : i32
    %add3A_156 = arith.addi %multiple_of3A_6, %add3A_155 : i32
    %dma_start3A_157 = arith.constant 8 : i32
    %dma_start3A_158 = tpu.memref_slice %arg11[%dma_start3A_157, %add3A_156] : memref<16x6144xf32, #tpu.memory_space<vmem>> -> memref<8x128xf32, #tpu.memory_space<vmem>>
    %dma_start3A_159 = arith.constant 8 : i32
    %dma_start3A_160 = tpu.memref_slice %arg5[%dma_start3A_159, %multiple_of3A_144] : memref<16x1000000xf32, #tpu.memory_space<hbm>> -> memref<8x128xf32, #tpu.memory_space<hbm>>
    %dma_start3A_161 = arith.constant 8 : i32
    %dma_start3A_162 = tpu.memref_slice %arg11[%dma_start3A_161, %add3A_156] : memref<16x6144xf32, #tpu.memory_space<vmem>> -> memref<8x128xf32, #tpu.memory_space<vmem>>
    %dma_start3A_163 = arith.constant 8 : i32
    %dma_start3A_164 = tpu.memref_slice %arg5[%dma_start3A_163, %multiple_of3A_144] : memref<16x1000000xf32, #tpu.memory_space<hbm>> -> memref<8x128xf32, #tpu.memory_space<hbm>>
    tpu.enqueue_dma source(%dma_start3A_164 : memref<8x128xf32, #tpu.memory_space<hbm>>) target(%dma_start3A_162 : memref<8x128xf32, #tpu.memory_space<vmem>>) target_semaphore(%arg16 : memref<!tpu.dma_semaphore, #tpu.memory_space<semaphore_mem>>)
    %slice3A_165 = vector.extract_strided_slice %get3A_7 {offsets = [6], sizes = [1], strides = [1]} : vector<16xi32> to vector<1xi32>
    %squeeze3A_166 = vector.extract %slice3A_165[0] : i32 from vector<1xi32>
    %shift_right_arithmetic3A_167 = arith.constant 7 : i32
    %shift_right_arithmetic3A_168 = arith.shrsi %squeeze3A_166, %shift_right_arithmetic3A_167 : i32
    %shift_left3A_169 = arith.constant 7 : i32
    %shift_left3A_170 = arith.shli %shift_right_arithmetic3A_168, %shift_left3A_169 : i32
    %multiple_of3A_171 = tpu.assume_multiple %shift_left3A_170, 128 : i32
    %add3A_172 = arith.constant 768 : i32
    %add3A_173 = arith.addi %multiple_of3A_6, %add3A_172 : i32
    %dma_start3A_174 = arith.constant 0 : i32
    %dma_start3A_175 = tpu.memref_slice %arg11[%dma_start3A_174, %add3A_173] : memref<16x6144xf32, #tpu.memory_space<vmem>> -> memref<8x128xf32, #tpu.memory_space<vmem>>
    %dma_start3A_176 = arith.constant 0 : i32
    %dma_start3A_177 = tpu.memref_slice %arg5[%dma_start3A_176, %multiple_of3A_171] : memref<16x1000000xf32, #tpu.memory_space<hbm>> -> memref<8x128xf32, #tpu.memory_space<hbm>>
    %dma_start3A_178 = arith.constant 0 : i32
    %dma_start3A_179 = tpu.memref_slice %arg11[%dma_start3A_178, %add3A_173] : memref<16x6144xf32, #tpu.memory_space<vmem>> -> memref<8x128xf32, #tpu.memory_space<vmem>>
    %dma_start3A_180 = arith.constant 0 : i32
    %dma_start3A_181 = tpu.memref_slice %arg5[%dma_start3A_180, %multiple_of3A_171] : memref<16x1000000xf32, #tpu.memory_space<hbm>> -> memref<8x128xf32, #tpu.memory_space<hbm>>
    tpu.enqueue_dma source(%dma_start3A_181 : memref<8x128xf32, #tpu.memory_space<hbm>>) target(%dma_start3A_179 : memref<8x128xf32, #tpu.memory_space<vmem>>) target_semaphore(%arg16 : memref<!tpu.dma_semaphore, #tpu.memory_space<semaphore_mem>>)
    %add3A_182 = arith.constant 768 : i32
    %add3A_183 = arith.addi %multiple_of3A_6, %add3A_182 : i32
    %dma_start3A_184 = arith.constant 8 : i32
    %dma_start3A_185 = tpu.memref_slice %arg11[%dma_start3A_184, %add3A_183] : memref<16x6144xf32, #tpu.memory_space<vmem>> -> memref<8x128xf32, #tpu.memory_space<vmem>>
    %dma_start3A_186 = arith.constant 8 : i32
    %dma_start3A_187 = tpu.memref_slice %arg5[%dma_start3A_186, %multiple_of3A_171] : memref<16x1000000xf32, #tpu.memory_space<hbm>> -> memref<8x128xf32, #tpu.memory_space<hbm>>
    %dma_start3A_188 = arith.constant 8 : i32
    %dma_start3A_189 = tpu.memref_slice %arg11[%dma_start3A_188, %add3A_183] : memref<16x6144xf32, #tpu.memory_space<vmem>> -> memref<8x128xf32, #tpu.memory_space<vmem>>
    %dma_start3A_190 = arith.constant 8 : i32
    %dma_start3A_191 = tpu.memref_slice %arg5[%dma_start3A_190, %multiple_of3A_171] : memref<16x1000000xf32, #tpu.memory_space<hbm>> -> memref<8x128xf32, #tpu.memory_space<hbm>>
    tpu.enqueue_dma source(%dma_start3A_191 : memref<8x128xf32, #tpu.memory_space<hbm>>) target(%dma_start3A_189 : memref<8x128xf32, #tpu.memory_space<vmem>>) target_semaphore(%arg16 : memref<!tpu.dma_semaphore, #tpu.memory_space<semaphore_mem>>)
    %slice3A_192 = vector.extract_strided_slice %get3A_7 {offsets = [7], sizes = [1], strides = [1]} : vector<16xi32> to vector<1xi32>
    %squeeze3A_193 = vector.extract %slice3A_192[0] : i32 from vector<1xi32>
    %shift_right_arithmetic3A_194 = arith.constant 7 : i32
    %shift_right_arithmetic3A_195 = arith.shrsi %squeeze3A_193, %shift_right_arithmetic3A_194 : i32
    %shift_left3A_196 = arith.constant 7 : i32
    %shift_left3A_197 = arith.shli %shift_right_arithmetic3A_195, %shift_left3A_196 : i32
    %multiple_of3A_198 = tpu.assume_multiple %shift_left3A_197, 128 : i32
    %add3A_199 = arith.constant 896 : i32
    %add3A_200 = arith.addi %multiple_of3A_6, %add3A_199 : i32
    %dma_start3A_201 = arith.constant 0 : i32
    %dma_start3A_202 = tpu.memref_slice %arg11[%dma_start3A_201, %add3A_200] : memref<16x6144xf32, #tpu.memory_space<vmem>> -> memref<8x128xf32, #tpu.memory_space<vmem>>
    %dma_start3A_203 = arith.constant 0 : i32
    %dma_start3A_204 = tpu.memref_slice %arg5[%dma_start3A_203, %multiple_of3A_198] : memref<16x1000000xf32, #tpu.memory_space<hbm>> -> memref<8x128xf32, #tpu.memory_space<hbm>>
    %dma_start3A_205 = arith.constant 0 : i32
    %dma_start3A_206 = tpu.memref_slice %arg11[%dma_start3A_205, %add3A_200] : memref<16x6144xf32, #tpu.memory_space<vmem>> -> memref<8x128xf32, #tpu.memory_space<vmem>>
    %dma_start3A_207 = arith.constant 0 : i32
    %dma_start3A_208 = tpu.memref_slice %arg5[%dma_start3A_207, %multiple_of3A_198] : memref<16x1000000xf32, #tpu.memory_space<hbm>> -> memref<8x128xf32, #tpu.memory_space<hbm>>
    tpu.enqueue_dma source(%dma_start3A_208 : memref<8x128xf32, #tpu.memory_space<hbm>>) target(%dma_start3A_206 : memref<8x128xf32, #tpu.memory_space<vmem>>) target_semaphore(%arg16 : memref<!tpu.dma_semaphore, #tpu.memory_space<semaphore_mem>>)
    %add3A_209 = arith.constant 896 : i32
    %add3A_210 = arith.addi %multiple_of3A_6, %add3A_209 : i32
    %dma_start3A_211 = arith.constant 8 : i32
    %dma_start3A_212 = tpu.memref_slice %arg11[%dma_start3A_211, %add3A_210] : memref<16x6144xf32, #tpu.memory_space<vmem>> -> memref<8x128xf32, #tpu.memory_space<vmem>>
    %dma_start3A_213 = arith.constant 8 : i32
    %dma_start3A_214 = tpu.memref_slice %arg5[%dma_start3A_213, %multiple_of3A_198] : memref<16x1000000xf32, #tpu.memory_space<hbm>> -> memref<8x128xf32, #tpu.memory_space<hbm>>
    %dma_start3A_215 = arith.constant 8 : i32
    %dma_start3A_216 = tpu.memref_slice %arg11[%dma_start3A_215, %add3A_210] : memref<16x6144xf32, #tpu.memory_space<vmem>> -> memref<8x128xf32, #tpu.memory_space<vmem>>
    %dma_start3A_217 = arith.constant 8 : i32
    %dma_start3A_218 = tpu.memref_slice %arg5[%dma_start3A_217, %multiple_of3A_198] : memref<16x1000000xf32, #tpu.memory_space<hbm>> -> memref<8x128xf32, #tpu.memory_space<hbm>>
    tpu.enqueue_dma source(%dma_start3A_218 : memref<8x128xf32, #tpu.memory_space<hbm>>) target(%dma_start3A_216 : memref<8x128xf32, #tpu.memory_space<vmem>>) target_semaphore(%arg16 : memref<!tpu.dma_semaphore, #tpu.memory_space<semaphore_mem>>)
    %slice3A_219 = vector.extract_strided_slice %get3A_7 {offsets = [8], sizes = [1], strides = [1]} : vector<16xi32> to vector<1xi32>
    %squeeze3A_220 = vector.extract %slice3A_219[0] : i32 from vector<1xi32>
    %shift_right_arithmetic3A_221 = arith.constant 7 : i32
    %shift_right_arithmetic3A_222 = arith.shrsi %squeeze3A_220, %shift_right_arithmetic3A_221 : i32
    %shift_left3A_223 = arith.constant 7 : i32
    %shift_left3A_224 = arith.shli %shift_right_arithmetic3A_222, %shift_left3A_223 : i32
    %multiple_of3A_225 = tpu.assume_multiple %shift_left3A_224, 128 : i32
    %add3A_226 = arith.constant 1024 : i32
    %add3A_227 = arith.addi %multiple_of3A_6, %add3A_226 : i32
    %dma_start3A_228 = arith.constant 0 : i32
    %dma_start3A_229 = tpu.memref_slice %arg11[%dma_start3A_228, %add3A_227] : memref<16x6144xf32, #tpu.memory_space<vmem>> -> memref<8x128xf32, #tpu.memory_space<vmem>>
    %dma_start3A_230 = arith.constant 0 : i32
    %dma_start3A_231 = tpu.memref_slice %arg5[%dma_start3A_230, %multiple_of3A_225] : memref<16x1000000xf32, #tpu.memory_space<hbm>> -> memref<8x128xf32, #tpu.memory_space<hbm>>
    %dma_start3A_232 = arith.constant 0 : i32
    %dma_start3A_233 = tpu.memref_slice %arg11[%dma_start3A_232, %add3A_227] : memref<16x6144xf32, #tpu.memory_space<vmem>> -> memref<8x128xf32, #tpu.memory_space<vmem>>
    %dma_start3A_234 = arith.constant 0 : i32
    %dma_start3A_235 = tpu.memref_slice %arg5[%dma_start3A_234, %multiple_of3A_225] : memref<16x1000000xf32, #tpu.memory_space<hbm>> -> memref<8x128xf32, #tpu.memory_space<hbm>>
    tpu.enqueue_dma source(%dma_start3A_235 : memref<8x128xf32, #tpu.memory_space<hbm>>) target(%dma_start3A_233 : memref<8x128xf32, #tpu.memory_space<vmem>>) target_semaphore(%arg16 : memref<!tpu.dma_semaphore, #tpu.memory_space<semaphore_mem>>)
    %add3A_236 = arith.constant 1024 : i32
    %add3A_237 = arith.addi %multiple_of3A_6, %add3A_236 : i32
    %dma_start3A_238 = arith.constant 8 : i32
    %dma_start3A_239 = tpu.memref_slice %arg11[%dma_start3A_238, %add3A_237] : memref<16x6144xf32, #tpu.memory_space<vmem>> -> memref<8x128xf32, #tpu.memory_space<vmem>>
    %dma_start3A_240 = arith.constant 8 : i32
    %dma_start3A_241 = tpu.memref_slice %arg5[%dma_start3A_240, %multiple_of3A_225] : memref<16x1000000xf32, #tpu.memory_space<hbm>> -> memref<8x128xf32, #tpu.memory_space<hbm>>
    %dma_start3A_242 = arith.constant 8 : i32
    %dma_start3A_243 = tpu.memref_slice %arg11[%dma_start3A_242, %add3A_237] : memref<16x6144xf32, #tpu.memory_space<vmem>> -> memref<8x128xf32, #tpu.memory_space<vmem>>
    %dma_start3A_244 = arith.constant 8 : i32
    %dma_start3A_245 = tpu.memref_slice %arg5[%dma_start3A_244, %multiple_of3A_225] : memref<16x1000000xf32, #tpu.memory_space<hbm>> -> memref<8x128xf32, #tpu.memory_space<hbm>>
    tpu.enqueue_dma source(%dma_start3A_245 : memref<8x128xf32, #tpu.memory_space<hbm>>) target(%dma_start3A_243 : memref<8x128xf32, #tpu.memory_space<vmem>>) target_semaphore(%arg16 : memref<!tpu.dma_semaphore, #tpu.memory_space<semaphore_mem>>)
    %slice3A_246 = vector.extract_strided_slice %get3A_7 {offsets = [9], sizes = [1], strides = [1]} : vector<16xi32> to vector<1xi32>
    %squeeze3A_247 = vector.extract %slice3A_246[0] : i32 from vector<1xi32>
    %shift_right_arithmetic3A_248 = arith.constant 7 : i32
    %shift_right_arithmetic3A_249 = arith.shrsi %squeeze3A_247, %shift_right_arithmetic3A_248 : i32
    %shift_left3A_250 = arith.constant 7 : i32
    %shift_left3A_251 = arith.shli %shift_right_arithmetic3A_249, %shift_left3A_250 : i32
    %multiple_of3A_252 = tpu.assume_multiple %shift_left3A_251, 128 : i32
    %add3A_253 = arith.constant 1152 : i32
    %add3A_254 = arith.addi %multiple_of3A_6, %add3A_253 : i32
    %dma_start3A_255 = arith.constant 0 : i32
    %dma_start3A_256 = tpu.memref_slice %arg11[%dma_start3A_255, %add3A_254] : memref<16x6144xf32, #tpu.memory_space<vmem>> -> memref<8x128xf32, #tpu.memory_space<vmem>>
    %dma_start3A_257 = arith.constant 0 : i32
    %dma_start3A_258 = tpu.memref_slice %arg5[%dma_start3A_257, %multiple_of3A_252] : memref<16x1000000xf32, #tpu.memory_space<hbm>> -> memref<8x128xf32, #tpu.memory_space<hbm>>
    %dma_start3A_259 = arith.constant 0 : i32
    %dma_start3A_260 = tpu.memref_slice %arg11[%dma_start3A_259, %add3A_254] : memref<16x6144xf32, #tpu.memory_space<vmem>> -> memref<8x128xf32, #tpu.memory_space<vmem>>
    %dma_start3A_261 = arith.constant 0 : i32
    %dma_start3A_262 = tpu.memref_slice %arg5[%dma_start3A_261, %multiple_of3A_252] : memref<16x1000000xf32, #tpu.memory_space<hbm>> -> memref<8x128xf32, #tpu.memory_space<hbm>>
    tpu.enqueue_dma source(%dma_start3A_262 : memref<8x128xf32, #tpu.memory_space<hbm>>) target(%dma_start3A_260 : memref<8x128xf32, #tpu.memory_space<vmem>>) target_semaphore(%arg16 : memref<!tpu.dma_semaphore, #tpu.memory_space<semaphore_mem>>)
    %add3A_263 = arith.constant 1152 : i32
    %add3A_264 = arith.addi %multiple_of3A_6, %add3A_263 : i32
    %dma_start3A_265 = arith.constant 8 : i32
    %dma_start3A_266 = tpu.memref_slice %arg11[%dma_start3A_265, %add3A_264] : memref<16x6144xf32, #tpu.memory_space<vmem>> -> memref<8x128xf32, #tpu.memory_space<vmem>>
    %dma_start3A_267 = arith.constant 8 : i32
    %dma_start3A_268 = tpu.memref_slice %arg5[%dma_start3A_267, %multiple_of3A_252] : memref<16x1000000xf32, #tpu.memory_space<hbm>> -> memref<8x128xf32, #tpu.memory_space<hbm>>
    %dma_start3A_269 = arith.constant 8 : i32
    %dma_start3A_270 = tpu.memref_slice %arg11[%dma_start3A_269, %add3A_264] : memref<16x6144xf32, #tpu.memory_space<vmem>> -> memref<8x128xf32, #tpu.memory_space<vmem>>
    %dma_start3A_271 = arith.constant 8 : i32
    %dma_start3A_272 = tpu.memref_slice %arg5[%dma_start3A_271, %multiple_of3A_252] : memref<16x1000000xf32, #tpu.memory_space<hbm>> -> memref<8x128xf32, #tpu.memory_space<hbm>>
    tpu.enqueue_dma source(%dma_start3A_272 : memref<8x128xf32, #tpu.memory_space<hbm>>) target(%dma_start3A_270 : memref<8x128xf32, #tpu.memory_space<vmem>>) target_semaphore(%arg16 : memref<!tpu.dma_semaphore, #tpu.memory_space<semaphore_mem>>)
    %slice3A_273 = vector.extract_strided_slice %get3A_7 {offsets = [10], sizes = [1], strides = [1]} : vector<16xi32> to vector<1xi32>
    %squeeze3A_274 = vector.extract %slice3A_273[0] : i32 from vector<1xi32>
    %shift_right_arithmetic3A_275 = arith.constant 7 : i32
    %shift_right_arithmetic3A_276 = arith.shrsi %squeeze3A_274, %shift_right_arithmetic3A_275 : i32
    %shift_left3A_277 = arith.constant 7 : i32
    %shift_left3A_278 = arith.shli %shift_right_arithmetic3A_276, %shift_left3A_277 : i32
    %multiple_of3A_279 = tpu.assume_multiple %shift_left3A_278, 128 : i32
    %add3A_280 = arith.constant 1280 : i32
    %add3A_281 = arith.addi %multiple_of3A_6, %add3A_280 : i32
    %dma_start3A_282 = arith.constant 0 : i32
    %dma_start3A_283 = tpu.memref_slice %arg11[%dma_start3A_282, %add3A_281] : memref<16x6144xf32, #tpu.memory_space<vmem>> -> memref<8x128xf32, #tpu.memory_space<vmem>>
    %dma_start3A_284 = arith.constant 0 : i32
    %dma_start3A_285 = tpu.memref_slice %arg5[%dma_start3A_284, %multiple_of3A_279] : memref<16x1000000xf32, #tpu.memory_space<hbm>> -> memref<8x128xf32, #tpu.memory_space<hbm>>
    %dma_start3A_286 = arith.constant 0 : i32
    %dma_start3A_287 = tpu.memref_slice %arg11[%dma_start3A_286, %add3A_281] : memref<16x6144xf32, #tpu.memory_space<vmem>> -> memref<8x128xf32, #tpu.memory_space<vmem>>
    %dma_start3A_288 = arith.constant 0 : i32
    %dma_start3A_289 = tpu.memref_slice %arg5[%dma_start3A_288, %multiple_of3A_279] : memref<16x1000000xf32, #tpu.memory_space<hbm>> -> memref<8x128xf32, #tpu.memory_space<hbm>>
    tpu.enqueue_dma source(%dma_start3A_289 : memref<8x128xf32, #tpu.memory_space<hbm>>) target(%dma_start3A_287 : memref<8x128xf32, #tpu.memory_space<vmem>>) target_semaphore(%arg16 : memref<!tpu.dma_semaphore, #tpu.memory_space<semaphore_mem>>)
    %add3A_290 = arith.constant 1280 : i32
    %add3A_291 = arith.addi %multiple_of3A_6, %add3A_290 : i32
    %dma_start3A_292 = arith.constant 8 : i32
    %dma_start3A_293 = tpu.memref_slice %arg11[%dma_start3A_292, %add3A_291] : memref<16x6144xf32, #tpu.memory_space<vmem>> -> memref<8x128xf32, #tpu.memory_space<vmem>>
    %dma_start3A_294 = arith.constant 8 : i32
    %dma_start3A_295 = tpu.memref_slice %arg5[%dma_start3A_294, %multiple_of3A_279] : memref<16x1000000xf32, #tpu.memory_space<hbm>> -> memref<8x128xf32, #tpu.memory_space<hbm>>
    %dma_start3A_296 = arith.constant 8 : i32
    %dma_start3A_297 = tpu.memref_slice %arg11[%dma_start3A_296, %add3A_291] : memref<16x6144xf32, #tpu.memory_space<vmem>> -> memref<8x128xf32, #tpu.memory_space<vmem>>
    %dma_start3A_298 = arith.constant 8 : i32
    %dma_start3A_299 = tpu.memref_slice %arg5[%dma_start3A_298, %multiple_of3A_279] : memref<16x1000000xf32, #tpu.memory_space<hbm>> -> memref<8x128xf32, #tpu.memory_space<hbm>>
    tpu.enqueue_dma source(%dma_start3A_299 : memref<8x128xf32, #tpu.memory_space<hbm>>) target(%dma_start3A_297 : memref<8x128xf32, #tpu.memory_space<vmem>>) target_semaphore(%arg16 : memref<!tpu.dma_semaphore, #tpu.memory_space<semaphore_mem>>)
    %slice3A_300 = vector.extract_strided_slice %get3A_7 {offsets = [11], sizes = [1], strides = [1]} : vector<16xi32> to vector<1xi32>
    %squeeze3A_301 = vector.extract %slice3A_300[0] : i32 from vector<1xi32>
    %shift_right_arithmetic3A_302 = arith.constant 7 : i32
    %shift_right_arithmetic3A_303 = arith.shrsi %squeeze3A_301, %shift_right_arithmetic3A_302 : i32
    %shift_left3A_304 = arith.constant 7 : i32
    %shift_left3A_305 = arith.shli %shift_right_arithmetic3A_303, %shift_left3A_304 : i32
    %multiple_of3A_306 = tpu.assume_multiple %shift_left3A_305, 128 : i32
    %add3A_307 = arith.constant 1408 : i32
    %add3A_308 = arith.addi %multiple_of3A_6, %add3A_307 : i32
    %dma_start3A_309 = arith.constant 0 : i32
    %dma_start3A_310 = tpu.memref_slice %arg11[%dma_start3A_309, %add3A_308] : memref<16x6144xf32, #tpu.memory_space<vmem>> -> memref<8x128xf32, #tpu.memory_space<vmem>>
    %dma_start3A_311 = arith.constant 0 : i32
    %dma_start3A_312 = tpu.memref_slice %arg5[%dma_start3A_311, %multiple_of3A_306] : memref<16x1000000xf32, #tpu.memory_space<hbm>> -> memref<8x128xf32, #tpu.memory_space<hbm>>
    %dma_start3A_313 = arith.constant 0 : i32
    %dma_start3A_314 = tpu.memref_slice %arg11[%dma_start3A_313, %add3A_308] : memref<16x6144xf32, #tpu.memory_space<vmem>> -> memref<8x128xf32, #tpu.memory_space<vmem>>
    %dma_start3A_315 = arith.constant 0 : i32
    %dma_start3A_316 = tpu.memref_slice %arg5[%dma_start3A_315, %multiple_of3A_306] : memref<16x1000000xf32, #tpu.memory_space<hbm>> -> memref<8x128xf32, #tpu.memory_space<hbm>>
    tpu.enqueue_dma source(%dma_start3A_316 : memref<8x128xf32, #tpu.memory_space<hbm>>) target(%dma_start3A_314 : memref<8x128xf32, #tpu.memory_space<vmem>>) target_semaphore(%arg16 : memref<!tpu.dma_semaphore, #tpu.memory_space<semaphore_mem>>)
    %add3A_317 = arith.constant 1408 : i32
    %add3A_318 = arith.addi %multiple_of3A_6, %add3A_317 : i32
    %dma_start3A_319 = arith.constant 8 : i32
    %dma_start3A_320 = tpu.memref_slice %arg11[%dma_start3A_319, %add3A_318] : memref<16x6144xf32, #tpu.memory_space<vmem>> -> memref<8x128xf32, #tpu.memory_space<vmem>>
    %dma_start3A_321 = arith.constant 8 : i32
    %dma_start3A_322 = tpu.memref_slice %arg5[%dma_start3A_321, %multiple_of3A_306] : memref<16x1000000xf32, #tpu.memory_space<hbm>> -> memref<8x128xf32, #tpu.memory_space<hbm>>
    %dma_start3A_323 = arith.constant 8 : i32
    %dma_start3A_324 = tpu.memref_slice %arg11[%dma_start3A_323, %add3A_318] : memref<16x6144xf32, #tpu.memory_space<vmem>> -> memref<8x128xf32, #tpu.memory_space<vmem>>
    %dma_start3A_325 = arith.constant 8 : i32
    %dma_start3A_326 = tpu.memref_slice %arg5[%dma_start3A_325, %multiple_of3A_306] : memref<16x1000000xf32, #tpu.memory_space<hbm>> -> memref<8x128xf32, #tpu.memory_space<hbm>>
    tpu.enqueue_dma source(%dma_start3A_326 : memref<8x128xf32, #tpu.memory_space<hbm>>) target(%dma_start3A_324 : memref<8x128xf32, #tpu.memory_space<vmem>>) target_semaphore(%arg16 : memref<!tpu.dma_semaphore, #tpu.memory_space<semaphore_mem>>)
    %slice3A_327 = vector.extract_strided_slice %get3A_7 {offsets = [12], sizes = [1], strides = [1]} : vector<16xi32> to vector<1xi32>
    %squeeze3A_328 = vector.extract %slice3A_327[0] : i32 from vector<1xi32>
    %shift_right_arithmetic3A_329 = arith.constant 7 : i32
    %shift_right_arithmetic3A_330 = arith.shrsi %squeeze3A_328, %shift_right_arithmetic3A_329 : i32
    %shift_left3A_331 = arith.constant 7 : i32
    %shift_left3A_332 = arith.shli %shift_right_arithmetic3A_330, %shift_left3A_331 : i32
    %multiple_of3A_333 = tpu.assume_multiple %shift_left3A_332, 128 : i32
    %add3A_334 = arith.constant 1536 : i32
    %add3A_335 = arith.addi %multiple_of3A_6, %add3A_334 : i32
    %dma_start3A_336 = arith.constant 0 : i32
    %dma_start3A_337 = tpu.memref_slice %arg11[%dma_start3A_336, %add3A_335] : memref<16x6144xf32, #tpu.memory_space<vmem>> -> memref<8x128xf32, #tpu.memory_space<vmem>>
    %dma_start3A_338 = arith.constant 0 : i32
    %dma_start3A_339 = tpu.memref_slice %arg5[%dma_start3A_338, %multiple_of3A_333] : memref<16x1000000xf32, #tpu.memory_space<hbm>> -> memref<8x128xf32, #tpu.memory_space<hbm>>
    %dma_start3A_340 = arith.constant 0 : i32
    %dma_start3A_341 = tpu.memref_slice %arg11[%dma_start3A_340, %add3A_335] : memref<16x6144xf32, #tpu.memory_space<vmem>> -> memref<8x128xf32, #tpu.memory_space<vmem>>
    %dma_start3A_342 = arith.constant 0 : i32
    %dma_start3A_343 = tpu.memref_slice %arg5[%dma_start3A_342, %multiple_of3A_333] : memref<16x1000000xf32, #tpu.memory_space<hbm>> -> memref<8x128xf32, #tpu.memory_space<hbm>>
    tpu.enqueue_dma source(%dma_start3A_343 : memref<8x128xf32, #tpu.memory_space<hbm>>) target(%dma_start3A_341 : memref<8x128xf32, #tpu.memory_space<vmem>>) target_semaphore(%arg16 : memref<!tpu.dma_semaphore, #tpu.memory_space<semaphore_mem>>)
    %add3A_344 = arith.constant 1536 : i32
    %add3A_345 = arith.addi %multiple_of3A_6, %add3A_344 : i32
    %dma_start3A_346 = arith.constant 8 : i32
    %dma_start3A_347 = tpu.memref_slice %arg11[%dma_start3A_346, %add3A_345] : memref<16x6144xf32, #tpu.memory_space<vmem>> -> memref<8x128xf32, #tpu.memory_space<vmem>>
    %dma_start3A_348 = arith.constant 8 : i32
    %dma_start3A_349 = tpu.memref_slice %arg5[%dma_start3A_348, %multiple_of3A_333] : memref<16x1000000xf32, #tpu.memory_space<hbm>> -> memref<8x128xf32, #tpu.memory_space<hbm>>
    %dma_start3A_350 = arith.constant 8 : i32
    %dma_start3A_351 = tpu.memref_slice %arg11[%dma_start3A_350, %add3A_345] : memref<16x6144xf32, #tpu.memory_space<vmem>> -> memref<8x128xf32, #tpu.memory_space<vmem>>
    %dma_start3A_352 = arith.constant 8 : i32
    %dma_start3A_353 = tpu.memref_slice %arg5[%dma_start3A_352, %multiple_of3A_333] : memref<16x1000000xf32, #tpu.memory_space<hbm>> -> memref<8x128xf32, #tpu.memory_space<hbm>>
    tpu.enqueue_dma source(%dma_start3A_353 : memref<8x128xf32, #tpu.memory_space<hbm>>) target(%dma_start3A_351 : memref<8x128xf32, #tpu.memory_space<vmem>>) target_semaphore(%arg16 : memref<!tpu.dma_semaphore, #tpu.memory_space<semaphore_mem>>)
    %slice3A_354 = vector.extract_strided_slice %get3A_7 {offsets = [13], sizes = [1], strides = [1]} : vector<16xi32> to vector<1xi32>
    %squeeze3A_355 = vector.extract %slice3A_354[0] : i32 from vector<1xi32>
    %shift_right_arithmetic3A_356 = arith.constant 7 : i32
    %shift_right_arithmetic3A_357 = arith.shrsi %squeeze3A_355, %shift_right_arithmetic3A_356 : i32
    %shift_left3A_358 = arith.constant 7 : i32
    %shift_left3A_359 = arith.shli %shift_right_arithmetic3A_357, %shift_left3A_358 : i32
    %multiple_of3A_360 = tpu.assume_multiple %shift_left3A_359, 128 : i32
    %add3A_361 = arith.constant 1664 : i32
    %add3A_362 = arith.addi %multiple_of3A_6, %add3A_361 : i32
    %dma_start3A_363 = arith.constant 0 : i32
    %dma_start3A_364 = tpu.memref_slice %arg11[%dma_start3A_363, %add3A_362] : memref<16x6144xf32, #tpu.memory_space<vmem>> -> memref<8x128xf32, #tpu.memory_space<vmem>>
    %dma_start3A_365 = arith.constant 0 : i32
    %dma_start3A_366 = tpu.memref_slice %arg5[%dma_start3A_365, %multiple_of3A_360] : memref<16x1000000xf32, #tpu.memory_space<hbm>> -> memref<8x128xf32, #tpu.memory_space<hbm>>
    %dma_start3A_367 = arith.constant 0 : i32
    %dma_start3A_368 = tpu.memref_slice %arg11[%dma_start3A_367, %add3A_362] : memref<16x6144xf32, #tpu.memory_space<vmem>> -> memref<8x128xf32, #tpu.memory_space<vmem>>
    %dma_start3A_369 = arith.constant 0 : i32
    %dma_start3A_370 = tpu.memref_slice %arg5[%dma_start3A_369, %multiple_of3A_360] : memref<16x1000000xf32, #tpu.memory_space<hbm>> -> memref<8x128xf32, #tpu.memory_space<hbm>>
    tpu.enqueue_dma source(%dma_start3A_370 : memref<8x128xf32, #tpu.memory_space<hbm>>) target(%dma_start3A_368 : memref<8x128xf32, #tpu.memory_space<vmem>>) target_semaphore(%arg16 : memref<!tpu.dma_semaphore, #tpu.memory_space<semaphore_mem>>)
    %add3A_371 = arith.constant 1664 : i32
    %add3A_372 = arith.addi %multiple_of3A_6, %add3A_371 : i32
    %dma_start3A_373 = arith.constant 8 : i32
    %dma_start3A_374 = tpu.memref_slice %arg11[%dma_start3A_373, %add3A_372] : memref<16x6144xf32, #tpu.memory_space<vmem>> -> memref<8x128xf32, #tpu.memory_space<vmem>>
    %dma_start3A_375 = arith.constant 8 : i32
    %dma_start3A_376 = tpu.memref_slice %arg5[%dma_start3A_375, %multiple_of3A_360] : memref<16x1000000xf32, #tpu.memory_space<hbm>> -> memref<8x128xf32, #tpu.memory_space<hbm>>
    %dma_start3A_377 = arith.constant 8 : i32
    %dma_start3A_378 = tpu.memref_slice %arg11[%dma_start3A_377, %add3A_372] : memref<16x6144xf32, #tpu.memory_space<vmem>> -> memref<8x128xf32, #tpu.memory_space<vmem>>
    %dma_start3A_379 = arith.constant 8 : i32
    %dma_start3A_380 = tpu.memref_slice %arg5[%dma_start3A_379, %multiple_of3A_360] : memref<16x1000000xf32, #tpu.memory_space<hbm>> -> memref<8x128xf32, #tpu.memory_space<hbm>>
    tpu.enqueue_dma source(%dma_start3A_380 : memref<8x128xf32, #tpu.memory_space<hbm>>) target(%dma_start3A_378 : memref<8x128xf32, #tpu.memory_space<vmem>>) target_semaphore(%arg16 : memref<!tpu.dma_semaphore, #tpu.memory_space<semaphore_mem>>)
    %slice3A_381 = vector.extract_strided_slice %get3A_7 {offsets = [14], sizes = [1], strides = [1]} : vector<16xi32> to vector<1xi32>
    %squeeze3A_382 = vector.extract %slice3A_381[0] : i32 from vector<1xi32>
    %shift_right_arithmetic3A_383 = arith.constant 7 : i32
    %shift_right_arithmetic3A_384 = arith.shrsi %squeeze3A_382, %shift_right_arithmetic3A_383 : i32
    %shift_left3A_385 = arith.constant 7 : i32
    %shift_left3A_386 = arith.shli %shift_right_arithmetic3A_384, %shift_left3A_385 : i32
    %multiple_of3A_387 = tpu.assume_multiple %shift_left3A_386, 128 : i32
    %add3A_388 = arith.constant 1792 : i32
    %add3A_389 = arith.addi %multiple_of3A_6, %add3A_388 : i32
    %dma_start3A_390 = arith.constant 0 : i32
    %dma_start3A_391 = tpu.memref_slice %arg11[%dma_start3A_390, %add3A_389] : memref<16x6144xf32, #tpu.memory_space<vmem>> -> memref<8x128xf32, #tpu.memory_space<vmem>>
    %dma_start3A_392 = arith.constant 0 : i32
    %dma_start3A_393 = tpu.memref_slice %arg5[%dma_start3A_392, %multiple_of3A_387] : memref<16x1000000xf32, #tpu.memory_space<hbm>> -> memref<8x128xf32, #tpu.memory_space<hbm>>
    %dma_start3A_394 = arith.constant 0 : i32
    %dma_start3A_395 = tpu.memref_slice %arg11[%dma_start3A_394, %add3A_389] : memref<16x6144xf32, #tpu.memory_space<vmem>> -> memref<8x128xf32, #tpu.memory_space<vmem>>
    %dma_start3A_396 = arith.constant 0 : i32
    %dma_start3A_397 = tpu.memref_slice %arg5[%dma_start3A_396, %multiple_of3A_387] : memref<16x1000000xf32, #tpu.memory_space<hbm>> -> memref<8x128xf32, #tpu.memory_space<hbm>>
    tpu.enqueue_dma source(%dma_start3A_397 : memref<8x128xf32, #tpu.memory_space<hbm>>) target(%dma_start3A_395 : memref<8x128xf32, #tpu.memory_space<vmem>>) target_semaphore(%arg16 : memref<!tpu.dma_semaphore, #tpu.memory_space<semaphore_mem>>)
    %add3A_398 = arith.constant 1792 : i32
    %add3A_399 = arith.addi %multiple_of3A_6, %add3A_398 : i32
    %dma_start3A_400 = arith.constant 8 : i32
    %dma_start3A_401 = tpu.memref_slice %arg11[%dma_start3A_400, %add3A_399] : memref<16x6144xf32, #tpu.memory_space<vmem>> -> memref<8x128xf32, #tpu.memory_space<vmem>>
    %dma_start3A_402 = arith.constant 8 : i32
    %dma_start3A_403 = tpu.memref_slice %arg5[%dma_start3A_402, %multiple_of3A_387] : memref<16x1000000xf32, #tpu.memory_space<hbm>> -> memref<8x128xf32, #tpu.memory_space<hbm>>
    %dma_start3A_404 = arith.constant 8 : i32
    %dma_start3A_405 = tpu.memref_slice %arg11[%dma_start3A_404, %add3A_399] : memref<16x6144xf32, #tpu.memory_space<vmem>> -> memref<8x128xf32, #tpu.memory_space<vmem>>
    %dma_start3A_406 = arith.constant 8 : i32
    %dma_start3A_407 = tpu.memref_slice %arg5[%dma_start3A_406, %multiple_of3A_387] : memref<16x1000000xf32, #tpu.memory_space<hbm>> -> memref<8x128xf32, #tpu.memory_space<hbm>>
    tpu.enqueue_dma source(%dma_start3A_407 : memref<8x128xf32, #tpu.memory_space<hbm>>) target(%dma_start3A_405 : memref<8x128xf32, #tpu.memory_space<vmem>>) target_semaphore(%arg16 : memref<!tpu.dma_semaphore, #tpu.memory_space<semaphore_mem>>)
    %slice3A_408 = vector.extract_strided_slice %get3A_7 {offsets = [15], sizes = [1], strides = [1]} : vector<16xi32> to vector<1xi32>
    %squeeze3A_409 = vector.extract %slice3A_408[0] : i32 from vector<1xi32>
    %shift_right_arithmetic3A_410 = arith.constant 7 : i32
    %shift_right_arithmetic3A_411 = arith.shrsi %squeeze3A_409, %shift_right_arithmetic3A_410 : i32
    %shift_left3A_412 = arith.constant 7 : i32
    %shift_left3A_413 = arith.shli %shift_right_arithmetic3A_411, %shift_left3A_412 : i32
    %multiple_of3A_414 = tpu.assume_multiple %shift_left3A_413, 128 : i32
    %add3A_415 = arith.constant 1920 : i32
    %add3A_416 = arith.addi %multiple_of3A_6, %add3A_415 : i32
    %dma_start3A_417 = arith.constant 0 : i32
    %dma_start3A_418 = tpu.memref_slice %arg11[%dma_start3A_417, %add3A_416] : memref<16x6144xf32, #tpu.memory_space<vmem>> -> memref<8x128xf32, #tpu.memory_space<vmem>>
    %dma_start3A_419 = arith.constant 0 : i32
    %dma_start3A_420 = tpu.memref_slice %arg5[%dma_start3A_419, %multiple_of3A_414] : memref<16x1000000xf32, #tpu.memory_space<hbm>> -> memref<8x128xf32, #tpu.memory_space<hbm>>
    %dma_start3A_421 = arith.constant 0 : i32
    %dma_start3A_422 = tpu.memref_slice %arg11[%dma_start3A_421, %add3A_416] : memref<16x6144xf32, #tpu.memory_space<vmem>> -> memref<8x128xf32, #tpu.memory_space<vmem>>
    %dma_start3A_423 = arith.constant 0 : i32
    %dma_start3A_424 = tpu.memref_slice %arg5[%dma_start3A_423, %multiple_of3A_414] : memref<16x1000000xf32, #tpu.memory_space<hbm>> -> memref<8x128xf32, #tpu.memory_space<hbm>>
    tpu.enqueue_dma source(%dma_start3A_424 : memref<8x128xf32, #tpu.memory_space<hbm>>) target(%dma_start3A_422 : memref<8x128xf32, #tpu.memory_space<vmem>>) target_semaphore(%arg16 : memref<!tpu.dma_semaphore, #tpu.memory_space<semaphore_mem>>)
    %add3A_425 = arith.constant 1920 : i32
    %add3A_426 = arith.addi %multiple_of3A_6, %add3A_425 : i32
    %dma_start3A_427 = arith.constant 8 : i32
    %dma_start3A_428 = tpu.memref_slice %arg11[%dma_start3A_427, %add3A_426] : memref<16x6144xf32, #tpu.memory_space<vmem>> -> memref<8x128xf32, #tpu.memory_space<vmem>>
    %dma_start3A_429 = arith.constant 8 : i32
    %dma_start3A_430 = tpu.memref_slice %arg5[%dma_start3A_429, %multiple_of3A_414] : memref<16x1000000xf32, #tpu.memory_space<hbm>> -> memref<8x128xf32, #tpu.memory_space<hbm>>
    %dma_start3A_431 = arith.constant 8 : i32
    %dma_start3A_432 = tpu.memref_slice %arg11[%dma_start3A_431, %add3A_426] : memref<16x6144xf32, #tpu.memory_space<vmem>> -> memref<8x128xf32, #tpu.memory_space<vmem>>
    %dma_start3A_433 = arith.constant 8 : i32
    %dma_start3A_434 = tpu.memref_slice %arg5[%dma_start3A_433, %multiple_of3A_414] : memref<16x1000000xf32, #tpu.memory_space<hbm>> -> memref<8x128xf32, #tpu.memory_space<hbm>>
    tpu.enqueue_dma source(%dma_start3A_434 : memref<8x128xf32, #tpu.memory_space<hbm>>) target(%dma_start3A_432 : memref<8x128xf32, #tpu.memory_space<vmem>>) target_semaphore(%arg16 : memref<!tpu.dma_semaphore, #tpu.memory_space<semaphore_mem>>)
    %multiple_of3A_435 = arith.constant 16 : i32
    %multiple_of3A_436 = tpu.assume_multiple %multiple_of3A_435, 16 : i32
    %multiple_of3A_437 = arith.constant 2048 : i32
    %multiple_of3A_438 = tpu.assume_multiple %multiple_of3A_437, 2048 : i32
    %get3A_439 = arith.index_cast %multiple_of3A_436 : i32 to index
    %get3A_440 = tpu.vector_load %arg9[%get3A_439] {strides = array<i32>} : memref<512xi32, #tpu.memory_space<vmem>>, vector<16xi32>,
    %slice3A_441 = vector.extract_strided_slice %get3A_440 {offsets = [0], sizes = [1], strides = [1]} : vector<16xi32> to vector<1xi32>
    %squeeze3A_442 = vector.extract %slice3A_441[0] : i32 from vector<1xi32>
    %shift_right_arithmetic3A_443 = arith.constant 7 : i32
    %shift_right_arithmetic3A_444 = arith.shrsi %squeeze3A_442, %shift_right_arithmetic3A_443 : i32
    %shift_left3A_445 = arith.constant 7 : i32
    %shift_left3A_446 = arith.shli %shift_right_arithmetic3A_444, %shift_left3A_445 : i32
    %multiple_of3A_447 = tpu.assume_multiple %shift_left3A_446, 128 : i32
    %add3A_448 = arith.constant 0 : i32
    %add3A_449 = arith.addi %multiple_of3A_438, %add3A_448 : i32
    %dma_start3A_450 = arith.constant 0 : i32
    %dma_start3A_451 = tpu.memref_slice %arg11[%dma_start3A_450, %add3A_449] : memref<16x6144xf32, #tpu.memory_space<vmem>> -> memref<8x128xf32, #tpu.memory_space<vmem>>
    %dma_start3A_452 = arith.constant 0 : i32
    %dma_start3A_453 = tpu.memref_slice %arg5[%dma_start3A_452, %multiple_of3A_447] : memref<16x1000000xf32, #tpu.memory_space<hbm>> -> memref<8x128xf32, #tpu.memory_space<hbm>>
    %dma_start3A_454 = arith.constant 0 : i32
    %dma_start3A_455 = tpu.memref_slice %arg11[%dma_start3A_454, %add3A_449] : memref<16x6144xf32, #tpu.memory_space<vmem>> -> memref<8x128xf32, #tpu.memory_space<vmem>>
    %dma_start3A_456 = arith.constant 0 : i32
    %dma_start3A_457 = tpu.memref_slice %arg5[%dma_start3A_456, %multiple_of3A_447] : memref<16x1000000xf32, #tpu.memory_space<hbm>> -> memref<8x128xf32, #tpu.memory_space<hbm>>
    tpu.enqueue_dma source(%dma_start3A_457 : memref<8x128xf32, #tpu.memory_space<hbm>>) target(%dma_start3A_455 : memref<8x128xf32, #tpu.memory_space<vmem>>) target_semaphore(%arg16 : memref<!tpu.dma_semaphore, #tpu.memory_space<semaphore_mem>>)
    %add3A_458 = arith.constant 0 : i32
    %add3A_459 = arith.addi %multiple_of3A_438, %add3A_458 : i32
    %dma_start3A_460 = arith.constant 8 : i32
    %dma_start3A_461 = tpu.memref_slice %arg11[%dma_start3A_460, %add3A_459] : memref<16x6144xf32, #tpu.memory_space<vmem>> -> memref<8x128xf32, #tpu.memory_space<vmem>>
    %dma_start3A_462 = arith.constant 8 : i32
    %dma_start3A_463 = tpu.memref_slice %arg5[%dma_start3A_462, %multiple_of3A_447] : memref<16x1000000xf32, #tpu.memory_space<hbm>> -> memref<8x128xf32, #tpu.memory_space<hbm>>
    %dma_start3A_464 = arith.constant 8 : i32
    %dma_start3A_465 = tpu.memref_slice %arg11[%dma_start3A_464, %add3A_459] : memref<16x6144xf32, #tpu.memory_space<vmem>> -> memref<8x128xf32, #tpu.memory_space<vmem>>
    %dma_start3A_466 = arith.constant 8 : i32
    %dma_start3A_467 = tpu.memref_slice %arg5[%dma_start3A_466, %multiple_of3A_447] : memref<16x1000000xf32, #tpu.memory_space<hbm>> -> memref<8x128xf32, #tpu.memory_space<hbm>>
    tpu.enqueue_dma source(%dma_start3A_467 : memref<8x128xf32, #tpu.memory_space<hbm>>) target(%dma_start3A_465 : memref<8x128xf32, #tpu.memory_space<vmem>>) target_semaphore(%arg16 : memref<!tpu.dma_semaphore, #tpu.memory_space<semaphore_mem>>)
    %slice3A_468 = vector.extract_strided_slice %get3A_440 {offsets = [1], sizes = [1], strides = [1]} : vector<16xi32> to vector<1xi32>
    %squeeze3A_469 = vector.extract %slice3A_468[0] : i32 from vector<1xi32>
    %shift_right_arithmetic3A_470 = arith.constant 7 : i32
    %shift_right_arithmetic3A_471 = arith.shrsi %squeeze3A_469, %shift_right_arithmetic3A_470 : i32
    %shift_left3A_472 = arith.constant 7 : i32
    %shift_left3A_473 = arith.shli %shift_right_arithmetic3A_471, %shift_left3A_472 : i32
    %multiple_of3A_474 = tpu.assume_multiple %shift_left3A_473, 128 : i32
    %add3A_475 = arith.constant 128 : i32
    %add3A_476 = arith.addi %multiple_of3A_438, %add3A_475 : i32
    %dma_start3A_477 = arith.constant 0 : i32
    %dma_start3A_478 = tpu.memref_slice %arg11[%dma_start3A_477, %add3A_476] : memref<16x6144xf32, #tpu.memory_space<vmem>> -> memref<8x128xf32, #tpu.memory_space<vmem>>
    %dma_start3A_479 = arith.constant 0 : i32
    %dma_start3A_480 = tpu.memref_slice %arg5[%dma_start3A_479, %multiple_of3A_474] : memref<16x1000000xf32, #tpu.memory_space<hbm>> -> memref<8x128xf32, #tpu.memory_space<hbm>>
    %dma_start3A_481 = arith.constant 0 : i32
    %dma_start3A_482 = tpu.memref_slice %arg11[%dma_start3A_481, %add3A_476] : memref<16x6144xf32, #tpu.memory_space<vmem>> -> memref<8x128xf32, #tpu.memory_space<vmem>>
    %dma_start3A_483 = arith.constant 0 : i32
    %dma_start3A_484 = tpu.memref_slice %arg5[%dma_start3A_483, %multiple_of3A_474] : memref<16x1000000xf32, #tpu.memory_space<hbm>> -> memref<8x128xf32, #tpu.memory_space<hbm>>
    tpu.enqueue_dma source(%dma_start3A_484 : memref<8x128xf32, #tpu.memory_space<hbm>>) target(%dma_start3A_482 : memref<8x128xf32, #tpu.memory_space<vmem>>) target_semaphore(%arg16 : memref<!tpu.dma_semaphore, #tpu.memory_space<semaphore_mem>>)
    %add3A_485 = arith.constant 128 : i32
    %add3A_486 = arith.addi %multiple_of3A_438, %add3A_485 : i32
    %dma_start3A_487 = arith.constant 8 : i32
    %dma_start3A_488 = tpu.memref_slice %arg11[%dma_start3A_487, %add3A_486] : memref<16x6144xf32, #tpu.memory_space<vmem>> -> memref<8x128xf32, #tpu.memory_space<vmem>>
    %dma_start3A_489 = arith.constant 8 : i32
    %dma_start3A_490 = tpu.memref_slice %arg5[%dma_start3A_489, %multiple_of3A_474] : memref<16x1000000xf32, #tpu.memory_space<hbm>> -> memref<8x128xf32, #tpu.memory_space<hbm>>
    %dma_start3A_491 = arith.constant 8 : i32
    %dma_start3A_492 = tpu.memref_slice %arg11[%dma_start3A_491, %add3A_486] : memref<16x6144xf32, #tpu.memory_space<vmem>> -> memref<8x128xf32, #tpu.memory_space<vmem>>
    %dma_start3A_493 = arith.constant 8 : i32
    %dma_start3A_494 = tpu.memref_slice %arg5[%dma_start3A_493, %multiple_of3A_474] : memref<16x1000000xf32, #tpu.memory_space<hbm>> -> memref<8x128xf32, #tpu.memory_space<hbm>>
    tpu.enqueue_dma source(%dma_start3A_494 : memref<8x128xf32, #tpu.memory_space<hbm>>) target(%dma_start3A_492 : memref<8x128xf32, #tpu.memory_space<vmem>>) target_semaphore(%arg16 : memref<!tpu.dma_semaphore, #tpu.memory_space<semaphore_mem>>)
    %slice3A_495 = vector.extract_strided_slice %get3A_440 {offsets = [2], sizes = [1], strides = [1]} : vector<16xi32> to vector<1xi32>
    %squeeze3A_496 = vector.extract %slice3A_495[0] : i32 from vector<1xi32>
    %shift_right_arithmetic3A_497 = arith.constant 7 : i32
    %shift_right_arithmetic3A_498 = arith.shrsi %squeeze3A_496, %shift_right_arithmetic3A_497 : i32
    %shift_left3A_499 = arith.constant 7 : i32
    %shift_left3A_500 = arith.shli %shift_right_arithmetic3A_498, %shift_left3A_499 : i32
    %multiple_of3A_501 = tpu.assume_multiple %shift_left3A_500, 128 : i32
    %add3A_502 = arith.constant 256 : i32
    %add3A_503 = arith.addi %multiple_of3A_438, %add3A_502 : i32
    %dma_start3A_504 = arith.constant 0 : i32
    %dma_start3A_505 = tpu.memref_slice %arg11[%dma_start3A_504, %add3A_503] : memref<16x6144xf32, #tpu.memory_space<vmem>> -> memref<8x128xf32, #tpu.memory_space<vmem>>
    %dma_start3A_506 = arith.constant 0 : i32
    %dma_start3A_507 = tpu.memref_slice %arg5[%dma_start3A_506, %multiple_of3A_501] : memref<16x1000000xf32, #tpu.memory_space<hbm>> -> memref<8x128xf32, #tpu.memory_space<hbm>>
    %dma_start3A_508 = arith.constant 0 : i32
    %dma_start3A_509 = tpu.memref_slice %arg11[%dma_start3A_508, %add3A_503] : memref<16x6144xf32, #tpu.memory_space<vmem>> -> memref<8x128xf32, #tpu.memory_space<vmem>>
    %dma_start3A_510 = arith.constant 0 : i32
    %dma_start3A_511 = tpu.memref_slice %arg5[%dma_start3A_510, %multiple_of3A_501] : memref<16x1000000xf32, #tpu.memory_space<hbm>> -> memref<8x128xf32, #tpu.memory_space<hbm>>
    tpu.enqueue_dma source(%dma_start3A_511 : memref<8x128xf32, #tpu.memory_space<hbm>>) target(%dma_start3A_509 : memref<8x128xf32, #tpu.memory_space<vmem>>) target_semaphore(%arg16 : memref<!tpu.dma_semaphore, #tpu.memory_space<semaphore_mem>>)
    %add3A_512 = arith.constant 256 : i32
    %add3A_513 = arith.addi %multiple_of3A_438, %add3A_512 : i32
    %dma_start3A_514 = arith.constant 8 : i32
    %dma_start3A_515 = tpu.memref_slice %arg11[%dma_start3A_514, %add3A_513] : memref<16x6144xf32, #tpu.memory_space<vmem>> -> memref<8x128xf32, #tpu.memory_space<vmem>>
    %dma_start3A_516 = arith.constant 8 : i32
    %dma_start3A_517 = tpu.memref_slice %arg5[%dma_start3A_516, %multiple_of3A_501] : memref<16x1000000xf32, #tpu.memory_space<hbm>> -> memref<8x128xf32, #tpu.memory_space<hbm>>
    %dma_start3A_518 = arith.constant 8 : i32
    %dma_start3A_519 = tpu.memref_slice %arg11[%dma_start3A_518, %add3A_513] : memref<16x6144xf32, #tpu.memory_space<vmem>> -> memref<8x128xf32, #tpu.memory_space<vmem>>
    %dma_start3A_520 = arith.constant 8 : i32
    %dma_start3A_521 = tpu.memref_slice %arg5[%dma_start3A_520, %multiple_of3A_501] : memref<16x1000000xf32, #tpu.memory_space<hbm>> -> memref<8x128xf32, #tpu.memory_space<hbm>>
    tpu.enqueue_dma source(%dma_start3A_521 : memref<8x128xf32, #tpu.memory_space<hbm>>) target(%dma_start3A_519 : memref<8x128xf32, #tpu.memory_space<vmem>>) target_semaphore(%arg16 : memref<!tpu.dma_semaphore, #tpu.memory_space<semaphore_mem>>)
    %slice3A_522 = vector.extract_strided_slice %get3A_440 {offsets = [3], sizes = [1], strides = [1]} : vector<16xi32> to vector<1xi32>
    %squeeze3A_523 = vector.extract %slice3A_522[0] : i32 from vector<1xi32>
    %shift_right_arithmetic3A_524 = arith.constant 7 : i32
    %shift_right_arithmetic3A_525 = arith.shrsi %squeeze3A_523, %shift_right_arithmetic3A_524 : i32
    %shift_left3A_526 = arith.constant 7 : i32
    %shift_left3A_527 = arith.shli %shift_right_arithmetic3A_525, %shift_left3A_526 : i32
    %multiple_of3A_528 = tpu.assume_multiple %shift_left3A_527, 128 : i32
    %add3A_529 = arith.constant 384 : i32
    %add3A_530 = arith.addi %multiple_of3A_438, %add3A_529 : i32
    %dma_start3A_531 = arith.constant 0 : i32
    %dma_start3A_532 = tpu.memref_slice %arg11[%dma_start3A_531, %add3A_530] : memref<16x6144xf32, #tpu.memory_space<vmem>> -> memref<8x128xf32, #tpu.memory_space<vmem>>
    %dma_start3A_533 = arith.constant 0 : i32
    %dma_start3A_534 = tpu.memref_slice %arg5[%dma_start3A_533, %multiple_of3A_528] : memref<16x1000000xf32, #tpu.memory_space<hbm>> -> memref<8x128xf32, #tpu.memory_space<hbm>>
    %dma_start3A_535 = arith.constant 0 : i32
    %dma_start3A_536 = tpu.memref_slice %arg11[%dma_start3A_535, %add3A_530] : memref<16x6144xf32, #tpu.memory_space<vmem>> -> memref<8x128xf32, #tpu.memory_space<vmem>>
    %dma_start3A_537 = arith.constant 0 : i32
    %dma_start3A_538 = tpu.memref_slice %arg5[%dma_start3A_537, %multiple_of3A_528] : memref<16x1000000xf32, #tpu.memory_space<hbm>> -> memref<8x128xf32, #tpu.memory_space<hbm>>
    tpu.enqueue_dma source(%dma_start3A_538 : memref<8x128xf32, #tpu.memory_space<hbm>>) target(%dma_start3A_536 : memref<8x128xf32, #tpu.memory_space<vmem>>) target_semaphore(%arg16 : memref<!tpu.dma_semaphore, #tpu.memory_space<semaphore_mem>>)
    %add3A_539 = arith.constant 384 : i32
    %add3A_540 = arith.addi %multiple_of3A_438, %add3A_539 : i32
    %dma_start3A_541 = arith.constant 8 : i32
    %dma_start3A_542 = tpu.memref_slice %arg11[%dma_start3A_541, %add3A_540] : memref<16x6144xf32, #tpu.memory_space<vmem>> -> memref<8x128xf32, #tpu.memory_space<vmem>>
    %dma_start3A_543 = arith.constant 8 : i32
    %dma_start3A_544 = tpu.memref_slice %arg5[%dma_start3A_543, %multiple_of3A_528] : memref<16x1000000xf32, #tpu.memory_space<hbm>> -> memref<8x128xf32, #tpu.memory_space<hbm>>
    %dma_start3A_545 = arith.constant 8 : i32
    %dma_start3A_546 = tpu.memref_slice %arg11[%dma_start3A_545, %add3A_540] : memref<16x6144xf32, #tpu.memory_space<vmem>> -> memref<8x128xf32, #tpu.memory_space<vmem>>
    %dma_start3A_547 = arith.constant 8 : i32
    %dma_start3A_548 = tpu.memref_slice %arg5[%dma_start3A_547, %multiple_of3A_528] : memref<16x1000000xf32, #tpu.memory_space<hbm>> -> memref<8x128xf32, #tpu.memory_space<hbm>>
    tpu.enqueue_dma source(%dma_start3A_548 : memref<8x128xf32, #tpu.memory_space<hbm>>) target(%dma_start3A_546 : memref<8x128xf32, #tpu.memory_space<vmem>>) target_semaphore(%arg16 : memref<!tpu.dma_semaphore, #tpu.memory_space<semaphore_mem>>)
    %slice3A_549 = vector.extract_strided_slice %get3A_440 {offsets = [4], sizes = [1], strides = [1]} : vector<16xi32> to vector<1xi32>
    %squeeze3A_550 = vector.extract %slice3A_549[0] : i32 from vector<1xi32>
    %shift_right_arithmetic3A_551 = arith.constant 7 : i32
    %shift_right_arithmetic3A_552 = arith.shrsi %squeeze3A_550, %shift_right_arithmetic3A_551 : i32
    %shift_left3A_553 = arith.constant 7 : i32
    %shift_left3A_554 = arith.shli %shift_right_arithmetic3A_552, %shift_left3A_553 : i32
    %multiple_of3A_555 = tpu.assume_multiple %shift_left3A_554, 128 : i32
    %add3A_556 = arith.constant 512 : i32
    %add3A_557 = arith.addi %multiple_of3A_438, %add3A_556 : i32
    %dma_start3A_558 = arith.constant 0 : i32
    %dma_start3A_559 = tpu.memref_slice %arg11[%dma_start3A_558, %add3A_557] : memref<16x6144xf32, #tpu.memory_space<vmem>> -> memref<8x128xf32, #tpu.memory_space<vmem>>
    %dma_start3A_560 = arith.constant 0 : i32
    %dma_start3A_561 = tpu.memref_slice %arg5[%dma_start3A_560, %multiple_of3A_555] : memref<16x1000000xf32, #tpu.memory_space<hbm>> -> memref<8x128xf32, #tpu.memory_space<hbm>>
    %dma_start3A_562 = arith.constant 0 : i32
    %dma_start3A_563 = tpu.memref_slice %arg11[%dma_start3A_562, %add3A_557] : memref<16x6144xf32, #tpu.memory_space<vmem>> -> memref<8x128xf32, #tpu.memory_space<vmem>>
    %dma_start3A_564 = arith.constant 0 : i32
    %dma_start3A_565 = tpu.memref_slice %arg5[%dma_start3A_564, %multiple_of3A_555] : memref<16x1000000xf32, #tpu.memory_space<hbm>> -> memref<8x128xf32, #tpu.memory_space<hbm>>
    tpu.enqueue_dma source(%dma_start3A_565 : memref<8x128xf32, #tpu.memory_space<hbm>>) target(%dma_start3A_563 : memref<8x128xf32, #tpu.memory_space<vmem>>) target_semaphore(%arg16 : memref<!tpu.dma_semaphore, #tpu.memory_space<semaphore_mem>>)
    %add3A_566 = arith.constant 512 : i32
    %add3A_567 = arith.addi %multiple_of3A_438, %add3A_566 : i32
    %dma_start3A_568 = arith.constant 8 : i32
    %dma_start3A_569 = tpu.memref_slice %arg11[%dma_start3A_568, %add3A_567] : memref<16x6144xf32, #tpu.memory_space<vmem>> -> memref<8x128xf32, #tpu.memory_space<vmem>>
    %dma_start3A_570 = arith.constant 8 : i32
    %dma_start3A_571 = tpu.memref_slice %arg5[%dma_start3A_570, %multiple_of3A_555] : memref<16x1000000xf32, #tpu.memory_space<hbm>> -> memref<8x128xf32, #tpu.memory_space<hbm>>
    %dma_start3A_572 = arith.constant 8 : i32
    %dma_start3A_573 = tpu.memref_slice %arg11[%dma_start3A_572, %add3A_567] : memref<16x6144xf32, #tpu.memory_space<vmem>> -> memref<8x128xf32, #tpu.memory_space<vmem>>
    %dma_start3A_574 = arith.constant 8 : i32
    %dma_start3A_575 = tpu.memref_slice %arg5[%dma_start3A_574, %multiple_of3A_555] : memref<16x1000000xf32, #tpu.memory_space<hbm>> -> memref<8x128xf32, #tpu.memory_space<hbm>>
    tpu.enqueue_dma source(%dma_start3A_575 : memref<8x128xf32, #tpu.memory_space<hbm>>) target(%dma_start3A_573 : memref<8x128xf32, #tpu.memory_space<vmem>>) target_semaphore(%arg16 : memref<!tpu.dma_semaphore, #tpu.memory_space<semaphore_mem>>)
    %slice3A_576 = vector.extract_strided_slice %get3A_440 {offsets = [5], sizes = [1], strides = [1]} : vector<16xi32> to vector<1xi32>
    %squeeze3A_577 = vector.extract %slice3A_576[0] : i32 from vector<1xi32>
    %shift_right_arithmetic3A_578 = arith.constant 7 : i32
    %shift_right_arithmetic3A_579 = arith.shrsi %squeeze3A_577, %shift_right_arithmetic3A_578 : i32
    %shift_left3A_580 = arith.constant 7 : i32
    %shift_left3A_581 = arith.shli %shift_right_arithmetic3A_579, %shift_left3A_580 : i32
    %multiple_of3A_582 = tpu.assume_multiple %shift_left3A_581, 128 : i32
    %add3A_583 = arith.constant 640 : i32
    %add3A_584 = arith.addi %multiple_of3A_438, %add3A_583 : i32
    %dma_start3A_585 = arith.constant 0 : i32
    %dma_start3A_586 = tpu.memref_slice %arg11[%dma_start3A_585, %add3A_584] : memref<16x6144xf32, #tpu.memory_space<vmem>> -> memref<8x128xf32, #tpu.memory_space<vmem>>
    %dma_start3A_587 = arith.constant 0 : i32
    %dma_start3A_588 = tpu.memref_slice %arg5[%dma_start3A_587, %multiple_of3A_582] : memref<16x1000000xf32, #tpu.memory_space<hbm>> -> memref<8x128xf32, #tpu.memory_space<hbm>>
    %dma_start3A_589 = arith.constant 0 : i32
    %dma_start3A_590 = tpu.memref_slice %arg11[%dma_start3A_589, %add3A_584] : memref<16x6144xf32, #tpu.memory_space<vmem>> -> memref<8x128xf32, #tpu.memory_space<vmem>>
    %dma_start3A_591 = arith.constant 0 : i32
    %dma_start3A_592 = tpu.memref_slice %arg5[%dma_start3A_591, %multiple_of3A_582] : memref<16x1000000xf32, #tpu.memory_space<hbm>> -> memref<8x128xf32, #tpu.memory_space<hbm>>
    tpu.enqueue_dma source(%dma_start3A_592 : memref<8x128xf32, #tpu.memory_space<hbm>>) target(%dma_start3A_590 : memref<8x128xf32, #tpu.memory_space<vmem>>) target_semaphore(%arg16 : memref<!tpu.dma_semaphore, #tpu.memory_space<semaphore_mem>>)
    %add3A_593 = arith.constant 640 : i32
    %add3A_594 = arith.addi %multiple_of3A_438, %add3A_593 : i32
    %dma_start3A_595 = arith.constant 8 : i32
    %dma_start3A_596 = tpu.memref_slice %arg11[%dma_start3A_595, %add3A_594] : memref<16x6144xf32, #tpu.memory_space<vmem>> -> memref<8x128xf32, #tpu.memory_space<vmem>>
    %dma_start3A_597 = arith.constant 8 : i32
    %dma_start3A_598 = tpu.memref_slice %arg5[%dma_start3A_597, %multiple_of3A_582] : memref<16x1000000xf32, #tpu.memory_space<hbm>> -> memref<8x128xf32, #tpu.memory_space<hbm>>
    %dma_start3A_599 = arith.constant 8 : i32
    %dma_start3A_600 = tpu.memref_slice %arg11[%dma_start3A_599, %add3A_594] : memref<16x6144xf32, #tpu.memory_space<vmem>> -> memref<8x128xf32, #tpu.memory_space<vmem>>
    %dma_start3A_601 = arith.constant 8 : i32
    %dma_start3A_602 = tpu.memref_slice %arg5[%dma_start3A_601, %multiple_of3A_582] : memref<16x1000000xf32, #tpu.memory_space<hbm>> -> memref<8x128xf32, #tpu.memory_space<hbm>>
    tpu.enqueue_dma source(%dma_start3A_602 : memref<8x128xf32, #tpu.memory_space<hbm>>) target(%dma_start3A_600 : memref<8x128xf32, #tpu.memory_space<vmem>>) target_semaphore(%arg16 : memref<!tpu.dma_semaphore, #tpu.memory_space<semaphore_mem>>)
    %slice3A_603 = vector.extract_strided_slice %get3A_440 {offsets = [6], sizes = [1], strides = [1]} : vector<16xi32> to vector<1xi32>
    %squeeze3A_604 = vector.extract %slice3A_603[0] : i32 from vector<1xi32>
    %shift_right_arithmetic3A_605 = arith.constant 7 : i32
    %shift_right_arithmetic3A_606 = arith.shrsi %squeeze3A_604, %shift_right_arithmetic3A_605 : i32
    %shift_left3A_607 = arith.constant 7 : i32
    %shift_left3A_608 = arith.shli %shift_right_arithmetic3A_606, %shift_left3A_607 : i32
    %multiple_of3A_609 = tpu.assume_multiple %shift_left3A_608, 128 : i32
    %add3A_610 = arith.constant 768 : i32
    %add3A_611 = arith.addi %multiple_of3A_438, %add3A_610 : i32
    %dma_start3A_612 = arith.constant 0 : i32
    %dma_start3A_613 = tpu.memref_slice %arg11[%dma_start3A_612, %add3A_611] : memref<16x6144xf32, #tpu.memory_space<vmem>> -> memref<8x128xf32, #tpu.memory_space<vmem>>
    %dma_start3A_614 = arith.constant 0 : i32
    %dma_start3A_615 = tpu.memref_slice %arg5[%dma_start3A_614, %multiple_of3A_609] : memref<16x1000000xf32, #tpu.memory_space<hbm>> -> memref<8x128xf32, #tpu.memory_space<hbm>>
    %dma_start3A_616 = arith.constant 0 : i32
    %dma_start3A_617 = tpu.memref_slice %arg11[%dma_start3A_616, %add3A_611] : memref<16x6144xf32, #tpu.memory_space<vmem>> -> memref<8x128xf32, #tpu.memory_space<vmem>>
    %dma_start3A_618 = arith.constant 0 : i32
    %dma_start3A_619 = tpu.memref_slice %arg5[%dma_start3A_618, %multiple_of3A_609] : memref<16x1000000xf32, #tpu.memory_space<hbm>> -> memref<8x128xf32, #tpu.memory_space<hbm>>
    tpu.enqueue_dma source(%dma_start3A_619 : memref<8x128xf32, #tpu.memory_space<hbm>>) target(%dma_start3A_617 : memref<8x128xf32, #tpu.memory_space<vmem>>) target_semaphore(%arg16 : memref<!tpu.dma_semaphore, #tpu.memory_space<semaphore_mem>>)
    %add3A_620 = arith.constant 768 : i32
    %add3A_621 = arith.addi %multiple_of3A_438, %add3A_620 : i32
    %dma_start3A_622 = arith.constant 8 : i32
    %dma_start3A_623 = tpu.memref_slice %arg11[%dma_start3A_622, %add3A_621] : memref<16x6144xf32, #tpu.memory_space<vmem>> -> memref<8x128xf32, #tpu.memory_space<vmem>>
    %dma_start3A_624 = arith.constant 8 : i32
    %dma_start3A_625 = tpu.memref_slice %arg5[%dma_start3A_624, %multiple_of3A_609] : memref<16x1000000xf32, #tpu.memory_space<hbm>> -> memref<8x128xf32, #tpu.memory_space<hbm>>
    %dma_start3A_626 = arith.constant 8 : i32
    %dma_start3A_627 = tpu.memref_slice %arg11[%dma_start3A_626, %add3A_621] : memref<16x6144xf32, #tpu.memory_space<vmem>> -> memref<8x128xf32, #tpu.memory_space<vmem>>
    %dma_start3A_628 = arith.constant 8 : i32
    %dma_start3A_629 = tpu.memref_slice %arg5[%dma_start3A_628, %multiple_of3A_609] : memref<16x1000000xf32, #tpu.memory_space<hbm>> -> memref<8x128xf32, #tpu.memory_space<hbm>>
    tpu.enqueue_dma source(%dma_start3A_629 : memref<8x128xf32, #tpu.memory_space<hbm>>) target(%dma_start3A_627 : memref<8x128xf32, #tpu.memory_space<vmem>>) target_semaphore(%arg16 : memref<!tpu.dma_semaphore, #tpu.memory_space<semaphore_mem>>)
    %slice3A_630 = vector.extract_strided_slice %get3A_440 {offsets = [7], sizes = [1], strides = [1]} : vector<16xi32> to vector<1xi32>
    %squeeze3A_631 = vector.extract %slice3A_630[0] : i32 from vector<1xi32>
    %shift_right_arithmetic3A_632 = arith.constant 7 : i32
    %shift_right_arithmetic3A_633 = arith.shrsi %squeeze3A_631, %shift_right_arithmetic3A_632 : i32
    %shift_left3A_634 = arith.constant 7 : i32
    %shift_left3A_635 = arith.shli %shift_right_arithmetic3A_633, %shift_left3A_634 : i32
    %multiple_of3A_636 = tpu.assume_multiple %shift_left3A_635, 128 : i32
    %add3A_637 = arith.constant 896 : i32
    %add3A_638 = arith.addi %multiple_of3A_438, %add3A_637 : i32
    %dma_start3A_639 = arith.constant 0 : i32
    %dma_start3A_640 = tpu.memref_slice %arg11[%dma_start3A_639, %add3A_638] : memref<16x6144xf32, #tpu.memory_space<vmem>> -> memref<8x128xf32, #tpu.memory_space<vmem>>
    %dma_start3A_641 = arith.constant 0 : i32
    %dma_start3A_642 = tpu.memref_slice %arg5[%dma_start3A_641, %multiple_of3A_636] : memref<16x1000000xf32, #tpu.memory_space<hbm>> -> memref<8x128xf32, #tpu.memory_space<hbm>>
    %dma_start3A_643 = arith.constant 0 : i32
    %dma_start3A_644 = tpu.memref_slice %arg11[%dma_start3A_643, %add3A_638] : memref<16x6144xf32, #tpu.memory_space<vmem>> -> memref<8x128xf32, #tpu.memory_space<vmem>>
    %dma_start3A_645 = arith.constant 0 : i32
    %dma_start3A_646 = tpu.memref_slice %arg5[%dma_start3A_645, %multiple_of3A_636] : memref<16x1000000xf32, #tpu.memory_space<hbm>> -> memref<8x128xf32, #tpu.memory_space<hbm>>
    tpu.enqueue_dma source(%dma_start3A_646 : memref<8x128xf32, #tpu.memory_space<hbm>>) target(%dma_start3A_644 : memref<8x128xf32, #tpu.memory_space<vmem>>) target_semaphore(%arg16 : memref<!tpu.dma_semaphore, #tpu.memory_space<semaphore_mem>>)
    %add3A_647 = arith.constant 896 : i32
    %add3A_648 = arith.addi %multiple_of3A_438, %add3A_647 : i32
    %dma_start3A_649 = arith.constant 8 : i32
    %dma_start3A_650 = tpu.memref_slice %arg11[%dma_start3A_649, %add3A_648] : memref<16x6144xf32, #tpu.memory_space<vmem>> -> memref<8x128xf32, #tpu.memory_space<vmem>>
    %dma_start3A_651 = arith.constant 8 : i32
    %dma_start3A_652 = tpu.memref_slice %arg5[%dma_start3A_651, %multiple_of3A_636] : memref<16x1000000xf32, #tpu.memory_space<hbm>> -> memref<8x128xf32, #tpu.memory_space<hbm>>
    %dma_start3A_653 = arith.constant 8 : i32
    %dma_start3A_654 = tpu.memref_slice %arg11[%dma_start3A_653, %add3A_648] : memref<16x6144xf32, #tpu.memory_space<vmem>> -> memref<8x128xf32, #tpu.memory_space<vmem>>
    %dma_start3A_655 = arith.constant 8 : i32
    %dma_start3A_656 = tpu.memref_slice %arg5[%dma_start3A_655, %multiple_of3A_636] : memref<16x1000000xf32, #tpu.memory_space<hbm>> -> memref<8x128xf32, #tpu.memory_space<hbm>>
    tpu.enqueue_dma source(%dma_start3A_656 : memref<8x128xf32, #tpu.memory_space<hbm>>) target(%dma_start3A_654 : memref<8x128xf32, #tpu.memory_space<vmem>>) target_semaphore(%arg16 : memref<!tpu.dma_semaphore, #tpu.memory_space<semaphore_mem>>)
    %slice3A_657 = vector.extract_strided_slice %get3A_440 {offsets = [8], sizes = [1], strides = [1]} : vector<16xi32> to vector<1xi32>
    %squeeze3A_658 = vector.extract %slice3A_657[0] : i32 from vector<1xi32>
    %shift_right_arithmetic3A_659 = arith.constant 7 : i32
    %shift_right_arithmetic3A_660 = arith.shrsi %squeeze3A_658, %shift_right_arithmetic3A_659 : i32
    %shift_left3A_661 = arith.constant 7 : i32
    %shift_left3A_662 = arith.shli %shift_right_arithmetic3A_660, %shift_left3A_661 : i32
    %multiple_of3A_663 = tpu.assume_multiple %shift_left3A_662, 128 : i32
    %add3A_664 = arith.constant 1024 : i32
    %add3A_665 = arith.addi %multiple_of3A_438, %add3A_664 : i32
    %dma_start3A_666 = arith.constant 0 : i32
    %dma_start3A_667 = tpu.memref_slice %arg11[%dma_start3A_666, %add3A_665] : memref<16x6144xf32, #tpu.memory_space<vmem>> -> memref<8x128xf32, #tpu.memory_space<vmem>>
    %dma_start3A_668 = arith.constant 0 : i32
    %dma_start3A_669 = tpu.memref_slice %arg5[%dma_start3A_668, %multiple_of3A_663] : memref<16x1000000xf32, #tpu.memory_space<hbm>> -> memref<8x128xf32, #tpu.memory_space<hbm>>
    %dma_start3A_670 = arith.constant 0 : i32
    %dma_start3A_671 = tpu.memref_slice %arg11[%dma_start3A_670, %add3A_665] : memref<16x6144xf32, #tpu.memory_space<vmem>> -> memref<8x128xf32, #tpu.memory_space<vmem>>
    %dma_start3A_672 = arith.constant 0 : i32
    %dma_start3A_673 = tpu.memref_slice %arg5[%dma_start3A_672, %multiple_of3A_663] : memref<16x1000000xf32, #tpu.memory_space<hbm>> -> memref<8x128xf32, #tpu.memory_space<hbm>>
    tpu.enqueue_dma source(%dma_start3A_673 : memref<8x128xf32, #tpu.memory_space<hbm>>) target(%dma_start3A_671 : memref<8x128xf32, #tpu.memory_space<vmem>>) target_semaphore(%arg16 : memref<!tpu.dma_semaphore, #tpu.memory_space<semaphore_mem>>)
    %add3A_674 = arith.constant 1024 : i32
    %add3A_675 = arith.addi %multiple_of3A_438, %add3A_674 : i32
    %dma_start3A_676 = arith.constant 8 : i32
    %dma_start3A_677 = tpu.memref_slice %arg11[%dma_start3A_676, %add3A_675] : memref<16x6144xf32, #tpu.memory_space<vmem>> -> memref<8x128xf32, #tpu.memory_space<vmem>>
    %dma_start3A_678 = arith.constant 8 : i32
    %dma_start3A_679 = tpu.memref_slice %arg5[%dma_start3A_678, %multiple_of3A_663] : memref<16x1000000xf32, #tpu.memory_space<hbm>> -> memref<8x128xf32, #tpu.memory_space<hbm>>
    %dma_start3A_680 = arith.constant 8 : i32
    %dma_start3A_681 = tpu.memref_slice %arg11[%dma_start3A_680, %add3A_675] : memref<16x6144xf32, #tpu.memory_space<vmem>> -> memref<8x128xf32, #tpu.memory_space<vmem>>
    %dma_start3A_682 = arith.constant 8 : i32
    %dma_start3A_683 = tpu.memref_slice %arg5[%dma_start3A_682, %multiple_of3A_663] : memref<16x1000000xf32, #tpu.memory_space<hbm>> -> memref<8x128xf32, #tpu.memory_space<hbm>>
    tpu.enqueue_dma source(%dma_start3A_683 : memref<8x128xf32, #tpu.memory_space<hbm>>) target(%dma_start3A_681 : memref<8x128xf32, #tpu.memory_space<vmem>>) target_semaphore(%arg16 : memref<!tpu.dma_semaphore, #tpu.memory_space<semaphore_mem>>)
    %slice3A_684 = vector.extract_strided_slice %get3A_440 {offsets = [9], sizes = [1], strides = [1]} : vector<16xi32> to vector<1xi32>
    %squeeze3A_685 = vector.extract %slice3A_684[0] : i32 from vector<1xi32>
    %shift_right_arithmetic3A_686 = arith.constant 7 : i32
    %shift_right_arithmetic3A_687 = arith.shrsi %squeeze3A_685, %shift_right_arithmetic3A_686 : i32
    %shift_left3A_688 = arith.constant 7 : i32
    %shift_left3A_689 = arith.shli %shift_right_arithmetic3A_687, %shift_left3A_688 : i32
    %multiple_of3A_690 = tpu.assume_multiple %shift_left3A_689, 128 : i32
    %add3A_691 = arith.constant 1152 : i32
    %add3A_692 = arith.addi %multiple_of3A_438, %add3A_691 : i32
    %dma_start3A_693 = arith.constant 0 : i32
    %dma_start3A_694 = tpu.memref_slice %arg11[%dma_start3A_693, %add3A_692] : memref<16x6144xf32, #tpu.memory_space<vmem>> -> memref<8x128xf32, #tpu.memory_space<vmem>>
    %dma_start3A_695 = arith.constant 0 : i32
    %dma_start3A_696 = tpu.memref_slice %arg5[%dma_start3A_695, %multiple_of3A_690] : memref<16x1000000xf32, #tpu.memory_space<hbm>> -> memref<8x128xf32, #tpu.memory_space<hbm>>
    %dma_start3A_697 = arith.constant 0 : i32
    %dma_start3A_698 = tpu.memref_slice %arg11[%dma_start3A_697, %add3A_692] : memref<16x6144xf32, #tpu.memory_space<vmem>> -> memref<8x128xf32, #tpu.memory_space<vmem>>
    %dma_start3A_699 = arith.constant 0 : i32
    %dma_start3A_700 = tpu.memref_slice %arg5[%dma_start3A_699, %multiple_of3A_690] : memref<16x1000000xf32, #tpu.memory_space<hbm>> -> memref<8x128xf32, #tpu.memory_space<hbm>>
    tpu.enqueue_dma source(%dma_start3A_700 : memref<8x128xf32, #tpu.memory_space<hbm>>) target(%dma_start3A_698 : memref<8x128xf32, #tpu.memory_space<vmem>>) target_semaphore(%arg16 : memref<!tpu.dma_semaphore, #tpu.memory_space<semaphore_mem>>)
    %add3A_701 = arith.constant 1152 : i32
    %add3A_702 = arith.addi %multiple_of3A_438, %add3A_701 : i32
    %dma_start3A_703 = arith.constant 8 : i32
    %dma_start3A_704 = tpu.memref_slice %arg11[%dma_start3A_703, %add3A_702] : memref<16x6144xf32, #tpu.memory_space<vmem>> -> memref<8x128xf32, #tpu.memory_space<vmem>>
    %dma_start3A_705 = arith.constant 8 : i32
    %dma_start3A_706 = tpu.memref_slice %arg5[%dma_start3A_705, %multiple_of3A_690] : memref<16x1000000xf32, #tpu.memory_space<hbm>> -> memref<8x128xf32, #tpu.memory_space<hbm>>
    %dma_start3A_707 = arith.constant 8 : i32
    %dma_start3A_708 = tpu.memref_slice %arg11[%dma_start3A_707, %add3A_702] : memref<16x6144xf32, #tpu.memory_space<vmem>> -> memref<8x128xf32, #tpu.memory_space<vmem>>
    %dma_start3A_709 = arith.constant 8 : i32
    %dma_start3A_710 = tpu.memref_slice %arg5[%dma_start3A_709, %multiple_of3A_690] : memref<16x1000000xf32, #tpu.memory_space<hbm>> -> memref<8x128xf32, #tpu.memory_space<hbm>>
    tpu.enqueue_dma source(%dma_start3A_710 : memref<8x128xf32, #tpu.memory_space<hbm>>) target(%dma_start3A_708 : memref<8x128xf32, #tpu.memory_space<vmem>>) target_semaphore(%arg16 : memref<!tpu.dma_semaphore, #tpu.memory_space<semaphore_mem>>)
    %slice3A_711 = vector.extract_strided_slice %get3A_440 {offsets = [10], sizes = [1], strides = [1]} : vector<16xi32> to vector<1xi32>
    %squeeze3A_712 = vector.extract %slice3A_711[0] : i32 from vector<1xi32>
    %shift_right_arithmetic3A_713 = arith.constant 7 : i32
    %shift_right_arithmetic3A_714 = arith.shrsi %squeeze3A_712, %shift_right_arithmetic3A_713 : i32
    %shift_left3A_715 = arith.constant 7 : i32
    %shift_left3A_716 = arith.shli %shift_right_arithmetic3A_714, %shift_left3A_715 : i32
    %multiple_of3A_717 = tpu.assume_multiple %shift_left3A_716, 128 : i32
    %add3A_718 = arith.constant 1280 : i32
    %add3A_719 = arith.addi %multiple_of3A_438, %add3A_718 : i32
    %dma_start3A_720 = arith.constant 0 : i32
    %dma_start3A_721 = tpu.memref_slice %arg11[%dma_start3A_720, %add3A_719] : memref<16x6144xf32, #tpu.memory_space<vmem>> -> memref<8x128xf32, #tpu.memory_space<vmem>>
    %dma_start3A_722 = arith.constant 0 : i32
    %dma_start3A_723 = tpu.memref_slice %arg5[%dma_start3A_722, %multiple_of3A_717] : memref<16x1000000xf32, #tpu.memory_space<hbm>> -> memref<8x128xf32, #tpu.memory_space<hbm>>
    %dma_start3A_724 = arith.constant 0 : i32
    %dma_start3A_725 = tpu.memref_slice %arg11[%dma_start3A_724, %add3A_719] : memref<16x6144xf32, #tpu.memory_space<vmem>> -> memref<8x128xf32, #tpu.memory_space<vmem>>
    %dma_start3A_726 = arith.constant 0 : i32
    %dma_start3A_727 = tpu.memref_slice %arg5[%dma_start3A_726, %multiple_of3A_717] : memref<16x1000000xf32, #tpu.memory_space<hbm>> -> memref<8x128xf32, #tpu.memory_space<hbm>>
    tpu.enqueue_dma source(%dma_start3A_727 : memref<8x128xf32, #tpu.memory_space<hbm>>) target(%dma_start3A_725 : memref<8x128xf32, #tpu.memory_space<vmem>>) target_semaphore(%arg16 : memref<!tpu.dma_semaphore, #tpu.memory_space<semaphore_mem>>)
    %add3A_728 = arith.constant 1280 : i32
    %add3A_729 = arith.addi %multiple_of3A_438, %add3A_728 : i32
    %dma_start3A_730 = arith.constant 8 : i32
    %dma_start3A_731 = tpu.memref_slice %arg11[%dma_start3A_730, %add3A_729] : memref<16x6144xf32, #tpu.memory_space<vmem>> -> memref<8x128xf32, #tpu.memory_space<vmem>>
    %dma_start3A_732 = arith.constant 8 : i32
    %dma_start3A_733 = tpu.memref_slice %arg5[%dma_start3A_732, %multiple_of3A_717] : memref<16x1000000xf32, #tpu.memory_space<hbm>> -> memref<8x128xf32, #tpu.memory_space<hbm>>
    %dma_start3A_734 = arith.constant 8 : i32
    %dma_start3A_735 = tpu.memref_slice %arg11[%dma_start3A_734, %add3A_729] : memref<16x6144xf32, #tpu.memory_space<vmem>> -> memref<8x128xf32, #tpu.memory_space<vmem>>
    %dma_start3A_736 = arith.constant 8 : i32
    %dma_start3A_737 = tpu.memref_slice %arg5[%dma_start3A_736, %multiple_of3A_717] : memref<16x1000000xf32, #tpu.memory_space<hbm>> -> memref<8x128xf32, #tpu.memory_space<hbm>>
    tpu.enqueue_dma source(%dma_start3A_737 : memref<8x128xf32, #tpu.memory_space<hbm>>) target(%dma_start3A_735 : memref<8x128xf32, #tpu.memory_space<vmem>>) target_semaphore(%arg16 : memref<!tpu.dma_semaphore, #tpu.memory_space<semaphore_mem>>)
    %slice3A_738 = vector.extract_strided_slice %get3A_440 {offsets = [11], sizes = [1], strides = [1]} : vector<16xi32> to vector<1xi32>
    %squeeze3A_739 = vector.extract %slice3A_738[0] : i32 from vector<1xi32>
    %shift_right_arithmetic3A_740 = arith.constant 7 : i32
    %shift_right_arithmetic3A_741 = arith.shrsi %squeeze3A_739, %shift_right_arithmetic3A_740 : i32
    %shift_left3A_742 = arith.constant 7 : i32
    %shift_left3A_743 = arith.shli %shift_right_arithmetic3A_741, %shift_left3A_742 : i32
    %multiple_of3A_744 = tpu.assume_multiple %shift_left3A_743, 128 : i32
    %add3A_745 = arith.constant 1408 : i32
    %add3A_746 = arith.addi %multiple_of3A_438, %add3A_745 : i32
    %dma_start3A_747 = arith.constant 0 : i32
    %dma_start3A_748 = tpu.memref_slice %arg11[%dma_start3A_747, %add3A_746] : memref<16x6144xf32, #tpu.memory_space<vmem>> -> memref<8x128xf32, #tpu.memory_space<vmem>>
    %dma_start3A_749 = arith.constant 0 : i32
    %dma_start3A_750 = tpu.memref_slice %arg5[%dma_start3A_749, %multiple_of3A_744] : memref<16x1000000xf32, #tpu.memory_space<hbm>> -> memref<8x128xf32, #tpu.memory_space<hbm>>
    %dma_start3A_751 = arith.constant 0 : i32
    %dma_start3A_752 = tpu.memref_slice %arg11[%dma_start3A_751, %add3A_746] : memref<16x6144xf32, #tpu.memory_space<vmem>> -> memref<8x128xf32, #tpu.memory_space<vmem>>
    %dma_start3A_753 = arith.constant 0 : i32
    %dma_start3A_754 = tpu.memref_slice %arg5[%dma_start3A_753, %multiple_of3A_744] : memref<16x1000000xf32, #tpu.memory_space<hbm>> -> memref<8x128xf32, #tpu.memory_space<hbm>>
    tpu.enqueue_dma source(%dma_start3A_754 : memref<8x128xf32, #tpu.memory_space<hbm>>) target(%dma_start3A_752 : memref<8x128xf32, #tpu.memory_space<vmem>>) target_semaphore(%arg16 : memref<!tpu.dma_semaphore, #tpu.memory_space<semaphore_mem>>)
    %add3A_755 = arith.constant 1408 : i32
    %add3A_756 = arith.addi %multiple_of3A_438, %add3A_755 : i32
    %dma_start3A_757 = arith.constant 8 : i32
    %dma_start3A_758 = tpu.memref_slice %arg11[%dma_start3A_757, %add3A_756] : memref<16x6144xf32, #tpu.memory_space<vmem>> -> memref<8x128xf32, #tpu.memory_space<vmem>>
    %dma_start3A_759 = arith.constant 8 : i32
    %dma_start3A_760 = tpu.memref_slice %arg5[%dma_start3A_759, %multiple_of3A_744] : memref<16x1000000xf32, #tpu.memory_space<hbm>> -> memref<8x128xf32, #tpu.memory_space<hbm>>
    %dma_start3A_761 = arith.constant 8 : i32
    %dma_start3A_762 = tpu.memref_slice %arg11[%dma_start3A_761, %add3A_756] : memref<16x6144xf32, #tpu.memory_space<vmem>> -> memref<8x128xf32, #tpu.memory_space<vmem>>
    %dma_start3A_763 = arith.constant 8 : i32
    %dma_start3A_764 = tpu.memref_slice %arg5[%dma_start3A_763, %multiple_of3A_744] : memref<16x1000000xf32, #tpu.memory_space<hbm>> -> memref<8x128xf32, #tpu.memory_space<hbm>>
    tpu.enqueue_dma source(%dma_start3A_764 : memref<8x128xf32, #tpu.memory_space<hbm>>) target(%dma_start3A_762 : memref<8x128xf32, #tpu.memory_space<vmem>>) target_semaphore(%arg16 : memref<!tpu.dma_semaphore, #tpu.memory_space<semaphore_mem>>)
    %slice3A_765 = vector.extract_strided_slice %get3A_440 {offsets = [12], sizes = [1], strides = [1]} : vector<16xi32> to vector<1xi32>
    %squeeze3A_766 = vector.extract %slice3A_765[0] : i32 from vector<1xi32>
    %shift_right_arithmetic3A_767 = arith.constant 7 : i32
    %shift_right_arithmetic3A_768 = arith.shrsi %squeeze3A_766, %shift_right_arithmetic3A_767 : i32
    %shift_left3A_769 = arith.constant 7 : i32
    %shift_left3A_770 = arith.shli %shift_right_arithmetic3A_768, %shift_left3A_769 : i32
    %multiple_of3A_771 = tpu.assume_multiple %shift_left3A_770, 128 : i32
    %add3A_772 = arith.constant 1536 : i32
    %add3A_773 = arith.addi %multiple_of3A_438, %add3A_772 : i32
    %dma_start3A_774 = arith.constant 0 : i32
    %dma_start3A_775 = tpu.memref_slice %arg11[%dma_start3A_774, %add3A_773] : memref<16x6144xf32, #tpu.memory_space<vmem>> -> memref<8x128xf32, #tpu.memory_space<vmem>>
    %dma_start3A_776 = arith.constant 0 : i32
    %dma_start3A_777 = tpu.memref_slice %arg5[%dma_start3A_776, %multiple_of3A_771] : memref<16x1000000xf32, #tpu.memory_space<hbm>> -> memref<8x128xf32, #tpu.memory_space<hbm>>
    %dma_start3A_778 = arith.constant 0 : i32
    %dma_start3A_779 = tpu.memref_slice %arg11[%dma_start3A_778, %add3A_773] : memref<16x6144xf32, #tpu.memory_space<vmem>> -> memref<8x128xf32, #tpu.memory_space<vmem>>
    %dma_start3A_780 = arith.constant 0 : i32
    %dma_start3A_781 = tpu.memref_slice %arg5[%dma_start3A_780, %multiple_of3A_771] : memref<16x1000000xf32, #tpu.memory_space<hbm>> -> memref<8x128xf32, #tpu.memory_space<hbm>>
    tpu.enqueue_dma source(%dma_start3A_781 : memref<8x128xf32, #tpu.memory_space<hbm>>) target(%dma_start3A_779 : memref<8x128xf32, #tpu.memory_space<vmem>>) target_semaphore(%arg16 : memref<!tpu.dma_semaphore, #tpu.memory_space<semaphore_mem>>)
    %add3A_782 = arith.constant 1536 : i32
    %add3A_783 = arith.addi %multiple_of3A_438, %add3A_782 : i32
    %dma_start3A_784 = arith.constant 8 : i32
    %dma_start3A_785 = tpu.memref_slice %arg11[%dma_start3A_784, %add3A_783] : memref<16x6144xf32, #tpu.memory_space<vmem>> -> memref<8x128xf32, #tpu.memory_space<vmem>>
    %dma_start3A_786 = arith.constant 8 : i32
    %dma_start3A_787 = tpu.memref_slice %arg5[%dma_start3A_786, %multiple_of3A_771] : memref<16x1000000xf32, #tpu.memory_space<hbm>> -> memref<8x128xf32, #tpu.memory_space<hbm>>
    %dma_start3A_788 = arith.constant 8 : i32
    %dma_start3A_789 = tpu.memref_slice %arg11[%dma_start3A_788, %add3A_783] : memref<16x6144xf32, #tpu.memory_space<vmem>> -> memref<8x128xf32, #tpu.memory_space<vmem>>
    %dma_start3A_790 = arith.constant 8 : i32
    %dma_start3A_791 = tpu.memref_slice %arg5[%dma_start3A_790, %multiple_of3A_771] : memref<16x1000000xf32, #tpu.memory_space<hbm>> -> memref<8x128xf32, #tpu.memory_space<hbm>>
    tpu.enqueue_dma source(%dma_start3A_791 : memref<8x128xf32, #tpu.memory_space<hbm>>) target(%dma_start3A_789 : memref<8x128xf32, #tpu.memory_space<vmem>>) target_semaphore(%arg16 : memref<!tpu.dma_semaphore, #tpu.memory_space<semaphore_mem>>)
    %slice3A_792 = vector.extract_strided_slice %get3A_440 {offsets = [13], sizes = [1], strides = [1]} : vector<16xi32> to vector<1xi32>
    %squeeze3A_793 = vector.extract %slice3A_792[0] : i32 from vector<1xi32>
    %shift_right_arithmetic3A_794 = arith.constant 7 : i32
    %shift_right_arithmetic3A_795 = arith.shrsi %squeeze3A_793, %shift_right_arithmetic3A_794 : i32
    %shift_left3A_796 = arith.constant 7 : i32
    %shift_left3A_797 = arith.shli %shift_right_arithmetic3A_795, %shift_left3A_796 : i32
    %multiple_of3A_798 = tpu.assume_multiple %shift_left3A_797, 128 : i32
    %add3A_799 = arith.constant 1664 : i32
    %add3A_800 = arith.addi %multiple_of3A_438, %add3A_799 : i32
    %dma_start3A_801 = arith.constant 0 : i32
    %dma_start3A_802 = tpu.memref_slice %arg11[%dma_start3A_801, %add3A_800] : memref<16x6144xf32, #tpu.memory_space<vmem>> -> memref<8x128xf32, #tpu.memory_space<vmem>>
    %dma_start3A_803 = arith.constant 0 : i32
    %dma_start3A_804 = tpu.memref_slice %arg5[%dma_start3A_803, %multiple_of3A_798] : memref<16x1000000xf32, #tpu.memory_space<hbm>> -> memref<8x128xf32, #tpu.memory_space<hbm>>
    %dma_start3A_805 = arith.constant 0 : i32
    %dma_start3A_806 = tpu.memref_slice %arg11[%dma_start3A_805, %add3A_800] : memref<16x6144xf32, #tpu.memory_space<vmem>> -> memref<8x128xf32, #tpu.memory_space<vmem>>
    %dma_start3A_807 = arith.constant 0 : i32
    %dma_start3A_808 = tpu.memref_slice %arg5[%dma_start3A_807, %multiple_of3A_798] : memref<16x1000000xf32, #tpu.memory_space<hbm>> -> memref<8x128xf32, #tpu.memory_space<hbm>>
    tpu.enqueue_dma source(%dma_start3A_808 : memref<8x128xf32, #tpu.memory_space<hbm>>) target(%dma_start3A_806 : memref<8x128xf32, #tpu.memory_space<vmem>>) target_semaphore(%arg16 : memref<!tpu.dma_semaphore, #tpu.memory_space<semaphore_mem>>)
    %add3A_809 = arith.constant 1664 : i32
    %add3A_810 = arith.addi %multiple_of3A_438, %add3A_809 : i32
    %dma_start3A_811 = arith.constant 8 : i32
    %dma_start3A_812 = tpu.memref_slice %arg11[%dma_start3A_811, %add3A_810] : memref<16x6144xf32, #tpu.memory_space<vmem>> -> memref<8x128xf32, #tpu.memory_space<vmem>>
    %dma_start3A_813 = arith.constant 8 : i32
    %dma_start3A_814 = tpu.memref_slice %arg5[%dma_start3A_813, %multiple_of3A_798] : memref<16x1000000xf32, #tpu.memory_space<hbm>> -> memref<8x128xf32, #tpu.memory_space<hbm>>
    %dma_start3A_815 = arith.constant 8 : i32
    %dma_start3A_816 = tpu.memref_slice %arg11[%dma_start3A_815, %add3A_810] : memref<16x6144xf32, #tpu.memory_space<vmem>> -> memref<8x128xf32, #tpu.memory_space<vmem>>
    %dma_start3A_817 = arith.constant 8 : i32
    %dma_start3A_818 = tpu.memref_slice %arg5[%dma_start3A_817, %multiple_of3A_798] : memref<16x1000000xf32, #tpu.memory_space<hbm>> -> memref<8x128xf32, #tpu.memory_space<hbm>>
    tpu.enqueue_dma source(%dma_start3A_818 : memref<8x128xf32, #tpu.memory_space<hbm>>) target(%dma_start3A_816 : memref<8x128xf32, #tpu.memory_space<vmem>>) target_semaphore(%arg16 : memref<!tpu.dma_semaphore, #tpu.memory_space<semaphore_mem>>)
    %slice3A_819 = vector.extract_strided_slice %get3A_440 {offsets = [14], sizes = [1], strides = [1]} : vector<16xi32> to vector<1xi32>
    %squeeze3A_820 = vector.extract %slice3A_819[0] : i32 from vector<1xi32>
    %shift_right_arithmetic3A_821 = arith.constant 7 : i32
    %shift_right_arithmetic3A_822 = arith.shrsi %squeeze3A_820, %shift_right_arithmetic3A_821 : i32
    %shift_left3A_823 = arith.constant 7 : i32
    %shift_left3A_824 = arith.shli %shift_right_arithmetic3A_822, %shift_left3A_823 : i32
    %multiple_of3A_825 = tpu.assume_multiple %shift_left3A_824, 128 : i32
    %add3A_826 = arith.constant 1792 : i32
    %add3A_827 = arith.addi %multiple_of3A_438, %add3A_826 : i32
    %dma_start3A_828 = arith.constant 0 : i32
    %dma_start3A_829 = tpu.memref_slice %arg11[%dma_start3A_828, %add3A_827] : memref<16x6144xf32, #tpu.memory_space<vmem>> -> memref<8x128xf32, #tpu.memory_space<vmem>>
    %dma_start3A_830 = arith.constant 0 : i32
    %dma_start3A_831 = tpu.memref_slice %arg5[%dma_start3A_830, %multiple_of3A_825] : memref<16x1000000xf32, #tpu.memory_space<hbm>> -> memref<8x128xf32, #tpu.memory_space<hbm>>
    %dma_start3A_832 = arith.constant 0 : i32
    %dma_start3A_833 = tpu.memref_slice %arg11[%dma_start3A_832, %add3A_827] : memref<16x6144xf32, #tpu.memory_space<vmem>> -> memref<8x128xf32, #tpu.memory_space<vmem>>
    %dma_start3A_834 = arith.constant 0 : i32
    %dma_start3A_835 = tpu.memref_slice %arg5[%dma_start3A_834, %multiple_of3A_825] : memref<16x1000000xf32, #tpu.memory_space<hbm>> -> memref<8x128xf32, #tpu.memory_space<hbm>>
    tpu.enqueue_dma source(%dma_start3A_835 : memref<8x128xf32, #tpu.memory_space<hbm>>) target(%dma_start3A_833 : memref<8x128xf32, #tpu.memory_space<vmem>>) target_semaphore(%arg16 : memref<!tpu.dma_semaphore, #tpu.memory_space<semaphore_mem>>)
    %add3A_836 = arith.constant 1792 : i32
    %add3A_837 = arith.addi %multiple_of3A_438, %add3A_836 : i32
    %dma_start3A_838 = arith.constant 8 : i32
    %dma_start3A_839 = tpu.memref_slice %arg11[%dma_start3A_838, %add3A_837] : memref<16x6144xf32, #tpu.memory_space<vmem>> -> memref<8x128xf32, #tpu.memory_space<vmem>>
    %dma_start3A_840 = arith.constant 8 : i32
    %dma_start3A_841 = tpu.memref_slice %arg5[%dma_start3A_840, %multiple_of3A_825] : memref<16x1000000xf32, #tpu.memory_space<hbm>> -> memref<8x128xf32, #tpu.memory_space<hbm>>
    %dma_start3A_842 = arith.constant 8 : i32
    %dma_start3A_843 = tpu.memref_slice %arg11[%dma_start3A_842, %add3A_837] : memref<16x6144xf32, #tpu.memory_space<vmem>> -> memref<8x128xf32, #tpu.memory_space<vmem>>
    %dma_start3A_844 = arith.constant 8 : i32
    %dma_start3A_845 = tpu.memref_slice %arg5[%dma_start3A_844, %multiple_of3A_825] : memref<16x1000000xf32, #tpu.memory_space<hbm>> -> memref<8x128xf32, #tpu.memory_space<hbm>>
    tpu.enqueue_dma source(%dma_start3A_845 : memref<8x128xf32, #tpu.memory_space<hbm>>) target(%dma_start3A_843 : memref<8x128xf32, #tpu.memory_space<vmem>>) target_semaphore(%arg16 : memref<!tpu.dma_semaphore, #tpu.memory_space<semaphore_mem>>)
    %slice3A_846 = vector.extract_strided_slice %get3A_440 {offsets = [15], sizes = [1], strides = [1]} : vector<16xi32> to vector<1xi32>
    %squeeze3A_847 = vector.extract %slice3A_846[0] : i32 from vector<1xi32>
    %shift_right_arithmetic3A_848 = arith.constant 7 : i32
    %shift_right_arithmetic3A_849 = arith.shrsi %squeeze3A_847, %shift_right_arithmetic3A_848 : i32
    %shift_left3A_850 = arith.constant 7 : i32
    %shift_left3A_851 = arith.shli %shift_right_arithmetic3A_849, %shift_left3A_850 : i32
    %multiple_of3A_852 = tpu.assume_multiple %shift_left3A_851, 128 : i32
    %add3A_853 = arith.constant 1920 : i32
    %add3A_854 = arith.addi %multiple_of3A_438, %add3A_853 : i32
    %dma_start3A_855 = arith.constant 0 : i32
    %dma_start3A_856 = tpu.memref_slice %arg11[%dma_start3A_855, %add3A_854] : memref<16x6144xf32, #tpu.memory_space<vmem>> -> memref<8x128xf32, #tpu.memory_space<vmem>>
    %dma_start3A_857 = arith.constant 0 : i32
    %dma_start3A_858 = tpu.memref_slice %arg5[%dma_start3A_857, %multiple_of3A_852] : memref<16x1000000xf32, #tpu.memory_space<hbm>> -> memref<8x128xf32, #tpu.memory_space<hbm>>
    %dma_start3A_859 = arith.constant 0 : i32
    %dma_start3A_860 = tpu.memref_slice %arg11[%dma_start3A_859, %add3A_854] : memref<16x6144xf32, #tpu.memory_space<vmem>> -> memref<8x128xf32, #tpu.memory_space<vmem>>
    %dma_start3A_861 = arith.constant 0 : i32
    %dma_start3A_862 = tpu.memref_slice %arg5[%dma_start3A_861, %multiple_of3A_852] : memref<16x1000000xf32, #tpu.memory_space<hbm>> -> memref<8x128xf32, #tpu.memory_space<hbm>>
    tpu.enqueue_dma source(%dma_start3A_862 : memref<8x128xf32, #tpu.memory_space<hbm>>) target(%dma_start3A_860 : memref<8x128xf32, #tpu.memory_space<vmem>>) target_semaphore(%arg16 : memref<!tpu.dma_semaphore, #tpu.memory_space<semaphore_mem>>)
    %add3A_863 = arith.constant 1920 : i32
    %add3A_864 = arith.addi %multiple_of3A_438, %add3A_863 : i32
    %dma_start3A_865 = arith.constant 8 : i32
    %dma_start3A_866 = tpu.memref_slice %arg11[%dma_start3A_865, %add3A_864] : memref<16x6144xf32, #tpu.memory_space<vmem>> -> memref<8x128xf32, #tpu.memory_space<vmem>>
    %dma_start3A_867 = arith.constant 8 : i32
    %dma_start3A_868 = tpu.memref_slice %arg5[%dma_start3A_867, %multiple_of3A_852] : memref<16x1000000xf32, #tpu.memory_space<hbm>> -> memref<8x128xf32, #tpu.memory_space<hbm>>
    %dma_start3A_869 = arith.constant 8 : i32
    %dma_start3A_870 = tpu.memref_slice %arg11[%dma_start3A_869, %add3A_864] : memref<16x6144xf32, #tpu.memory_space<vmem>> -> memref<8x128xf32, #tpu.memory_space<vmem>>
    %dma_start3A_871 = arith.constant 8 : i32
    %dma_start3A_872 = tpu.memref_slice %arg5[%dma_start3A_871, %multiple_of3A_852] : memref<16x1000000xf32, #tpu.memory_space<hbm>> -> memref<8x128xf32, #tpu.memory_space<hbm>>
    tpu.enqueue_dma source(%dma_start3A_872 : memref<8x128xf32, #tpu.memory_space<hbm>>) target(%dma_start3A_870 : memref<8x128xf32, #tpu.memory_space<vmem>>) target_semaphore(%arg16 : memref<!tpu.dma_semaphore, #tpu.memory_space<semaphore_mem>>)
    %scan3A = arith.constant 0 : i32
    %scan3A_873 = arith.constant 0 : i32
    %scan3A_874 = arith.constant 32 : i32
    %scan3A_875 = arith.addi %scan3A_873, %scan3A_874 : i32
    %scan3A_876 = arith.constant 1 : i32
    scf.for %scan3A_1760 = %scan3A_873 to %scan3A_875 step %scan3A_876  : i32 {
      %jit3A = arith.constant 3 : i32
      %div3A = arith.divsi %scan3A_1760, %jit3A : i32
      %sign3A = arith.constant 0 : i32
      %sign3A_1761 = arith.cmpi sgt, %scan3A_1760, %sign3A : i32
      %sign3A_1762 = arith.extui %sign3A_1761 : i1 to i32
      %sign3A_1763 = arith.constant 0 : i32
      %sign3A_1764 = arith.cmpi slt, %scan3A_1760, %sign3A_1763 : i32
      %sign3A_1765 = arith.extui %sign3A_1764 : i1 to i32
      %sign3A_1766 = arith.subi %sign3A_1762, %sign3A_1765 : i32
      %sign3A_1767 = arith.constant 0 : i32
      %sign3A_1768 = arith.cmpi sgt, %jit3A, %sign3A_1767 : i32
      %sign3A_1769 = arith.extui %sign3A_1768 : i1 to i32
      %sign3A_1770 = arith.constant 0 : i32
      %sign3A_1771 = arith.cmpi slt, %jit3A, %sign3A_1770 : i32
      %sign3A_1772 = arith.extui %sign3A_1771 : i1 to i32
      %sign3A_1773 = arith.subi %sign3A_1769, %sign3A_1772 : i32
      %ne3A = arith.cmpi ne, %sign3A_1766, %sign3A_1773 : i32
      %rem3A = arith.remsi %scan3A_1760, %jit3A : i32
      %ne3A_1774 = arith.constant 0 : i32
      %ne3A_1775 = arith.cmpi ne, %rem3A, %ne3A_1774 : i32
      %and3A = arith.andi %ne3A, %ne3A_1775 : i1
      %sub3A = arith.constant 1 : i32
      %sub3A_1776 = arith.subi %div3A, %sub3A : i32
      %select_n3A = arith.select %and3A, %sub3A_1776, %div3A : i32
      %mul3A_1777 = arith.constant 3 : i32
      %mul3A_1778 = arith.muli %select_n3A, %mul3A_1777 : i32
      %sub3A_1779 = arith.subi %scan3A_1760, %mul3A_1778 : i32
      %mul3A_1780 = arith.constant 2048 : i32
      %mul3A_1781 = arith.muli %sub3A_1779, %mul3A_1780 : i32
      %multiple_of3A_1782 = tpu.assume_multiple %mul3A_1781, 2048 : i32
      %dma_wait3A = arith.constant 0 : i32
      %dma_wait3A_1783 = tpu.memref_slice %arg11[%dma_wait3A, %multiple_of3A_1782] : memref<16x6144xf32, #tpu.memory_space<vmem>> -> memref<16x2048xf32, #tpu.memory_space<vmem>>
      %dma_wait3A_1784 = arith.constant 0 : i32
      %dma_wait3A_1785 = arith.constant 0 : i32
      %dma_wait3A_1786 = tpu.memref_slice %arg5[%dma_wait3A_1784, %dma_wait3A_1785] : memref<16x1000000xf32, #tpu.memory_space<hbm>> -> memref<16x2048xf32, #tpu.memory_space<hbm>>
      %dma_wait3A_1787 = arith.constant 0 : i32
      %dma_wait3A_1788 = tpu.memref_slice %arg11[%dma_wait3A_1787, %multiple_of3A_1782] : memref<16x6144xf32, #tpu.memory_space<vmem>> -> memref<16x2048xf32, #tpu.memory_space<vmem>>
      %dma_wait3A_1789 = arith.constant 0 : i32
      %dma_wait3A_1790 = arith.constant 0 : i32
      %dma_wait3A_1791 = tpu.memref_slice %arg5[%dma_wait3A_1789, %dma_wait3A_1790] : memref<16x1000000xf32, #tpu.memory_space<hbm>> -> memref<16x2048xf32, #tpu.memory_space<hbm>>
      tpu.wait_dma2 semaphore(%arg16 : memref<!tpu.dma_semaphore, #tpu.memory_space<semaphore_mem>>) src(%dma_wait3A_1791 : memref<16x2048xf32, #tpu.memory_space<hbm>>) dst(%dma_wait3A_1788 : memref<16x2048xf32, #tpu.memory_space<vmem>>)
      %add3A_1792 = arith.constant 2 : i32
      %add3A_1793 = arith.addi %scan3A_1760, %add3A_1792 : i32
      %jit3A_1794 = arith.constant 3 : i32
      %div3A_1795 = arith.divsi %add3A_1793, %jit3A_1794 : i32
      %sign3A_1796 = arith.constant 0 : i32
      %sign3A_1797 = arith.cmpi sgt, %add3A_1793, %sign3A_1796 : i32
      %sign3A_1798 = arith.extui %sign3A_1797 : i1 to i32
      %sign3A_1799 = arith.constant 0 : i32
      %sign3A_1800 = arith.cmpi slt, %add3A_1793, %sign3A_1799 : i32
      %sign3A_1801 = arith.extui %sign3A_1800 : i1 to i32
      %sign3A_1802 = arith.subi %sign3A_1798, %sign3A_1801 : i32
      %sign3A_1803 = arith.constant 0 : i32
      %sign3A_1804 = arith.cmpi sgt, %jit3A_1794, %sign3A_1803 : i32
      %sign3A_1805 = arith.extui %sign3A_1804 : i1 to i32
      %sign3A_1806 = arith.constant 0 : i32
      %sign3A_1807 = arith.cmpi slt, %jit3A_1794, %sign3A_1806 : i32
      %sign3A_1808 = arith.extui %sign3A_1807 : i1 to i32
      %sign3A_1809 = arith.subi %sign3A_1805, %sign3A_1808 : i32
      %ne3A_1810 = arith.cmpi ne, %sign3A_1802, %sign3A_1809 : i32
      %rem3A_1811 = arith.remsi %add3A_1793, %jit3A_1794 : i32
      %ne3A_1812 = arith.constant 0 : i32
      %ne3A_1813 = arith.cmpi ne, %rem3A_1811, %ne3A_1812 : i32
      %and3A_1814 = arith.andi %ne3A_1810, %ne3A_1813 : i1
      %sub3A_1815 = arith.constant 1 : i32
      %sub3A_1816 = arith.subi %div3A_1795, %sub3A_1815 : i32
      %select_n3A_1817 = arith.select %and3A_1814, %sub3A_1816, %div3A_1795 : i32
      %mul3A_1818 = arith.constant 3 : i32
      %mul3A_1819 = arith.muli %select_n3A_1817, %mul3A_1818 : i32
      %sub3A_1820 = arith.subi %add3A_1793, %mul3A_1819 : i32
      %lt3A = arith.constant 32 : i32
      %lt3A_1821 = arith.cmpi slt, %add3A_1793, %lt3A : i32
      %convert_element_type3A = arith.extui %lt3A_1821 : i1 to i32
      %cond3A = arith.constant 0 : i32
      %cond3A_1822 = arith.cmpi ne, %convert_element_type3A, %cond3A : i32
      scf.if %cond3A_1822 {
        %mul3A_2149 = arith.constant 16 : i32
        %mul3A_2150 = arith.muli %add3A_1793, %mul3A_2149 : i32
        %multiple_of3A_2151 = tpu.assume_multiple %mul3A_2150, 16 : i32
        %mul3A_2152 = arith.constant 2048 : i32
        %mul3A_2153 = arith.muli %sub3A_1820, %mul3A_2152 : i32
        %multiple_of3A_2154 = tpu.assume_multiple %mul3A_2153, 2048 : i32
        %get3A_2155 = arith.index_cast %multiple_of3A_2151 : i32 to index
        %get3A_2156 = tpu.vector_load %arg9[%get3A_2155] {strides = array<i32>} : memref<512xi32, #tpu.memory_space<vmem>>, vector<16xi32>,
        %slice3A_2157 = vector.extract_strided_slice %get3A_2156 {offsets = [0], sizes = [1], strides = [1]} : vector<16xi32> to vector<1xi32>
        %squeeze3A_2158 = vector.extract %slice3A_2157[0] : i32 from vector<1xi32>
        %shift_right_arithmetic3A_2159 = arith.constant 7 : i32
        %shift_right_arithmetic3A_2160 = arith.shrsi %squeeze3A_2158, %shift_right_arithmetic3A_2159 : i32
        %shift_left3A_2161 = arith.constant 7 : i32
        %shift_left3A_2162 = arith.shli %shift_right_arithmetic3A_2160, %shift_left3A_2161 : i32
        %multiple_of3A_2163 = tpu.assume_multiple %shift_left3A_2162, 128 : i32
        %add3A_2164 = arith.constant 0 : i32
        %add3A_2165 = arith.addi %multiple_of3A_2154, %add3A_2164 : i32
        %dma_start3A_2166 = arith.constant 0 : i32
        %dma_start3A_2167 = tpu.memref_slice %arg11[%dma_start3A_2166, %add3A_2165] : memref<16x6144xf32, #tpu.memory_space<vmem>> -> memref<8x128xf32, #tpu.memory_space<vmem>>
        %dma_start3A_2168 = arith.constant 0 : i32
        %dma_start3A_2169 = tpu.memref_slice %arg5[%dma_start3A_2168, %multiple_of3A_2163] : memref<16x1000000xf32, #tpu.memory_space<hbm>> -> memref<8x128xf32, #tpu.memory_space<hbm>>
        %dma_start3A_2170 = arith.constant 0 : i32
        %dma_start3A_2171 = tpu.memref_slice %arg11[%dma_start3A_2170, %add3A_2165] : memref<16x6144xf32, #tpu.memory_space<vmem>> -> memref<8x128xf32, #tpu.memory_space<vmem>>
        %dma_start3A_2172 = arith.constant 0 : i32
        %dma_start3A_2173 = tpu.memref_slice %arg5[%dma_start3A_2172, %multiple_of3A_2163] : memref<16x1000000xf32, #tpu.memory_space<hbm>> -> memref<8x128xf32, #tpu.memory_space<hbm>>
        tpu.enqueue_dma source(%dma_start3A_2173 : memref<8x128xf32, #tpu.memory_space<hbm>>) target(%dma_start3A_2171 : memref<8x128xf32, #tpu.memory_space<vmem>>) target_semaphore(%arg16 : memref<!tpu.dma_semaphore, #tpu.memory_space<semaphore_mem>>)
        %add3A_2174 = arith.constant 0 : i32
        %add3A_2175 = arith.addi %multiple_of3A_2154, %add3A_2174 : i32
        %dma_start3A_2176 = arith.constant 8 : i32
        %dma_start3A_2177 = tpu.memref_slice %arg11[%dma_start3A_2176, %add3A_2175] : memref<16x6144xf32, #tpu.memory_space<vmem>> -> memref<8x128xf32, #tpu.memory_space<vmem>>
        %dma_start3A_2178 = arith.constant 8 : i32
        %dma_start3A_2179 = tpu.memref_slice %arg5[%dma_start3A_2178, %multiple_of3A_2163] : memref<16x1000000xf32, #tpu.memory_space<hbm>> -> memref<8x128xf32, #tpu.memory_space<hbm>>
        %dma_start3A_2180 = arith.constant 8 : i32
        %dma_start3A_2181 = tpu.memref_slice %arg11[%dma_start3A_2180, %add3A_2175] : memref<16x6144xf32, #tpu.memory_space<vmem>> -> memref<8x128xf32, #tpu.memory_space<vmem>>
        %dma_start3A_2182 = arith.constant 8 : i32
        %dma_start3A_2183 = tpu.memref_slice %arg5[%dma_start3A_2182, %multiple_of3A_2163] : memref<16x1000000xf32, #tpu.memory_space<hbm>> -> memref<8x128xf32, #tpu.memory_space<hbm>>
        tpu.enqueue_dma source(%dma_start3A_2183 : memref<8x128xf32, #tpu.memory_space<hbm>>) target(%dma_start3A_2181 : memref<8x128xf32, #tpu.memory_space<vmem>>) target_semaphore(%arg16 : memref<!tpu.dma_semaphore, #tpu.memory_space<semaphore_mem>>)
        %slice3A_2184 = vector.extract_strided_slice %get3A_2156 {offsets = [1], sizes = [1], strides = [1]} : vector<16xi32> to vector<1xi32>
        %squeeze3A_2185 = vector.extract %slice3A_2184[0] : i32 from vector<1xi32>
        %shift_right_arithmetic3A_2186 = arith.constant 7 : i32
        %shift_right_arithmetic3A_2187 = arith.shrsi %squeeze3A_2185, %shift_right_arithmetic3A_2186 : i32
        %shift_left3A_2188 = arith.constant 7 : i32
        %shift_left3A_2189 = arith.shli %shift_right_arithmetic3A_2187, %shift_left3A_2188 : i32
        %multiple_of3A_2190 = tpu.assume_multiple %shift_left3A_2189, 128 : i32
        %add3A_2191 = arith.constant 128 : i32
        %add3A_2192 = arith.addi %multiple_of3A_2154, %add3A_2191 : i32
        %dma_start3A_2193 = arith.constant 0 : i32
        %dma_start3A_2194 = tpu.memref_slice %arg11[%dma_start3A_2193, %add3A_2192] : memref<16x6144xf32, #tpu.memory_space<vmem>> -> memref<8x128xf32, #tpu.memory_space<vmem>>
        %dma_start3A_2195 = arith.constant 0 : i32
        %dma_start3A_2196 = tpu.memref_slice %arg5[%dma_start3A_2195, %multiple_of3A_2190] : memref<16x1000000xf32, #tpu.memory_space<hbm>> -> memref<8x128xf32, #tpu.memory_space<hbm>>
        %dma_start3A_2197 = arith.constant 0 : i32
        %dma_start3A_2198 = tpu.memref_slice %arg11[%dma_start3A_2197, %add3A_2192] : memref<16x6144xf32, #tpu.memory_space<vmem>> -> memref<8x128xf32, #tpu.memory_space<vmem>>
        %dma_start3A_2199 = arith.constant 0 : i32
        %dma_start3A_2200 = tpu.memref_slice %arg5[%dma_start3A_2199, %multiple_of3A_2190] : memref<16x1000000xf32, #tpu.memory_space<hbm>> -> memref<8x128xf32, #tpu.memory_space<hbm>>
        tpu.enqueue_dma source(%dma_start3A_2200 : memref<8x128xf32, #tpu.memory_space<hbm>>) target(%dma_start3A_2198 : memref<8x128xf32, #tpu.memory_space<vmem>>) target_semaphore(%arg16 : memref<!tpu.dma_semaphore, #tpu.memory_space<semaphore_mem>>)
        %add3A_2201 = arith.constant 128 : i32
        %add3A_2202 = arith.addi %multiple_of3A_2154, %add3A_2201 : i32
        %dma_start3A_2203 = arith.constant 8 : i32
        %dma_start3A_2204 = tpu.memref_slice %arg11[%dma_start3A_2203, %add3A_2202] : memref<16x6144xf32, #tpu.memory_space<vmem>> -> memref<8x128xf32, #tpu.memory_space<vmem>>
        %dma_start3A_2205 = arith.constant 8 : i32
        %dma_start3A_2206 = tpu.memref_slice %arg5[%dma_start3A_2205, %multiple_of3A_2190] : memref<16x1000000xf32, #tpu.memory_space<hbm>> -> memref<8x128xf32, #tpu.memory_space<hbm>>
        %dma_start3A_2207 = arith.constant 8 : i32
        %dma_start3A_2208 = tpu.memref_slice %arg11[%dma_start3A_2207, %add3A_2202] : memref<16x6144xf32, #tpu.memory_space<vmem>> -> memref<8x128xf32, #tpu.memory_space<vmem>>
        %dma_start3A_2209 = arith.constant 8 : i32
        %dma_start3A_2210 = tpu.memref_slice %arg5[%dma_start3A_2209, %multiple_of3A_2190] : memref<16x1000000xf32, #tpu.memory_space<hbm>> -> memref<8x128xf32, #tpu.memory_space<hbm>>
        tpu.enqueue_dma source(%dma_start3A_2210 : memref<8x128xf32, #tpu.memory_space<hbm>>) target(%dma_start3A_2208 : memref<8x128xf32, #tpu.memory_space<vmem>>) target_semaphore(%arg16 : memref<!tpu.dma_semaphore, #tpu.memory_space<semaphore_mem>>)
        %slice3A_2211 = vector.extract_strided_slice %get3A_2156 {offsets = [2], sizes = [1], strides = [1]} : vector<16xi32> to vector<1xi32>
        %squeeze3A_2212 = vector.extract %slice3A_2211[0] : i32 from vector<1xi32>
        %shift_right_arithmetic3A_2213 = arith.constant 7 : i32
        %shift_right_arithmetic3A_2214 = arith.shrsi %squeeze3A_2212, %shift_right_arithmetic3A_2213 : i32
        %shift_left3A_2215 = arith.constant 7 : i32
        %shift_left3A_2216 = arith.shli %shift_right_arithmetic3A_2214, %shift_left3A_2215 : i32
        %multiple_of3A_2217 = tpu.assume_multiple %shift_left3A_2216, 128 : i32
        %add3A_2218 = arith.constant 256 : i32
        %add3A_2219 = arith.addi %multiple_of3A_2154, %add3A_2218 : i32
        %dma_start3A_2220 = arith.constant 0 : i32
        %dma_start3A_2221 = tpu.memref_slice %arg11[%dma_start3A_2220, %add3A_2219] : memref<16x6144xf32, #tpu.memory_space<vmem>> -> memref<8x128xf32, #tpu.memory_space<vmem>>
        %dma_start3A_2222 = arith.constant 0 : i32
        %dma_start3A_2223 = tpu.memref_slice %arg5[%dma_start3A_2222, %multiple_of3A_2217] : memref<16x1000000xf32, #tpu.memory_space<hbm>> -> memref<8x128xf32, #tpu.memory_space<hbm>>
        %dma_start3A_2224 = arith.constant 0 : i32
        %dma_start3A_2225 = tpu.memref_slice %arg11[%dma_start3A_2224, %add3A_2219] : memref<16x6144xf32, #tpu.memory_space<vmem>> -> memref<8x128xf32, #tpu.memory_space<vmem>>
        %dma_start3A_2226 = arith.constant 0 : i32
        %dma_start3A_2227 = tpu.memref_slice %arg5[%dma_start3A_2226, %multiple_of3A_2217] : memref<16x1000000xf32, #tpu.memory_space<hbm>> -> memref<8x128xf32, #tpu.memory_space<hbm>>
        tpu.enqueue_dma source(%dma_start3A_2227 : memref<8x128xf32, #tpu.memory_space<hbm>>) target(%dma_start3A_2225 : memref<8x128xf32, #tpu.memory_space<vmem>>) target_semaphore(%arg16 : memref<!tpu.dma_semaphore, #tpu.memory_space<semaphore_mem>>)
        %add3A_2228 = arith.constant 256 : i32
        %add3A_2229 = arith.addi %multiple_of3A_2154, %add3A_2228 : i32
        %dma_start3A_2230 = arith.constant 8 : i32
        %dma_start3A_2231 = tpu.memref_slice %arg11[%dma_start3A_2230, %add3A_2229] : memref<16x6144xf32, #tpu.memory_space<vmem>> -> memref<8x128xf32, #tpu.memory_space<vmem>>
        %dma_start3A_2232 = arith.constant 8 : i32
        %dma_start3A_2233 = tpu.memref_slice %arg5[%dma_start3A_2232, %multiple_of3A_2217] : memref<16x1000000xf32, #tpu.memory_space<hbm>> -> memref<8x128xf32, #tpu.memory_space<hbm>>
        %dma_start3A_2234 = arith.constant 8 : i32
        %dma_start3A_2235 = tpu.memref_slice %arg11[%dma_start3A_2234, %add3A_2229] : memref<16x6144xf32, #tpu.memory_space<vmem>> -> memref<8x128xf32, #tpu.memory_space<vmem>>
        %dma_start3A_2236 = arith.constant 8 : i32
        %dma_start3A_2237 = tpu.memref_slice %arg5[%dma_start3A_2236, %multiple_of3A_2217] : memref<16x1000000xf32, #tpu.memory_space<hbm>> -> memref<8x128xf32, #tpu.memory_space<hbm>>
        tpu.enqueue_dma source(%dma_start3A_2237 : memref<8x128xf32, #tpu.memory_space<hbm>>) target(%dma_start3A_2235 : memref<8x128xf32, #tpu.memory_space<vmem>>) target_semaphore(%arg16 : memref<!tpu.dma_semaphore, #tpu.memory_space<semaphore_mem>>)
        %slice3A_2238 = vector.extract_strided_slice %get3A_2156 {offsets = [3], sizes = [1], strides = [1]} : vector<16xi32> to vector<1xi32>
        %squeeze3A_2239 = vector.extract %slice3A_2238[0] : i32 from vector<1xi32>
        %shift_right_arithmetic3A_2240 = arith.constant 7 : i32
        %shift_right_arithmetic3A_2241 = arith.shrsi %squeeze3A_2239, %shift_right_arithmetic3A_2240 : i32
        %shift_left3A_2242 = arith.constant 7 : i32
        %shift_left3A_2243 = arith.shli %shift_right_arithmetic3A_2241, %shift_left3A_2242 : i32
        %multiple_of3A_2244 = tpu.assume_multiple %shift_left3A_2243, 128 : i32
        %add3A_2245 = arith.constant 384 : i32
        %add3A_2246 = arith.addi %multiple_of3A_2154, %add3A_2245 : i32
        %dma_start3A_2247 = arith.constant 0 : i32
        %dma_start3A_2248 = tpu.memref_slice %arg11[%dma_start3A_2247, %add3A_2246] : memref<16x6144xf32, #tpu.memory_space<vmem>> -> memref<8x128xf32, #tpu.memory_space<vmem>>
        %dma_start3A_2249 = arith.constant 0 : i32
        %dma_start3A_2250 = tpu.memref_slice %arg5[%dma_start3A_2249, %multiple_of3A_2244] : memref<16x1000000xf32, #tpu.memory_space<hbm>> -> memref<8x128xf32, #tpu.memory_space<hbm>>
        %dma_start3A_2251 = arith.constant 0 : i32
        %dma_start3A_2252 = tpu.memref_slice %arg11[%dma_start3A_2251, %add3A_2246] : memref<16x6144xf32, #tpu.memory_space<vmem>> -> memref<8x128xf32, #tpu.memory_space<vmem>>
        %dma_start3A_2253 = arith.constant 0 : i32
        %dma_start3A_2254 = tpu.memref_slice %arg5[%dma_start3A_2253, %multiple_of3A_2244] : memref<16x1000000xf32, #tpu.memory_space<hbm>> -> memref<8x128xf32, #tpu.memory_space<hbm>>
        tpu.enqueue_dma source(%dma_start3A_2254 : memref<8x128xf32, #tpu.memory_space<hbm>>) target(%dma_start3A_2252 : memref<8x128xf32, #tpu.memory_space<vmem>>) target_semaphore(%arg16 : memref<!tpu.dma_semaphore, #tpu.memory_space<semaphore_mem>>)
        %add3A_2255 = arith.constant 384 : i32
        %add3A_2256 = arith.addi %multiple_of3A_2154, %add3A_2255 : i32
        %dma_start3A_2257 = arith.constant 8 : i32
        %dma_start3A_2258 = tpu.memref_slice %arg11[%dma_start3A_2257, %add3A_2256] : memref<16x6144xf32, #tpu.memory_space<vmem>> -> memref<8x128xf32, #tpu.memory_space<vmem>>
        %dma_start3A_2259 = arith.constant 8 : i32
        %dma_start3A_2260 = tpu.memref_slice %arg5[%dma_start3A_2259, %multiple_of3A_2244] : memref<16x1000000xf32, #tpu.memory_space<hbm>> -> memref<8x128xf32, #tpu.memory_space<hbm>>
        %dma_start3A_2261 = arith.constant 8 : i32
        %dma_start3A_2262 = tpu.memref_slice %arg11[%dma_start3A_2261, %add3A_2256] : memref<16x6144xf32, #tpu.memory_space<vmem>> -> memref<8x128xf32, #tpu.memory_space<vmem>>
        %dma_start3A_2263 = arith.constant 8 : i32
        %dma_start3A_2264 = tpu.memref_slice %arg5[%dma_start3A_2263, %multiple_of3A_2244] : memref<16x1000000xf32, #tpu.memory_space<hbm>> -> memref<8x128xf32, #tpu.memory_space<hbm>>
        tpu.enqueue_dma source(%dma_start3A_2264 : memref<8x128xf32, #tpu.memory_space<hbm>>) target(%dma_start3A_2262 : memref<8x128xf32, #tpu.memory_space<vmem>>) target_semaphore(%arg16 : memref<!tpu.dma_semaphore, #tpu.memory_space<semaphore_mem>>)
        %slice3A_2265 = vector.extract_strided_slice %get3A_2156 {offsets = [4], sizes = [1], strides = [1]} : vector<16xi32> to vector<1xi32>
        %squeeze3A_2266 = vector.extract %slice3A_2265[0] : i32 from vector<1xi32>
        %shift_right_arithmetic3A_2267 = arith.constant 7 : i32
        %shift_right_arithmetic3A_2268 = arith.shrsi %squeeze3A_2266, %shift_right_arithmetic3A_2267 : i32
        %shift_left3A_2269 = arith.constant 7 : i32
        %shift_left3A_2270 = arith.shli %shift_right_arithmetic3A_2268, %shift_left3A_2269 : i32
        %multiple_of3A_2271 = tpu.assume_multiple %shift_left3A_2270, 128 : i32
        %add3A_2272 = arith.constant 512 : i32
        %add3A_2273 = arith.addi %multiple_of3A_2154, %add3A_2272 : i32
        %dma_start3A_2274 = arith.constant 0 : i32
        %dma_start3A_2275 = tpu.memref_slice %arg11[%dma_start3A_2274, %add3A_2273] : memref<16x6144xf32, #tpu.memory_space<vmem>> -> memref<8x128xf32, #tpu.memory_space<vmem>>
        %dma_start3A_2276 = arith.constant 0 : i32
        %dma_start3A_2277 = tpu.memref_slice %arg5[%dma_start3A_2276, %multiple_of3A_2271] : memref<16x1000000xf32, #tpu.memory_space<hbm>> -> memref<8x128xf32, #tpu.memory_space<hbm>>
        %dma_start3A_2278 = arith.constant 0 : i32
        %dma_start3A_2279 = tpu.memref_slice %arg11[%dma_start3A_2278, %add3A_2273] : memref<16x6144xf32, #tpu.memory_space<vmem>> -> memref<8x128xf32, #tpu.memory_space<vmem>>
        %dma_start3A_2280 = arith.constant 0 : i32
        %dma_start3A_2281 = tpu.memref_slice %arg5[%dma_start3A_2280, %multiple_of3A_2271] : memref<16x1000000xf32, #tpu.memory_space<hbm>> -> memref<8x128xf32, #tpu.memory_space<hbm>>
        tpu.enqueue_dma source(%dma_start3A_2281 : memref<8x128xf32, #tpu.memory_space<hbm>>) target(%dma_start3A_2279 : memref<8x128xf32, #tpu.memory_space<vmem>>) target_semaphore(%arg16 : memref<!tpu.dma_semaphore, #tpu.memory_space<semaphore_mem>>)
        %add3A_2282 = arith.constant 512 : i32
        %add3A_2283 = arith.addi %multiple_of3A_2154, %add3A_2282 : i32
        %dma_start3A_2284 = arith.constant 8 : i32
        %dma_start3A_2285 = tpu.memref_slice %arg11[%dma_start3A_2284, %add3A_2283] : memref<16x6144xf32, #tpu.memory_space<vmem>> -> memref<8x128xf32, #tpu.memory_space<vmem>>
        %dma_start3A_2286 = arith.constant 8 : i32
        %dma_start3A_2287 = tpu.memref_slice %arg5[%dma_start3A_2286, %multiple_of3A_2271] : memref<16x1000000xf32, #tpu.memory_space<hbm>> -> memref<8x128xf32, #tpu.memory_space<hbm>>
        %dma_start3A_2288 = arith.constant 8 : i32
        %dma_start3A_2289 = tpu.memref_slice %arg11[%dma_start3A_2288, %add3A_2283] : memref<16x6144xf32, #tpu.memory_space<vmem>> -> memref<8x128xf32, #tpu.memory_space<vmem>>
        %dma_start3A_2290 = arith.constant 8 : i32
        %dma_start3A_2291 = tpu.memref_slice %arg5[%dma_start3A_2290, %multiple_of3A_2271] : memref<16x1000000xf32, #tpu.memory_space<hbm>> -> memref<8x128xf32, #tpu.memory_space<hbm>>
        tpu.enqueue_dma source(%dma_start3A_2291 : memref<8x128xf32, #tpu.memory_space<hbm>>) target(%dma_start3A_2289 : memref<8x128xf32, #tpu.memory_space<vmem>>) target_semaphore(%arg16 : memref<!tpu.dma_semaphore, #tpu.memory_space<semaphore_mem>>)
        %slice3A_2292 = vector.extract_strided_slice %get3A_2156 {offsets = [5], sizes = [1], strides = [1]} : vector<16xi32> to vector<1xi32>
        %squeeze3A_2293 = vector.extract %slice3A_2292[0] : i32 from vector<1xi32>
        %shift_right_arithmetic3A_2294 = arith.constant 7 : i32
        %shift_right_arithmetic3A_2295 = arith.shrsi %squeeze3A_2293, %shift_right_arithmetic3A_2294 : i32
        %shift_left3A_2296 = arith.constant 7 : i32
        %shift_left3A_2297 = arith.shli %shift_right_arithmetic3A_2295, %shift_left3A_2296 : i32
        %multiple_of3A_2298 = tpu.assume_multiple %shift_left3A_2297, 128 : i32
        %add3A_2299 = arith.constant 640 : i32
        %add3A_2300 = arith.addi %multiple_of3A_2154, %add3A_2299 : i32
        %dma_start3A_2301 = arith.constant 0 : i32
        %dma_start3A_2302 = tpu.memref_slice %arg11[%dma_start3A_2301, %add3A_2300] : memref<16x6144xf32, #tpu.memory_space<vmem>> -> memref<8x128xf32, #tpu.memory_space<vmem>>
        %dma_start3A_2303 = arith.constant 0 : i32
        %dma_start3A_2304 = tpu.memref_slice %arg5[%dma_start3A_2303, %multiple_of3A_2298] : memref<16x1000000xf32, #tpu.memory_space<hbm>> -> memref<8x128xf32, #tpu.memory_space<hbm>>
        %dma_start3A_2305 = arith.constant 0 : i32
        %dma_start3A_2306 = tpu.memref_slice %arg11[%dma_start3A_2305, %add3A_2300] : memref<16x6144xf32, #tpu.memory_space<vmem>> -> memref<8x128xf32, #tpu.memory_space<vmem>>
        %dma_start3A_2307 = arith.constant 0 : i32
        %dma_start3A_2308 = tpu.memref_slice %arg5[%dma_start3A_2307, %multiple_of3A_2298] : memref<16x1000000xf32, #tpu.memory_space<hbm>> -> memref<8x128xf32, #tpu.memory_space<hbm>>
        tpu.enqueue_dma source(%dma_start3A_2308 : memref<8x128xf32, #tpu.memory_space<hbm>>) target(%dma_start3A_2306 : memref<8x128xf32, #tpu.memory_space<vmem>>) target_semaphore(%arg16 : memref<!tpu.dma_semaphore, #tpu.memory_space<semaphore_mem>>)
        %add3A_2309 = arith.constant 640 : i32
        %add3A_2310 = arith.addi %multiple_of3A_2154, %add3A_2309 : i32
        %dma_start3A_2311 = arith.constant 8 : i32
        %dma_start3A_2312 = tpu.memref_slice %arg11[%dma_start3A_2311, %add3A_2310] : memref<16x6144xf32, #tpu.memory_space<vmem>> -> memref<8x128xf32, #tpu.memory_space<vmem>>
        %dma_start3A_2313 = arith.constant 8 : i32
        %dma_start3A_2314 = tpu.memref_slice %arg5[%dma_start3A_2313, %multiple_of3A_2298] : memref<16x1000000xf32, #tpu.memory_space<hbm>> -> memref<8x128xf32, #tpu.memory_space<hbm>>
        %dma_start3A_2315 = arith.constant 8 : i32
        %dma_start3A_2316 = tpu.memref_slice %arg11[%dma_start3A_2315, %add3A_2310] : memref<16x6144xf32, #tpu.memory_space<vmem>> -> memref<8x128xf32, #tpu.memory_space<vmem>>
        %dma_start3A_2317 = arith.constant 8 : i32
        %dma_start3A_2318 = tpu.memref_slice %arg5[%dma_start3A_2317, %multiple_of3A_2298] : memref<16x1000000xf32, #tpu.memory_space<hbm>> -> memref<8x128xf32, #tpu.memory_space<hbm>>
        tpu.enqueue_dma source(%dma_start3A_2318 : memref<8x128xf32, #tpu.memory_space<hbm>>) target(%dma_start3A_2316 : memref<8x128xf32, #tpu.memory_space<vmem>>) target_semaphore(%arg16 : memref<!tpu.dma_semaphore, #tpu.memory_space<semaphore_mem>>)
        %slice3A_2319 = vector.extract_strided_slice %get3A_2156 {offsets = [6], sizes = [1], strides = [1]} : vector<16xi32> to vector<1xi32>
        %squeeze3A_2320 = vector.extract %slice3A_2319[0] : i32 from vector<1xi32>
        %shift_right_arithmetic3A_2321 = arith.constant 7 : i32
        %shift_right_arithmetic3A_2322 = arith.shrsi %squeeze3A_2320, %shift_right_arithmetic3A_2321 : i32
        %shift_left3A_2323 = arith.constant 7 : i32
        %shift_left3A_2324 = arith.shli %shift_right_arithmetic3A_2322, %shift_left3A_2323 : i32
        %multiple_of3A_2325 = tpu.assume_multiple %shift_left3A_2324, 128 : i32
        %add3A_2326 = arith.constant 768 : i32
        %add3A_2327 = arith.addi %multiple_of3A_2154, %add3A_2326 : i32
        %dma_start3A_2328 = arith.constant 0 : i32
        %dma_start3A_2329 = tpu.memref_slice %arg11[%dma_start3A_2328, %add3A_2327] : memref<16x6144xf32, #tpu.memory_space<vmem>> -> memref<8x128xf32, #tpu.memory_space<vmem>>
        %dma_start3A_2330 = arith.constant 0 : i32
        %dma_start3A_2331 = tpu.memref_slice %arg5[%dma_start3A_2330, %multiple_of3A_2325] : memref<16x1000000xf32, #tpu.memory_space<hbm>> -> memref<8x128xf32, #tpu.memory_space<hbm>>
        %dma_start3A_2332 = arith.constant 0 : i32
        %dma_start3A_2333 = tpu.memref_slice %arg11[%dma_start3A_2332, %add3A_2327] : memref<16x6144xf32, #tpu.memory_space<vmem>> -> memref<8x128xf32, #tpu.memory_space<vmem>>
        %dma_start3A_2334 = arith.constant 0 : i32
        %dma_start3A_2335 = tpu.memref_slice %arg5[%dma_start3A_2334, %multiple_of3A_2325] : memref<16x1000000xf32, #tpu.memory_space<hbm>> -> memref<8x128xf32, #tpu.memory_space<hbm>>
        tpu.enqueue_dma source(%dma_start3A_2335 : memref<8x128xf32, #tpu.memory_space<hbm>>) target(%dma_start3A_2333 : memref<8x128xf32, #tpu.memory_space<vmem>>) target_semaphore(%arg16 : memref<!tpu.dma_semaphore, #tpu.memory_space<semaphore_mem>>)
        %add3A_2336 = arith.constant 768 : i32
        %add3A_2337 = arith.addi %multiple_of3A_2154, %add3A_2336 : i32
        %dma_start3A_2338 = arith.constant 8 : i32
        %dma_start3A_2339 = tpu.memref_slice %arg11[%dma_start3A_2338, %add3A_2337] : memref<16x6144xf32, #tpu.memory_space<vmem>> -> memref<8x128xf32, #tpu.memory_space<vmem>>
        %dma_start3A_2340 = arith.constant 8 : i32
        %dma_start3A_2341 = tpu.memref_slice %arg5[%dma_start3A_2340, %multiple_of3A_2325] : memref<16x1000000xf32, #tpu.memory_space<hbm>> -> memref<8x128xf32, #tpu.memory_space<hbm>>
        %dma_start3A_2342 = arith.constant 8 : i32
        %dma_start3A_2343 = tpu.memref_slice %arg11[%dma_start3A_2342, %add3A_2337] : memref<16x6144xf32, #tpu.memory_space<vmem>> -> memref<8x128xf32, #tpu.memory_space<vmem>>
        %dma_start3A_2344 = arith.constant 8 : i32
        %dma_start3A_2345 = tpu.memref_slice %arg5[%dma_start3A_2344, %multiple_of3A_2325] : memref<16x1000000xf32, #tpu.memory_space<hbm>> -> memref<8x128xf32, #tpu.memory_space<hbm>>
        tpu.enqueue_dma source(%dma_start3A_2345 : memref<8x128xf32, #tpu.memory_space<hbm>>) target(%dma_start3A_2343 : memref<8x128xf32, #tpu.memory_space<vmem>>) target_semaphore(%arg16 : memref<!tpu.dma_semaphore, #tpu.memory_space<semaphore_mem>>)
        %slice3A_2346 = vector.extract_strided_slice %get3A_2156 {offsets = [7], sizes = [1], strides = [1]} : vector<16xi32> to vector<1xi32>
        %squeeze3A_2347 = vector.extract %slice3A_2346[0] : i32 from vector<1xi32>
        %shift_right_arithmetic3A_2348 = arith.constant 7 : i32
        %shift_right_arithmetic3A_2349 = arith.shrsi %squeeze3A_2347, %shift_right_arithmetic3A_2348 : i32
        %shift_left3A_2350 = arith.constant 7 : i32
        %shift_left3A_2351 = arith.shli %shift_right_arithmetic3A_2349, %shift_left3A_2350 : i32
        %multiple_of3A_2352 = tpu.assume_multiple %shift_left3A_2351, 128 : i32
        %add3A_2353 = arith.constant 896 : i32
        %add3A_2354 = arith.addi %multiple_of3A_2154, %add3A_2353 : i32
        %dma_start3A_2355 = arith.constant 0 : i32
        %dma_start3A_2356 = tpu.memref_slice %arg11[%dma_start3A_2355, %add3A_2354] : memref<16x6144xf32, #tpu.memory_space<vmem>> -> memref<8x128xf32, #tpu.memory_space<vmem>>
        %dma_start3A_2357 = arith.constant 0 : i32
        %dma_start3A_2358 = tpu.memref_slice %arg5[%dma_start3A_2357, %multiple_of3A_2352] : memref<16x1000000xf32, #tpu.memory_space<hbm>> -> memref<8x128xf32, #tpu.memory_space<hbm>>
        %dma_start3A_2359 = arith.constant 0 : i32
        %dma_start3A_2360 = tpu.memref_slice %arg11[%dma_start3A_2359, %add3A_2354] : memref<16x6144xf32, #tpu.memory_space<vmem>> -> memref<8x128xf32, #tpu.memory_space<vmem>>
        %dma_start3A_2361 = arith.constant 0 : i32
        %dma_start3A_2362 = tpu.memref_slice %arg5[%dma_start3A_2361, %multiple_of3A_2352] : memref<16x1000000xf32, #tpu.memory_space<hbm>> -> memref<8x128xf32, #tpu.memory_space<hbm>>
        tpu.enqueue_dma source(%dma_start3A_2362 : memref<8x128xf32, #tpu.memory_space<hbm>>) target(%dma_start3A_2360 : memref<8x128xf32, #tpu.memory_space<vmem>>) target_semaphore(%arg16 : memref<!tpu.dma_semaphore, #tpu.memory_space<semaphore_mem>>)
        %add3A_2363 = arith.constant 896 : i32
        %add3A_2364 = arith.addi %multiple_of3A_2154, %add3A_2363 : i32
        %dma_start3A_2365 = arith.constant 8 : i32
        %dma_start3A_2366 = tpu.memref_slice %arg11[%dma_start3A_2365, %add3A_2364] : memref<16x6144xf32, #tpu.memory_space<vmem>> -> memref<8x128xf32, #tpu.memory_space<vmem>>
        %dma_start3A_2367 = arith.constant 8 : i32
        %dma_start3A_2368 = tpu.memref_slice %arg5[%dma_start3A_2367, %multiple_of3A_2352] : memref<16x1000000xf32, #tpu.memory_space<hbm>> -> memref<8x128xf32, #tpu.memory_space<hbm>>
        %dma_start3A_2369 = arith.constant 8 : i32
        %dma_start3A_2370 = tpu.memref_slice %arg11[%dma_start3A_2369, %add3A_2364] : memref<16x6144xf32, #tpu.memory_space<vmem>> -> memref<8x128xf32, #tpu.memory_space<vmem>>
        %dma_start3A_2371 = arith.constant 8 : i32
        %dma_start3A_2372 = tpu.memref_slice %arg5[%dma_start3A_2371, %multiple_of3A_2352] : memref<16x1000000xf32, #tpu.memory_space<hbm>> -> memref<8x128xf32, #tpu.memory_space<hbm>>
        tpu.enqueue_dma source(%dma_start3A_2372 : memref<8x128xf32, #tpu.memory_space<hbm>>) target(%dma_start3A_2370 : memref<8x128xf32, #tpu.memory_space<vmem>>) target_semaphore(%arg16 : memref<!tpu.dma_semaphore, #tpu.memory_space<semaphore_mem>>)
        %slice3A_2373 = vector.extract_strided_slice %get3A_2156 {offsets = [8], sizes = [1], strides = [1]} : vector<16xi32> to vector<1xi32>
        %squeeze3A_2374 = vector.extract %slice3A_2373[0] : i32 from vector<1xi32>
        %shift_right_arithmetic3A_2375 = arith.constant 7 : i32
        %shift_right_arithmetic3A_2376 = arith.shrsi %squeeze3A_2374, %shift_right_arithmetic3A_2375 : i32
        %shift_left3A_2377 = arith.constant 7 : i32
        %shift_left3A_2378 = arith.shli %shift_right_arithmetic3A_2376, %shift_left3A_2377 : i32
        %multiple_of3A_2379 = tpu.assume_multiple %shift_left3A_2378, 128 : i32
        %add3A_2380 = arith.constant 1024 : i32
        %add3A_2381 = arith.addi %multiple_of3A_2154, %add3A_2380 : i32
        %dma_start3A_2382 = arith.constant 0 : i32
        %dma_start3A_2383 = tpu.memref_slice %arg11[%dma_start3A_2382, %add3A_2381] : memref<16x6144xf32, #tpu.memory_space<vmem>> -> memref<8x128xf32, #tpu.memory_space<vmem>>
        %dma_start3A_2384 = arith.constant 0 : i32
        %dma_start3A_2385 = tpu.memref_slice %arg5[%dma_start3A_2384, %multiple_of3A_2379] : memref<16x1000000xf32, #tpu.memory_space<hbm>> -> memref<8x128xf32, #tpu.memory_space<hbm>>
        %dma_start3A_2386 = arith.constant 0 : i32
        %dma_start3A_2387 = tpu.memref_slice %arg11[%dma_start3A_2386, %add3A_2381] : memref<16x6144xf32, #tpu.memory_space<vmem>> -> memref<8x128xf32, #tpu.memory_space<vmem>>
        %dma_start3A_2388 = arith.constant 0 : i32
        %dma_start3A_2389 = tpu.memref_slice %arg5[%dma_start3A_2388, %multiple_of3A_2379] : memref<16x1000000xf32, #tpu.memory_space<hbm>> -> memref<8x128xf32, #tpu.memory_space<hbm>>
        tpu.enqueue_dma source(%dma_start3A_2389 : memref<8x128xf32, #tpu.memory_space<hbm>>) target(%dma_start3A_2387 : memref<8x128xf32, #tpu.memory_space<vmem>>) target_semaphore(%arg16 : memref<!tpu.dma_semaphore, #tpu.memory_space<semaphore_mem>>)
        %add3A_2390 = arith.constant 1024 : i32
        %add3A_2391 = arith.addi %multiple_of3A_2154, %add3A_2390 : i32
        %dma_start3A_2392 = arith.constant 8 : i32
        %dma_start3A_2393 = tpu.memref_slice %arg11[%dma_start3A_2392, %add3A_2391] : memref<16x6144xf32, #tpu.memory_space<vmem>> -> memref<8x128xf32, #tpu.memory_space<vmem>>
        %dma_start3A_2394 = arith.constant 8 : i32
        %dma_start3A_2395 = tpu.memref_slice %arg5[%dma_start3A_2394, %multiple_of3A_2379] : memref<16x1000000xf32, #tpu.memory_space<hbm>> -> memref<8x128xf32, #tpu.memory_space<hbm>>
        %dma_start3A_2396 = arith.constant 8 : i32
        %dma_start3A_2397 = tpu.memref_slice %arg11[%dma_start3A_2396, %add3A_2391] : memref<16x6144xf32, #tpu.memory_space<vmem>> -> memref<8x128xf32, #tpu.memory_space<vmem>>
        %dma_start3A_2398 = arith.constant 8 : i32
        %dma_start3A_2399 = tpu.memref_slice %arg5[%dma_start3A_2398, %multiple_of3A_2379] : memref<16x1000000xf32, #tpu.memory_space<hbm>> -> memref<8x128xf32, #tpu.memory_space<hbm>>
        tpu.enqueue_dma source(%dma_start3A_2399 : memref<8x128xf32, #tpu.memory_space<hbm>>) target(%dma_start3A_2397 : memref<8x128xf32, #tpu.memory_space<vmem>>) target_semaphore(%arg16 : memref<!tpu.dma_semaphore, #tpu.memory_space<semaphore_mem>>)
        %slice3A_2400 = vector.extract_strided_slice %get3A_2156 {offsets = [9], sizes = [1], strides = [1]} : vector<16xi32> to vector<1xi32>
        %squeeze3A_2401 = vector.extract %slice3A_2400[0] : i32 from vector<1xi32>
        %shift_right_arithmetic3A_2402 = arith.constant 7 : i32
        %shift_right_arithmetic3A_2403 = arith.shrsi %squeeze3A_2401, %shift_right_arithmetic3A_2402 : i32
        %shift_left3A_2404 = arith.constant 7 : i32
        %shift_left3A_2405 = arith.shli %shift_right_arithmetic3A_2403, %shift_left3A_2404 : i32
        %multiple_of3A_2406 = tpu.assume_multiple %shift_left3A_2405, 128 : i32
        %add3A_2407 = arith.constant 1152 : i32
        %add3A_2408 = arith.addi %multiple_of3A_2154, %add3A_2407 : i32
        %dma_start3A_2409 = arith.constant 0 : i32
        %dma_start3A_2410 = tpu.memref_slice %arg11[%dma_start3A_2409, %add3A_2408] : memref<16x6144xf32, #tpu.memory_space<vmem>> -> memref<8x128xf32, #tpu.memory_space<vmem>>
        %dma_start3A_2411 = arith.constant 0 : i32
        %dma_start3A_2412 = tpu.memref_slice %arg5[%dma_start3A_2411, %multiple_of3A_2406] : memref<16x1000000xf32, #tpu.memory_space<hbm>> -> memref<8x128xf32, #tpu.memory_space<hbm>>
        %dma_start3A_2413 = arith.constant 0 : i32
        %dma_start3A_2414 = tpu.memref_slice %arg11[%dma_start3A_2413, %add3A_2408] : memref<16x6144xf32, #tpu.memory_space<vmem>> -> memref<8x128xf32, #tpu.memory_space<vmem>>
        %dma_start3A_2415 = arith.constant 0 : i32
        %dma_start3A_2416 = tpu.memref_slice %arg5[%dma_start3A_2415, %multiple_of3A_2406] : memref<16x1000000xf32, #tpu.memory_space<hbm>> -> memref<8x128xf32, #tpu.memory_space<hbm>>
        tpu.enqueue_dma source(%dma_start3A_2416 : memref<8x128xf32, #tpu.memory_space<hbm>>) target(%dma_start3A_2414 : memref<8x128xf32, #tpu.memory_space<vmem>>) target_semaphore(%arg16 : memref<!tpu.dma_semaphore, #tpu.memory_space<semaphore_mem>>)
        %add3A_2417 = arith.constant 1152 : i32
        %add3A_2418 = arith.addi %multiple_of3A_2154, %add3A_2417 : i32
        %dma_start3A_2419 = arith.constant 8 : i32
        %dma_start3A_2420 = tpu.memref_slice %arg11[%dma_start3A_2419, %add3A_2418] : memref<16x6144xf32, #tpu.memory_space<vmem>> -> memref<8x128xf32, #tpu.memory_space<vmem>>
        %dma_start3A_2421 = arith.constant 8 : i32
        %dma_start3A_2422 = tpu.memref_slice %arg5[%dma_start3A_2421, %multiple_of3A_2406] : memref<16x1000000xf32, #tpu.memory_space<hbm>> -> memref<8x128xf32, #tpu.memory_space<hbm>>
        %dma_start3A_2423 = arith.constant 8 : i32
        %dma_start3A_2424 = tpu.memref_slice %arg11[%dma_start3A_2423, %add3A_2418] : memref<16x6144xf32, #tpu.memory_space<vmem>> -> memref<8x128xf32, #tpu.memory_space<vmem>>
        %dma_start3A_2425 = arith.constant 8 : i32
        %dma_start3A_2426 = tpu.memref_slice %arg5[%dma_start3A_2425, %multiple_of3A_2406] : memref<16x1000000xf32, #tpu.memory_space<hbm>> -> memref<8x128xf32, #tpu.memory_space<hbm>>
        tpu.enqueue_dma source(%dma_start3A_2426 : memref<8x128xf32, #tpu.memory_space<hbm>>) target(%dma_start3A_2424 : memref<8x128xf32, #tpu.memory_space<vmem>>) target_semaphore(%arg16 : memref<!tpu.dma_semaphore, #tpu.memory_space<semaphore_mem>>)
        %slice3A_2427 = vector.extract_strided_slice %get3A_2156 {offsets = [10], sizes = [1], strides = [1]} : vector<16xi32> to vector<1xi32>
        %squeeze3A_2428 = vector.extract %slice3A_2427[0] : i32 from vector<1xi32>
        %shift_right_arithmetic3A_2429 = arith.constant 7 : i32
        %shift_right_arithmetic3A_2430 = arith.shrsi %squeeze3A_2428, %shift_right_arithmetic3A_2429 : i32
        %shift_left3A_2431 = arith.constant 7 : i32
        %shift_left3A_2432 = arith.shli %shift_right_arithmetic3A_2430, %shift_left3A_2431 : i32
        %multiple_of3A_2433 = tpu.assume_multiple %shift_left3A_2432, 128 : i32
        %add3A_2434 = arith.constant 1280 : i32
        %add3A_2435 = arith.addi %multiple_of3A_2154, %add3A_2434 : i32
        %dma_start3A_2436 = arith.constant 0 : i32
        %dma_start3A_2437 = tpu.memref_slice %arg11[%dma_start3A_2436, %add3A_2435] : memref<16x6144xf32, #tpu.memory_space<vmem>> -> memref<8x128xf32, #tpu.memory_space<vmem>>
        %dma_start3A_2438 = arith.constant 0 : i32
        %dma_start3A_2439 = tpu.memref_slice %arg5[%dma_start3A_2438, %multiple_of3A_2433] : memref<16x1000000xf32, #tpu.memory_space<hbm>> -> memref<8x128xf32, #tpu.memory_space<hbm>>
        %dma_start3A_2440 = arith.constant 0 : i32
        %dma_start3A_2441 = tpu.memref_slice %arg11[%dma_start3A_2440, %add3A_2435] : memref<16x6144xf32, #tpu.memory_space<vmem>> -> memref<8x128xf32, #tpu.memory_space<vmem>>
        %dma_start3A_2442 = arith.constant 0 : i32
        %dma_start3A_2443 = tpu.memref_slice %arg5[%dma_start3A_2442, %multiple_of3A_2433] : memref<16x1000000xf32, #tpu.memory_space<hbm>> -> memref<8x128xf32, #tpu.memory_space<hbm>>
        tpu.enqueue_dma source(%dma_start3A_2443 : memref<8x128xf32, #tpu.memory_space<hbm>>) target(%dma_start3A_2441 : memref<8x128xf32, #tpu.memory_space<vmem>>) target_semaphore(%arg16 : memref<!tpu.dma_semaphore, #tpu.memory_space<semaphore_mem>>)
        %add3A_2444 = arith.constant 1280 : i32
        %add3A_2445 = arith.addi %multiple_of3A_2154, %add3A_2444 : i32
        %dma_start3A_2446 = arith.constant 8 : i32
        %dma_start3A_2447 = tpu.memref_slice %arg11[%dma_start3A_2446, %add3A_2445] : memref<16x6144xf32, #tpu.memory_space<vmem>> -> memref<8x128xf32, #tpu.memory_space<vmem>>
        %dma_start3A_2448 = arith.constant 8 : i32
        %dma_start3A_2449 = tpu.memref_slice %arg5[%dma_start3A_2448, %multiple_of3A_2433] : memref<16x1000000xf32, #tpu.memory_space<hbm>> -> memref<8x128xf32, #tpu.memory_space<hbm>>
        %dma_start3A_2450 = arith.constant 8 : i32
        %dma_start3A_2451 = tpu.memref_slice %arg11[%dma_start3A_2450, %add3A_2445] : memref<16x6144xf32, #tpu.memory_space<vmem>> -> memref<8x128xf32, #tpu.memory_space<vmem>>
        %dma_start3A_2452 = arith.constant 8 : i32
        %dma_start3A_2453 = tpu.memref_slice %arg5[%dma_start3A_2452, %multiple_of3A_2433] : memref<16x1000000xf32, #tpu.memory_space<hbm>> -> memref<8x128xf32, #tpu.memory_space<hbm>>
        tpu.enqueue_dma source(%dma_start3A_2453 : memref<8x128xf32, #tpu.memory_space<hbm>>) target(%dma_start3A_2451 : memref<8x128xf32, #tpu.memory_space<vmem>>) target_semaphore(%arg16 : memref<!tpu.dma_semaphore, #tpu.memory_space<semaphore_mem>>)
        %slice3A_2454 = vector.extract_strided_slice %get3A_2156 {offsets = [11], sizes = [1], strides = [1]} : vector<16xi32> to vector<1xi32>
        %squeeze3A_2455 = vector.extract %slice3A_2454[0] : i32 from vector<1xi32>
        %shift_right_arithmetic3A_2456 = arith.constant 7 : i32
        %shift_right_arithmetic3A_2457 = arith.shrsi %squeeze3A_2455, %shift_right_arithmetic3A_2456 : i32
        %shift_left3A_2458 = arith.constant 7 : i32
        %shift_left3A_2459 = arith.shli %shift_right_arithmetic3A_2457, %shift_left3A_2458 : i32
        %multiple_of3A_2460 = tpu.assume_multiple %shift_left3A_2459, 128 : i32
        %add3A_2461 = arith.constant 1408 : i32
        %add3A_2462 = arith.addi %multiple_of3A_2154, %add3A_2461 : i32
        %dma_start3A_2463 = arith.constant 0 : i32
        %dma_start3A_2464 = tpu.memref_slice %arg11[%dma_start3A_2463, %add3A_2462] : memref<16x6144xf32, #tpu.memory_space<vmem>> -> memref<8x128xf32, #tpu.memory_space<vmem>>
        %dma_start3A_2465 = arith.constant 0 : i32
        %dma_start3A_2466 = tpu.memref_slice %arg5[%dma_start3A_2465, %multiple_of3A_2460] : memref<16x1000000xf32, #tpu.memory_space<hbm>> -> memref<8x128xf32, #tpu.memory_space<hbm>>
        %dma_start3A_2467 = arith.constant 0 : i32
        %dma_start3A_2468 = tpu.memref_slice %arg11[%dma_start3A_2467, %add3A_2462] : memref<16x6144xf32, #tpu.memory_space<vmem>> -> memref<8x128xf32, #tpu.memory_space<vmem>>
        %dma_start3A_2469 = arith.constant 0 : i32
        %dma_start3A_2470 = tpu.memref_slice %arg5[%dma_start3A_2469, %multiple_of3A_2460] : memref<16x1000000xf32, #tpu.memory_space<hbm>> -> memref<8x128xf32, #tpu.memory_space<hbm>>
        tpu.enqueue_dma source(%dma_start3A_2470 : memref<8x128xf32, #tpu.memory_space<hbm>>) target(%dma_start3A_2468 : memref<8x128xf32, #tpu.memory_space<vmem>>) target_semaphore(%arg16 : memref<!tpu.dma_semaphore, #tpu.memory_space<semaphore_mem>>)
        %add3A_2471 = arith.constant 1408 : i32
        %add3A_2472 = arith.addi %multiple_of3A_2154, %add3A_2471 : i32
        %dma_start3A_2473 = arith.constant 8 : i32
        %dma_start3A_2474 = tpu.memref_slice %arg11[%dma_start3A_2473, %add3A_2472] : memref<16x6144xf32, #tpu.memory_space<vmem>> -> memref<8x128xf32, #tpu.memory_space<vmem>>
        %dma_start3A_2475 = arith.constant 8 : i32
        %dma_start3A_2476 = tpu.memref_slice %arg5[%dma_start3A_2475, %multiple_of3A_2460] : memref<16x1000000xf32, #tpu.memory_space<hbm>> -> memref<8x128xf32, #tpu.memory_space<hbm>>
        %dma_start3A_2477 = arith.constant 8 : i32
        %dma_start3A_2478 = tpu.memref_slice %arg11[%dma_start3A_2477, %add3A_2472] : memref<16x6144xf32, #tpu.memory_space<vmem>> -> memref<8x128xf32, #tpu.memory_space<vmem>>
        %dma_start3A_2479 = arith.constant 8 : i32
        %dma_start3A_2480 = tpu.memref_slice %arg5[%dma_start3A_2479, %multiple_of3A_2460] : memref<16x1000000xf32, #tpu.memory_space<hbm>> -> memref<8x128xf32, #tpu.memory_space<hbm>>
        tpu.enqueue_dma source(%dma_start3A_2480 : memref<8x128xf32, #tpu.memory_space<hbm>>) target(%dma_start3A_2478 : memref<8x128xf32, #tpu.memory_space<vmem>>) target_semaphore(%arg16 : memref<!tpu.dma_semaphore, #tpu.memory_space<semaphore_mem>>)
        %slice3A_2481 = vector.extract_strided_slice %get3A_2156 {offsets = [12], sizes = [1], strides = [1]} : vector<16xi32> to vector<1xi32>
        %squeeze3A_2482 = vector.extract %slice3A_2481[0] : i32 from vector<1xi32>
        %shift_right_arithmetic3A_2483 = arith.constant 7 : i32
        %shift_right_arithmetic3A_2484 = arith.shrsi %squeeze3A_2482, %shift_right_arithmetic3A_2483 : i32
        %shift_left3A_2485 = arith.constant 7 : i32
        %shift_left3A_2486 = arith.shli %shift_right_arithmetic3A_2484, %shift_left3A_2485 : i32
        %multiple_of3A_2487 = tpu.assume_multiple %shift_left3A_2486, 128 : i32
        %add3A_2488 = arith.constant 1536 : i32
        %add3A_2489 = arith.addi %multiple_of3A_2154, %add3A_2488 : i32
        %dma_start3A_2490 = arith.constant 0 : i32
        %dma_start3A_2491 = tpu.memref_slice %arg11[%dma_start3A_2490, %add3A_2489] : memref<16x6144xf32, #tpu.memory_space<vmem>> -> memref<8x128xf32, #tpu.memory_space<vmem>>
        %dma_start3A_2492 = arith.constant 0 : i32
        %dma_start3A_2493 = tpu.memref_slice %arg5[%dma_start3A_2492, %multiple_of3A_2487] : memref<16x1000000xf32, #tpu.memory_space<hbm>> -> memref<8x128xf32, #tpu.memory_space<hbm>>
        %dma_start3A_2494 = arith.constant 0 : i32
        %dma_start3A_2495 = tpu.memref_slice %arg11[%dma_start3A_2494, %add3A_2489] : memref<16x6144xf32, #tpu.memory_space<vmem>> -> memref<8x128xf32, #tpu.memory_space<vmem>>
        %dma_start3A_2496 = arith.constant 0 : i32
        %dma_start3A_2497 = tpu.memref_slice %arg5[%dma_start3A_2496, %multiple_of3A_2487] : memref<16x1000000xf32, #tpu.memory_space<hbm>> -> memref<8x128xf32, #tpu.memory_space<hbm>>
        tpu.enqueue_dma source(%dma_start3A_2497 : memref<8x128xf32, #tpu.memory_space<hbm>>) target(%dma_start3A_2495 : memref<8x128xf32, #tpu.memory_space<vmem>>) target_semaphore(%arg16 : memref<!tpu.dma_semaphore, #tpu.memory_space<semaphore_mem>>)
        %add3A_2498 = arith.constant 1536 : i32
        %add3A_2499 = arith.addi %multiple_of3A_2154, %add3A_2498 : i32
        %dma_start3A_2500 = arith.constant 8 : i32
        %dma_start3A_2501 = tpu.memref_slice %arg11[%dma_start3A_2500, %add3A_2499] : memref<16x6144xf32, #tpu.memory_space<vmem>> -> memref<8x128xf32, #tpu.memory_space<vmem>>
        %dma_start3A_2502 = arith.constant 8 : i32
        %dma_start3A_2503 = tpu.memref_slice %arg5[%dma_start3A_2502, %multiple_of3A_2487] : memref<16x1000000xf32, #tpu.memory_space<hbm>> -> memref<8x128xf32, #tpu.memory_space<hbm>>
        %dma_start3A_2504 = arith.constant 8 : i32
        %dma_start3A_2505 = tpu.memref_slice %arg11[%dma_start3A_2504, %add3A_2499] : memref<16x6144xf32, #tpu.memory_space<vmem>> -> memref<8x128xf32, #tpu.memory_space<vmem>>
        %dma_start3A_2506 = arith.constant 8 : i32
        %dma_start3A_2507 = tpu.memref_slice %arg5[%dma_start3A_2506, %multiple_of3A_2487] : memref<16x1000000xf32, #tpu.memory_space<hbm>> -> memref<8x128xf32, #tpu.memory_space<hbm>>
        tpu.enqueue_dma source(%dma_start3A_2507 : memref<8x128xf32, #tpu.memory_space<hbm>>) target(%dma_start3A_2505 : memref<8x128xf32, #tpu.memory_space<vmem>>) target_semaphore(%arg16 : memref<!tpu.dma_semaphore, #tpu.memory_space<semaphore_mem>>)
        %slice3A_2508 = vector.extract_strided_slice %get3A_2156 {offsets = [13], sizes = [1], strides = [1]} : vector<16xi32> to vector<1xi32>
        %squeeze3A_2509 = vector.extract %slice3A_2508[0] : i32 from vector<1xi32>
        %shift_right_arithmetic3A_2510 = arith.constant 7 : i32
        %shift_right_arithmetic3A_2511 = arith.shrsi %squeeze3A_2509, %shift_right_arithmetic3A_2510 : i32
        %shift_left3A_2512 = arith.constant 7 : i32
        %shift_left3A_2513 = arith.shli %shift_right_arithmetic3A_2511, %shift_left3A_2512 : i32
        %multiple_of3A_2514 = tpu.assume_multiple %shift_left3A_2513, 128 : i32
        %add3A_2515 = arith.constant 1664 : i32
        %add3A_2516 = arith.addi %multiple_of3A_2154, %add3A_2515 : i32
        %dma_start3A_2517 = arith.constant 0 : i32
        %dma_start3A_2518 = tpu.memref_slice %arg11[%dma_start3A_2517, %add3A_2516] : memref<16x6144xf32, #tpu.memory_space<vmem>> -> memref<8x128xf32, #tpu.memory_space<vmem>>
        %dma_start3A_2519 = arith.constant 0 : i32
        %dma_start3A_2520 = tpu.memref_slice %arg5[%dma_start3A_2519, %multiple_of3A_2514] : memref<16x1000000xf32, #tpu.memory_space<hbm>> -> memref<8x128xf32, #tpu.memory_space<hbm>>
        %dma_start3A_2521 = arith.constant 0 : i32
        %dma_start3A_2522 = tpu.memref_slice %arg11[%dma_start3A_2521, %add3A_2516] : memref<16x6144xf32, #tpu.memory_space<vmem>> -> memref<8x128xf32, #tpu.memory_space<vmem>>
        %dma_start3A_2523 = arith.constant 0 : i32
        %dma_start3A_2524 = tpu.memref_slice %arg5[%dma_start3A_2523, %multiple_of3A_2514] : memref<16x1000000xf32, #tpu.memory_space<hbm>> -> memref<8x128xf32, #tpu.memory_space<hbm>>
        tpu.enqueue_dma source(%dma_start3A_2524 : memref<8x128xf32, #tpu.memory_space<hbm>>) target(%dma_start3A_2522 : memref<8x128xf32, #tpu.memory_space<vmem>>) target_semaphore(%arg16 : memref<!tpu.dma_semaphore, #tpu.memory_space<semaphore_mem>>)
        %add3A_2525 = arith.constant 1664 : i32
        %add3A_2526 = arith.addi %multiple_of3A_2154, %add3A_2525 : i32
        %dma_start3A_2527 = arith.constant 8 : i32
        %dma_start3A_2528 = tpu.memref_slice %arg11[%dma_start3A_2527, %add3A_2526] : memref<16x6144xf32, #tpu.memory_space<vmem>> -> memref<8x128xf32, #tpu.memory_space<vmem>>
        %dma_start3A_2529 = arith.constant 8 : i32
        %dma_start3A_2530 = tpu.memref_slice %arg5[%dma_start3A_2529, %multiple_of3A_2514] : memref<16x1000000xf32, #tpu.memory_space<hbm>> -> memref<8x128xf32, #tpu.memory_space<hbm>>
        %dma_start3A_2531 = arith.constant 8 : i32
        %dma_start3A_2532 = tpu.memref_slice %arg11[%dma_start3A_2531, %add3A_2526] : memref<16x6144xf32, #tpu.memory_space<vmem>> -> memref<8x128xf32, #tpu.memory_space<vmem>>
        %dma_start3A_2533 = arith.constant 8 : i32
        %dma_start3A_2534 = tpu.memref_slice %arg5[%dma_start3A_2533, %multiple_of3A_2514] : memref<16x1000000xf32, #tpu.memory_space<hbm>> -> memref<8x128xf32, #tpu.memory_space<hbm>>
        tpu.enqueue_dma source(%dma_start3A_2534 : memref<8x128xf32, #tpu.memory_space<hbm>>) target(%dma_start3A_2532 : memref<8x128xf32, #tpu.memory_space<vmem>>) target_semaphore(%arg16 : memref<!tpu.dma_semaphore, #tpu.memory_space<semaphore_mem>>)
        %slice3A_2535 = vector.extract_strided_slice %get3A_2156 {offsets = [14], sizes = [1], strides = [1]} : vector<16xi32> to vector<1xi32>
        %squeeze3A_2536 = vector.extract %slice3A_2535[0] : i32 from vector<1xi32>
        %shift_right_arithmetic3A_2537 = arith.constant 7 : i32
        %shift_right_arithmetic3A_2538 = arith.shrsi %squeeze3A_2536, %shift_right_arithmetic3A_2537 : i32
        %shift_left3A_2539 = arith.constant 7 : i32
        %shift_left3A_2540 = arith.shli %shift_right_arithmetic3A_2538, %shift_left3A_2539 : i32
        %multiple_of3A_2541 = tpu.assume_multiple %shift_left3A_2540, 128 : i32
        %add3A_2542 = arith.constant 1792 : i32
        %add3A_2543 = arith.addi %multiple_of3A_2154, %add3A_2542 : i32
        %dma_start3A_2544 = arith.constant 0 : i32
        %dma_start3A_2545 = tpu.memref_slice %arg11[%dma_start3A_2544, %add3A_2543] : memref<16x6144xf32, #tpu.memory_space<vmem>> -> memref<8x128xf32, #tpu.memory_space<vmem>>
        %dma_start3A_2546 = arith.constant 0 : i32
        %dma_start3A_2547 = tpu.memref_slice %arg5[%dma_start3A_2546, %multiple_of3A_2541] : memref<16x1000000xf32, #tpu.memory_space<hbm>> -> memref<8x128xf32, #tpu.memory_space<hbm>>
        %dma_start3A_2548 = arith.constant 0 : i32
        %dma_start3A_2549 = tpu.memref_slice %arg11[%dma_start3A_2548, %add3A_2543] : memref<16x6144xf32, #tpu.memory_space<vmem>> -> memref<8x128xf32, #tpu.memory_space<vmem>>
        %dma_start3A_2550 = arith.constant 0 : i32
        %dma_start3A_2551 = tpu.memref_slice %arg5[%dma_start3A_2550, %multiple_of3A_2541] : memref<16x1000000xf32, #tpu.memory_space<hbm>> -> memref<8x128xf32, #tpu.memory_space<hbm>>
        tpu.enqueue_dma source(%dma_start3A_2551 : memref<8x128xf32, #tpu.memory_space<hbm>>) target(%dma_start3A_2549 : memref<8x128xf32, #tpu.memory_space<vmem>>) target_semaphore(%arg16 : memref<!tpu.dma_semaphore, #tpu.memory_space<semaphore_mem>>)
        %add3A_2552 = arith.constant 1792 : i32
        %add3A_2553 = arith.addi %multiple_of3A_2154, %add3A_2552 : i32
        %dma_start3A_2554 = arith.constant 8 : i32
        %dma_start3A_2555 = tpu.memref_slice %arg11[%dma_start3A_2554, %add3A_2553] : memref<16x6144xf32, #tpu.memory_space<vmem>> -> memref<8x128xf32, #tpu.memory_space<vmem>>
        %dma_start3A_2556 = arith.constant 8 : i32
        %dma_start3A_2557 = tpu.memref_slice %arg5[%dma_start3A_2556, %multiple_of3A_2541] : memref<16x1000000xf32, #tpu.memory_space<hbm>> -> memref<8x128xf32, #tpu.memory_space<hbm>>
        %dma_start3A_2558 = arith.constant 8 : i32
        %dma_start3A_2559 = tpu.memref_slice %arg11[%dma_start3A_2558, %add3A_2553] : memref<16x6144xf32, #tpu.memory_space<vmem>> -> memref<8x128xf32, #tpu.memory_space<vmem>>
        %dma_start3A_2560 = arith.constant 8 : i32
        %dma_start3A_2561 = tpu.memref_slice %arg5[%dma_start3A_2560, %multiple_of3A_2541] : memref<16x1000000xf32, #tpu.memory_space<hbm>> -> memref<8x128xf32, #tpu.memory_space<hbm>>
        tpu.enqueue_dma source(%dma_start3A_2561 : memref<8x128xf32, #tpu.memory_space<hbm>>) target(%dma_start3A_2559 : memref<8x128xf32, #tpu.memory_space<vmem>>) target_semaphore(%arg16 : memref<!tpu.dma_semaphore, #tpu.memory_space<semaphore_mem>>)
        %slice3A_2562 = vector.extract_strided_slice %get3A_2156 {offsets = [15], sizes = [1], strides = [1]} : vector<16xi32> to vector<1xi32>
        %squeeze3A_2563 = vector.extract %slice3A_2562[0] : i32 from vector<1xi32>
        %shift_right_arithmetic3A_2564 = arith.constant 7 : i32
        %shift_right_arithmetic3A_2565 = arith.shrsi %squeeze3A_2563, %shift_right_arithmetic3A_2564 : i32
        %shift_left3A_2566 = arith.constant 7 : i32
        %shift_left3A_2567 = arith.shli %shift_right_arithmetic3A_2565, %shift_left3A_2566 : i32
        %multiple_of3A_2568 = tpu.assume_multiple %shift_left3A_2567, 128 : i32
        %add3A_2569 = arith.constant 1920 : i32
        %add3A_2570 = arith.addi %multiple_of3A_2154, %add3A_2569 : i32
        %dma_start3A_2571 = arith.constant 0 : i32
        %dma_start3A_2572 = tpu.memref_slice %arg11[%dma_start3A_2571, %add3A_2570] : memref<16x6144xf32, #tpu.memory_space<vmem>> -> memref<8x128xf32, #tpu.memory_space<vmem>>
        %dma_start3A_2573 = arith.constant 0 : i32
        %dma_start3A_2574 = tpu.memref_slice %arg5[%dma_start3A_2573, %multiple_of3A_2568] : memref<16x1000000xf32, #tpu.memory_space<hbm>> -> memref<8x128xf32, #tpu.memory_space<hbm>>
        %dma_start3A_2575 = arith.constant 0 : i32
        %dma_start3A_2576 = tpu.memref_slice %arg11[%dma_start3A_2575, %add3A_2570] : memref<16x6144xf32, #tpu.memory_space<vmem>> -> memref<8x128xf32, #tpu.memory_space<vmem>>
        %dma_start3A_2577 = arith.constant 0 : i32
        %dma_start3A_2578 = tpu.memref_slice %arg5[%dma_start3A_2577, %multiple_of3A_2568] : memref<16x1000000xf32, #tpu.memory_space<hbm>> -> memref<8x128xf32, #tpu.memory_space<hbm>>
        tpu.enqueue_dma source(%dma_start3A_2578 : memref<8x128xf32, #tpu.memory_space<hbm>>) target(%dma_start3A_2576 : memref<8x128xf32, #tpu.memory_space<vmem>>) target_semaphore(%arg16 : memref<!tpu.dma_semaphore, #tpu.memory_space<semaphore_mem>>)
        %add3A_2579 = arith.constant 1920 : i32
        %add3A_2580 = arith.addi %multiple_of3A_2154, %add3A_2579 : i32
        %dma_start3A_2581 = arith.constant 8 : i32
        %dma_start3A_2582 = tpu.memref_slice %arg11[%dma_start3A_2581, %add3A_2580] : memref<16x6144xf32, #tpu.memory_space<vmem>> -> memref<8x128xf32, #tpu.memory_space<vmem>>
        %dma_start3A_2583 = arith.constant 8 : i32
        %dma_start3A_2584 = tpu.memref_slice %arg5[%dma_start3A_2583, %multiple_of3A_2568] : memref<16x1000000xf32, #tpu.memory_space<hbm>> -> memref<8x128xf32, #tpu.memory_space<hbm>>
        %dma_start3A_2585 = arith.constant 8 : i32
        %dma_start3A_2586 = tpu.memref_slice %arg11[%dma_start3A_2585, %add3A_2580] : memref<16x6144xf32, #tpu.memory_space<vmem>> -> memref<8x128xf32, #tpu.memory_space<vmem>>
        %dma_start3A_2587 = arith.constant 8 : i32
        %dma_start3A_2588 = tpu.memref_slice %arg5[%dma_start3A_2587, %multiple_of3A_2568] : memref<16x1000000xf32, #tpu.memory_space<hbm>> -> memref<8x128xf32, #tpu.memory_space<hbm>>
        tpu.enqueue_dma source(%dma_start3A_2588 : memref<8x128xf32, #tpu.memory_space<hbm>>) target(%dma_start3A_2586 : memref<8x128xf32, #tpu.memory_space<vmem>>) target_semaphore(%arg16 : memref<!tpu.dma_semaphore, #tpu.memory_space<semaphore_mem>>)
      } else {
      }
      %mul3A_1823 = arith.constant 16 : i32
      %mul3A_1824 = arith.muli %scan3A_1760, %mul3A_1823 : i32
      %multiple_of3A_1825 = tpu.assume_multiple %mul3A_1824, 16 : i32
      %mul3A_1826 = arith.constant 2048 : i32
      %mul3A_1827 = arith.muli %sub3A_1779, %mul3A_1826 : i32
      %multiple_of3A_1828 = tpu.assume_multiple %mul3A_1827, 2048 : i32
      %get3A_1829 = arith.index_cast %multiple_of3A_1825 : i32 to index
      %get3A_1830 = tpu.vector_load %arg9[%get3A_1829] {strides = array<i32>} : memref<512xi32, #tpu.memory_space<vmem>>, vector<16xi32>,
      %and3A_1831 = arith.constant 127 : i32
      %and3A_1832 = vector.broadcast %and3A_1831 : i32 to vector<16xi32>
      %and3A_1833 = arith.andi %get3A_1830, %and3A_1832 : vector<16xi32>
      %add3A_1834 = vector.broadcast %multiple_of3A_1828 : i32 to vector<16xi32>
      %add3A_1835 = arith.addi %add3A_1834, %and3A_1833 : vector<16xi32>
      %mul3A_1836 = arith.constant 128 : i32
      %mul3A_1837 = vector.broadcast %mul3A_1836 : i32 to vector<16xi32>
      %mul3A_1838 = arith.muli %iota3A, %mul3A_1837 : vector<16xi32>
      %add3A_1839 = arith.addi %add3A_1835, %mul3A_1838 : vector<16xi32>
      %broadcast_in_dim3A = arith.constant 0.000000e+00 : f32
      %broadcast_in_dim3A_1840 = vector.broadcast %broadcast_in_dim3A : f32 to vector<16xf32>
      %broadcast_in_dim3A_1841 = arith.constant 0 : i32
      %broadcast_in_dim3A_1842 = vector.broadcast %broadcast_in_dim3A_1841 : i32 to vector<16xi32>
      %gather3A = tpu.vector_load_idx %arg11[%broadcast_in_dim3A_1842, %add3A_1839] : memref<16x6144xf32, #tpu.memory_space<vmem>>[vector<16xi32>, vector<16xi32>], vector<16xf32>,
      %max3A = arith.constant 1.000000e+00 : f32
      %max3A_1843 = vector.broadcast %max3A : f32 to vector<16xf32>
      %max3A_1844 = arith.maximumf %gather3A, %max3A_1843 : vector<16xf32>
      %min3A = arith.constant 5.000000e+00 : f32
      %min3A_1845 = vector.broadcast %min3A : f32 to vector<16xf32>
      %min3A_1846 = arith.minimumf %max3A_1844, %min3A_1845 : vector<16xf32>
      %swap3A = arith.constant 0 : i32
      %swap3A_1847 = arith.index_cast %swap3A : i32 to index
      %swap3A_1848 = arith.index_cast %multiple_of3A_1825 : i32 to index
      %swap3A_1849 = tpu.vector_load %arg12[%swap3A_1847, %swap3A_1848] {strides = array<i32>} : memref<16x512xf32, #tpu.memory_space<vmem>>, vector<16xf32>,
      tpu.vector_store %arg12[%swap3A_1847, %swap3A_1848], %min3A_1846 {strides = array<i32>} : memref<16x512xf32, #tpu.memory_space<vmem>>, vector<16xf32>,
      %get3A_1850 = arith.constant 0 : i32
      %get3A_1851 = arith.index_cast %get3A_1850 : i32 to index
      %get3A_1852 = arith.index_cast %multiple_of3A_1825 : i32 to index
      %get3A_1853 = tpu.vector_load %arg13[%get3A_1851, %get3A_1852] {strides = array<i32>} : memref<16x512xf32, #tpu.memory_space<vmem>>, vector<16xf32>,
      %mul3A_1854 = arith.mulf %min3A_1846, %get3A_1853 : vector<16xf32>
      %add3A_1855 = arith.addf %broadcast_in_dim3A_1840, %mul3A_1854 : vector<16xf32>
      %broadcast_in_dim3A_1856 = arith.constant 1 : i32
      %broadcast_in_dim3A_1857 = vector.broadcast %broadcast_in_dim3A_1856 : i32 to vector<16xi32>
      %gather3A_1858 = tpu.vector_load_idx %arg11[%broadcast_in_dim3A_1857, %add3A_1839] : memref<16x6144xf32, #tpu.memory_space<vmem>>[vector<16xi32>, vector<16xi32>], vector<16xf32>,
      %max3A_1859 = arith.constant 1.000000e+00 : f32
      %max3A_1860 = vector.broadcast %max3A_1859 : f32 to vector<16xf32>
      %max3A_1861 = arith.maximumf %gather3A_1858, %max3A_1860 : vector<16xf32>
      %min3A_1862 = arith.constant 5.000000e+00 : f32
      %min3A_1863 = vector.broadcast %min3A_1862 : f32 to vector<16xf32>
      %min3A_1864 = arith.minimumf %max3A_1861, %min3A_1863 : vector<16xf32>
      %swap3A_1865 = arith.constant 1 : i32
      %swap3A_1866 = arith.index_cast %swap3A_1865 : i32 to index
      %swap3A_1867 = arith.index_cast %multiple_of3A_1825 : i32 to index
      %swap3A_1868 = tpu.vector_load %arg12[%swap3A_1866, %swap3A_1867] {strides = array<i32>} : memref<16x512xf32, #tpu.memory_space<vmem>>, vector<16xf32>,
      tpu.vector_store %arg12[%swap3A_1866, %swap3A_1867], %min3A_1864 {strides = array<i32>} : memref<16x512xf32, #tpu.memory_space<vmem>>, vector<16xf32>,
      %get3A_1869 = arith.constant 1 : i32
      %get3A_1870 = arith.index_cast %get3A_1869 : i32 to index
      %get3A_1871 = arith.index_cast %multiple_of3A_1825 : i32 to index
      %get3A_1872 = tpu.vector_load %arg13[%get3A_1870, %get3A_1871] {strides = array<i32>} : memref<16x512xf32, #tpu.memory_space<vmem>>, vector<16xf32>,
      %mul3A_1873 = arith.mulf %min3A_1864, %get3A_1872 : vector<16xf32>
      %add3A_1874 = arith.addf %add3A_1855, %mul3A_1873 : vector<16xf32>
      %broadcast_in_dim3A_1875 = arith.constant 2 : i32
      %broadcast_in_dim3A_1876 = vector.broadcast %broadcast_in_dim3A_1875 : i32 to vector<16xi32>
      %gather3A_1877 = tpu.vector_load_idx %arg11[%broadcast_in_dim3A_1876, %add3A_1839] : memref<16x6144xf32, #tpu.memory_space<vmem>>[vector<16xi32>, vector<16xi32>], vector<16xf32>,
      %max3A_1878 = arith.constant 1.000000e+00 : f32
      %max3A_1879 = vector.broadcast %max3A_1878 : f32 to vector<16xf32>
      %max3A_1880 = arith.maximumf %gather3A_1877, %max3A_1879 : vector<16xf32>
      %min3A_1881 = arith.constant 5.000000e+00 : f32
      %min3A_1882 = vector.broadcast %min3A_1881 : f32 to vector<16xf32>
      %min3A_1883 = arith.minimumf %max3A_1880, %min3A_1882 : vector<16xf32>
      %swap3A_1884 = arith.constant 2 : i32
      %swap3A_1885 = arith.index_cast %swap3A_1884 : i32 to index
      %swap3A_1886 = arith.index_cast %multiple_of3A_1825 : i32 to index
      %swap3A_1887 = tpu.vector_load %arg12[%swap3A_1885, %swap3A_1886] {strides = array<i32>} : memref<16x512xf32, #tpu.memory_space<vmem>>, vector<16xf32>,
      tpu.vector_store %arg12[%swap3A_1885, %swap3A_1886], %min3A_1883 {strides = array<i32>} : memref<16x512xf32, #tpu.memory_space<vmem>>, vector<16xf32>,
      %get3A_1888 = arith.constant 2 : i32
      %get3A_1889 = arith.index_cast %get3A_1888 : i32 to index
      %get3A_1890 = arith.index_cast %multiple_of3A_1825 : i32 to index
      %get3A_1891 = tpu.vector_load %arg13[%get3A_1889, %get3A_1890] {strides = array<i32>} : memref<16x512xf32, #tpu.memory_space<vmem>>, vector<16xf32>,
      %mul3A_1892 = arith.mulf %min3A_1883, %get3A_1891 : vector<16xf32>
      %add3A_1893 = arith.addf %add3A_1874, %mul3A_1892 : vector<16xf32>
      %broadcast_in_dim3A_1894 = arith.constant 3 : i32
      %broadcast_in_dim3A_1895 = vector.broadcast %broadcast_in_dim3A_1894 : i32 to vector<16xi32>
      %gather3A_1896 = tpu.vector_load_idx %arg11[%broadcast_in_dim3A_1895, %add3A_1839] : memref<16x6144xf32, #tpu.memory_space<vmem>>[vector<16xi32>, vector<16xi32>], vector<16xf32>,
      %max3A_1897 = arith.constant 1.000000e+00 : f32
      %max3A_1898 = vector.broadcast %max3A_1897 : f32 to vector<16xf32>
      %max3A_1899 = arith.maximumf %gather3A_1896, %max3A_1898 : vector<16xf32>
      %min3A_1900 = arith.constant 5.000000e+00 : f32
      %min3A_1901 = vector.broadcast %min3A_1900 : f32 to vector<16xf32>
      %min3A_1902 = arith.minimumf %max3A_1899, %min3A_1901 : vector<16xf32>
      %swap3A_1903 = arith.constant 3 : i32
      %swap3A_1904 = arith.index_cast %swap3A_1903 : i32 to index
      %swap3A_1905 = arith.index_cast %multiple_of3A_1825 : i32 to index
      %swap3A_1906 = tpu.vector_load %arg12[%swap3A_1904, %swap3A_1905] {strides = array<i32>} : memref<16x512xf32, #tpu.memory_space<vmem>>, vector<16xf32>,
      tpu.vector_store %arg12[%swap3A_1904, %swap3A_1905], %min3A_1902 {strides = array<i32>} : memref<16x512xf32, #tpu.memory_space<vmem>>, vector<16xf32>,
      %get3A_1907 = arith.constant 3 : i32
      %get3A_1908 = arith.index_cast %get3A_1907 : i32 to index
      %get3A_1909 = arith.index_cast %multiple_of3A_1825 : i32 to index
      %get3A_1910 = tpu.vector_load %arg13[%get3A_1908, %get3A_1909] {strides = array<i32>} : memref<16x512xf32, #tpu.memory_space<vmem>>, vector<16xf32>,
      %mul3A_1911 = arith.mulf %min3A_1902, %get3A_1910 : vector<16xf32>
      %add3A_1912 = arith.addf %add3A_1893, %mul3A_1911 : vector<16xf32>
      %broadcast_in_dim3A_1913 = arith.constant 4 : i32
      %broadcast_in_dim3A_1914 = vector.broadcast %broadcast_in_dim3A_1913 : i32 to vector<16xi32>
      %gather3A_1915 = tpu.vector_load_idx %arg11[%broadcast_in_dim3A_1914, %add3A_1839] : memref<16x6144xf32, #tpu.memory_space<vmem>>[vector<16xi32>, vector<16xi32>], vector<16xf32>,
      %max3A_1916 = arith.constant 1.000000e+00 : f32
      %max3A_1917 = vector.broadcast %max3A_1916 : f32 to vector<16xf32>
      %max3A_1918 = arith.maximumf %gather3A_1915, %max3A_1917 : vector<16xf32>
      %min3A_1919 = arith.constant 5.000000e+00 : f32
      %min3A_1920 = vector.broadcast %min3A_1919 : f32 to vector<16xf32>
      %min3A_1921 = arith.minimumf %max3A_1918, %min3A_1920 : vector<16xf32>
      %swap3A_1922 = arith.constant 4 : i32
      %swap3A_1923 = arith.index_cast %swap3A_1922 : i32 to index
      %swap3A_1924 = arith.index_cast %multiple_of3A_1825 : i32 to index
      %swap3A_1925 = tpu.vector_load %arg12[%swap3A_1923, %swap3A_1924] {strides = array<i32>} : memref<16x512xf32, #tpu.memory_space<vmem>>, vector<16xf32>,
      tpu.vector_store %arg12[%swap3A_1923, %swap3A_1924], %min3A_1921 {strides = array<i32>} : memref<16x512xf32, #tpu.memory_space<vmem>>, vector<16xf32>,
      %get3A_1926 = arith.constant 4 : i32
      %get3A_1927 = arith.index_cast %get3A_1926 : i32 to index
      %get3A_1928 = arith.index_cast %multiple_of3A_1825 : i32 to index
      %get3A_1929 = tpu.vector_load %arg13[%get3A_1927, %get3A_1928] {strides = array<i32>} : memref<16x512xf32, #tpu.memory_space<vmem>>, vector<16xf32>,
      %mul3A_1930 = arith.mulf %min3A_1921, %get3A_1929 : vector<16xf32>
      %add3A_1931 = arith.addf %add3A_1912, %mul3A_1930 : vector<16xf32>
      %broadcast_in_dim3A_1932 = arith.constant 5 : i32
      %broadcast_in_dim3A_1933 = vector.broadcast %broadcast_in_dim3A_1932 : i32 to vector<16xi32>
      %gather3A_1934 = tpu.vector_load_idx %arg11[%broadcast_in_dim3A_1933, %add3A_1839] : memref<16x6144xf32, #tpu.memory_space<vmem>>[vector<16xi32>, vector<16xi32>], vector<16xf32>,
      %max3A_1935 = arith.constant 1.000000e+00 : f32
      %max3A_1936 = vector.broadcast %max3A_1935 : f32 to vector<16xf32>
      %max3A_1937 = arith.maximumf %gather3A_1934, %max3A_1936 : vector<16xf32>
      %min3A_1938 = arith.constant 5.000000e+00 : f32
      %min3A_1939 = vector.broadcast %min3A_1938 : f32 to vector<16xf32>
      %min3A_1940 = arith.minimumf %max3A_1937, %min3A_1939 : vector<16xf32>
      %swap3A_1941 = arith.constant 5 : i32
      %swap3A_1942 = arith.index_cast %swap3A_1941 : i32 to index
      %swap3A_1943 = arith.index_cast %multiple_of3A_1825 : i32 to index
      %swap3A_1944 = tpu.vector_load %arg12[%swap3A_1942, %swap3A_1943] {strides = array<i32>} : memref<16x512xf32, #tpu.memory_space<vmem>>, vector<16xf32>,
      tpu.vector_store %arg12[%swap3A_1942, %swap3A_1943], %min3A_1940 {strides = array<i32>} : memref<16x512xf32, #tpu.memory_space<vmem>>, vector<16xf32>,
      %get3A_1945 = arith.constant 5 : i32
      %get3A_1946 = arith.index_cast %get3A_1945 : i32 to index
      %get3A_1947 = arith.index_cast %multiple_of3A_1825 : i32 to index
      %get3A_1948 = tpu.vector_load %arg13[%get3A_1946, %get3A_1947] {strides = array<i32>} : memref<16x512xf32, #tpu.memory_space<vmem>>, vector<16xf32>,
      %mul3A_1949 = arith.mulf %min3A_1940, %get3A_1948 : vector<16xf32>
      %add3A_1950 = arith.addf %add3A_1931, %mul3A_1949 : vector<16xf32>
      %broadcast_in_dim3A_1951 = arith.constant 6 : i32
      %broadcast_in_dim3A_1952 = vector.broadcast %broadcast_in_dim3A_1951 : i32 to vector<16xi32>
      %gather3A_1953 = tpu.vector_load_idx %arg11[%broadcast_in_dim3A_1952, %add3A_1839] : memref<16x6144xf32, #tpu.memory_space<vmem>>[vector<16xi32>, vector<16xi32>], vector<16xf32>,
      %max3A_1954 = arith.constant 1.000000e+00 : f32
      %max3A_1955 = vector.broadcast %max3A_1954 : f32 to vector<16xf32>
      %max3A_1956 = arith.maximumf %gather3A_1953, %max3A_1955 : vector<16xf32>
      %min3A_1957 = arith.constant 5.000000e+00 : f32
      %min3A_1958 = vector.broadcast %min3A_1957 : f32 to vector<16xf32>
      %min3A_1959 = arith.minimumf %max3A_1956, %min3A_1958 : vector<16xf32>
      %swap3A_1960 = arith.constant 6 : i32
      %swap3A_1961 = arith.index_cast %swap3A_1960 : i32 to index
      %swap3A_1962 = arith.index_cast %multiple_of3A_1825 : i32 to index
      %swap3A_1963 = tpu.vector_load %arg12[%swap3A_1961, %swap3A_1962] {strides = array<i32>} : memref<16x512xf32, #tpu.memory_space<vmem>>, vector<16xf32>,
      tpu.vector_store %arg12[%swap3A_1961, %swap3A_1962], %min3A_1959 {strides = array<i32>} : memref<16x512xf32, #tpu.memory_space<vmem>>, vector<16xf32>,
      %get3A_1964 = arith.constant 6 : i32
      %get3A_1965 = arith.index_cast %get3A_1964 : i32 to index
      %get3A_1966 = arith.index_cast %multiple_of3A_1825 : i32 to index
      %get3A_1967 = tpu.vector_load %arg13[%get3A_1965, %get3A_1966] {strides = array<i32>} : memref<16x512xf32, #tpu.memory_space<vmem>>, vector<16xf32>,
      %mul3A_1968 = arith.mulf %min3A_1959, %get3A_1967 : vector<16xf32>
      %add3A_1969 = arith.addf %add3A_1950, %mul3A_1968 : vector<16xf32>
      %broadcast_in_dim3A_1970 = arith.constant 7 : i32
      %broadcast_in_dim3A_1971 = vector.broadcast %broadcast_in_dim3A_1970 : i32 to vector<16xi32>
      %gather3A_1972 = tpu.vector_load_idx %arg11[%broadcast_in_dim3A_1971, %add3A_1839] : memref<16x6144xf32, #tpu.memory_space<vmem>>[vector<16xi32>, vector<16xi32>], vector<16xf32>,
      %max3A_1973 = arith.constant 1.000000e+00 : f32
      %max3A_1974 = vector.broadcast %max3A_1973 : f32 to vector<16xf32>
      %max3A_1975 = arith.maximumf %gather3A_1972, %max3A_1974 : vector<16xf32>
      %min3A_1976 = arith.constant 5.000000e+00 : f32
      %min3A_1977 = vector.broadcast %min3A_1976 : f32 to vector<16xf32>
      %min3A_1978 = arith.minimumf %max3A_1975, %min3A_1977 : vector<16xf32>
      %swap3A_1979 = arith.constant 7 : i32
      %swap3A_1980 = arith.index_cast %swap3A_1979 : i32 to index
      %swap3A_1981 = arith.index_cast %multiple_of3A_1825 : i32 to index
      %swap3A_1982 = tpu.vector_load %arg12[%swap3A_1980, %swap3A_1981] {strides = array<i32>} : memref<16x512xf32, #tpu.memory_space<vmem>>, vector<16xf32>,
      tpu.vector_store %arg12[%swap3A_1980, %swap3A_1981], %min3A_1978 {strides = array<i32>} : memref<16x512xf32, #tpu.memory_space<vmem>>, vector<16xf32>,
      %get3A_1983 = arith.constant 7 : i32
      %get3A_1984 = arith.index_cast %get3A_1983 : i32 to index
      %get3A_1985 = arith.index_cast %multiple_of3A_1825 : i32 to index
      %get3A_1986 = tpu.vector_load %arg13[%get3A_1984, %get3A_1985] {strides = array<i32>} : memref<16x512xf32, #tpu.memory_space<vmem>>, vector<16xf32>,
      %mul3A_1987 = arith.mulf %min3A_1978, %get3A_1986 : vector<16xf32>
      %add3A_1988 = arith.addf %add3A_1969, %mul3A_1987 : vector<16xf32>
      %broadcast_in_dim3A_1989 = arith.constant 8 : i32
      %broadcast_in_dim3A_1990 = vector.broadcast %broadcast_in_dim3A_1989 : i32 to vector<16xi32>
      %gather3A_1991 = tpu.vector_load_idx %arg11[%broadcast_in_dim3A_1990, %add3A_1839] : memref<16x6144xf32, #tpu.memory_space<vmem>>[vector<16xi32>, vector<16xi32>], vector<16xf32>,
      %max3A_1992 = arith.constant 1.000000e+00 : f32
      %max3A_1993 = vector.broadcast %max3A_1992 : f32 to vector<16xf32>
      %max3A_1994 = arith.maximumf %gather3A_1991, %max3A_1993 : vector<16xf32>
      %min3A_1995 = arith.constant 5.000000e+00 : f32
      %min3A_1996 = vector.broadcast %min3A_1995 : f32 to vector<16xf32>
      %min3A_1997 = arith.minimumf %max3A_1994, %min3A_1996 : vector<16xf32>
      %swap3A_1998 = arith.constant 8 : i32
      %swap3A_1999 = arith.index_cast %swap3A_1998 : i32 to index
      %swap3A_2000 = arith.index_cast %multiple_of3A_1825 : i32 to index
      %swap3A_2001 = tpu.vector_load %arg12[%swap3A_1999, %swap3A_2000] {strides = array<i32>} : memref<16x512xf32, #tpu.memory_space<vmem>>, vector<16xf32>,
      tpu.vector_store %arg12[%swap3A_1999, %swap3A_2000], %min3A_1997 {strides = array<i32>} : memref<16x512xf32, #tpu.memory_space<vmem>>, vector<16xf32>,
      %get3A_2002 = arith.constant 8 : i32
      %get3A_2003 = arith.index_cast %get3A_2002 : i32 to index
      %get3A_2004 = arith.index_cast %multiple_of3A_1825 : i32 to index
      %get3A_2005 = tpu.vector_load %arg13[%get3A_2003, %get3A_2004] {strides = array<i32>} : memref<16x512xf32, #tpu.memory_space<vmem>>, vector<16xf32>,
      %mul3A_2006 = arith.mulf %min3A_1997, %get3A_2005 : vector<16xf32>
      %add3A_2007 = arith.addf %add3A_1988, %mul3A_2006 : vector<16xf32>
      %broadcast_in_dim3A_2008 = arith.constant 9 : i32
      %broadcast_in_dim3A_2009 = vector.broadcast %broadcast_in_dim3A_2008 : i32 to vector<16xi32>
      %gather3A_2010 = tpu.vector_load_idx %arg11[%broadcast_in_dim3A_2009, %add3A_1839] : memref<16x6144xf32, #tpu.memory_space<vmem>>[vector<16xi32>, vector<16xi32>], vector<16xf32>,
      %max3A_2011 = arith.constant 1.000000e+00 : f32
      %max3A_2012 = vector.broadcast %max3A_2011 : f32 to vector<16xf32>
      %max3A_2013 = arith.maximumf %gather3A_2010, %max3A_2012 : vector<16xf32>
      %min3A_2014 = arith.constant 5.000000e+00 : f32
      %min3A_2015 = vector.broadcast %min3A_2014 : f32 to vector<16xf32>
      %min3A_2016 = arith.minimumf %max3A_2013, %min3A_2015 : vector<16xf32>
      %swap3A_2017 = arith.constant 9 : i32
      %swap3A_2018 = arith.index_cast %swap3A_2017 : i32 to index
      %swap3A_2019 = arith.index_cast %multiple_of3A_1825 : i32 to index
      %swap3A_2020 = tpu.vector_load %arg12[%swap3A_2018, %swap3A_2019] {strides = array<i32>} : memref<16x512xf32, #tpu.memory_space<vmem>>, vector<16xf32>,
      tpu.vector_store %arg12[%swap3A_2018, %swap3A_2019], %min3A_2016 {strides = array<i32>} : memref<16x512xf32, #tpu.memory_space<vmem>>, vector<16xf32>,
      %get3A_2021 = arith.constant 9 : i32
      %get3A_2022 = arith.index_cast %get3A_2021 : i32 to index
      %get3A_2023 = arith.index_cast %multiple_of3A_1825 : i32 to index
      %get3A_2024 = tpu.vector_load %arg13[%get3A_2022, %get3A_2023] {strides = array<i32>} : memref<16x512xf32, #tpu.memory_space<vmem>>, vector<16xf32>,
      %mul3A_2025 = arith.mulf %min3A_2016, %get3A_2024 : vector<16xf32>
      %add3A_2026 = arith.addf %add3A_2007, %mul3A_2025 : vector<16xf32>
      %broadcast_in_dim3A_2027 = arith.constant 10 : i32
      %broadcast_in_dim3A_2028 = vector.broadcast %broadcast_in_dim3A_2027 : i32 to vector<16xi32>
      %gather3A_2029 = tpu.vector_load_idx %arg11[%broadcast_in_dim3A_2028, %add3A_1839] : memref<16x6144xf32, #tpu.memory_space<vmem>>[vector<16xi32>, vector<16xi32>], vector<16xf32>,
      %max3A_2030 = arith.constant 1.000000e+00 : f32
      %max3A_2031 = vector.broadcast %max3A_2030 : f32 to vector<16xf32>
      %max3A_2032 = arith.maximumf %gather3A_2029, %max3A_2031 : vector<16xf32>
      %min3A_2033 = arith.constant 5.000000e+00 : f32
      %min3A_2034 = vector.broadcast %min3A_2033 : f32 to vector<16xf32>
      %min3A_2035 = arith.minimumf %max3A_2032, %min3A_2034 : vector<16xf32>
      %swap3A_2036 = arith.constant 10 : i32
      %swap3A_2037 = arith.index_cast %swap3A_2036 : i32 to index
      %swap3A_2038 = arith.index_cast %multiple_of3A_1825 : i32 to index
      %swap3A_2039 = tpu.vector_load %arg12[%swap3A_2037, %swap3A_2038] {strides = array<i32>} : memref<16x512xf32, #tpu.memory_space<vmem>>, vector<16xf32>,
      tpu.vector_store %arg12[%swap3A_2037, %swap3A_2038], %min3A_2035 {strides = array<i32>} : memref<16x512xf32, #tpu.memory_space<vmem>>, vector<16xf32>,
      %get3A_2040 = arith.constant 10 : i32
      %get3A_2041 = arith.index_cast %get3A_2040 : i32 to index
      %get3A_2042 = arith.index_cast %multiple_of3A_1825 : i32 to index
      %get3A_2043 = tpu.vector_load %arg13[%get3A_2041, %get3A_2042] {strides = array<i32>} : memref<16x512xf32, #tpu.memory_space<vmem>>, vector<16xf32>,
      %mul3A_2044 = arith.mulf %min3A_2035, %get3A_2043 : vector<16xf32>
      %add3A_2045 = arith.addf %add3A_2026, %mul3A_2044 : vector<16xf32>
      %broadcast_in_dim3A_2046 = arith.constant 11 : i32
      %broadcast_in_dim3A_2047 = vector.broadcast %broadcast_in_dim3A_2046 : i32 to vector<16xi32>
      %gather3A_2048 = tpu.vector_load_idx %arg11[%broadcast_in_dim3A_2047, %add3A_1839] : memref<16x6144xf32, #tpu.memory_space<vmem>>[vector<16xi32>, vector<16xi32>], vector<16xf32>,
      %max3A_2049 = arith.constant 1.000000e+00 : f32
      %max3A_2050 = vector.broadcast %max3A_2049 : f32 to vector<16xf32>
      %max3A_2051 = arith.maximumf %gather3A_2048, %max3A_2050 : vector<16xf32>
      %min3A_2052 = arith.constant 5.000000e+00 : f32
      %min3A_2053 = vector.broadcast %min3A_2052 : f32 to vector<16xf32>
      %min3A_2054 = arith.minimumf %max3A_2051, %min3A_2053 : vector<16xf32>
      %swap3A_2055 = arith.constant 11 : i32
      %swap3A_2056 = arith.index_cast %swap3A_2055 : i32 to index
      %swap3A_2057 = arith.index_cast %multiple_of3A_1825 : i32 to index
      %swap3A_2058 = tpu.vector_load %arg12[%swap3A_2056, %swap3A_2057] {strides = array<i32>} : memref<16x512xf32, #tpu.memory_space<vmem>>, vector<16xf32>,
      tpu.vector_store %arg12[%swap3A_2056, %swap3A_2057], %min3A_2054 {strides = array<i32>} : memref<16x512xf32, #tpu.memory_space<vmem>>, vector<16xf32>,
      %get3A_2059 = arith.constant 11 : i32
      %get3A_2060 = arith.index_cast %get3A_2059 : i32 to index
      %get3A_2061 = arith.index_cast %multiple_of3A_1825 : i32 to index
      %get3A_2062 = tpu.vector_load %arg13[%get3A_2060, %get3A_2061] {strides = array<i32>} : memref<16x512xf32, #tpu.memory_space<vmem>>, vector<16xf32>,
      %mul3A_2063 = arith.mulf %min3A_2054, %get3A_2062 : vector<16xf32>
      %add3A_2064 = arith.addf %add3A_2045, %mul3A_2063 : vector<16xf32>
      %broadcast_in_dim3A_2065 = arith.constant 12 : i32
      %broadcast_in_dim3A_2066 = vector.broadcast %broadcast_in_dim3A_2065 : i32 to vector<16xi32>
      %gather3A_2067 = tpu.vector_load_idx %arg11[%broadcast_in_dim3A_2066, %add3A_1839] : memref<16x6144xf32, #tpu.memory_space<vmem>>[vector<16xi32>, vector<16xi32>], vector<16xf32>,
      %max3A_2068 = arith.constant 1.000000e+00 : f32
      %max3A_2069 = vector.broadcast %max3A_2068 : f32 to vector<16xf32>
      %max3A_2070 = arith.maximumf %gather3A_2067, %max3A_2069 : vector<16xf32>
      %min3A_2071 = arith.constant 5.000000e+00 : f32
      %min3A_2072 = vector.broadcast %min3A_2071 : f32 to vector<16xf32>
      %min3A_2073 = arith.minimumf %max3A_2070, %min3A_2072 : vector<16xf32>
      %swap3A_2074 = arith.constant 12 : i32
      %swap3A_2075 = arith.index_cast %swap3A_2074 : i32 to index
      %swap3A_2076 = arith.index_cast %multiple_of3A_1825 : i32 to index
      %swap3A_2077 = tpu.vector_load %arg12[%swap3A_2075, %swap3A_2076] {strides = array<i32>} : memref<16x512xf32, #tpu.memory_space<vmem>>, vector<16xf32>,
      tpu.vector_store %arg12[%swap3A_2075, %swap3A_2076], %min3A_2073 {strides = array<i32>} : memref<16x512xf32, #tpu.memory_space<vmem>>, vector<16xf32>,
      %get3A_2078 = arith.constant 12 : i32
      %get3A_2079 = arith.index_cast %get3A_2078 : i32 to index
      %get3A_2080 = arith.index_cast %multiple_of3A_1825 : i32 to index
      %get3A_2081 = tpu.vector_load %arg13[%get3A_2079, %get3A_2080] {strides = array<i32>} : memref<16x512xf32, #tpu.memory_space<vmem>>, vector<16xf32>,
      %mul3A_2082 = arith.mulf %min3A_2073, %get3A_2081 : vector<16xf32>
      %add3A_2083 = arith.addf %add3A_2064, %mul3A_2082 : vector<16xf32>
      %broadcast_in_dim3A_2084 = arith.constant 13 : i32
      %broadcast_in_dim3A_2085 = vector.broadcast %broadcast_in_dim3A_2084 : i32 to vector<16xi32>
      %gather3A_2086 = tpu.vector_load_idx %arg11[%broadcast_in_dim3A_2085, %add3A_1839] : memref<16x6144xf32, #tpu.memory_space<vmem>>[vector<16xi32>, vector<16xi32>], vector<16xf32>,
      %max3A_2087 = arith.constant 1.000000e+00 : f32
      %max3A_2088 = vector.broadcast %max3A_2087 : f32 to vector<16xf32>
      %max3A_2089 = arith.maximumf %gather3A_2086, %max3A_2088 : vector<16xf32>
      %min3A_2090 = arith.constant 5.000000e+00 : f32
      %min3A_2091 = vector.broadcast %min3A_2090 : f32 to vector<16xf32>
      %min3A_2092 = arith.minimumf %max3A_2089, %min3A_2091 : vector<16xf32>
      %swap3A_2093 = arith.constant 13 : i32
      %swap3A_2094 = arith.index_cast %swap3A_2093 : i32 to index
      %swap3A_2095 = arith.index_cast %multiple_of3A_1825 : i32 to index
      %swap3A_2096 = tpu.vector_load %arg12[%swap3A_2094, %swap3A_2095] {strides = array<i32>} : memref<16x512xf32, #tpu.memory_space<vmem>>, vector<16xf32>,
      tpu.vector_store %arg12[%swap3A_2094, %swap3A_2095], %min3A_2092 {strides = array<i32>} : memref<16x512xf32, #tpu.memory_space<vmem>>, vector<16xf32>,
      %get3A_2097 = arith.constant 13 : i32
      %get3A_2098 = arith.index_cast %get3A_2097 : i32 to index
      %get3A_2099 = arith.index_cast %multiple_of3A_1825 : i32 to index
      %get3A_2100 = tpu.vector_load %arg13[%get3A_2098, %get3A_2099] {strides = array<i32>} : memref<16x512xf32, #tpu.memory_space<vmem>>, vector<16xf32>,
      %mul3A_2101 = arith.mulf %min3A_2092, %get3A_2100 : vector<16xf32>
      %add3A_2102 = arith.addf %add3A_2083, %mul3A_2101 : vector<16xf32>
      %broadcast_in_dim3A_2103 = arith.constant 14 : i32
      %broadcast_in_dim3A_2104 = vector.broadcast %broadcast_in_dim3A_2103 : i32 to vector<16xi32>
      %gather3A_2105 = tpu.vector_load_idx %arg11[%broadcast_in_dim3A_2104, %add3A_1839] : memref<16x6144xf32, #tpu.memory_space<vmem>>[vector<16xi32>, vector<16xi32>], vector<16xf32>,
      %max3A_2106 = arith.constant 1.000000e+00 : f32
      %max3A_2107 = vector.broadcast %max3A_2106 : f32 to vector<16xf32>
      %max3A_2108 = arith.maximumf %gather3A_2105, %max3A_2107 : vector<16xf32>
      %min3A_2109 = arith.constant 5.000000e+00 : f32
      %min3A_2110 = vector.broadcast %min3A_2109 : f32 to vector<16xf32>
      %min3A_2111 = arith.minimumf %max3A_2108, %min3A_2110 : vector<16xf32>
      %swap3A_2112 = arith.constant 14 : i32
      %swap3A_2113 = arith.index_cast %swap3A_2112 : i32 to index
      %swap3A_2114 = arith.index_cast %multiple_of3A_1825 : i32 to index
      %swap3A_2115 = tpu.vector_load %arg12[%swap3A_2113, %swap3A_2114] {strides = array<i32>} : memref<16x512xf32, #tpu.memory_space<vmem>>, vector<16xf32>,
      tpu.vector_store %arg12[%swap3A_2113, %swap3A_2114], %min3A_2111 {strides = array<i32>} : memref<16x512xf32, #tpu.memory_space<vmem>>, vector<16xf32>,
      %get3A_2116 = arith.constant 14 : i32
      %get3A_2117 = arith.index_cast %get3A_2116 : i32 to index
      %get3A_2118 = arith.index_cast %multiple_of3A_1825 : i32 to index
      %get3A_2119 = tpu.vector_load %arg13[%get3A_2117, %get3A_2118] {strides = array<i32>} : memref<16x512xf32, #tpu.memory_space<vmem>>, vector<16xf32>,
      %mul3A_2120 = arith.mulf %min3A_2111, %get3A_2119 : vector<16xf32>
      %add3A_2121 = arith.addf %add3A_2102, %mul3A_2120 : vector<16xf32>
      %broadcast_in_dim3A_2122 = arith.constant 15 : i32
      %broadcast_in_dim3A_2123 = vector.broadcast %broadcast_in_dim3A_2122 : i32 to vector<16xi32>
      %gather3A_2124 = tpu.vector_load_idx %arg11[%broadcast_in_dim3A_2123, %add3A_1839] : memref<16x6144xf32, #tpu.memory_space<vmem>>[vector<16xi32>, vector<16xi32>], vector<16xf32>,
      %max3A_2125 = arith.constant 1.000000e+00 : f32
      %max3A_2126 = vector.broadcast %max3A_2125 : f32 to vector<16xf32>
      %max3A_2127 = arith.maximumf %gather3A_2124, %max3A_2126 : vector<16xf32>
      %min3A_2128 = arith.constant 5.000000e+00 : f32
      %min3A_2129 = vector.broadcast %min3A_2128 : f32 to vector<16xf32>
      %min3A_2130 = arith.minimumf %max3A_2127, %min3A_2129 : vector<16xf32>
      %swap3A_2131 = arith.constant 15 : i32
      %swap3A_2132 = arith.index_cast %swap3A_2131 : i32 to index
      %swap3A_2133 = arith.index_cast %multiple_of3A_1825 : i32 to index
      %swap3A_2134 = tpu.vector_load %arg12[%swap3A_2132, %swap3A_2133] {strides = array<i32>} : memref<16x512xf32, #tpu.memory_space<vmem>>, vector<16xf32>,
      tpu.vector_store %arg12[%swap3A_2132, %swap3A_2133], %min3A_2130 {strides = array<i32>} : memref<16x512xf32, #tpu.memory_space<vmem>>, vector<16xf32>,
      %get3A_2135 = arith.constant 15 : i32
      %get3A_2136 = arith.index_cast %get3A_2135 : i32 to index
      %get3A_2137 = arith.index_cast %multiple_of3A_1825 : i32 to index
      %get3A_2138 = tpu.vector_load %arg13[%get3A_2136, %get3A_2137] {strides = array<i32>} : memref<16x512xf32, #tpu.memory_space<vmem>>, vector<16xf32>,
      %mul3A_2139 = arith.mulf %min3A_2130, %get3A_2138 : vector<16xf32>
      %add3A_2140 = arith.addf %add3A_2121, %mul3A_2139 : vector<16xf32>
      %mul3A_2141 = arith.constant 1.000000e+00 : f32
      %mul3A_2142 = vector.broadcast %mul3A_2141 : f32 to vector<16xf32>
      %mul3A_2143 = arith.mulf %add3A_2140, %mul3A_2142 : vector<16xf32>
      %add3A_2144 = arith.constant 0.000000e+00 : f32
      %add3A_2145 = vector.broadcast %add3A_2144 : f32 to vector<16xf32>
      %add3A_2146 = arith.addf %mul3A_2143, %add3A_2145 : vector<16xf32>
      %swap3A_2147 = arith.index_cast %multiple_of3A_1825 : i32 to index
      %swap3A_2148 = tpu.vector_load %arg14[%swap3A_2147] {strides = array<i32>} : memref<512xf32, #tpu.memory_space<vmem>>, vector<16xf32>,
      tpu.vector_store %arg14[%swap3A_2147], %add3A_2146 {strides = array<i32>} : memref<512xf32, #tpu.memory_space<vmem>>, vector<16xf32>,
    }
    %scan3A_877 = arith.constant 32 : i32
    %multiple_of3A_878 = arith.constant 0 : i32
    %multiple_of3A_879 = tpu.assume_multiple %multiple_of3A_878, 16 : i32
    %multiple_of3A_880 = arith.constant 0 : i32
    %multiple_of3A_881 = tpu.assume_multiple %multiple_of3A_880, 2048 : i32
    %get3A_882 = arith.index_cast %multiple_of3A_879 : i32 to index
    %get3A_883 = tpu.vector_load %arg10[%get3A_882] {strides = array<i32>} : memref<512xi32, #tpu.memory_space<vmem>>, vector<16xi32>,
    %slice3A_884 = vector.extract_strided_slice %get3A_883 {offsets = [0], sizes = [1], strides = [1]} : vector<16xi32> to vector<1xi32>
    %squeeze3A_885 = vector.extract %slice3A_884[0] : i32 from vector<1xi32>
    %shift_right_arithmetic3A_886 = arith.constant 7 : i32
    %shift_right_arithmetic3A_887 = arith.shrsi %squeeze3A_885, %shift_right_arithmetic3A_886 : i32
    %shift_left3A_888 = arith.constant 7 : i32
    %shift_left3A_889 = arith.shli %shift_right_arithmetic3A_887, %shift_left3A_888 : i32
    %multiple_of3A_890 = tpu.assume_multiple %shift_left3A_889, 128 : i32
    %add3A_891 = arith.constant 0 : i32
    %add3A_892 = arith.addi %multiple_of3A_881, %add3A_891 : i32
    %dma_start3A_893 = arith.constant 0 : i32
    %dma_start3A_894 = tpu.memref_slice %arg11[%dma_start3A_893, %add3A_892] : memref<16x6144xf32, #tpu.memory_space<vmem>> -> memref<8x128xf32, #tpu.memory_space<vmem>>
    %dma_start3A_895 = arith.constant 0 : i32
    %dma_start3A_896 = tpu.memref_slice %arg6[%dma_start3A_895, %multiple_of3A_890] : memref<16x1000000xf32, #tpu.memory_space<hbm>> -> memref<8x128xf32, #tpu.memory_space<hbm>>
    %dma_start3A_897 = arith.constant 0 : i32
    %dma_start3A_898 = tpu.memref_slice %arg11[%dma_start3A_897, %add3A_892] : memref<16x6144xf32, #tpu.memory_space<vmem>> -> memref<8x128xf32, #tpu.memory_space<vmem>>
    %dma_start3A_899 = arith.constant 0 : i32
    %dma_start3A_900 = tpu.memref_slice %arg6[%dma_start3A_899, %multiple_of3A_890] : memref<16x1000000xf32, #tpu.memory_space<hbm>> -> memref<8x128xf32, #tpu.memory_space<hbm>>
    tpu.enqueue_dma source(%dma_start3A_900 : memref<8x128xf32, #tpu.memory_space<hbm>>) target(%dma_start3A_898 : memref<8x128xf32, #tpu.memory_space<vmem>>) target_semaphore(%arg16 : memref<!tpu.dma_semaphore, #tpu.memory_space<semaphore_mem>>)
    %add3A_901 = arith.constant 0 : i32
    %add3A_902 = arith.addi %multiple_of3A_881, %add3A_901 : i32
    %dma_start3A_903 = arith.constant 8 : i32
    %dma_start3A_904 = tpu.memref_slice %arg11[%dma_start3A_903, %add3A_902] : memref<16x6144xf32, #tpu.memory_space<vmem>> -> memref<8x128xf32, #tpu.memory_space<vmem>>
    %dma_start3A_905 = arith.constant 8 : i32
    %dma_start3A_906 = tpu.memref_slice %arg6[%dma_start3A_905, %multiple_of3A_890] : memref<16x1000000xf32, #tpu.memory_space<hbm>> -> memref<8x128xf32, #tpu.memory_space<hbm>>
    %dma_start3A_907 = arith.constant 8 : i32
    %dma_start3A_908 = tpu.memref_slice %arg11[%dma_start3A_907, %add3A_902] : memref<16x6144xf32, #tpu.memory_space<vmem>> -> memref<8x128xf32, #tpu.memory_space<vmem>>
    %dma_start3A_909 = arith.constant 8 : i32
    %dma_start3A_910 = tpu.memref_slice %arg6[%dma_start3A_909, %multiple_of3A_890] : memref<16x1000000xf32, #tpu.memory_space<hbm>> -> memref<8x128xf32, #tpu.memory_space<hbm>>
    tpu.enqueue_dma source(%dma_start3A_910 : memref<8x128xf32, #tpu.memory_space<hbm>>) target(%dma_start3A_908 : memref<8x128xf32, #tpu.memory_space<vmem>>) target_semaphore(%arg16 : memref<!tpu.dma_semaphore, #tpu.memory_space<semaphore_mem>>)
    %slice3A_911 = vector.extract_strided_slice %get3A_883 {offsets = [1], sizes = [1], strides = [1]} : vector<16xi32> to vector<1xi32>
    %squeeze3A_912 = vector.extract %slice3A_911[0] : i32 from vector<1xi32>
    %shift_right_arithmetic3A_913 = arith.constant 7 : i32
    %shift_right_arithmetic3A_914 = arith.shrsi %squeeze3A_912, %shift_right_arithmetic3A_913 : i32
    %shift_left3A_915 = arith.constant 7 : i32
    %shift_left3A_916 = arith.shli %shift_right_arithmetic3A_914, %shift_left3A_915 : i32
    %multiple_of3A_917 = tpu.assume_multiple %shift_left3A_916, 128 : i32
    %add3A_918 = arith.constant 128 : i32
    %add3A_919 = arith.addi %multiple_of3A_881, %add3A_918 : i32
    %dma_start3A_920 = arith.constant 0 : i32
    %dma_start3A_921 = tpu.memref_slice %arg11[%dma_start3A_920, %add3A_919] : memref<16x6144xf32, #tpu.memory_space<vmem>> -> memref<8x128xf32, #tpu.memory_space<vmem>>
    %dma_start3A_922 = arith.constant 0 : i32
    %dma_start3A_923 = tpu.memref_slice %arg6[%dma_start3A_922, %multiple_of3A_917] : memref<16x1000000xf32, #tpu.memory_space<hbm>> -> memref<8x128xf32, #tpu.memory_space<hbm>>
    %dma_start3A_924 = arith.constant 0 : i32
    %dma_start3A_925 = tpu.memref_slice %arg11[%dma_start3A_924, %add3A_919] : memref<16x6144xf32, #tpu.memory_space<vmem>> -> memref<8x128xf32, #tpu.memory_space<vmem>>
    %dma_start3A_926 = arith.constant 0 : i32
    %dma_start3A_927 = tpu.memref_slice %arg6[%dma_start3A_926, %multiple_of3A_917] : memref<16x1000000xf32, #tpu.memory_space<hbm>> -> memref<8x128xf32, #tpu.memory_space<hbm>>
    tpu.enqueue_dma source(%dma_start3A_927 : memref<8x128xf32, #tpu.memory_space<hbm>>) target(%dma_start3A_925 : memref<8x128xf32, #tpu.memory_space<vmem>>) target_semaphore(%arg16 : memref<!tpu.dma_semaphore, #tpu.memory_space<semaphore_mem>>)
    %add3A_928 = arith.constant 128 : i32
    %add3A_929 = arith.addi %multiple_of3A_881, %add3A_928 : i32
    %dma_start3A_930 = arith.constant 8 : i32
    %dma_start3A_931 = tpu.memref_slice %arg11[%dma_start3A_930, %add3A_929] : memref<16x6144xf32, #tpu.memory_space<vmem>> -> memref<8x128xf32, #tpu.memory_space<vmem>>
    %dma_start3A_932 = arith.constant 8 : i32
    %dma_start3A_933 = tpu.memref_slice %arg6[%dma_start3A_932, %multiple_of3A_917] : memref<16x1000000xf32, #tpu.memory_space<hbm>> -> memref<8x128xf32, #tpu.memory_space<hbm>>
    %dma_start3A_934 = arith.constant 8 : i32
    %dma_start3A_935 = tpu.memref_slice %arg11[%dma_start3A_934, %add3A_929] : memref<16x6144xf32, #tpu.memory_space<vmem>> -> memref<8x128xf32, #tpu.memory_space<vmem>>
    %dma_start3A_936 = arith.constant 8 : i32
    %dma_start3A_937 = tpu.memref_slice %arg6[%dma_start3A_936, %multiple_of3A_917] : memref<16x1000000xf32, #tpu.memory_space<hbm>> -> memref<8x128xf32, #tpu.memory_space<hbm>>
    tpu.enqueue_dma source(%dma_start3A_937 : memref<8x128xf32, #tpu.memory_space<hbm>>) target(%dma_start3A_935 : memref<8x128xf32, #tpu.memory_space<vmem>>) target_semaphore(%arg16 : memref<!tpu.dma_semaphore, #tpu.memory_space<semaphore_mem>>)
    %slice3A_938 = vector.extract_strided_slice %get3A_883 {offsets = [2], sizes = [1], strides = [1]} : vector<16xi32> to vector<1xi32>
    %squeeze3A_939 = vector.extract %slice3A_938[0] : i32 from vector<1xi32>
    %shift_right_arithmetic3A_940 = arith.constant 7 : i32
    %shift_right_arithmetic3A_941 = arith.shrsi %squeeze3A_939, %shift_right_arithmetic3A_940 : i32
    %shift_left3A_942 = arith.constant 7 : i32
    %shift_left3A_943 = arith.shli %shift_right_arithmetic3A_941, %shift_left3A_942 : i32
    %multiple_of3A_944 = tpu.assume_multiple %shift_left3A_943, 128 : i32
    %add3A_945 = arith.constant 256 : i32
    %add3A_946 = arith.addi %multiple_of3A_881, %add3A_945 : i32
    %dma_start3A_947 = arith.constant 0 : i32
    %dma_start3A_948 = tpu.memref_slice %arg11[%dma_start3A_947, %add3A_946] : memref<16x6144xf32, #tpu.memory_space<vmem>> -> memref<8x128xf32, #tpu.memory_space<vmem>>
    %dma_start3A_949 = arith.constant 0 : i32
    %dma_start3A_950 = tpu.memref_slice %arg6[%dma_start3A_949, %multiple_of3A_944] : memref<16x1000000xf32, #tpu.memory_space<hbm>> -> memref<8x128xf32, #tpu.memory_space<hbm>>
    %dma_start3A_951 = arith.constant 0 : i32
    %dma_start3A_952 = tpu.memref_slice %arg11[%dma_start3A_951, %add3A_946] : memref<16x6144xf32, #tpu.memory_space<vmem>> -> memref<8x128xf32, #tpu.memory_space<vmem>>
    %dma_start3A_953 = arith.constant 0 : i32
    %dma_start3A_954 = tpu.memref_slice %arg6[%dma_start3A_953, %multiple_of3A_944] : memref<16x1000000xf32, #tpu.memory_space<hbm>> -> memref<8x128xf32, #tpu.memory_space<hbm>>
    tpu.enqueue_dma source(%dma_start3A_954 : memref<8x128xf32, #tpu.memory_space<hbm>>) target(%dma_start3A_952 : memref<8x128xf32, #tpu.memory_space<vmem>>) target_semaphore(%arg16 : memref<!tpu.dma_semaphore, #tpu.memory_space<semaphore_mem>>)
    %add3A_955 = arith.constant 256 : i32
    %add3A_956 = arith.addi %multiple_of3A_881, %add3A_955 : i32
    %dma_start3A_957 = arith.constant 8 : i32
    %dma_start3A_958 = tpu.memref_slice %arg11[%dma_start3A_957, %add3A_956] : memref<16x6144xf32, #tpu.memory_space<vmem>> -> memref<8x128xf32, #tpu.memory_space<vmem>>
    %dma_start3A_959 = arith.constant 8 : i32
    %dma_start3A_960 = tpu.memref_slice %arg6[%dma_start3A_959, %multiple_of3A_944] : memref<16x1000000xf32, #tpu.memory_space<hbm>> -> memref<8x128xf32, #tpu.memory_space<hbm>>
    %dma_start3A_961 = arith.constant 8 : i32
    %dma_start3A_962 = tpu.memref_slice %arg11[%dma_start3A_961, %add3A_956] : memref<16x6144xf32, #tpu.memory_space<vmem>> -> memref<8x128xf32, #tpu.memory_space<vmem>>
    %dma_start3A_963 = arith.constant 8 : i32
    %dma_start3A_964 = tpu.memref_slice %arg6[%dma_start3A_963, %multiple_of3A_944] : memref<16x1000000xf32, #tpu.memory_space<hbm>> -> memref<8x128xf32, #tpu.memory_space<hbm>>
    tpu.enqueue_dma source(%dma_start3A_964 : memref<8x128xf32, #tpu.memory_space<hbm>>) target(%dma_start3A_962 : memref<8x128xf32, #tpu.memory_space<vmem>>) target_semaphore(%arg16 : memref<!tpu.dma_semaphore, #tpu.memory_space<semaphore_mem>>)
    %slice3A_965 = vector.extract_strided_slice %get3A_883 {offsets = [3], sizes = [1], strides = [1]} : vector<16xi32> to vector<1xi32>
    %squeeze3A_966 = vector.extract %slice3A_965[0] : i32 from vector<1xi32>
    %shift_right_arithmetic3A_967 = arith.constant 7 : i32
    %shift_right_arithmetic3A_968 = arith.shrsi %squeeze3A_966, %shift_right_arithmetic3A_967 : i32
    %shift_left3A_969 = arith.constant 7 : i32
    %shift_left3A_970 = arith.shli %shift_right_arithmetic3A_968, %shift_left3A_969 : i32
    %multiple_of3A_971 = tpu.assume_multiple %shift_left3A_970, 128 : i32
    %add3A_972 = arith.constant 384 : i32
    %add3A_973 = arith.addi %multiple_of3A_881, %add3A_972 : i32
    %dma_start3A_974 = arith.constant 0 : i32
    %dma_start3A_975 = tpu.memref_slice %arg11[%dma_start3A_974, %add3A_973] : memref<16x6144xf32, #tpu.memory_space<vmem>> -> memref<8x128xf32, #tpu.memory_space<vmem>>
    %dma_start3A_976 = arith.constant 0 : i32
    %dma_start3A_977 = tpu.memref_slice %arg6[%dma_start3A_976, %multiple_of3A_971] : memref<16x1000000xf32, #tpu.memory_space<hbm>> -> memref<8x128xf32, #tpu.memory_space<hbm>>
    %dma_start3A_978 = arith.constant 0 : i32
    %dma_start3A_979 = tpu.memref_slice %arg11[%dma_start3A_978, %add3A_973] : memref<16x6144xf32, #tpu.memory_space<vmem>> -> memref<8x128xf32, #tpu.memory_space<vmem>>
    %dma_start3A_980 = arith.constant 0 : i32
    %dma_start3A_981 = tpu.memref_slice %arg6[%dma_start3A_980, %multiple_of3A_971] : memref<16x1000000xf32, #tpu.memory_space<hbm>> -> memref<8x128xf32, #tpu.memory_space<hbm>>
    tpu.enqueue_dma source(%dma_start3A_981 : memref<8x128xf32, #tpu.memory_space<hbm>>) target(%dma_start3A_979 : memref<8x128xf32, #tpu.memory_space<vmem>>) target_semaphore(%arg16 : memref<!tpu.dma_semaphore, #tpu.memory_space<semaphore_mem>>)
    %add3A_982 = arith.constant 384 : i32
    %add3A_983 = arith.addi %multiple_of3A_881, %add3A_982 : i32
    %dma_start3A_984 = arith.constant 8 : i32
    %dma_start3A_985 = tpu.memref_slice %arg11[%dma_start3A_984, %add3A_983] : memref<16x6144xf32, #tpu.memory_space<vmem>> -> memref<8x128xf32, #tpu.memory_space<vmem>>
    %dma_start3A_986 = arith.constant 8 : i32
    %dma_start3A_987 = tpu.memref_slice %arg6[%dma_start3A_986, %multiple_of3A_971] : memref<16x1000000xf32, #tpu.memory_space<hbm>> -> memref<8x128xf32, #tpu.memory_space<hbm>>
    %dma_start3A_988 = arith.constant 8 : i32
    %dma_start3A_989 = tpu.memref_slice %arg11[%dma_start3A_988, %add3A_983] : memref<16x6144xf32, #tpu.memory_space<vmem>> -> memref<8x128xf32, #tpu.memory_space<vmem>>
    %dma_start3A_990 = arith.constant 8 : i32
    %dma_start3A_991 = tpu.memref_slice %arg6[%dma_start3A_990, %multiple_of3A_971] : memref<16x1000000xf32, #tpu.memory_space<hbm>> -> memref<8x128xf32, #tpu.memory_space<hbm>>
    tpu.enqueue_dma source(%dma_start3A_991 : memref<8x128xf32, #tpu.memory_space<hbm>>) target(%dma_start3A_989 : memref<8x128xf32, #tpu.memory_space<vmem>>) target_semaphore(%arg16 : memref<!tpu.dma_semaphore, #tpu.memory_space<semaphore_mem>>)
    %slice3A_992 = vector.extract_strided_slice %get3A_883 {offsets = [4], sizes = [1], strides = [1]} : vector<16xi32> to vector<1xi32>
    %squeeze3A_993 = vector.extract %slice3A_992[0] : i32 from vector<1xi32>
    %shift_right_arithmetic3A_994 = arith.constant 7 : i32
    %shift_right_arithmetic3A_995 = arith.shrsi %squeeze3A_993, %shift_right_arithmetic3A_994 : i32
    %shift_left3A_996 = arith.constant 7 : i32
    %shift_left3A_997 = arith.shli %shift_right_arithmetic3A_995, %shift_left3A_996 : i32
    %multiple_of3A_998 = tpu.assume_multiple %shift_left3A_997, 128 : i32
    %add3A_999 = arith.constant 512 : i32
    %add3A_1000 = arith.addi %multiple_of3A_881, %add3A_999 : i32
    %dma_start3A_1001 = arith.constant 0 : i32
    %dma_start3A_1002 = tpu.memref_slice %arg11[%dma_start3A_1001, %add3A_1000] : memref<16x6144xf32, #tpu.memory_space<vmem>> -> memref<8x128xf32, #tpu.memory_space<vmem>>
    %dma_start3A_1003 = arith.constant 0 : i32
    %dma_start3A_1004 = tpu.memref_slice %arg6[%dma_start3A_1003, %multiple_of3A_998] : memref<16x1000000xf32, #tpu.memory_space<hbm>> -> memref<8x128xf32, #tpu.memory_space<hbm>>
    %dma_start3A_1005 = arith.constant 0 : i32
    %dma_start3A_1006 = tpu.memref_slice %arg11[%dma_start3A_1005, %add3A_1000] : memref<16x6144xf32, #tpu.memory_space<vmem>> -> memref<8x128xf32, #tpu.memory_space<vmem>>
    %dma_start3A_1007 = arith.constant 0 : i32
    %dma_start3A_1008 = tpu.memref_slice %arg6[%dma_start3A_1007, %multiple_of3A_998] : memref<16x1000000xf32, #tpu.memory_space<hbm>> -> memref<8x128xf32, #tpu.memory_space<hbm>>
    tpu.enqueue_dma source(%dma_start3A_1008 : memref<8x128xf32, #tpu.memory_space<hbm>>) target(%dma_start3A_1006 : memref<8x128xf32, #tpu.memory_space<vmem>>) target_semaphore(%arg16 : memref<!tpu.dma_semaphore, #tpu.memory_space<semaphore_mem>>)
    %add3A_1009 = arith.constant 512 : i32
    %add3A_1010 = arith.addi %multiple_of3A_881, %add3A_1009 : i32
    %dma_start3A_1011 = arith.constant 8 : i32
    %dma_start3A_1012 = tpu.memref_slice %arg11[%dma_start3A_1011, %add3A_1010] : memref<16x6144xf32, #tpu.memory_space<vmem>> -> memref<8x128xf32, #tpu.memory_space<vmem>>
    %dma_start3A_1013 = arith.constant 8 : i32
    %dma_start3A_1014 = tpu.memref_slice %arg6[%dma_start3A_1013, %multiple_of3A_998] : memref<16x1000000xf32, #tpu.memory_space<hbm>> -> memref<8x128xf32, #tpu.memory_space<hbm>>
    %dma_start3A_1015 = arith.constant 8 : i32
    %dma_start3A_1016 = tpu.memref_slice %arg11[%dma_start3A_1015, %add3A_1010] : memref<16x6144xf32, #tpu.memory_space<vmem>> -> memref<8x128xf32, #tpu.memory_space<vmem>>
    %dma_start3A_1017 = arith.constant 8 : i32
    %dma_start3A_1018 = tpu.memref_slice %arg6[%dma_start3A_1017, %multiple_of3A_998] : memref<16x1000000xf32, #tpu.memory_space<hbm>> -> memref<8x128xf32, #tpu.memory_space<hbm>>
    tpu.enqueue_dma source(%dma_start3A_1018 : memref<8x128xf32, #tpu.memory_space<hbm>>) target(%dma_start3A_1016 : memref<8x128xf32, #tpu.memory_space<vmem>>) target_semaphore(%arg16 : memref<!tpu.dma_semaphore, #tpu.memory_space<semaphore_mem>>)
    %slice3A_1019 = vector.extract_strided_slice %get3A_883 {offsets = [5], sizes = [1], strides = [1]} : vector<16xi32> to vector<1xi32>
    %squeeze3A_1020 = vector.extract %slice3A_1019[0] : i32 from vector<1xi32>
    %shift_right_arithmetic3A_1021 = arith.constant 7 : i32
    %shift_right_arithmetic3A_1022 = arith.shrsi %squeeze3A_1020, %shift_right_arithmetic3A_1021 : i32
    %shift_left3A_1023 = arith.constant 7 : i32
    %shift_left3A_1024 = arith.shli %shift_right_arithmetic3A_1022, %shift_left3A_1023 : i32
    %multiple_of3A_1025 = tpu.assume_multiple %shift_left3A_1024, 128 : i32
    %add3A_1026 = arith.constant 640 : i32
    %add3A_1027 = arith.addi %multiple_of3A_881, %add3A_1026 : i32
    %dma_start3A_1028 = arith.constant 0 : i32
    %dma_start3A_1029 = tpu.memref_slice %arg11[%dma_start3A_1028, %add3A_1027] : memref<16x6144xf32, #tpu.memory_space<vmem>> -> memref<8x128xf32, #tpu.memory_space<vmem>>
    %dma_start3A_1030 = arith.constant 0 : i32
    %dma_start3A_1031 = tpu.memref_slice %arg6[%dma_start3A_1030, %multiple_of3A_1025] : memref<16x1000000xf32, #tpu.memory_space<hbm>> -> memref<8x128xf32, #tpu.memory_space<hbm>>
    %dma_start3A_1032 = arith.constant 0 : i32
    %dma_start3A_1033 = tpu.memref_slice %arg11[%dma_start3A_1032, %add3A_1027] : memref<16x6144xf32, #tpu.memory_space<vmem>> -> memref<8x128xf32, #tpu.memory_space<vmem>>
    %dma_start3A_1034 = arith.constant 0 : i32
    %dma_start3A_1035 = tpu.memref_slice %arg6[%dma_start3A_1034, %multiple_of3A_1025] : memref<16x1000000xf32, #tpu.memory_space<hbm>> -> memref<8x128xf32, #tpu.memory_space<hbm>>
    tpu.enqueue_dma source(%dma_start3A_1035 : memref<8x128xf32, #tpu.memory_space<hbm>>) target(%dma_start3A_1033 : memref<8x128xf32, #tpu.memory_space<vmem>>) target_semaphore(%arg16 : memref<!tpu.dma_semaphore, #tpu.memory_space<semaphore_mem>>)
    %add3A_1036 = arith.constant 640 : i32
    %add3A_1037 = arith.addi %multiple_of3A_881, %add3A_1036 : i32
    %dma_start3A_1038 = arith.constant 8 : i32
    %dma_start3A_1039 = tpu.memref_slice %arg11[%dma_start3A_1038, %add3A_1037] : memref<16x6144xf32, #tpu.memory_space<vmem>> -> memref<8x128xf32, #tpu.memory_space<vmem>>
    %dma_start3A_1040 = arith.constant 8 : i32
    %dma_start3A_1041 = tpu.memref_slice %arg6[%dma_start3A_1040, %multiple_of3A_1025] : memref<16x1000000xf32, #tpu.memory_space<hbm>> -> memref<8x128xf32, #tpu.memory_space<hbm>>
    %dma_start3A_1042 = arith.constant 8 : i32
    %dma_start3A_1043 = tpu.memref_slice %arg11[%dma_start3A_1042, %add3A_1037] : memref<16x6144xf32, #tpu.memory_space<vmem>> -> memref<8x128xf32, #tpu.memory_space<vmem>>
    %dma_start3A_1044 = arith.constant 8 : i32
    %dma_start3A_1045 = tpu.memref_slice %arg6[%dma_start3A_1044, %multiple_of3A_1025] : memref<16x1000000xf32, #tpu.memory_space<hbm>> -> memref<8x128xf32, #tpu.memory_space<hbm>>
    tpu.enqueue_dma source(%dma_start3A_1045 : memref<8x128xf32, #tpu.memory_space<hbm>>) target(%dma_start3A_1043 : memref<8x128xf32, #tpu.memory_space<vmem>>) target_semaphore(%arg16 : memref<!tpu.dma_semaphore, #tpu.memory_space<semaphore_mem>>)
    %slice3A_1046 = vector.extract_strided_slice %get3A_883 {offsets = [6], sizes = [1], strides = [1]} : vector<16xi32> to vector<1xi32>
    %squeeze3A_1047 = vector.extract %slice3A_1046[0] : i32 from vector<1xi32>
    %shift_right_arithmetic3A_1048 = arith.constant 7 : i32
    %shift_right_arithmetic3A_1049 = arith.shrsi %squeeze3A_1047, %shift_right_arithmetic3A_1048 : i32
    %shift_left3A_1050 = arith.constant 7 : i32
    %shift_left3A_1051 = arith.shli %shift_right_arithmetic3A_1049, %shift_left3A_1050 : i32
    %multiple_of3A_1052 = tpu.assume_multiple %shift_left3A_1051, 128 : i32
    %add3A_1053 = arith.constant 768 : i32
    %add3A_1054 = arith.addi %multiple_of3A_881, %add3A_1053 : i32
    %dma_start3A_1055 = arith.constant 0 : i32
    %dma_start3A_1056 = tpu.memref_slice %arg11[%dma_start3A_1055, %add3A_1054] : memref<16x6144xf32, #tpu.memory_space<vmem>> -> memref<8x128xf32, #tpu.memory_space<vmem>>
    %dma_start3A_1057 = arith.constant 0 : i32
    %dma_start3A_1058 = tpu.memref_slice %arg6[%dma_start3A_1057, %multiple_of3A_1052] : memref<16x1000000xf32, #tpu.memory_space<hbm>> -> memref<8x128xf32, #tpu.memory_space<hbm>>
    %dma_start3A_1059 = arith.constant 0 : i32
    %dma_start3A_1060 = tpu.memref_slice %arg11[%dma_start3A_1059, %add3A_1054] : memref<16x6144xf32, #tpu.memory_space<vmem>> -> memref<8x128xf32, #tpu.memory_space<vmem>>
    %dma_start3A_1061 = arith.constant 0 : i32
    %dma_start3A_1062 = tpu.memref_slice %arg6[%dma_start3A_1061, %multiple_of3A_1052] : memref<16x1000000xf32, #tpu.memory_space<hbm>> -> memref<8x128xf32, #tpu.memory_space<hbm>>
    tpu.enqueue_dma source(%dma_start3A_1062 : memref<8x128xf32, #tpu.memory_space<hbm>>) target(%dma_start3A_1060 : memref<8x128xf32, #tpu.memory_space<vmem>>) target_semaphore(%arg16 : memref<!tpu.dma_semaphore, #tpu.memory_space<semaphore_mem>>)
    %add3A_1063 = arith.constant 768 : i32
    %add3A_1064 = arith.addi %multiple_of3A_881, %add3A_1063 : i32
    %dma_start3A_1065 = arith.constant 8 : i32
    %dma_start3A_1066 = tpu.memref_slice %arg11[%dma_start3A_1065, %add3A_1064] : memref<16x6144xf32, #tpu.memory_space<vmem>> -> memref<8x128xf32, #tpu.memory_space<vmem>>
    %dma_start3A_1067 = arith.constant 8 : i32
    %dma_start3A_1068 = tpu.memref_slice %arg6[%dma_start3A_1067, %multiple_of3A_1052] : memref<16x1000000xf32, #tpu.memory_space<hbm>> -> memref<8x128xf32, #tpu.memory_space<hbm>>
    %dma_start3A_1069 = arith.constant 8 : i32
    %dma_start3A_1070 = tpu.memref_slice %arg11[%dma_start3A_1069, %add3A_1064] : memref<16x6144xf32, #tpu.memory_space<vmem>> -> memref<8x128xf32, #tpu.memory_space<vmem>>
    %dma_start3A_1071 = arith.constant 8 : i32
    %dma_start3A_1072 = tpu.memref_slice %arg6[%dma_start3A_1071, %multiple_of3A_1052] : memref<16x1000000xf32, #tpu.memory_space<hbm>> -> memref<8x128xf32, #tpu.memory_space<hbm>>
    tpu.enqueue_dma source(%dma_start3A_1072 : memref<8x128xf32, #tpu.memory_space<hbm>>) target(%dma_start3A_1070 : memref<8x128xf32, #tpu.memory_space<vmem>>) target_semaphore(%arg16 : memref<!tpu.dma_semaphore, #tpu.memory_space<semaphore_mem>>)
    %slice3A_1073 = vector.extract_strided_slice %get3A_883 {offsets = [7], sizes = [1], strides = [1]} : vector<16xi32> to vector<1xi32>
    %squeeze3A_1074 = vector.extract %slice3A_1073[0] : i32 from vector<1xi32>
    %shift_right_arithmetic3A_1075 = arith.constant 7 : i32
    %shift_right_arithmetic3A_1076 = arith.shrsi %squeeze3A_1074, %shift_right_arithmetic3A_1075 : i32
    %shift_left3A_1077 = arith.constant 7 : i32
    %shift_left3A_1078 = arith.shli %shift_right_arithmetic3A_1076, %shift_left3A_1077 : i32
    %multiple_of3A_1079 = tpu.assume_multiple %shift_left3A_1078, 128 : i32
    %add3A_1080 = arith.constant 896 : i32
    %add3A_1081 = arith.addi %multiple_of3A_881, %add3A_1080 : i32
    %dma_start3A_1082 = arith.constant 0 : i32
    %dma_start3A_1083 = tpu.memref_slice %arg11[%dma_start3A_1082, %add3A_1081] : memref<16x6144xf32, #tpu.memory_space<vmem>> -> memref<8x128xf32, #tpu.memory_space<vmem>>
    %dma_start3A_1084 = arith.constant 0 : i32
    %dma_start3A_1085 = tpu.memref_slice %arg6[%dma_start3A_1084, %multiple_of3A_1079] : memref<16x1000000xf32, #tpu.memory_space<hbm>> -> memref<8x128xf32, #tpu.memory_space<hbm>>
    %dma_start3A_1086 = arith.constant 0 : i32
    %dma_start3A_1087 = tpu.memref_slice %arg11[%dma_start3A_1086, %add3A_1081] : memref<16x6144xf32, #tpu.memory_space<vmem>> -> memref<8x128xf32, #tpu.memory_space<vmem>>
    %dma_start3A_1088 = arith.constant 0 : i32
    %dma_start3A_1089 = tpu.memref_slice %arg6[%dma_start3A_1088, %multiple_of3A_1079] : memref<16x1000000xf32, #tpu.memory_space<hbm>> -> memref<8x128xf32, #tpu.memory_space<hbm>>
    tpu.enqueue_dma source(%dma_start3A_1089 : memref<8x128xf32, #tpu.memory_space<hbm>>) target(%dma_start3A_1087 : memref<8x128xf32, #tpu.memory_space<vmem>>) target_semaphore(%arg16 : memref<!tpu.dma_semaphore, #tpu.memory_space<semaphore_mem>>)
    %add3A_1090 = arith.constant 896 : i32
    %add3A_1091 = arith.addi %multiple_of3A_881, %add3A_1090 : i32
    %dma_start3A_1092 = arith.constant 8 : i32
    %dma_start3A_1093 = tpu.memref_slice %arg11[%dma_start3A_1092, %add3A_1091] : memref<16x6144xf32, #tpu.memory_space<vmem>> -> memref<8x128xf32, #tpu.memory_space<vmem>>
    %dma_start3A_1094 = arith.constant 8 : i32
    %dma_start3A_1095 = tpu.memref_slice %arg6[%dma_start3A_1094, %multiple_of3A_1079] : memref<16x1000000xf32, #tpu.memory_space<hbm>> -> memref<8x128xf32, #tpu.memory_space<hbm>>
    %dma_start3A_1096 = arith.constant 8 : i32
    %dma_start3A_1097 = tpu.memref_slice %arg11[%dma_start3A_1096, %add3A_1091] : memref<16x6144xf32, #tpu.memory_space<vmem>> -> memref<8x128xf32, #tpu.memory_space<vmem>>
    %dma_start3A_1098 = arith.constant 8 : i32
    %dma_start3A_1099 = tpu.memref_slice %arg6[%dma_start3A_1098, %multiple_of3A_1079] : memref<16x1000000xf32, #tpu.memory_space<hbm>> -> memref<8x128xf32, #tpu.memory_space<hbm>>
    tpu.enqueue_dma source(%dma_start3A_1099 : memref<8x128xf32, #tpu.memory_space<hbm>>) target(%dma_start3A_1097 : memref<8x128xf32, #tpu.memory_space<vmem>>) target_semaphore(%arg16 : memref<!tpu.dma_semaphore, #tpu.memory_space<semaphore_mem>>)
    %slice3A_1100 = vector.extract_strided_slice %get3A_883 {offsets = [8], sizes = [1], strides = [1]} : vector<16xi32> to vector<1xi32>
    %squeeze3A_1101 = vector.extract %slice3A_1100[0] : i32 from vector<1xi32>
    %shift_right_arithmetic3A_1102 = arith.constant 7 : i32
    %shift_right_arithmetic3A_1103 = arith.shrsi %squeeze3A_1101, %shift_right_arithmetic3A_1102 : i32
    %shift_left3A_1104 = arith.constant 7 : i32
    %shift_left3A_1105 = arith.shli %shift_right_arithmetic3A_1103, %shift_left3A_1104 : i32
    %multiple_of3A_1106 = tpu.assume_multiple %shift_left3A_1105, 128 : i32
    %add3A_1107 = arith.constant 1024 : i32
    %add3A_1108 = arith.addi %multiple_of3A_881, %add3A_1107 : i32
    %dma_start3A_1109 = arith.constant 0 : i32
    %dma_start3A_1110 = tpu.memref_slice %arg11[%dma_start3A_1109, %add3A_1108] : memref<16x6144xf32, #tpu.memory_space<vmem>> -> memref<8x128xf32, #tpu.memory_space<vmem>>
    %dma_start3A_1111 = arith.constant 0 : i32
    %dma_start3A_1112 = tpu.memref_slice %arg6[%dma_start3A_1111, %multiple_of3A_1106] : memref<16x1000000xf32, #tpu.memory_space<hbm>> -> memref<8x128xf32, #tpu.memory_space<hbm>>
    %dma_start3A_1113 = arith.constant 0 : i32
    %dma_start3A_1114 = tpu.memref_slice %arg11[%dma_start3A_1113, %add3A_1108] : memref<16x6144xf32, #tpu.memory_space<vmem>> -> memref<8x128xf32, #tpu.memory_space<vmem>>
    %dma_start3A_1115 = arith.constant 0 : i32
    %dma_start3A_1116 = tpu.memref_slice %arg6[%dma_start3A_1115, %multiple_of3A_1106] : memref<16x1000000xf32, #tpu.memory_space<hbm>> -> memref<8x128xf32, #tpu.memory_space<hbm>>
    tpu.enqueue_dma source(%dma_start3A_1116 : memref<8x128xf32, #tpu.memory_space<hbm>>) target(%dma_start3A_1114 : memref<8x128xf32, #tpu.memory_space<vmem>>) target_semaphore(%arg16 : memref<!tpu.dma_semaphore, #tpu.memory_space<semaphore_mem>>)
    %add3A_1117 = arith.constant 1024 : i32
    %add3A_1118 = arith.addi %multiple_of3A_881, %add3A_1117 : i32
    %dma_start3A_1119 = arith.constant 8 : i32
    %dma_start3A_1120 = tpu.memref_slice %arg11[%dma_start3A_1119, %add3A_1118] : memref<16x6144xf32, #tpu.memory_space<vmem>> -> memref<8x128xf32, #tpu.memory_space<vmem>>
    %dma_start3A_1121 = arith.constant 8 : i32
    %dma_start3A_1122 = tpu.memref_slice %arg6[%dma_start3A_1121, %multiple_of3A_1106] : memref<16x1000000xf32, #tpu.memory_space<hbm>> -> memref<8x128xf32, #tpu.memory_space<hbm>>
    %dma_start3A_1123 = arith.constant 8 : i32
    %dma_start3A_1124 = tpu.memref_slice %arg11[%dma_start3A_1123, %add3A_1118] : memref<16x6144xf32, #tpu.memory_space<vmem>> -> memref<8x128xf32, #tpu.memory_space<vmem>>
    %dma_start3A_1125 = arith.constant 8 : i32
    %dma_start3A_1126 = tpu.memref_slice %arg6[%dma_start3A_1125, %multiple_of3A_1106] : memref<16x1000000xf32, #tpu.memory_space<hbm>> -> memref<8x128xf32, #tpu.memory_space<hbm>>
    tpu.enqueue_dma source(%dma_start3A_1126 : memref<8x128xf32, #tpu.memory_space<hbm>>) target(%dma_start3A_1124 : memref<8x128xf32, #tpu.memory_space<vmem>>) target_semaphore(%arg16 : memref<!tpu.dma_semaphore, #tpu.memory_space<semaphore_mem>>)
    %slice3A_1127 = vector.extract_strided_slice %get3A_883 {offsets = [9], sizes = [1], strides = [1]} : vector<16xi32> to vector<1xi32>
    %squeeze3A_1128 = vector.extract %slice3A_1127[0] : i32 from vector<1xi32>
    %shift_right_arithmetic3A_1129 = arith.constant 7 : i32
    %shift_right_arithmetic3A_1130 = arith.shrsi %squeeze3A_1128, %shift_right_arithmetic3A_1129 : i32
    %shift_left3A_1131 = arith.constant 7 : i32
    %shift_left3A_1132 = arith.shli %shift_right_arithmetic3A_1130, %shift_left3A_1131 : i32
    %multiple_of3A_1133 = tpu.assume_multiple %shift_left3A_1132, 128 : i32
    %add3A_1134 = arith.constant 1152 : i32
    %add3A_1135 = arith.addi %multiple_of3A_881, %add3A_1134 : i32
    %dma_start3A_1136 = arith.constant 0 : i32
    %dma_start3A_1137 = tpu.memref_slice %arg11[%dma_start3A_1136, %add3A_1135] : memref<16x6144xf32, #tpu.memory_space<vmem>> -> memref<8x128xf32, #tpu.memory_space<vmem>>
    %dma_start3A_1138 = arith.constant 0 : i32
    %dma_start3A_1139 = tpu.memref_slice %arg6[%dma_start3A_1138, %multiple_of3A_1133] : memref<16x1000000xf32, #tpu.memory_space<hbm>> -> memref<8x128xf32, #tpu.memory_space<hbm>>
    %dma_start3A_1140 = arith.constant 0 : i32
    %dma_start3A_1141 = tpu.memref_slice %arg11[%dma_start3A_1140, %add3A_1135] : memref<16x6144xf32, #tpu.memory_space<vmem>> -> memref<8x128xf32, #tpu.memory_space<vmem>>
    %dma_start3A_1142 = arith.constant 0 : i32
    %dma_start3A_1143 = tpu.memref_slice %arg6[%dma_start3A_1142, %multiple_of3A_1133] : memref<16x1000000xf32, #tpu.memory_space<hbm>> -> memref<8x128xf32, #tpu.memory_space<hbm>>
    tpu.enqueue_dma source(%dma_start3A_1143 : memref<8x128xf32, #tpu.memory_space<hbm>>) target(%dma_start3A_1141 : memref<8x128xf32, #tpu.memory_space<vmem>>) target_semaphore(%arg16 : memref<!tpu.dma_semaphore, #tpu.memory_space<semaphore_mem>>)
    %add3A_1144 = arith.constant 1152 : i32
    %add3A_1145 = arith.addi %multiple_of3A_881, %add3A_1144 : i32
    %dma_start3A_1146 = arith.constant 8 : i32
    %dma_start3A_1147 = tpu.memref_slice %arg11[%dma_start3A_1146, %add3A_1145] : memref<16x6144xf32, #tpu.memory_space<vmem>> -> memref<8x128xf32, #tpu.memory_space<vmem>>
    %dma_start3A_1148 = arith.constant 8 : i32
    %dma_start3A_1149 = tpu.memref_slice %arg6[%dma_start3A_1148, %multiple_of3A_1133] : memref<16x1000000xf32, #tpu.memory_space<hbm>> -> memref<8x128xf32, #tpu.memory_space<hbm>>
    %dma_start3A_1150 = arith.constant 8 : i32
    %dma_start3A_1151 = tpu.memref_slice %arg11[%dma_start3A_1150, %add3A_1145] : memref<16x6144xf32, #tpu.memory_space<vmem>> -> memref<8x128xf32, #tpu.memory_space<vmem>>
    %dma_start3A_1152 = arith.constant 8 : i32
    %dma_start3A_1153 = tpu.memref_slice %arg6[%dma_start3A_1152, %multiple_of3A_1133] : memref<16x1000000xf32, #tpu.memory_space<hbm>> -> memref<8x128xf32, #tpu.memory_space<hbm>>
    tpu.enqueue_dma source(%dma_start3A_1153 : memref<8x128xf32, #tpu.memory_space<hbm>>) target(%dma_start3A_1151 : memref<8x128xf32, #tpu.memory_space<vmem>>) target_semaphore(%arg16 : memref<!tpu.dma_semaphore, #tpu.memory_space<semaphore_mem>>)
    %slice3A_1154 = vector.extract_strided_slice %get3A_883 {offsets = [10], sizes = [1], strides = [1]} : vector<16xi32> to vector<1xi32>
    %squeeze3A_1155 = vector.extract %slice3A_1154[0] : i32 from vector<1xi32>
    %shift_right_arithmetic3A_1156 = arith.constant 7 : i32
    %shift_right_arithmetic3A_1157 = arith.shrsi %squeeze3A_1155, %shift_right_arithmetic3A_1156 : i32
    %shift_left3A_1158 = arith.constant 7 : i32
    %shift_left3A_1159 = arith.shli %shift_right_arithmetic3A_1157, %shift_left3A_1158 : i32
    %multiple_of3A_1160 = tpu.assume_multiple %shift_left3A_1159, 128 : i32
    %add3A_1161 = arith.constant 1280 : i32
    %add3A_1162 = arith.addi %multiple_of3A_881, %add3A_1161 : i32
    %dma_start3A_1163 = arith.constant 0 : i32
    %dma_start3A_1164 = tpu.memref_slice %arg11[%dma_start3A_1163, %add3A_1162] : memref<16x6144xf32, #tpu.memory_space<vmem>> -> memref<8x128xf32, #tpu.memory_space<vmem>>
    %dma_start3A_1165 = arith.constant 0 : i32
    %dma_start3A_1166 = tpu.memref_slice %arg6[%dma_start3A_1165, %multiple_of3A_1160] : memref<16x1000000xf32, #tpu.memory_space<hbm>> -> memref<8x128xf32, #tpu.memory_space<hbm>>
    %dma_start3A_1167 = arith.constant 0 : i32
    %dma_start3A_1168 = tpu.memref_slice %arg11[%dma_start3A_1167, %add3A_1162] : memref<16x6144xf32, #tpu.memory_space<vmem>> -> memref<8x128xf32, #tpu.memory_space<vmem>>
    %dma_start3A_1169 = arith.constant 0 : i32
    %dma_start3A_1170 = tpu.memref_slice %arg6[%dma_start3A_1169, %multiple_of3A_1160] : memref<16x1000000xf32, #tpu.memory_space<hbm>> -> memref<8x128xf32, #tpu.memory_space<hbm>>
    tpu.enqueue_dma source(%dma_start3A_1170 : memref<8x128xf32, #tpu.memory_space<hbm>>) target(%dma_start3A_1168 : memref<8x128xf32, #tpu.memory_space<vmem>>) target_semaphore(%arg16 : memref<!tpu.dma_semaphore, #tpu.memory_space<semaphore_mem>>)
    %add3A_1171 = arith.constant 1280 : i32
    %add3A_1172 = arith.addi %multiple_of3A_881, %add3A_1171 : i32
    %dma_start3A_1173 = arith.constant 8 : i32
    %dma_start3A_1174 = tpu.memref_slice %arg11[%dma_start3A_1173, %add3A_1172] : memref<16x6144xf32, #tpu.memory_space<vmem>> -> memref<8x128xf32, #tpu.memory_space<vmem>>
    %dma_start3A_1175 = arith.constant 8 : i32
    %dma_start3A_1176 = tpu.memref_slice %arg6[%dma_start3A_1175, %multiple_of3A_1160] : memref<16x1000000xf32, #tpu.memory_space<hbm>> -> memref<8x128xf32, #tpu.memory_space<hbm>>
    %dma_start3A_1177 = arith.constant 8 : i32
    %dma_start3A_1178 = tpu.memref_slice %arg11[%dma_start3A_1177, %add3A_1172] : memref<16x6144xf32, #tpu.memory_space<vmem>> -> memref<8x128xf32, #tpu.memory_space<vmem>>
    %dma_start3A_1179 = arith.constant 8 : i32
    %dma_start3A_1180 = tpu.memref_slice %arg6[%dma_start3A_1179, %multiple_of3A_1160] : memref<16x1000000xf32, #tpu.memory_space<hbm>> -> memref<8x128xf32, #tpu.memory_space<hbm>>
    tpu.enqueue_dma source(%dma_start3A_1180 : memref<8x128xf32, #tpu.memory_space<hbm>>) target(%dma_start3A_1178 : memref<8x128xf32, #tpu.memory_space<vmem>>) target_semaphore(%arg16 : memref<!tpu.dma_semaphore, #tpu.memory_space<semaphore_mem>>)
    %slice3A_1181 = vector.extract_strided_slice %get3A_883 {offsets = [11], sizes = [1], strides = [1]} : vector<16xi32> to vector<1xi32>
    %squeeze3A_1182 = vector.extract %slice3A_1181[0] : i32 from vector<1xi32>
    %shift_right_arithmetic3A_1183 = arith.constant 7 : i32
    %shift_right_arithmetic3A_1184 = arith.shrsi %squeeze3A_1182, %shift_right_arithmetic3A_1183 : i32
    %shift_left3A_1185 = arith.constant 7 : i32
    %shift_left3A_1186 = arith.shli %shift_right_arithmetic3A_1184, %shift_left3A_1185 : i32
    %multiple_of3A_1187 = tpu.assume_multiple %shift_left3A_1186, 128 : i32
    %add3A_1188 = arith.constant 1408 : i32
    %add3A_1189 = arith.addi %multiple_of3A_881, %add3A_1188 : i32
    %dma_start3A_1190 = arith.constant 0 : i32
    %dma_start3A_1191 = tpu.memref_slice %arg11[%dma_start3A_1190, %add3A_1189] : memref<16x6144xf32, #tpu.memory_space<vmem>> -> memref<8x128xf32, #tpu.memory_space<vmem>>
    %dma_start3A_1192 = arith.constant 0 : i32
    %dma_start3A_1193 = tpu.memref_slice %arg6[%dma_start3A_1192, %multiple_of3A_1187] : memref<16x1000000xf32, #tpu.memory_space<hbm>> -> memref<8x128xf32, #tpu.memory_space<hbm>>
    %dma_start3A_1194 = arith.constant 0 : i32
    %dma_start3A_1195 = tpu.memref_slice %arg11[%dma_start3A_1194, %add3A_1189] : memref<16x6144xf32, #tpu.memory_space<vmem>> -> memref<8x128xf32, #tpu.memory_space<vmem>>
    %dma_start3A_1196 = arith.constant 0 : i32
    %dma_start3A_1197 = tpu.memref_slice %arg6[%dma_start3A_1196, %multiple_of3A_1187] : memref<16x1000000xf32, #tpu.memory_space<hbm>> -> memref<8x128xf32, #tpu.memory_space<hbm>>
    tpu.enqueue_dma source(%dma_start3A_1197 : memref<8x128xf32, #tpu.memory_space<hbm>>) target(%dma_start3A_1195 : memref<8x128xf32, #tpu.memory_space<vmem>>) target_semaphore(%arg16 : memref<!tpu.dma_semaphore, #tpu.memory_space<semaphore_mem>>)
    %add3A_1198 = arith.constant 1408 : i32
    %add3A_1199 = arith.addi %multiple_of3A_881, %add3A_1198 : i32
    %dma_start3A_1200 = arith.constant 8 : i32
    %dma_start3A_1201 = tpu.memref_slice %arg11[%dma_start3A_1200, %add3A_1199] : memref<16x6144xf32, #tpu.memory_space<vmem>> -> memref<8x128xf32, #tpu.memory_space<vmem>>
    %dma_start3A_1202 = arith.constant 8 : i32
    %dma_start3A_1203 = tpu.memref_slice %arg6[%dma_start3A_1202, %multiple_of3A_1187] : memref<16x1000000xf32, #tpu.memory_space<hbm>> -> memref<8x128xf32, #tpu.memory_space<hbm>>
    %dma_start3A_1204 = arith.constant 8 : i32
    %dma_start3A_1205 = tpu.memref_slice %arg11[%dma_start3A_1204, %add3A_1199] : memref<16x6144xf32, #tpu.memory_space<vmem>> -> memref<8x128xf32, #tpu.memory_space<vmem>>
    %dma_start3A_1206 = arith.constant 8 : i32
    %dma_start3A_1207 = tpu.memref_slice %arg6[%dma_start3A_1206, %multiple_of3A_1187] : memref<16x1000000xf32, #tpu.memory_space<hbm>> -> memref<8x128xf32, #tpu.memory_space<hbm>>
    tpu.enqueue_dma source(%dma_start3A_1207 : memref<8x128xf32, #tpu.memory_space<hbm>>) target(%dma_start3A_1205 : memref<8x128xf32, #tpu.memory_space<vmem>>) target_semaphore(%arg16 : memref<!tpu.dma_semaphore, #tpu.memory_space<semaphore_mem>>)
    %slice3A_1208 = vector.extract_strided_slice %get3A_883 {offsets = [12], sizes = [1], strides = [1]} : vector<16xi32> to vector<1xi32>
    %squeeze3A_1209 = vector.extract %slice3A_1208[0] : i32 from vector<1xi32>
    %shift_right_arithmetic3A_1210 = arith.constant 7 : i32
    %shift_right_arithmetic3A_1211 = arith.shrsi %squeeze3A_1209, %shift_right_arithmetic3A_1210 : i32
    %shift_left3A_1212 = arith.constant 7 : i32
    %shift_left3A_1213 = arith.shli %shift_right_arithmetic3A_1211, %shift_left3A_1212 : i32
    %multiple_of3A_1214 = tpu.assume_multiple %shift_left3A_1213, 128 : i32
    %add3A_1215 = arith.constant 1536 : i32
    %add3A_1216 = arith.addi %multiple_of3A_881, %add3A_1215 : i32
    %dma_start3A_1217 = arith.constant 0 : i32
    %dma_start3A_1218 = tpu.memref_slice %arg11[%dma_start3A_1217, %add3A_1216] : memref<16x6144xf32, #tpu.memory_space<vmem>> -> memref<8x128xf32, #tpu.memory_space<vmem>>
    %dma_start3A_1219 = arith.constant 0 : i32
    %dma_start3A_1220 = tpu.memref_slice %arg6[%dma_start3A_1219, %multiple_of3A_1214] : memref<16x1000000xf32, #tpu.memory_space<hbm>> -> memref<8x128xf32, #tpu.memory_space<hbm>>
    %dma_start3A_1221 = arith.constant 0 : i32
    %dma_start3A_1222 = tpu.memref_slice %arg11[%dma_start3A_1221, %add3A_1216] : memref<16x6144xf32, #tpu.memory_space<vmem>> -> memref<8x128xf32, #tpu.memory_space<vmem>>
    %dma_start3A_1223 = arith.constant 0 : i32
    %dma_start3A_1224 = tpu.memref_slice %arg6[%dma_start3A_1223, %multiple_of3A_1214] : memref<16x1000000xf32, #tpu.memory_space<hbm>> -> memref<8x128xf32, #tpu.memory_space<hbm>>
    tpu.enqueue_dma source(%dma_start3A_1224 : memref<8x128xf32, #tpu.memory_space<hbm>>) target(%dma_start3A_1222 : memref<8x128xf32, #tpu.memory_space<vmem>>) target_semaphore(%arg16 : memref<!tpu.dma_semaphore, #tpu.memory_space<semaphore_mem>>)
    %add3A_1225 = arith.constant 1536 : i32
    %add3A_1226 = arith.addi %multiple_of3A_881, %add3A_1225 : i32
    %dma_start3A_1227 = arith.constant 8 : i32
    %dma_start3A_1228 = tpu.memref_slice %arg11[%dma_start3A_1227, %add3A_1226] : memref<16x6144xf32, #tpu.memory_space<vmem>> -> memref<8x128xf32, #tpu.memory_space<vmem>>
    %dma_start3A_1229 = arith.constant 8 : i32
    %dma_start3A_1230 = tpu.memref_slice %arg6[%dma_start3A_1229, %multiple_of3A_1214] : memref<16x1000000xf32, #tpu.memory_space<hbm>> -> memref<8x128xf32, #tpu.memory_space<hbm>>
    %dma_start3A_1231 = arith.constant 8 : i32
    %dma_start3A_1232 = tpu.memref_slice %arg11[%dma_start3A_1231, %add3A_1226] : memref<16x6144xf32, #tpu.memory_space<vmem>> -> memref<8x128xf32, #tpu.memory_space<vmem>>
    %dma_start3A_1233 = arith.constant 8 : i32
    %dma_start3A_1234 = tpu.memref_slice %arg6[%dma_start3A_1233, %multiple_of3A_1214] : memref<16x1000000xf32, #tpu.memory_space<hbm>> -> memref<8x128xf32, #tpu.memory_space<hbm>>
    tpu.enqueue_dma source(%dma_start3A_1234 : memref<8x128xf32, #tpu.memory_space<hbm>>) target(%dma_start3A_1232 : memref<8x128xf32, #tpu.memory_space<vmem>>) target_semaphore(%arg16 : memref<!tpu.dma_semaphore, #tpu.memory_space<semaphore_mem>>)
    %slice3A_1235 = vector.extract_strided_slice %get3A_883 {offsets = [13], sizes = [1], strides = [1]} : vector<16xi32> to vector<1xi32>
    %squeeze3A_1236 = vector.extract %slice3A_1235[0] : i32 from vector<1xi32>
    %shift_right_arithmetic3A_1237 = arith.constant 7 : i32
    %shift_right_arithmetic3A_1238 = arith.shrsi %squeeze3A_1236, %shift_right_arithmetic3A_1237 : i32
    %shift_left3A_1239 = arith.constant 7 : i32
    %shift_left3A_1240 = arith.shli %shift_right_arithmetic3A_1238, %shift_left3A_1239 : i32
    %multiple_of3A_1241 = tpu.assume_multiple %shift_left3A_1240, 128 : i32
    %add3A_1242 = arith.constant 1664 : i32
    %add3A_1243 = arith.addi %multiple_of3A_881, %add3A_1242 : i32
    %dma_start3A_1244 = arith.constant 0 : i32
    %dma_start3A_1245 = tpu.memref_slice %arg11[%dma_start3A_1244, %add3A_1243] : memref<16x6144xf32, #tpu.memory_space<vmem>> -> memref<8x128xf32, #tpu.memory_space<vmem>>
    %dma_start3A_1246 = arith.constant 0 : i32
    %dma_start3A_1247 = tpu.memref_slice %arg6[%dma_start3A_1246, %multiple_of3A_1241] : memref<16x1000000xf32, #tpu.memory_space<hbm>> -> memref<8x128xf32, #tpu.memory_space<hbm>>
    %dma_start3A_1248 = arith.constant 0 : i32
    %dma_start3A_1249 = tpu.memref_slice %arg11[%dma_start3A_1248, %add3A_1243] : memref<16x6144xf32, #tpu.memory_space<vmem>> -> memref<8x128xf32, #tpu.memory_space<vmem>>
    %dma_start3A_1250 = arith.constant 0 : i32
    %dma_start3A_1251 = tpu.memref_slice %arg6[%dma_start3A_1250, %multiple_of3A_1241] : memref<16x1000000xf32, #tpu.memory_space<hbm>> -> memref<8x128xf32, #tpu.memory_space<hbm>>
    tpu.enqueue_dma source(%dma_start3A_1251 : memref<8x128xf32, #tpu.memory_space<hbm>>) target(%dma_start3A_1249 : memref<8x128xf32, #tpu.memory_space<vmem>>) target_semaphore(%arg16 : memref<!tpu.dma_semaphore, #tpu.memory_space<semaphore_mem>>)
    %add3A_1252 = arith.constant 1664 : i32
    %add3A_1253 = arith.addi %multiple_of3A_881, %add3A_1252 : i32
    %dma_start3A_1254 = arith.constant 8 : i32
    %dma_start3A_1255 = tpu.memref_slice %arg11[%dma_start3A_1254, %add3A_1253] : memref<16x6144xf32, #tpu.memory_space<vmem>> -> memref<8x128xf32, #tpu.memory_space<vmem>>
    %dma_start3A_1256 = arith.constant 8 : i32
    %dma_start3A_1257 = tpu.memref_slice %arg6[%dma_start3A_1256, %multiple_of3A_1241] : memref<16x1000000xf32, #tpu.memory_space<hbm>> -> memref<8x128xf32, #tpu.memory_space<hbm>>
    %dma_start3A_1258 = arith.constant 8 : i32
    %dma_start3A_1259 = tpu.memref_slice %arg11[%dma_start3A_1258, %add3A_1253] : memref<16x6144xf32, #tpu.memory_space<vmem>> -> memref<8x128xf32, #tpu.memory_space<vmem>>
    %dma_start3A_1260 = arith.constant 8 : i32
    %dma_start3A_1261 = tpu.memref_slice %arg6[%dma_start3A_1260, %multiple_of3A_1241] : memref<16x1000000xf32, #tpu.memory_space<hbm>> -> memref<8x128xf32, #tpu.memory_space<hbm>>
    tpu.enqueue_dma source(%dma_start3A_1261 : memref<8x128xf32, #tpu.memory_space<hbm>>) target(%dma_start3A_1259 : memref<8x128xf32, #tpu.memory_space<vmem>>) target_semaphore(%arg16 : memref<!tpu.dma_semaphore, #tpu.memory_space<semaphore_mem>>)
    %slice3A_1262 = vector.extract_strided_slice %get3A_883 {offsets = [14], sizes = [1], strides = [1]} : vector<16xi32> to vector<1xi32>
    %squeeze3A_1263 = vector.extract %slice3A_1262[0] : i32 from vector<1xi32>
    %shift_right_arithmetic3A_1264 = arith.constant 7 : i32
    %shift_right_arithmetic3A_1265 = arith.shrsi %squeeze3A_1263, %shift_right_arithmetic3A_1264 : i32
    %shift_left3A_1266 = arith.constant 7 : i32
    %shift_left3A_1267 = arith.shli %shift_right_arithmetic3A_1265, %shift_left3A_1266 : i32
    %multiple_of3A_1268 = tpu.assume_multiple %shift_left3A_1267, 128 : i32
    %add3A_1269 = arith.constant 1792 : i32
    %add3A_1270 = arith.addi %multiple_of3A_881, %add3A_1269 : i32
    %dma_start3A_1271 = arith.constant 0 : i32
    %dma_start3A_1272 = tpu.memref_slice %arg11[%dma_start3A_1271, %add3A_1270] : memref<16x6144xf32, #tpu.memory_space<vmem>> -> memref<8x128xf32, #tpu.memory_space<vmem>>
    %dma_start3A_1273 = arith.constant 0 : i32
    %dma_start3A_1274 = tpu.memref_slice %arg6[%dma_start3A_1273, %multiple_of3A_1268] : memref<16x1000000xf32, #tpu.memory_space<hbm>> -> memref<8x128xf32, #tpu.memory_space<hbm>>
    %dma_start3A_1275 = arith.constant 0 : i32
    %dma_start3A_1276 = tpu.memref_slice %arg11[%dma_start3A_1275, %add3A_1270] : memref<16x6144xf32, #tpu.memory_space<vmem>> -> memref<8x128xf32, #tpu.memory_space<vmem>>
    %dma_start3A_1277 = arith.constant 0 : i32
    %dma_start3A_1278 = tpu.memref_slice %arg6[%dma_start3A_1277, %multiple_of3A_1268] : memref<16x1000000xf32, #tpu.memory_space<hbm>> -> memref<8x128xf32, #tpu.memory_space<hbm>>
    tpu.enqueue_dma source(%dma_start3A_1278 : memref<8x128xf32, #tpu.memory_space<hbm>>) target(%dma_start3A_1276 : memref<8x128xf32, #tpu.memory_space<vmem>>) target_semaphore(%arg16 : memref<!tpu.dma_semaphore, #tpu.memory_space<semaphore_mem>>)
    %add3A_1279 = arith.constant 1792 : i32
    %add3A_1280 = arith.addi %multiple_of3A_881, %add3A_1279 : i32
    %dma_start3A_1281 = arith.constant 8 : i32
    %dma_start3A_1282 = tpu.memref_slice %arg11[%dma_start3A_1281, %add3A_1280] : memref<16x6144xf32, #tpu.memory_space<vmem>> -> memref<8x128xf32, #tpu.memory_space<vmem>>
    %dma_start3A_1283 = arith.constant 8 : i32
    %dma_start3A_1284 = tpu.memref_slice %arg6[%dma_start3A_1283, %multiple_of3A_1268] : memref<16x1000000xf32, #tpu.memory_space<hbm>> -> memref<8x128xf32, #tpu.memory_space<hbm>>
    %dma_start3A_1285 = arith.constant 8 : i32
    %dma_start3A_1286 = tpu.memref_slice %arg11[%dma_start3A_1285, %add3A_1280] : memref<16x6144xf32, #tpu.memory_space<vmem>> -> memref<8x128xf32, #tpu.memory_space<vmem>>
    %dma_start3A_1287 = arith.constant 8 : i32
    %dma_start3A_1288 = tpu.memref_slice %arg6[%dma_start3A_1287, %multiple_of3A_1268] : memref<16x1000000xf32, #tpu.memory_space<hbm>> -> memref<8x128xf32, #tpu.memory_space<hbm>>
    tpu.enqueue_dma source(%dma_start3A_1288 : memref<8x128xf32, #tpu.memory_space<hbm>>) target(%dma_start3A_1286 : memref<8x128xf32, #tpu.memory_space<vmem>>) target_semaphore(%arg16 : memref<!tpu.dma_semaphore, #tpu.memory_space<semaphore_mem>>)
    %slice3A_1289 = vector.extract_strided_slice %get3A_883 {offsets = [15], sizes = [1], strides = [1]} : vector<16xi32> to vector<1xi32>
    %squeeze3A_1290 = vector.extract %slice3A_1289[0] : i32 from vector<1xi32>
    %shift_right_arithmetic3A_1291 = arith.constant 7 : i32
    %shift_right_arithmetic3A_1292 = arith.shrsi %squeeze3A_1290, %shift_right_arithmetic3A_1291 : i32
    %shift_left3A_1293 = arith.constant 7 : i32
    %shift_left3A_1294 = arith.shli %shift_right_arithmetic3A_1292, %shift_left3A_1293 : i32
    %multiple_of3A_1295 = tpu.assume_multiple %shift_left3A_1294, 128 : i32
    %add3A_1296 = arith.constant 1920 : i32
    %add3A_1297 = arith.addi %multiple_of3A_881, %add3A_1296 : i32
    %dma_start3A_1298 = arith.constant 0 : i32
    %dma_start3A_1299 = tpu.memref_slice %arg11[%dma_start3A_1298, %add3A_1297] : memref<16x6144xf32, #tpu.memory_space<vmem>> -> memref<8x128xf32, #tpu.memory_space<vmem>>
    %dma_start3A_1300 = arith.constant 0 : i32
    %dma_start3A_1301 = tpu.memref_slice %arg6[%dma_start3A_1300, %multiple_of3A_1295] : memref<16x1000000xf32, #tpu.memory_space<hbm>> -> memref<8x128xf32, #tpu.memory_space<hbm>>
    %dma_start3A_1302 = arith.constant 0 : i32
    %dma_start3A_1303 = tpu.memref_slice %arg11[%dma_start3A_1302, %add3A_1297] : memref<16x6144xf32, #tpu.memory_space<vmem>> -> memref<8x128xf32, #tpu.memory_space<vmem>>
    %dma_start3A_1304 = arith.constant 0 : i32
    %dma_start3A_1305 = tpu.memref_slice %arg6[%dma_start3A_1304, %multiple_of3A_1295] : memref<16x1000000xf32, #tpu.memory_space<hbm>> -> memref<8x128xf32, #tpu.memory_space<hbm>>
    tpu.enqueue_dma source(%dma_start3A_1305 : memref<8x128xf32, #tpu.memory_space<hbm>>) target(%dma_start3A_1303 : memref<8x128xf32, #tpu.memory_space<vmem>>) target_semaphore(%arg16 : memref<!tpu.dma_semaphore, #tpu.memory_space<semaphore_mem>>)
    %add3A_1306 = arith.constant 1920 : i32
    %add3A_1307 = arith.addi %multiple_of3A_881, %add3A_1306 : i32
    %dma_start3A_1308 = arith.constant 8 : i32
    %dma_start3A_1309 = tpu.memref_slice %arg11[%dma_start3A_1308, %add3A_1307] : memref<16x6144xf32, #tpu.memory_space<vmem>> -> memref<8x128xf32, #tpu.memory_space<vmem>>
    %dma_start3A_1310 = arith.constant 8 : i32
    %dma_start3A_1311 = tpu.memref_slice %arg6[%dma_start3A_1310, %multiple_of3A_1295] : memref<16x1000000xf32, #tpu.memory_space<hbm>> -> memref<8x128xf32, #tpu.memory_space<hbm>>
    %dma_start3A_1312 = arith.constant 8 : i32
    %dma_start3A_1313 = tpu.memref_slice %arg11[%dma_start3A_1312, %add3A_1307] : memref<16x6144xf32, #tpu.memory_space<vmem>> -> memref<8x128xf32, #tpu.memory_space<vmem>>
    %dma_start3A_1314 = arith.constant 8 : i32
    %dma_start3A_1315 = tpu.memref_slice %arg6[%dma_start3A_1314, %multiple_of3A_1295] : memref<16x1000000xf32, #tpu.memory_space<hbm>> -> memref<8x128xf32, #tpu.memory_space<hbm>>
    tpu.enqueue_dma source(%dma_start3A_1315 : memref<8x128xf32, #tpu.memory_space<hbm>>) target(%dma_start3A_1313 : memref<8x128xf32, #tpu.memory_space<vmem>>) target_semaphore(%arg16 : memref<!tpu.dma_semaphore, #tpu.memory_space<semaphore_mem>>)
    %multiple_of3A_1316 = arith.constant 16 : i32
    %multiple_of3A_1317 = tpu.assume_multiple %multiple_of3A_1316, 16 : i32
    %multiple_of3A_1318 = arith.constant 2048 : i32
    %multiple_of3A_1319 = tpu.assume_multiple %multiple_of3A_1318, 2048 : i32
    %get3A_1320 = arith.index_cast %multiple_of3A_1317 : i32 to index
    %get3A_1321 = tpu.vector_load %arg10[%get3A_1320] {strides = array<i32>} : memref<512xi32, #tpu.memory_space<vmem>>, vector<16xi32>,
    %slice3A_1322 = vector.extract_strided_slice %get3A_1321 {offsets = [0], sizes = [1], strides = [1]} : vector<16xi32> to vector<1xi32>
    %squeeze3A_1323 = vector.extract %slice3A_1322[0] : i32 from vector<1xi32>
    %shift_right_arithmetic3A_1324 = arith.constant 7 : i32
    %shift_right_arithmetic3A_1325 = arith.shrsi %squeeze3A_1323, %shift_right_arithmetic3A_1324 : i32
    %shift_left3A_1326 = arith.constant 7 : i32
    %shift_left3A_1327 = arith.shli %shift_right_arithmetic3A_1325, %shift_left3A_1326 : i32
    %multiple_of3A_1328 = tpu.assume_multiple %shift_left3A_1327, 128 : i32
    %add3A_1329 = arith.constant 0 : i32
    %add3A_1330 = arith.addi %multiple_of3A_1319, %add3A_1329 : i32
    %dma_start3A_1331 = arith.constant 0 : i32
    %dma_start3A_1332 = tpu.memref_slice %arg11[%dma_start3A_1331, %add3A_1330] : memref<16x6144xf32, #tpu.memory_space<vmem>> -> memref<8x128xf32, #tpu.memory_space<vmem>>
    %dma_start3A_1333 = arith.constant 0 : i32
    %dma_start3A_1334 = tpu.memref_slice %arg6[%dma_start3A_1333, %multiple_of3A_1328] : memref<16x1000000xf32, #tpu.memory_space<hbm>> -> memref<8x128xf32, #tpu.memory_space<hbm>>
    %dma_start3A_1335 = arith.constant 0 : i32
    %dma_start3A_1336 = tpu.memref_slice %arg11[%dma_start3A_1335, %add3A_1330] : memref<16x6144xf32, #tpu.memory_space<vmem>> -> memref<8x128xf32, #tpu.memory_space<vmem>>
    %dma_start3A_1337 = arith.constant 0 : i32
    %dma_start3A_1338 = tpu.memref_slice %arg6[%dma_start3A_1337, %multiple_of3A_1328] : memref<16x1000000xf32, #tpu.memory_space<hbm>> -> memref<8x128xf32, #tpu.memory_space<hbm>>
    tpu.enqueue_dma source(%dma_start3A_1338 : memref<8x128xf32, #tpu.memory_space<hbm>>) target(%dma_start3A_1336 : memref<8x128xf32, #tpu.memory_space<vmem>>) target_semaphore(%arg16 : memref<!tpu.dma_semaphore, #tpu.memory_space<semaphore_mem>>)
    %add3A_1339 = arith.constant 0 : i32
    %add3A_1340 = arith.addi %multiple_of3A_1319, %add3A_1339 : i32
    %dma_start3A_1341 = arith.constant 8 : i32
    %dma_start3A_1342 = tpu.memref_slice %arg11[%dma_start3A_1341, %add3A_1340] : memref<16x6144xf32, #tpu.memory_space<vmem>> -> memref<8x128xf32, #tpu.memory_space<vmem>>
    %dma_start3A_1343 = arith.constant 8 : i32
    %dma_start3A_1344 = tpu.memref_slice %arg6[%dma_start3A_1343, %multiple_of3A_1328] : memref<16x1000000xf32, #tpu.memory_space<hbm>> -> memref<8x128xf32, #tpu.memory_space<hbm>>
    %dma_start3A_1345 = arith.constant 8 : i32
    %dma_start3A_1346 = tpu.memref_slice %arg11[%dma_start3A_1345, %add3A_1340] : memref<16x6144xf32, #tpu.memory_space<vmem>> -> memref<8x128xf32, #tpu.memory_space<vmem>>
    %dma_start3A_1347 = arith.constant 8 : i32
    %dma_start3A_1348 = tpu.memref_slice %arg6[%dma_start3A_1347, %multiple_of3A_1328] : memref<16x1000000xf32, #tpu.memory_space<hbm>> -> memref<8x128xf32, #tpu.memory_space<hbm>>
    tpu.enqueue_dma source(%dma_start3A_1348 : memref<8x128xf32, #tpu.memory_space<hbm>>) target(%dma_start3A_1346 : memref<8x128xf32, #tpu.memory_space<vmem>>) target_semaphore(%arg16 : memref<!tpu.dma_semaphore, #tpu.memory_space<semaphore_mem>>)
    %slice3A_1349 = vector.extract_strided_slice %get3A_1321 {offsets = [1], sizes = [1], strides = [1]} : vector<16xi32> to vector<1xi32>
    %squeeze3A_1350 = vector.extract %slice3A_1349[0] : i32 from vector<1xi32>
    %shift_right_arithmetic3A_1351 = arith.constant 7 : i32
    %shift_right_arithmetic3A_1352 = arith.shrsi %squeeze3A_1350, %shift_right_arithmetic3A_1351 : i32
    %shift_left3A_1353 = arith.constant 7 : i32
    %shift_left3A_1354 = arith.shli %shift_right_arithmetic3A_1352, %shift_left3A_1353 : i32
    %multiple_of3A_1355 = tpu.assume_multiple %shift_left3A_1354, 128 : i32
    %add3A_1356 = arith.constant 128 : i32
    %add3A_1357 = arith.addi %multiple_of3A_1319, %add3A_1356 : i32
    %dma_start3A_1358 = arith.constant 0 : i32
    %dma_start3A_1359 = tpu.memref_slice %arg11[%dma_start3A_1358, %add3A_1357] : memref<16x6144xf32, #tpu.memory_space<vmem>> -> memref<8x128xf32, #tpu.memory_space<vmem>>
    %dma_start3A_1360 = arith.constant 0 : i32
    %dma_start3A_1361 = tpu.memref_slice %arg6[%dma_start3A_1360, %multiple_of3A_1355] : memref<16x1000000xf32, #tpu.memory_space<hbm>> -> memref<8x128xf32, #tpu.memory_space<hbm>>
    %dma_start3A_1362 = arith.constant 0 : i32
    %dma_start3A_1363 = tpu.memref_slice %arg11[%dma_start3A_1362, %add3A_1357] : memref<16x6144xf32, #tpu.memory_space<vmem>> -> memref<8x128xf32, #tpu.memory_space<vmem>>
    %dma_start3A_1364 = arith.constant 0 : i32
    %dma_start3A_1365 = tpu.memref_slice %arg6[%dma_start3A_1364, %multiple_of3A_1355] : memref<16x1000000xf32, #tpu.memory_space<hbm>> -> memref<8x128xf32, #tpu.memory_space<hbm>>
    tpu.enqueue_dma source(%dma_start3A_1365 : memref<8x128xf32, #tpu.memory_space<hbm>>) target(%dma_start3A_1363 : memref<8x128xf32, #tpu.memory_space<vmem>>) target_semaphore(%arg16 : memref<!tpu.dma_semaphore, #tpu.memory_space<semaphore_mem>>)
    %add3A_1366 = arith.constant 128 : i32
    %add3A_1367 = arith.addi %multiple_of3A_1319, %add3A_1366 : i32
    %dma_start3A_1368 = arith.constant 8 : i32
    %dma_start3A_1369 = tpu.memref_slice %arg11[%dma_start3A_1368, %add3A_1367] : memref<16x6144xf32, #tpu.memory_space<vmem>> -> memref<8x128xf32, #tpu.memory_space<vmem>>
    %dma_start3A_1370 = arith.constant 8 : i32
    %dma_start3A_1371 = tpu.memref_slice %arg6[%dma_start3A_1370, %multiple_of3A_1355] : memref<16x1000000xf32, #tpu.memory_space<hbm>> -> memref<8x128xf32, #tpu.memory_space<hbm>>
    %dma_start3A_1372 = arith.constant 8 : i32
    %dma_start3A_1373 = tpu.memref_slice %arg11[%dma_start3A_1372, %add3A_1367] : memref<16x6144xf32, #tpu.memory_space<vmem>> -> memref<8x128xf32, #tpu.memory_space<vmem>>
    %dma_start3A_1374 = arith.constant 8 : i32
    %dma_start3A_1375 = tpu.memref_slice %arg6[%dma_start3A_1374, %multiple_of3A_1355] : memref<16x1000000xf32, #tpu.memory_space<hbm>> -> memref<8x128xf32, #tpu.memory_space<hbm>>
    tpu.enqueue_dma source(%dma_start3A_1375 : memref<8x128xf32, #tpu.memory_space<hbm>>) target(%dma_start3A_1373 : memref<8x128xf32, #tpu.memory_space<vmem>>) target_semaphore(%arg16 : memref<!tpu.dma_semaphore, #tpu.memory_space<semaphore_mem>>)
    %slice3A_1376 = vector.extract_strided_slice %get3A_1321 {offsets = [2], sizes = [1], strides = [1]} : vector<16xi32> to vector<1xi32>
    %squeeze3A_1377 = vector.extract %slice3A_1376[0] : i32 from vector<1xi32>
    %shift_right_arithmetic3A_1378 = arith.constant 7 : i32
    %shift_right_arithmetic3A_1379 = arith.shrsi %squeeze3A_1377, %shift_right_arithmetic3A_1378 : i32
    %shift_left3A_1380 = arith.constant 7 : i32
    %shift_left3A_1381 = arith.shli %shift_right_arithmetic3A_1379, %shift_left3A_1380 : i32
    %multiple_of3A_1382 = tpu.assume_multiple %shift_left3A_1381, 128 : i32
    %add3A_1383 = arith.constant 256 : i32
    %add3A_1384 = arith.addi %multiple_of3A_1319, %add3A_1383 : i32
    %dma_start3A_1385 = arith.constant 0 : i32
    %dma_start3A_1386 = tpu.memref_slice %arg11[%dma_start3A_1385, %add3A_1384] : memref<16x6144xf32, #tpu.memory_space<vmem>> -> memref<8x128xf32, #tpu.memory_space<vmem>>
    %dma_start3A_1387 = arith.constant 0 : i32
    %dma_start3A_1388 = tpu.memref_slice %arg6[%dma_start3A_1387, %multiple_of3A_1382] : memref<16x1000000xf32, #tpu.memory_space<hbm>> -> memref<8x128xf32, #tpu.memory_space<hbm>>
    %dma_start3A_1389 = arith.constant 0 : i32
    %dma_start3A_1390 = tpu.memref_slice %arg11[%dma_start3A_1389, %add3A_1384] : memref<16x6144xf32, #tpu.memory_space<vmem>> -> memref<8x128xf32, #tpu.memory_space<vmem>>
    %dma_start3A_1391 = arith.constant 0 : i32
    %dma_start3A_1392 = tpu.memref_slice %arg6[%dma_start3A_1391, %multiple_of3A_1382] : memref<16x1000000xf32, #tpu.memory_space<hbm>> -> memref<8x128xf32, #tpu.memory_space<hbm>>
    tpu.enqueue_dma source(%dma_start3A_1392 : memref<8x128xf32, #tpu.memory_space<hbm>>) target(%dma_start3A_1390 : memref<8x128xf32, #tpu.memory_space<vmem>>) target_semaphore(%arg16 : memref<!tpu.dma_semaphore, #tpu.memory_space<semaphore_mem>>)
    %add3A_1393 = arith.constant 256 : i32
    %add3A_1394 = arith.addi %multiple_of3A_1319, %add3A_1393 : i32
    %dma_start3A_1395 = arith.constant 8 : i32
    %dma_start3A_1396 = tpu.memref_slice %arg11[%dma_start3A_1395, %add3A_1394] : memref<16x6144xf32, #tpu.memory_space<vmem>> -> memref<8x128xf32, #tpu.memory_space<vmem>>
    %dma_start3A_1397 = arith.constant 8 : i32
    %dma_start3A_1398 = tpu.memref_slice %arg6[%dma_start3A_1397, %multiple_of3A_1382] : memref<16x1000000xf32, #tpu.memory_space<hbm>> -> memref<8x128xf32, #tpu.memory_space<hbm>>
    %dma_start3A_1399 = arith.constant 8 : i32
    %dma_start3A_1400 = tpu.memref_slice %arg11[%dma_start3A_1399, %add3A_1394] : memref<16x6144xf32, #tpu.memory_space<vmem>> -> memref<8x128xf32, #tpu.memory_space<vmem>>
    %dma_start3A_1401 = arith.constant 8 : i32
    %dma_start3A_1402 = tpu.memref_slice %arg6[%dma_start3A_1401, %multiple_of3A_1382] : memref<16x1000000xf32, #tpu.memory_space<hbm>> -> memref<8x128xf32, #tpu.memory_space<hbm>>
    tpu.enqueue_dma source(%dma_start3A_1402 : memref<8x128xf32, #tpu.memory_space<hbm>>) target(%dma_start3A_1400 : memref<8x128xf32, #tpu.memory_space<vmem>>) target_semaphore(%arg16 : memref<!tpu.dma_semaphore, #tpu.memory_space<semaphore_mem>>)
    %slice3A_1403 = vector.extract_strided_slice %get3A_1321 {offsets = [3], sizes = [1], strides = [1]} : vector<16xi32> to vector<1xi32>
    %squeeze3A_1404 = vector.extract %slice3A_1403[0] : i32 from vector<1xi32>
    %shift_right_arithmetic3A_1405 = arith.constant 7 : i32
    %shift_right_arithmetic3A_1406 = arith.shrsi %squeeze3A_1404, %shift_right_arithmetic3A_1405 : i32
    %shift_left3A_1407 = arith.constant 7 : i32
    %shift_left3A_1408 = arith.shli %shift_right_arithmetic3A_1406, %shift_left3A_1407 : i32
    %multiple_of3A_1409 = tpu.assume_multiple %shift_left3A_1408, 128 : i32
    %add3A_1410 = arith.constant 384 : i32
    %add3A_1411 = arith.addi %multiple_of3A_1319, %add3A_1410 : i32
    %dma_start3A_1412 = arith.constant 0 : i32
    %dma_start3A_1413 = tpu.memref_slice %arg11[%dma_start3A_1412, %add3A_1411] : memref<16x6144xf32, #tpu.memory_space<vmem>> -> memref<8x128xf32, #tpu.memory_space<vmem>>
    %dma_start3A_1414 = arith.constant 0 : i32
    %dma_start3A_1415 = tpu.memref_slice %arg6[%dma_start3A_1414, %multiple_of3A_1409] : memref<16x1000000xf32, #tpu.memory_space<hbm>> -> memref<8x128xf32, #tpu.memory_space<hbm>>
    %dma_start3A_1416 = arith.constant 0 : i32
    %dma_start3A_1417 = tpu.memref_slice %arg11[%dma_start3A_1416, %add3A_1411] : memref<16x6144xf32, #tpu.memory_space<vmem>> -> memref<8x128xf32, #tpu.memory_space<vmem>>
    %dma_start3A_1418 = arith.constant 0 : i32
    %dma_start3A_1419 = tpu.memref_slice %arg6[%dma_start3A_1418, %multiple_of3A_1409] : memref<16x1000000xf32, #tpu.memory_space<hbm>> -> memref<8x128xf32, #tpu.memory_space<hbm>>
    tpu.enqueue_dma source(%dma_start3A_1419 : memref<8x128xf32, #tpu.memory_space<hbm>>) target(%dma_start3A_1417 : memref<8x128xf32, #tpu.memory_space<vmem>>) target_semaphore(%arg16 : memref<!tpu.dma_semaphore, #tpu.memory_space<semaphore_mem>>)
    %add3A_1420 = arith.constant 384 : i32
    %add3A_1421 = arith.addi %multiple_of3A_1319, %add3A_1420 : i32
    %dma_start3A_1422 = arith.constant 8 : i32
    %dma_start3A_1423 = tpu.memref_slice %arg11[%dma_start3A_1422, %add3A_1421] : memref<16x6144xf32, #tpu.memory_space<vmem>> -> memref<8x128xf32, #tpu.memory_space<vmem>>
    %dma_start3A_1424 = arith.constant 8 : i32
    %dma_start3A_1425 = tpu.memref_slice %arg6[%dma_start3A_1424, %multiple_of3A_1409] : memref<16x1000000xf32, #tpu.memory_space<hbm>> -> memref<8x128xf32, #tpu.memory_space<hbm>>
    %dma_start3A_1426 = arith.constant 8 : i32
    %dma_start3A_1427 = tpu.memref_slice %arg11[%dma_start3A_1426, %add3A_1421] : memref<16x6144xf32, #tpu.memory_space<vmem>> -> memref<8x128xf32, #tpu.memory_space<vmem>>
    %dma_start3A_1428 = arith.constant 8 : i32
    %dma_start3A_1429 = tpu.memref_slice %arg6[%dma_start3A_1428, %multiple_of3A_1409] : memref<16x1000000xf32, #tpu.memory_space<hbm>> -> memref<8x128xf32, #tpu.memory_space<hbm>>
    tpu.enqueue_dma source(%dma_start3A_1429 : memref<8x128xf32, #tpu.memory_space<hbm>>) target(%dma_start3A_1427 : memref<8x128xf32, #tpu.memory_space<vmem>>) target_semaphore(%arg16 : memref<!tpu.dma_semaphore, #tpu.memory_space<semaphore_mem>>)
    %slice3A_1430 = vector.extract_strided_slice %get3A_1321 {offsets = [4], sizes = [1], strides = [1]} : vector<16xi32> to vector<1xi32>
    %squeeze3A_1431 = vector.extract %slice3A_1430[0] : i32 from vector<1xi32>
    %shift_right_arithmetic3A_1432 = arith.constant 7 : i32
    %shift_right_arithmetic3A_1433 = arith.shrsi %squeeze3A_1431, %shift_right_arithmetic3A_1432 : i32
    %shift_left3A_1434 = arith.constant 7 : i32
    %shift_left3A_1435 = arith.shli %shift_right_arithmetic3A_1433, %shift_left3A_1434 : i32
    %multiple_of3A_1436 = tpu.assume_multiple %shift_left3A_1435, 128 : i32
    %add3A_1437 = arith.constant 512 : i32
    %add3A_1438 = arith.addi %multiple_of3A_1319, %add3A_1437 : i32
    %dma_start3A_1439 = arith.constant 0 : i32
    %dma_start3A_1440 = tpu.memref_slice %arg11[%dma_start3A_1439, %add3A_1438] : memref<16x6144xf32, #tpu.memory_space<vmem>> -> memref<8x128xf32, #tpu.memory_space<vmem>>
    %dma_start3A_1441 = arith.constant 0 : i32
    %dma_start3A_1442 = tpu.memref_slice %arg6[%dma_start3A_1441, %multiple_of3A_1436] : memref<16x1000000xf32, #tpu.memory_space<hbm>> -> memref<8x128xf32, #tpu.memory_space<hbm>>
    %dma_start3A_1443 = arith.constant 0 : i32
    %dma_start3A_1444 = tpu.memref_slice %arg11[%dma_start3A_1443, %add3A_1438] : memref<16x6144xf32, #tpu.memory_space<vmem>> -> memref<8x128xf32, #tpu.memory_space<vmem>>
    %dma_start3A_1445 = arith.constant 0 : i32
    %dma_start3A_1446 = tpu.memref_slice %arg6[%dma_start3A_1445, %multiple_of3A_1436] : memref<16x1000000xf32, #tpu.memory_space<hbm>> -> memref<8x128xf32, #tpu.memory_space<hbm>>
    tpu.enqueue_dma source(%dma_start3A_1446 : memref<8x128xf32, #tpu.memory_space<hbm>>) target(%dma_start3A_1444 : memref<8x128xf32, #tpu.memory_space<vmem>>) target_semaphore(%arg16 : memref<!tpu.dma_semaphore, #tpu.memory_space<semaphore_mem>>)
    %add3A_1447 = arith.constant 512 : i32
    %add3A_1448 = arith.addi %multiple_of3A_1319, %add3A_1447 : i32
    %dma_start3A_1449 = arith.constant 8 : i32
    %dma_start3A_1450 = tpu.memref_slice %arg11[%dma_start3A_1449, %add3A_1448] : memref<16x6144xf32, #tpu.memory_space<vmem>> -> memref<8x128xf32, #tpu.memory_space<vmem>>
    %dma_start3A_1451 = arith.constant 8 : i32
    %dma_start3A_1452 = tpu.memref_slice %arg6[%dma_start3A_1451, %multiple_of3A_1436] : memref<16x1000000xf32, #tpu.memory_space<hbm>> -> memref<8x128xf32, #tpu.memory_space<hbm>>
    %dma_start3A_1453 = arith.constant 8 : i32
    %dma_start3A_1454 = tpu.memref_slice %arg11[%dma_start3A_1453, %add3A_1448] : memref<16x6144xf32, #tpu.memory_space<vmem>> -> memref<8x128xf32, #tpu.memory_space<vmem>>
    %dma_start3A_1455 = arith.constant 8 : i32
    %dma_start3A_1456 = tpu.memref_slice %arg6[%dma_start3A_1455, %multiple_of3A_1436] : memref<16x1000000xf32, #tpu.memory_space<hbm>> -> memref<8x128xf32, #tpu.memory_space<hbm>>
    tpu.enqueue_dma source(%dma_start3A_1456 : memref<8x128xf32, #tpu.memory_space<hbm>>) target(%dma_start3A_1454 : memref<8x128xf32, #tpu.memory_space<vmem>>) target_semaphore(%arg16 : memref<!tpu.dma_semaphore, #tpu.memory_space<semaphore_mem>>)
    %slice3A_1457 = vector.extract_strided_slice %get3A_1321 {offsets = [5], sizes = [1], strides = [1]} : vector<16xi32> to vector<1xi32>
    %squeeze3A_1458 = vector.extract %slice3A_1457[0] : i32 from vector<1xi32>
    %shift_right_arithmetic3A_1459 = arith.constant 7 : i32
    %shift_right_arithmetic3A_1460 = arith.shrsi %squeeze3A_1458, %shift_right_arithmetic3A_1459 : i32
    %shift_left3A_1461 = arith.constant 7 : i32
    %shift_left3A_1462 = arith.shli %shift_right_arithmetic3A_1460, %shift_left3A_1461 : i32
    %multiple_of3A_1463 = tpu.assume_multiple %shift_left3A_1462, 128 : i32
    %add3A_1464 = arith.constant 640 : i32
    %add3A_1465 = arith.addi %multiple_of3A_1319, %add3A_1464 : i32
    %dma_start3A_1466 = arith.constant 0 : i32
    %dma_start3A_1467 = tpu.memref_slice %arg11[%dma_start3A_1466, %add3A_1465] : memref<16x6144xf32, #tpu.memory_space<vmem>> -> memref<8x128xf32, #tpu.memory_space<vmem>>
    %dma_start3A_1468 = arith.constant 0 : i32
    %dma_start3A_1469 = tpu.memref_slice %arg6[%dma_start3A_1468, %multiple_of3A_1463] : memref<16x1000000xf32, #tpu.memory_space<hbm>> -> memref<8x128xf32, #tpu.memory_space<hbm>>
    %dma_start3A_1470 = arith.constant 0 : i32
    %dma_start3A_1471 = tpu.memref_slice %arg11[%dma_start3A_1470, %add3A_1465] : memref<16x6144xf32, #tpu.memory_space<vmem>> -> memref<8x128xf32, #tpu.memory_space<vmem>>
    %dma_start3A_1472 = arith.constant 0 : i32
    %dma_start3A_1473 = tpu.memref_slice %arg6[%dma_start3A_1472, %multiple_of3A_1463] : memref<16x1000000xf32, #tpu.memory_space<hbm>> -> memref<8x128xf32, #tpu.memory_space<hbm>>
    tpu.enqueue_dma source(%dma_start3A_1473 : memref<8x128xf32, #tpu.memory_space<hbm>>) target(%dma_start3A_1471 : memref<8x128xf32, #tpu.memory_space<vmem>>) target_semaphore(%arg16 : memref<!tpu.dma_semaphore, #tpu.memory_space<semaphore_mem>>)
    %add3A_1474 = arith.constant 640 : i32
    %add3A_1475 = arith.addi %multiple_of3A_1319, %add3A_1474 : i32
    %dma_start3A_1476 = arith.constant 8 : i32
    %dma_start3A_1477 = tpu.memref_slice %arg11[%dma_start3A_1476, %add3A_1475] : memref<16x6144xf32, #tpu.memory_space<vmem>> -> memref<8x128xf32, #tpu.memory_space<vmem>>
    %dma_start3A_1478 = arith.constant 8 : i32
    %dma_start3A_1479 = tpu.memref_slice %arg6[%dma_start3A_1478, %multiple_of3A_1463] : memref<16x1000000xf32, #tpu.memory_space<hbm>> -> memref<8x128xf32, #tpu.memory_space<hbm>>
    %dma_start3A_1480 = arith.constant 8 : i32
    %dma_start3A_1481 = tpu.memref_slice %arg11[%dma_start3A_1480, %add3A_1475] : memref<16x6144xf32, #tpu.memory_space<vmem>> -> memref<8x128xf32, #tpu.memory_space<vmem>>
    %dma_start3A_1482 = arith.constant 8 : i32
    %dma_start3A_1483 = tpu.memref_slice %arg6[%dma_start3A_1482, %multiple_of3A_1463] : memref<16x1000000xf32, #tpu.memory_space<hbm>> -> memref<8x128xf32, #tpu.memory_space<hbm>>
    tpu.enqueue_dma source(%dma_start3A_1483 : memref<8x128xf32, #tpu.memory_space<hbm>>) target(%dma_start3A_1481 : memref<8x128xf32, #tpu.memory_space<vmem>>) target_semaphore(%arg16 : memref<!tpu.dma_semaphore, #tpu.memory_space<semaphore_mem>>)
    %slice3A_1484 = vector.extract_strided_slice %get3A_1321 {offsets = [6], sizes = [1], strides = [1]} : vector<16xi32> to vector<1xi32>
    %squeeze3A_1485 = vector.extract %slice3A_1484[0] : i32 from vector<1xi32>
    %shift_right_arithmetic3A_1486 = arith.constant 7 : i32
    %shift_right_arithmetic3A_1487 = arith.shrsi %squeeze3A_1485, %shift_right_arithmetic3A_1486 : i32
    %shift_left3A_1488 = arith.constant 7 : i32
    %shift_left3A_1489 = arith.shli %shift_right_arithmetic3A_1487, %shift_left3A_1488 : i32
    %multiple_of3A_1490 = tpu.assume_multiple %shift_left3A_1489, 128 : i32
    %add3A_1491 = arith.constant 768 : i32
    %add3A_1492 = arith.addi %multiple_of3A_1319, %add3A_1491 : i32
    %dma_start3A_1493 = arith.constant 0 : i32
    %dma_start3A_1494 = tpu.memref_slice %arg11[%dma_start3A_1493, %add3A_1492] : memref<16x6144xf32, #tpu.memory_space<vmem>> -> memref<8x128xf32, #tpu.memory_space<vmem>>
    %dma_start3A_1495 = arith.constant 0 : i32
    %dma_start3A_1496 = tpu.memref_slice %arg6[%dma_start3A_1495, %multiple_of3A_1490] : memref<16x1000000xf32, #tpu.memory_space<hbm>> -> memref<8x128xf32, #tpu.memory_space<hbm>>
    %dma_start3A_1497 = arith.constant 0 : i32
    %dma_start3A_1498 = tpu.memref_slice %arg11[%dma_start3A_1497, %add3A_1492] : memref<16x6144xf32, #tpu.memory_space<vmem>> -> memref<8x128xf32, #tpu.memory_space<vmem>>
    %dma_start3A_1499 = arith.constant 0 : i32
    %dma_start3A_1500 = tpu.memref_slice %arg6[%dma_start3A_1499, %multiple_of3A_1490] : memref<16x1000000xf32, #tpu.memory_space<hbm>> -> memref<8x128xf32, #tpu.memory_space<hbm>>
    tpu.enqueue_dma source(%dma_start3A_1500 : memref<8x128xf32, #tpu.memory_space<hbm>>) target(%dma_start3A_1498 : memref<8x128xf32, #tpu.memory_space<vmem>>) target_semaphore(%arg16 : memref<!tpu.dma_semaphore, #tpu.memory_space<semaphore_mem>>)
    %add3A_1501 = arith.constant 768 : i32
    %add3A_1502 = arith.addi %multiple_of3A_1319, %add3A_1501 : i32
    %dma_start3A_1503 = arith.constant 8 : i32
    %dma_start3A_1504 = tpu.memref_slice %arg11[%dma_start3A_1503, %add3A_1502] : memref<16x6144xf32, #tpu.memory_space<vmem>> -> memref<8x128xf32, #tpu.memory_space<vmem>>
    %dma_start3A_1505 = arith.constant 8 : i32
    %dma_start3A_1506 = tpu.memref_slice %arg6[%dma_start3A_1505, %multiple_of3A_1490] : memref<16x1000000xf32, #tpu.memory_space<hbm>> -> memref<8x128xf32, #tpu.memory_space<hbm>>
    %dma_start3A_1507 = arith.constant 8 : i32
    %dma_start3A_1508 = tpu.memref_slice %arg11[%dma_start3A_1507, %add3A_1502] : memref<16x6144xf32, #tpu.memory_space<vmem>> -> memref<8x128xf32, #tpu.memory_space<vmem>>
    %dma_start3A_1509 = arith.constant 8 : i32
    %dma_start3A_1510 = tpu.memref_slice %arg6[%dma_start3A_1509, %multiple_of3A_1490] : memref<16x1000000xf32, #tpu.memory_space<hbm>> -> memref<8x128xf32, #tpu.memory_space<hbm>>
    tpu.enqueue_dma source(%dma_start3A_1510 : memref<8x128xf32, #tpu.memory_space<hbm>>) target(%dma_start3A_1508 : memref<8x128xf32, #tpu.memory_space<vmem>>) target_semaphore(%arg16 : memref<!tpu.dma_semaphore, #tpu.memory_space<semaphore_mem>>)
    %slice3A_1511 = vector.extract_strided_slice %get3A_1321 {offsets = [7], sizes = [1], strides = [1]} : vector<16xi32> to vector<1xi32>
    %squeeze3A_1512 = vector.extract %slice3A_1511[0] : i32 from vector<1xi32>
    %shift_right_arithmetic3A_1513 = arith.constant 7 : i32
    %shift_right_arithmetic3A_1514 = arith.shrsi %squeeze3A_1512, %shift_right_arithmetic3A_1513 : i32
    %shift_left3A_1515 = arith.constant 7 : i32
    %shift_left3A_1516 = arith.shli %shift_right_arithmetic3A_1514, %shift_left3A_1515 : i32
    %multiple_of3A_1517 = tpu.assume_multiple %shift_left3A_1516, 128 : i32
    %add3A_1518 = arith.constant 896 : i32
    %add3A_1519 = arith.addi %multiple_of3A_1319, %add3A_1518 : i32
    %dma_start3A_1520 = arith.constant 0 : i32
    %dma_start3A_1521 = tpu.memref_slice %arg11[%dma_start3A_1520, %add3A_1519] : memref<16x6144xf32, #tpu.memory_space<vmem>> -> memref<8x128xf32, #tpu.memory_space<vmem>>
    %dma_start3A_1522 = arith.constant 0 : i32
    %dma_start3A_1523 = tpu.memref_slice %arg6[%dma_start3A_1522, %multiple_of3A_1517] : memref<16x1000000xf32, #tpu.memory_space<hbm>> -> memref<8x128xf32, #tpu.memory_space<hbm>>
    %dma_start3A_1524 = arith.constant 0 : i32
    %dma_start3A_1525 = tpu.memref_slice %arg11[%dma_start3A_1524, %add3A_1519] : memref<16x6144xf32, #tpu.memory_space<vmem>> -> memref<8x128xf32, #tpu.memory_space<vmem>>
    %dma_start3A_1526 = arith.constant 0 : i32
    %dma_start3A_1527 = tpu.memref_slice %arg6[%dma_start3A_1526, %multiple_of3A_1517] : memref<16x1000000xf32, #tpu.memory_space<hbm>> -> memref<8x128xf32, #tpu.memory_space<hbm>>
    tpu.enqueue_dma source(%dma_start3A_1527 : memref<8x128xf32, #tpu.memory_space<hbm>>) target(%dma_start3A_1525 : memref<8x128xf32, #tpu.memory_space<vmem>>) target_semaphore(%arg16 : memref<!tpu.dma_semaphore, #tpu.memory_space<semaphore_mem>>)
    %add3A_1528 = arith.constant 896 : i32
    %add3A_1529 = arith.addi %multiple_of3A_1319, %add3A_1528 : i32
    %dma_start3A_1530 = arith.constant 8 : i32
    %dma_start3A_1531 = tpu.memref_slice %arg11[%dma_start3A_1530, %add3A_1529] : memref<16x6144xf32, #tpu.memory_space<vmem>> -> memref<8x128xf32, #tpu.memory_space<vmem>>
    %dma_start3A_1532 = arith.constant 8 : i32
    %dma_start3A_1533 = tpu.memref_slice %arg6[%dma_start3A_1532, %multiple_of3A_1517] : memref<16x1000000xf32, #tpu.memory_space<hbm>> -> memref<8x128xf32, #tpu.memory_space<hbm>>
    %dma_start3A_1534 = arith.constant 8 : i32
    %dma_start3A_1535 = tpu.memref_slice %arg11[%dma_start3A_1534, %add3A_1529] : memref<16x6144xf32, #tpu.memory_space<vmem>> -> memref<8x128xf32, #tpu.memory_space<vmem>>
    %dma_start3A_1536 = arith.constant 8 : i32
    %dma_start3A_1537 = tpu.memref_slice %arg6[%dma_start3A_1536, %multiple_of3A_1517] : memref<16x1000000xf32, #tpu.memory_space<hbm>> -> memref<8x128xf32, #tpu.memory_space<hbm>>
    tpu.enqueue_dma source(%dma_start3A_1537 : memref<8x128xf32, #tpu.memory_space<hbm>>) target(%dma_start3A_1535 : memref<8x128xf32, #tpu.memory_space<vmem>>) target_semaphore(%arg16 : memref<!tpu.dma_semaphore, #tpu.memory_space<semaphore_mem>>)
    %slice3A_1538 = vector.extract_strided_slice %get3A_1321 {offsets = [8], sizes = [1], strides = [1]} : vector<16xi32> to vector<1xi32>
    %squeeze3A_1539 = vector.extract %slice3A_1538[0] : i32 from vector<1xi32>
    %shift_right_arithmetic3A_1540 = arith.constant 7 : i32
    %shift_right_arithmetic3A_1541 = arith.shrsi %squeeze3A_1539, %shift_right_arithmetic3A_1540 : i32
    %shift_left3A_1542 = arith.constant 7 : i32
    %shift_left3A_1543 = arith.shli %shift_right_arithmetic3A_1541, %shift_left3A_1542 : i32
    %multiple_of3A_1544 = tpu.assume_multiple %shift_left3A_1543, 128 : i32
    %add3A_1545 = arith.constant 1024 : i32
    %add3A_1546 = arith.addi %multiple_of3A_1319, %add3A_1545 : i32
    %dma_start3A_1547 = arith.constant 0 : i32
    %dma_start3A_1548 = tpu.memref_slice %arg11[%dma_start3A_1547, %add3A_1546] : memref<16x6144xf32, #tpu.memory_space<vmem>> -> memref<8x128xf32, #tpu.memory_space<vmem>>
    %dma_start3A_1549 = arith.constant 0 : i32
    %dma_start3A_1550 = tpu.memref_slice %arg6[%dma_start3A_1549, %multiple_of3A_1544] : memref<16x1000000xf32, #tpu.memory_space<hbm>> -> memref<8x128xf32, #tpu.memory_space<hbm>>
    %dma_start3A_1551 = arith.constant 0 : i32
    %dma_start3A_1552 = tpu.memref_slice %arg11[%dma_start3A_1551, %add3A_1546] : memref<16x6144xf32, #tpu.memory_space<vmem>> -> memref<8x128xf32, #tpu.memory_space<vmem>>
    %dma_start3A_1553 = arith.constant 0 : i32
    %dma_start3A_1554 = tpu.memref_slice %arg6[%dma_start3A_1553, %multiple_of3A_1544] : memref<16x1000000xf32, #tpu.memory_space<hbm>> -> memref<8x128xf32, #tpu.memory_space<hbm>>
    tpu.enqueue_dma source(%dma_start3A_1554 : memref<8x128xf32, #tpu.memory_space<hbm>>) target(%dma_start3A_1552 : memref<8x128xf32, #tpu.memory_space<vmem>>) target_semaphore(%arg16 : memref<!tpu.dma_semaphore, #tpu.memory_space<semaphore_mem>>)
    %add3A_1555 = arith.constant 1024 : i32
    %add3A_1556 = arith.addi %multiple_of3A_1319, %add3A_1555 : i32
    %dma_start3A_1557 = arith.constant 8 : i32
    %dma_start3A_1558 = tpu.memref_slice %arg11[%dma_start3A_1557, %add3A_1556] : memref<16x6144xf32, #tpu.memory_space<vmem>> -> memref<8x128xf32, #tpu.memory_space<vmem>>
    %dma_start3A_1559 = arith.constant 8 : i32
    %dma_start3A_1560 = tpu.memref_slice %arg6[%dma_start3A_1559, %multiple_of3A_1544] : memref<16x1000000xf32, #tpu.memory_space<hbm>> -> memref<8x128xf32, #tpu.memory_space<hbm>>
    %dma_start3A_1561 = arith.constant 8 : i32
    %dma_start3A_1562 = tpu.memref_slice %arg11[%dma_start3A_1561, %add3A_1556] : memref<16x6144xf32, #tpu.memory_space<vmem>> -> memref<8x128xf32, #tpu.memory_space<vmem>>
    %dma_start3A_1563 = arith.constant 8 : i32
    %dma_start3A_1564 = tpu.memref_slice %arg6[%dma_start3A_1563, %multiple_of3A_1544] : memref<16x1000000xf32, #tpu.memory_space<hbm>> -> memref<8x128xf32, #tpu.memory_space<hbm>>
    tpu.enqueue_dma source(%dma_start3A_1564 : memref<8x128xf32, #tpu.memory_space<hbm>>) target(%dma_start3A_1562 : memref<8x128xf32, #tpu.memory_space<vmem>>) target_semaphore(%arg16 : memref<!tpu.dma_semaphore, #tpu.memory_space<semaphore_mem>>)
    %slice3A_1565 = vector.extract_strided_slice %get3A_1321 {offsets = [9], sizes = [1], strides = [1]} : vector<16xi32> to vector<1xi32>
    %squeeze3A_1566 = vector.extract %slice3A_1565[0] : i32 from vector<1xi32>
    %shift_right_arithmetic3A_1567 = arith.constant 7 : i32
    %shift_right_arithmetic3A_1568 = arith.shrsi %squeeze3A_1566, %shift_right_arithmetic3A_1567 : i32
    %shift_left3A_1569 = arith.constant 7 : i32
    %shift_left3A_1570 = arith.shli %shift_right_arithmetic3A_1568, %shift_left3A_1569 : i32
    %multiple_of3A_1571 = tpu.assume_multiple %shift_left3A_1570, 128 : i32
    %add3A_1572 = arith.constant 1152 : i32
    %add3A_1573 = arith.addi %multiple_of3A_1319, %add3A_1572 : i32
    %dma_start3A_1574 = arith.constant 0 : i32
    %dma_start3A_1575 = tpu.memref_slice %arg11[%dma_start3A_1574, %add3A_1573] : memref<16x6144xf32, #tpu.memory_space<vmem>> -> memref<8x128xf32, #tpu.memory_space<vmem>>
    %dma_start3A_1576 = arith.constant 0 : i32
    %dma_start3A_1577 = tpu.memref_slice %arg6[%dma_start3A_1576, %multiple_of3A_1571] : memref<16x1000000xf32, #tpu.memory_space<hbm>> -> memref<8x128xf32, #tpu.memory_space<hbm>>
    %dma_start3A_1578 = arith.constant 0 : i32
    %dma_start3A_1579 = tpu.memref_slice %arg11[%dma_start3A_1578, %add3A_1573] : memref<16x6144xf32, #tpu.memory_space<vmem>> -> memref<8x128xf32, #tpu.memory_space<vmem>>
    %dma_start3A_1580 = arith.constant 0 : i32
    %dma_start3A_1581 = tpu.memref_slice %arg6[%dma_start3A_1580, %multiple_of3A_1571] : memref<16x1000000xf32, #tpu.memory_space<hbm>> -> memref<8x128xf32, #tpu.memory_space<hbm>>
    tpu.enqueue_dma source(%dma_start3A_1581 : memref<8x128xf32, #tpu.memory_space<hbm>>) target(%dma_start3A_1579 : memref<8x128xf32, #tpu.memory_space<vmem>>) target_semaphore(%arg16 : memref<!tpu.dma_semaphore, #tpu.memory_space<semaphore_mem>>)
    %add3A_1582 = arith.constant 1152 : i32
    %add3A_1583 = arith.addi %multiple_of3A_1319, %add3A_1582 : i32
    %dma_start3A_1584 = arith.constant 8 : i32
    %dma_start3A_1585 = tpu.memref_slice %arg11[%dma_start3A_1584, %add3A_1583] : memref<16x6144xf32, #tpu.memory_space<vmem>> -> memref<8x128xf32, #tpu.memory_space<vmem>>
    %dma_start3A_1586 = arith.constant 8 : i32
    %dma_start3A_1587 = tpu.memref_slice %arg6[%dma_start3A_1586, %multiple_of3A_1571] : memref<16x1000000xf32, #tpu.memory_space<hbm>> -> memref<8x128xf32, #tpu.memory_space<hbm>>
    %dma_start3A_1588 = arith.constant 8 : i32
    %dma_start3A_1589 = tpu.memref_slice %arg11[%dma_start3A_1588, %add3A_1583] : memref<16x6144xf32, #tpu.memory_space<vmem>> -> memref<8x128xf32, #tpu.memory_space<vmem>>
    %dma_start3A_1590 = arith.constant 8 : i32
    %dma_start3A_1591 = tpu.memref_slice %arg6[%dma_start3A_1590, %multiple_of3A_1571] : memref<16x1000000xf32, #tpu.memory_space<hbm>> -> memref<8x128xf32, #tpu.memory_space<hbm>>
    tpu.enqueue_dma source(%dma_start3A_1591 : memref<8x128xf32, #tpu.memory_space<hbm>>) target(%dma_start3A_1589 : memref<8x128xf32, #tpu.memory_space<vmem>>) target_semaphore(%arg16 : memref<!tpu.dma_semaphore, #tpu.memory_space<semaphore_mem>>)
    %slice3A_1592 = vector.extract_strided_slice %get3A_1321 {offsets = [10], sizes = [1], strides = [1]} : vector<16xi32> to vector<1xi32>
    %squeeze3A_1593 = vector.extract %slice3A_1592[0] : i32 from vector<1xi32>
    %shift_right_arithmetic3A_1594 = arith.constant 7 : i32
    %shift_right_arithmetic3A_1595 = arith.shrsi %squeeze3A_1593, %shift_right_arithmetic3A_1594 : i32
    %shift_left3A_1596 = arith.constant 7 : i32
    %shift_left3A_1597 = arith.shli %shift_right_arithmetic3A_1595, %shift_left3A_1596 : i32
    %multiple_of3A_1598 = tpu.assume_multiple %shift_left3A_1597, 128 : i32
    %add3A_1599 = arith.constant 1280 : i32
    %add3A_1600 = arith.addi %multiple_of3A_1319, %add3A_1599 : i32
    %dma_start3A_1601 = arith.constant 0 : i32
    %dma_start3A_1602 = tpu.memref_slice %arg11[%dma_start3A_1601, %add3A_1600] : memref<16x6144xf32, #tpu.memory_space<vmem>> -> memref<8x128xf32, #tpu.memory_space<vmem>>
    %dma_start3A_1603 = arith.constant 0 : i32
    %dma_start3A_1604 = tpu.memref_slice %arg6[%dma_start3A_1603, %multiple_of3A_1598] : memref<16x1000000xf32, #tpu.memory_space<hbm>> -> memref<8x128xf32, #tpu.memory_space<hbm>>
    %dma_start3A_1605 = arith.constant 0 : i32
    %dma_start3A_1606 = tpu.memref_slice %arg11[%dma_start3A_1605, %add3A_1600] : memref<16x6144xf32, #tpu.memory_space<vmem>> -> memref<8x128xf32, #tpu.memory_space<vmem>>
    %dma_start3A_1607 = arith.constant 0 : i32
    %dma_start3A_1608 = tpu.memref_slice %arg6[%dma_start3A_1607, %multiple_of3A_1598] : memref<16x1000000xf32, #tpu.memory_space<hbm>> -> memref<8x128xf32, #tpu.memory_space<hbm>>
    tpu.enqueue_dma source(%dma_start3A_1608 : memref<8x128xf32, #tpu.memory_space<hbm>>) target(%dma_start3A_1606 : memref<8x128xf32, #tpu.memory_space<vmem>>) target_semaphore(%arg16 : memref<!tpu.dma_semaphore, #tpu.memory_space<semaphore_mem>>)
    %add3A_1609 = arith.constant 1280 : i32
    %add3A_1610 = arith.addi %multiple_of3A_1319, %add3A_1609 : i32
    %dma_start3A_1611 = arith.constant 8 : i32
    %dma_start3A_1612 = tpu.memref_slice %arg11[%dma_start3A_1611, %add3A_1610] : memref<16x6144xf32, #tpu.memory_space<vmem>> -> memref<8x128xf32, #tpu.memory_space<vmem>>
    %dma_start3A_1613 = arith.constant 8 : i32
    %dma_start3A_1614 = tpu.memref_slice %arg6[%dma_start3A_1613, %multiple_of3A_1598] : memref<16x1000000xf32, #tpu.memory_space<hbm>> -> memref<8x128xf32, #tpu.memory_space<hbm>>
    %dma_start3A_1615 = arith.constant 8 : i32
    %dma_start3A_1616 = tpu.memref_slice %arg11[%dma_start3A_1615, %add3A_1610] : memref<16x6144xf32, #tpu.memory_space<vmem>> -> memref<8x128xf32, #tpu.memory_space<vmem>>
    %dma_start3A_1617 = arith.constant 8 : i32
    %dma_start3A_1618 = tpu.memref_slice %arg6[%dma_start3A_1617, %multiple_of3A_1598] : memref<16x1000000xf32, #tpu.memory_space<hbm>> -> memref<8x128xf32, #tpu.memory_space<hbm>>
    tpu.enqueue_dma source(%dma_start3A_1618 : memref<8x128xf32, #tpu.memory_space<hbm>>) target(%dma_start3A_1616 : memref<8x128xf32, #tpu.memory_space<vmem>>) target_semaphore(%arg16 : memref<!tpu.dma_semaphore, #tpu.memory_space<semaphore_mem>>)
    %slice3A_1619 = vector.extract_strided_slice %get3A_1321 {offsets = [11], sizes = [1], strides = [1]} : vector<16xi32> to vector<1xi32>
    %squeeze3A_1620 = vector.extract %slice3A_1619[0] : i32 from vector<1xi32>
    %shift_right_arithmetic3A_1621 = arith.constant 7 : i32
    %shift_right_arithmetic3A_1622 = arith.shrsi %squeeze3A_1620, %shift_right_arithmetic3A_1621 : i32
    %shift_left3A_1623 = arith.constant 7 : i32
    %shift_left3A_1624 = arith.shli %shift_right_arithmetic3A_1622, %shift_left3A_1623 : i32
    %multiple_of3A_1625 = tpu.assume_multiple %shift_left3A_1624, 128 : i32
    %add3A_1626 = arith.constant 1408 : i32
    %add3A_1627 = arith.addi %multiple_of3A_1319, %add3A_1626 : i32
    %dma_start3A_1628 = arith.constant 0 : i32
    %dma_start3A_1629 = tpu.memref_slice %arg11[%dma_start3A_1628, %add3A_1627] : memref<16x6144xf32, #tpu.memory_space<vmem>> -> memref<8x128xf32, #tpu.memory_space<vmem>>
    %dma_start3A_1630 = arith.constant 0 : i32
    %dma_start3A_1631 = tpu.memref_slice %arg6[%dma_start3A_1630, %multiple_of3A_1625] : memref<16x1000000xf32, #tpu.memory_space<hbm>> -> memref<8x128xf32, #tpu.memory_space<hbm>>
    %dma_start3A_1632 = arith.constant 0 : i32
    %dma_start3A_1633 = tpu.memref_slice %arg11[%dma_start3A_1632, %add3A_1627] : memref<16x6144xf32, #tpu.memory_space<vmem>> -> memref<8x128xf32, #tpu.memory_space<vmem>>
    %dma_start3A_1634 = arith.constant 0 : i32
    %dma_start3A_1635 = tpu.memref_slice %arg6[%dma_start3A_1634, %multiple_of3A_1625] : memref<16x1000000xf32, #tpu.memory_space<hbm>> -> memref<8x128xf32, #tpu.memory_space<hbm>>
    tpu.enqueue_dma source(%dma_start3A_1635 : memref<8x128xf32, #tpu.memory_space<hbm>>) target(%dma_start3A_1633 : memref<8x128xf32, #tpu.memory_space<vmem>>) target_semaphore(%arg16 : memref<!tpu.dma_semaphore, #tpu.memory_space<semaphore_mem>>)
    %add3A_1636 = arith.constant 1408 : i32
    %add3A_1637 = arith.addi %multiple_of3A_1319, %add3A_1636 : i32
    %dma_start3A_1638 = arith.constant 8 : i32
    %dma_start3A_1639 = tpu.memref_slice %arg11[%dma_start3A_1638, %add3A_1637] : memref<16x6144xf32, #tpu.memory_space<vmem>> -> memref<8x128xf32, #tpu.memory_space<vmem>>
    %dma_start3A_1640 = arith.constant 8 : i32
    %dma_start3A_1641 = tpu.memref_slice %arg6[%dma_start3A_1640, %multiple_of3A_1625] : memref<16x1000000xf32, #tpu.memory_space<hbm>> -> memref<8x128xf32, #tpu.memory_space<hbm>>
    %dma_start3A_1642 = arith.constant 8 : i32
    %dma_start3A_1643 = tpu.memref_slice %arg11[%dma_start3A_1642, %add3A_1637] : memref<16x6144xf32, #tpu.memory_space<vmem>> -> memref<8x128xf32, #tpu.memory_space<vmem>>
    %dma_start3A_1644 = arith.constant 8 : i32
    %dma_start3A_1645 = tpu.memref_slice %arg6[%dma_start3A_1644, %multiple_of3A_1625] : memref<16x1000000xf32, #tpu.memory_space<hbm>> -> memref<8x128xf32, #tpu.memory_space<hbm>>
    tpu.enqueue_dma source(%dma_start3A_1645 : memref<8x128xf32, #tpu.memory_space<hbm>>) target(%dma_start3A_1643 : memref<8x128xf32, #tpu.memory_space<vmem>>) target_semaphore(%arg16 : memref<!tpu.dma_semaphore, #tpu.memory_space<semaphore_mem>>)
    %slice3A_1646 = vector.extract_strided_slice %get3A_1321 {offsets = [12], sizes = [1], strides = [1]} : vector<16xi32> to vector<1xi32>
    %squeeze3A_1647 = vector.extract %slice3A_1646[0] : i32 from vector<1xi32>
    %shift_right_arithmetic3A_1648 = arith.constant 7 : i32
    %shift_right_arithmetic3A_1649 = arith.shrsi %squeeze3A_1647, %shift_right_arithmetic3A_1648 : i32
    %shift_left3A_1650 = arith.constant 7 : i32
    %shift_left3A_1651 = arith.shli %shift_right_arithmetic3A_1649, %shift_left3A_1650 : i32
    %multiple_of3A_1652 = tpu.assume_multiple %shift_left3A_1651, 128 : i32
    %add3A_1653 = arith.constant 1536 : i32
    %add3A_1654 = arith.addi %multiple_of3A_1319, %add3A_1653 : i32
    %dma_start3A_1655 = arith.constant 0 : i32
    %dma_start3A_1656 = tpu.memref_slice %arg11[%dma_start3A_1655, %add3A_1654] : memref<16x6144xf32, #tpu.memory_space<vmem>> -> memref<8x128xf32, #tpu.memory_space<vmem>>
    %dma_start3A_1657 = arith.constant 0 : i32
    %dma_start3A_1658 = tpu.memref_slice %arg6[%dma_start3A_1657, %multiple_of3A_1652] : memref<16x1000000xf32, #tpu.memory_space<hbm>> -> memref<8x128xf32, #tpu.memory_space<hbm>>
    %dma_start3A_1659 = arith.constant 0 : i32
    %dma_start3A_1660 = tpu.memref_slice %arg11[%dma_start3A_1659, %add3A_1654] : memref<16x6144xf32, #tpu.memory_space<vmem>> -> memref<8x128xf32, #tpu.memory_space<vmem>>
    %dma_start3A_1661 = arith.constant 0 : i32
    %dma_start3A_1662 = tpu.memref_slice %arg6[%dma_start3A_1661, %multiple_of3A_1652] : memref<16x1000000xf32, #tpu.memory_space<hbm>> -> memref<8x128xf32, #tpu.memory_space<hbm>>
    tpu.enqueue_dma source(%dma_start3A_1662 : memref<8x128xf32, #tpu.memory_space<hbm>>) target(%dma_start3A_1660 : memref<8x128xf32, #tpu.memory_space<vmem>>) target_semaphore(%arg16 : memref<!tpu.dma_semaphore, #tpu.memory_space<semaphore_mem>>)
    %add3A_1663 = arith.constant 1536 : i32
    %add3A_1664 = arith.addi %multiple_of3A_1319, %add3A_1663 : i32
    %dma_start3A_1665 = arith.constant 8 : i32
    %dma_start3A_1666 = tpu.memref_slice %arg11[%dma_start3A_1665, %add3A_1664] : memref<16x6144xf32, #tpu.memory_space<vmem>> -> memref<8x128xf32, #tpu.memory_space<vmem>>
    %dma_start3A_1667 = arith.constant 8 : i32
    %dma_start3A_1668 = tpu.memref_slice %arg6[%dma_start3A_1667, %multiple_of3A_1652] : memref<16x1000000xf32, #tpu.memory_space<hbm>> -> memref<8x128xf32, #tpu.memory_space<hbm>>
    %dma_start3A_1669 = arith.constant 8 : i32
    %dma_start3A_1670 = tpu.memref_slice %arg11[%dma_start3A_1669, %add3A_1664] : memref<16x6144xf32, #tpu.memory_space<vmem>> -> memref<8x128xf32, #tpu.memory_space<vmem>>
    %dma_start3A_1671 = arith.constant 8 : i32
    %dma_start3A_1672 = tpu.memref_slice %arg6[%dma_start3A_1671, %multiple_of3A_1652] : memref<16x1000000xf32, #tpu.memory_space<hbm>> -> memref<8x128xf32, #tpu.memory_space<hbm>>
    tpu.enqueue_dma source(%dma_start3A_1672 : memref<8x128xf32, #tpu.memory_space<hbm>>) target(%dma_start3A_1670 : memref<8x128xf32, #tpu.memory_space<vmem>>) target_semaphore(%arg16 : memref<!tpu.dma_semaphore, #tpu.memory_space<semaphore_mem>>)
    %slice3A_1673 = vector.extract_strided_slice %get3A_1321 {offsets = [13], sizes = [1], strides = [1]} : vector<16xi32> to vector<1xi32>
    %squeeze3A_1674 = vector.extract %slice3A_1673[0] : i32 from vector<1xi32>
    %shift_right_arithmetic3A_1675 = arith.constant 7 : i32
    %shift_right_arithmetic3A_1676 = arith.shrsi %squeeze3A_1674, %shift_right_arithmetic3A_1675 : i32
    %shift_left3A_1677 = arith.constant 7 : i32
    %shift_left3A_1678 = arith.shli %shift_right_arithmetic3A_1676, %shift_left3A_1677 : i32
    %multiple_of3A_1679 = tpu.assume_multiple %shift_left3A_1678, 128 : i32
    %add3A_1680 = arith.constant 1664 : i32
    %add3A_1681 = arith.addi %multiple_of3A_1319, %add3A_1680 : i32
    %dma_start3A_1682 = arith.constant 0 : i32
    %dma_start3A_1683 = tpu.memref_slice %arg11[%dma_start3A_1682, %add3A_1681] : memref<16x6144xf32, #tpu.memory_space<vmem>> -> memref<8x128xf32, #tpu.memory_space<vmem>>
    %dma_start3A_1684 = arith.constant 0 : i32
    %dma_start3A_1685 = tpu.memref_slice %arg6[%dma_start3A_1684, %multiple_of3A_1679] : memref<16x1000000xf32, #tpu.memory_space<hbm>> -> memref<8x128xf32, #tpu.memory_space<hbm>>
    %dma_start3A_1686 = arith.constant 0 : i32
    %dma_start3A_1687 = tpu.memref_slice %arg11[%dma_start3A_1686, %add3A_1681] : memref<16x6144xf32, #tpu.memory_space<vmem>> -> memref<8x128xf32, #tpu.memory_space<vmem>>
    %dma_start3A_1688 = arith.constant 0 : i32
    %dma_start3A_1689 = tpu.memref_slice %arg6[%dma_start3A_1688, %multiple_of3A_1679] : memref<16x1000000xf32, #tpu.memory_space<hbm>> -> memref<8x128xf32, #tpu.memory_space<hbm>>
    tpu.enqueue_dma source(%dma_start3A_1689 : memref<8x128xf32, #tpu.memory_space<hbm>>) target(%dma_start3A_1687 : memref<8x128xf32, #tpu.memory_space<vmem>>) target_semaphore(%arg16 : memref<!tpu.dma_semaphore, #tpu.memory_space<semaphore_mem>>)
    %add3A_1690 = arith.constant 1664 : i32
    %add3A_1691 = arith.addi %multiple_of3A_1319, %add3A_1690 : i32
    %dma_start3A_1692 = arith.constant 8 : i32
    %dma_start3A_1693 = tpu.memref_slice %arg11[%dma_start3A_1692, %add3A_1691] : memref<16x6144xf32, #tpu.memory_space<vmem>> -> memref<8x128xf32, #tpu.memory_space<vmem>>
    %dma_start3A_1694 = arith.constant 8 : i32
    %dma_start3A_1695 = tpu.memref_slice %arg6[%dma_start3A_1694, %multiple_of3A_1679] : memref<16x1000000xf32, #tpu.memory_space<hbm>> -> memref<8x128xf32, #tpu.memory_space<hbm>>
    %dma_start3A_1696 = arith.constant 8 : i32
    %dma_start3A_1697 = tpu.memref_slice %arg11[%dma_start3A_1696, %add3A_1691] : memref<16x6144xf32, #tpu.memory_space<vmem>> -> memref<8x128xf32, #tpu.memory_space<vmem>>
    %dma_start3A_1698 = arith.constant 8 : i32
    %dma_start3A_1699 = tpu.memref_slice %arg6[%dma_start3A_1698, %multiple_of3A_1679] : memref<16x1000000xf32, #tpu.memory_space<hbm>> -> memref<8x128xf32, #tpu.memory_space<hbm>>
    tpu.enqueue_dma source(%dma_start3A_1699 : memref<8x128xf32, #tpu.memory_space<hbm>>) target(%dma_start3A_1697 : memref<8x128xf32, #tpu.memory_space<vmem>>) target_semaphore(%arg16 : memref<!tpu.dma_semaphore, #tpu.memory_space<semaphore_mem>>)
    %slice3A_1700 = vector.extract_strided_slice %get3A_1321 {offsets = [14], sizes = [1], strides = [1]} : vector<16xi32> to vector<1xi32>
    %squeeze3A_1701 = vector.extract %slice3A_1700[0] : i32 from vector<1xi32>
    %shift_right_arithmetic3A_1702 = arith.constant 7 : i32
    %shift_right_arithmetic3A_1703 = arith.shrsi %squeeze3A_1701, %shift_right_arithmetic3A_1702 : i32
    %shift_left3A_1704 = arith.constant 7 : i32
    %shift_left3A_1705 = arith.shli %shift_right_arithmetic3A_1703, %shift_left3A_1704 : i32
    %multiple_of3A_1706 = tpu.assume_multiple %shift_left3A_1705, 128 : i32
    %add3A_1707 = arith.constant 1792 : i32
    %add3A_1708 = arith.addi %multiple_of3A_1319, %add3A_1707 : i32
    %dma_start3A_1709 = arith.constant 0 : i32
    %dma_start3A_1710 = tpu.memref_slice %arg11[%dma_start3A_1709, %add3A_1708] : memref<16x6144xf32, #tpu.memory_space<vmem>> -> memref<8x128xf32, #tpu.memory_space<vmem>>
    %dma_start3A_1711 = arith.constant 0 : i32
    %dma_start3A_1712 = tpu.memref_slice %arg6[%dma_start3A_1711, %multiple_of3A_1706] : memref<16x1000000xf32, #tpu.memory_space<hbm>> -> memref<8x128xf32, #tpu.memory_space<hbm>>
    %dma_start3A_1713 = arith.constant 0 : i32
    %dma_start3A_1714 = tpu.memref_slice %arg11[%dma_start3A_1713, %add3A_1708] : memref<16x6144xf32, #tpu.memory_space<vmem>> -> memref<8x128xf32, #tpu.memory_space<vmem>>
    %dma_start3A_1715 = arith.constant 0 : i32
    %dma_start3A_1716 = tpu.memref_slice %arg6[%dma_start3A_1715, %multiple_of3A_1706] : memref<16x1000000xf32, #tpu.memory_space<hbm>> -> memref<8x128xf32, #tpu.memory_space<hbm>>
    tpu.enqueue_dma source(%dma_start3A_1716 : memref<8x128xf32, #tpu.memory_space<hbm>>) target(%dma_start3A_1714 : memref<8x128xf32, #tpu.memory_space<vmem>>) target_semaphore(%arg16 : memref<!tpu.dma_semaphore, #tpu.memory_space<semaphore_mem>>)
    %add3A_1717 = arith.constant 1792 : i32
    %add3A_1718 = arith.addi %multiple_of3A_1319, %add3A_1717 : i32
    %dma_start3A_1719 = arith.constant 8 : i32
    %dma_start3A_1720 = tpu.memref_slice %arg11[%dma_start3A_1719, %add3A_1718] : memref<16x6144xf32, #tpu.memory_space<vmem>> -> memref<8x128xf32, #tpu.memory_space<vmem>>
    %dma_start3A_1721 = arith.constant 8 : i32
    %dma_start3A_1722 = tpu.memref_slice %arg6[%dma_start3A_1721, %multiple_of3A_1706] : memref<16x1000000xf32, #tpu.memory_space<hbm>> -> memref<8x128xf32, #tpu.memory_space<hbm>>
    %dma_start3A_1723 = arith.constant 8 : i32
    %dma_start3A_1724 = tpu.memref_slice %arg11[%dma_start3A_1723, %add3A_1718] : memref<16x6144xf32, #tpu.memory_space<vmem>> -> memref<8x128xf32, #tpu.memory_space<vmem>>
    %dma_start3A_1725 = arith.constant 8 : i32
    %dma_start3A_1726 = tpu.memref_slice %arg6[%dma_start3A_1725, %multiple_of3A_1706] : memref<16x1000000xf32, #tpu.memory_space<hbm>> -> memref<8x128xf32, #tpu.memory_space<hbm>>
    tpu.enqueue_dma source(%dma_start3A_1726 : memref<8x128xf32, #tpu.memory_space<hbm>>) target(%dma_start3A_1724 : memref<8x128xf32, #tpu.memory_space<vmem>>) target_semaphore(%arg16 : memref<!tpu.dma_semaphore, #tpu.memory_space<semaphore_mem>>)
    %slice3A_1727 = vector.extract_strided_slice %get3A_1321 {offsets = [15], sizes = [1], strides = [1]} : vector<16xi32> to vector<1xi32>
    %squeeze3A_1728 = vector.extract %slice3A_1727[0] : i32 from vector<1xi32>
    %shift_right_arithmetic3A_1729 = arith.constant 7 : i32
    %shift_right_arithmetic3A_1730 = arith.shrsi %squeeze3A_1728, %shift_right_arithmetic3A_1729 : i32
    %shift_left3A_1731 = arith.constant 7 : i32
    %shift_left3A_1732 = arith.shli %shift_right_arithmetic3A_1730, %shift_left3A_1731 : i32
    %multiple_of3A_1733 = tpu.assume_multiple %shift_left3A_1732, 128 : i32
    %add3A_1734 = arith.constant 1920 : i32
    %add3A_1735 = arith.addi %multiple_of3A_1319, %add3A_1734 : i32
    %dma_start3A_1736 = arith.constant 0 : i32
    %dma_start3A_1737 = tpu.memref_slice %arg11[%dma_start3A_1736, %add3A_1735] : memref<16x6144xf32, #tpu.memory_space<vmem>> -> memref<8x128xf32, #tpu.memory_space<vmem>>
    %dma_start3A_1738 = arith.constant 0 : i32
    %dma_start3A_1739 = tpu.memref_slice %arg6[%dma_start3A_1738, %multiple_of3A_1733] : memref<16x1000000xf32, #tpu.memory_space<hbm>> -> memref<8x128xf32, #tpu.memory_space<hbm>>
    %dma_start3A_1740 = arith.constant 0 : i32
    %dma_start3A_1741 = tpu.memref_slice %arg11[%dma_start3A_1740, %add3A_1735] : memref<16x6144xf32, #tpu.memory_space<vmem>> -> memref<8x128xf32, #tpu.memory_space<vmem>>
    %dma_start3A_1742 = arith.constant 0 : i32
    %dma_start3A_1743 = tpu.memref_slice %arg6[%dma_start3A_1742, %multiple_of3A_1733] : memref<16x1000000xf32, #tpu.memory_space<hbm>> -> memref<8x128xf32, #tpu.memory_space<hbm>>
    tpu.enqueue_dma source(%dma_start3A_1743 : memref<8x128xf32, #tpu.memory_space<hbm>>) target(%dma_start3A_1741 : memref<8x128xf32, #tpu.memory_space<vmem>>) target_semaphore(%arg16 : memref<!tpu.dma_semaphore, #tpu.memory_space<semaphore_mem>>)
    %add3A_1744 = arith.constant 1920 : i32
    %add3A_1745 = arith.addi %multiple_of3A_1319, %add3A_1744 : i32
    %dma_start3A_1746 = arith.constant 8 : i32
    %dma_start3A_1747 = tpu.memref_slice %arg11[%dma_start3A_1746, %add3A_1745] : memref<16x6144xf32, #tpu.memory_space<vmem>> -> memref<8x128xf32, #tpu.memory_space<vmem>>
    %dma_start3A_1748 = arith.constant 8 : i32
    %dma_start3A_1749 = tpu.memref_slice %arg6[%dma_start3A_1748, %multiple_of3A_1733] : memref<16x1000000xf32, #tpu.memory_space<hbm>> -> memref<8x128xf32, #tpu.memory_space<hbm>>
    %dma_start3A_1750 = arith.constant 8 : i32
    %dma_start3A_1751 = tpu.memref_slice %arg11[%dma_start3A_1750, %add3A_1745] : memref<16x6144xf32, #tpu.memory_space<vmem>> -> memref<8x128xf32, #tpu.memory_space<vmem>>
    %dma_start3A_1752 = arith.constant 8 : i32
    %dma_start3A_1753 = tpu.memref_slice %arg6[%dma_start3A_1752, %multiple_of3A_1733] : memref<16x1000000xf32, #tpu.memory_space<hbm>> -> memref<8x128xf32, #tpu.memory_space<hbm>>
    tpu.enqueue_dma source(%dma_start3A_1753 : memref<8x128xf32, #tpu.memory_space<hbm>>) target(%dma_start3A_1751 : memref<8x128xf32, #tpu.memory_space<vmem>>) target_semaphore(%arg16 : memref<!tpu.dma_semaphore, #tpu.memory_space<semaphore_mem>>)
    %scan3A_1754 = arith.constant 0 : i32
    %scan3A_1755 = arith.constant 0 : i32
    %scan3A_1756 = arith.constant 32 : i32
    %scan3A_1757 = arith.addi %scan3A_1755, %scan3A_1756 : i32
    %scan3A_1758 = arith.constant 1 : i32
    scf.for %scan3A_1760 = %scan3A_1755 to %scan3A_1757 step %scan3A_1758  : i32 {
      %jit3A = arith.constant 3 : i32
      %div3A = arith.divsi %scan3A_1760, %jit3A : i32
      %sign3A = arith.constant 0 : i32
      %sign3A_1761 = arith.cmpi sgt, %scan3A_1760, %sign3A : i32
      %sign3A_1762 = arith.extui %sign3A_1761 : i1 to i32
      %sign3A_1763 = arith.constant 0 : i32
      %sign3A_1764 = arith.cmpi slt, %scan3A_1760, %sign3A_1763 : i32
      %sign3A_1765 = arith.extui %sign3A_1764 : i1 to i32
      %sign3A_1766 = arith.subi %sign3A_1762, %sign3A_1765 : i32
      %sign3A_1767 = arith.constant 0 : i32
      %sign3A_1768 = arith.cmpi sgt, %jit3A, %sign3A_1767 : i32
      %sign3A_1769 = arith.extui %sign3A_1768 : i1 to i32
      %sign3A_1770 = arith.constant 0 : i32
      %sign3A_1771 = arith.cmpi slt, %jit3A, %sign3A_1770 : i32
      %sign3A_1772 = arith.extui %sign3A_1771 : i1 to i32
      %sign3A_1773 = arith.subi %sign3A_1769, %sign3A_1772 : i32
      %ne3A = arith.cmpi ne, %sign3A_1766, %sign3A_1773 : i32
      %rem3A = arith.remsi %scan3A_1760, %jit3A : i32
      %ne3A_1774 = arith.constant 0 : i32
      %ne3A_1775 = arith.cmpi ne, %rem3A, %ne3A_1774 : i32
      %and3A = arith.andi %ne3A, %ne3A_1775 : i1
      %sub3A = arith.constant 1 : i32
      %sub3A_1776 = arith.subi %div3A, %sub3A : i32
      %select_n3A = arith.select %and3A, %sub3A_1776, %div3A : i32
      %mul3A_1777 = arith.constant 3 : i32
      %mul3A_1778 = arith.muli %select_n3A, %mul3A_1777 : i32
      %sub3A_1779 = arith.subi %scan3A_1760, %mul3A_1778 : i32
      %mul3A_1780 = arith.constant 2048 : i32
      %mul3A_1781 = arith.muli %sub3A_1779, %mul3A_1780 : i32
      %multiple_of3A_1782 = tpu.assume_multiple %mul3A_1781, 2048 : i32
      %dma_wait3A = arith.constant 0 : i32
      %dma_wait3A_1783 = tpu.memref_slice %arg11[%dma_wait3A, %multiple_of3A_1782] : memref<16x6144xf32, #tpu.memory_space<vmem>> -> memref<16x2048xf32, #tpu.memory_space<vmem>>
      %dma_wait3A_1784 = arith.constant 0 : i32
      %dma_wait3A_1785 = arith.constant 0 : i32
      %dma_wait3A_1786 = tpu.memref_slice %arg6[%dma_wait3A_1784, %dma_wait3A_1785] : memref<16x1000000xf32, #tpu.memory_space<hbm>> -> memref<16x2048xf32, #tpu.memory_space<hbm>>
      %dma_wait3A_1787 = arith.constant 0 : i32
      %dma_wait3A_1788 = tpu.memref_slice %arg11[%dma_wait3A_1787, %multiple_of3A_1782] : memref<16x6144xf32, #tpu.memory_space<vmem>> -> memref<16x2048xf32, #tpu.memory_space<vmem>>
      %dma_wait3A_1789 = arith.constant 0 : i32
      %dma_wait3A_1790 = arith.constant 0 : i32
      %dma_wait3A_1791 = tpu.memref_slice %arg6[%dma_wait3A_1789, %dma_wait3A_1790] : memref<16x1000000xf32, #tpu.memory_space<hbm>> -> memref<16x2048xf32, #tpu.memory_space<hbm>>
      tpu.wait_dma2 semaphore(%arg16 : memref<!tpu.dma_semaphore, #tpu.memory_space<semaphore_mem>>) src(%dma_wait3A_1791 : memref<16x2048xf32, #tpu.memory_space<hbm>>) dst(%dma_wait3A_1788 : memref<16x2048xf32, #tpu.memory_space<vmem>>)
      %add3A_1792 = arith.constant 2 : i32
      %add3A_1793 = arith.addi %scan3A_1760, %add3A_1792 : i32
      %jit3A_1794 = arith.constant 3 : i32
      %div3A_1795 = arith.divsi %add3A_1793, %jit3A_1794 : i32
      %sign3A_1796 = arith.constant 0 : i32
      %sign3A_1797 = arith.cmpi sgt, %add3A_1793, %sign3A_1796 : i32
      %sign3A_1798 = arith.extui %sign3A_1797 : i1 to i32
      %sign3A_1799 = arith.constant 0 : i32
      %sign3A_1800 = arith.cmpi slt, %add3A_1793, %sign3A_1799 : i32
      %sign3A_1801 = arith.extui %sign3A_1800 : i1 to i32
      %sign3A_1802 = arith.subi %sign3A_1798, %sign3A_1801 : i32
      %sign3A_1803 = arith.constant 0 : i32
      %sign3A_1804 = arith.cmpi sgt, %jit3A_1794, %sign3A_1803 : i32
      %sign3A_1805 = arith.extui %sign3A_1804 : i1 to i32
      %sign3A_1806 = arith.constant 0 : i32
      %sign3A_1807 = arith.cmpi slt, %jit3A_1794, %sign3A_1806 : i32
      %sign3A_1808 = arith.extui %sign3A_1807 : i1 to i32
      %sign3A_1809 = arith.subi %sign3A_1805, %sign3A_1808 : i32
      %ne3A_1810 = arith.cmpi ne, %sign3A_1802, %sign3A_1809 : i32
      %rem3A_1811 = arith.remsi %add3A_1793, %jit3A_1794 : i32
      %ne3A_1812 = arith.constant 0 : i32
      %ne3A_1813 = arith.cmpi ne, %rem3A_1811, %ne3A_1812 : i32
      %and3A_1814 = arith.andi %ne3A_1810, %ne3A_1813 : i1
      %sub3A_1815 = arith.constant 1 : i32
      %sub3A_1816 = arith.subi %div3A_1795, %sub3A_1815 : i32
      %select_n3A_1817 = arith.select %and3A_1814, %sub3A_1816, %div3A_1795 : i32
      %mul3A_1818 = arith.constant 3 : i32
      %mul3A_1819 = arith.muli %select_n3A_1817, %mul3A_1818 : i32
      %sub3A_1820 = arith.subi %add3A_1793, %mul3A_1819 : i32
      %lt3A = arith.constant 32 : i32
      %lt3A_1821 = arith.cmpi slt, %add3A_1793, %lt3A : i32
      %convert_element_type3A = arith.extui %lt3A_1821 : i1 to i32
      %cond3A = arith.constant 0 : i32
      %cond3A_1822 = arith.cmpi ne, %convert_element_type3A, %cond3A : i32
      scf.if %cond3A_1822 {
        %mul3A_2085 = arith.constant 16 : i32
        %mul3A_2086 = arith.muli %add3A_1793, %mul3A_2085 : i32
        %multiple_of3A_2087 = tpu.assume_multiple %mul3A_2086, 16 : i32
        %mul3A_2088 = arith.constant 2048 : i32
        %mul3A_2089 = arith.muli %sub3A_1820, %mul3A_2088 : i32
        %multiple_of3A_2090 = tpu.assume_multiple %mul3A_2089, 2048 : i32
        %get3A_2091 = arith.index_cast %multiple_of3A_2087 : i32 to index
        %get3A_2092 = tpu.vector_load %arg10[%get3A_2091] {strides = array<i32>} : memref<512xi32, #tpu.memory_space<vmem>>, vector<16xi32>,
        %slice3A_2093 = vector.extract_strided_slice %get3A_2092 {offsets = [0], sizes = [1], strides = [1]} : vector<16xi32> to vector<1xi32>
        %squeeze3A_2094 = vector.extract %slice3A_2093[0] : i32 from vector<1xi32>
        %shift_right_arithmetic3A_2095 = arith.constant 7 : i32
        %shift_right_arithmetic3A_2096 = arith.shrsi %squeeze3A_2094, %shift_right_arithmetic3A_2095 : i32
        %shift_left3A_2097 = arith.constant 7 : i32
        %shift_left3A_2098 = arith.shli %shift_right_arithmetic3A_2096, %shift_left3A_2097 : i32
        %multiple_of3A_2099 = tpu.assume_multiple %shift_left3A_2098, 128 : i32
        %add3A_2100 = arith.constant 0 : i32
        %add3A_2101 = arith.addi %multiple_of3A_2090, %add3A_2100 : i32
        %dma_start3A_2102 = arith.constant 0 : i32
        %dma_start3A_2103 = tpu.memref_slice %arg11[%dma_start3A_2102, %add3A_2101] : memref<16x6144xf32, #tpu.memory_space<vmem>> -> memref<8x128xf32, #tpu.memory_space<vmem>>
        %dma_start3A_2104 = arith.constant 0 : i32
        %dma_start3A_2105 = tpu.memref_slice %arg6[%dma_start3A_2104, %multiple_of3A_2099] : memref<16x1000000xf32, #tpu.memory_space<hbm>> -> memref<8x128xf32, #tpu.memory_space<hbm>>
        %dma_start3A_2106 = arith.constant 0 : i32
        %dma_start3A_2107 = tpu.memref_slice %arg11[%dma_start3A_2106, %add3A_2101] : memref<16x6144xf32, #tpu.memory_space<vmem>> -> memref<8x128xf32, #tpu.memory_space<vmem>>
        %dma_start3A_2108 = arith.constant 0 : i32
        %dma_start3A_2109 = tpu.memref_slice %arg6[%dma_start3A_2108, %multiple_of3A_2099] : memref<16x1000000xf32, #tpu.memory_space<hbm>> -> memref<8x128xf32, #tpu.memory_space<hbm>>
        tpu.enqueue_dma source(%dma_start3A_2109 : memref<8x128xf32, #tpu.memory_space<hbm>>) target(%dma_start3A_2107 : memref<8x128xf32, #tpu.memory_space<vmem>>) target_semaphore(%arg16 : memref<!tpu.dma_semaphore, #tpu.memory_space<semaphore_mem>>)
        %add3A_2110 = arith.constant 0 : i32
        %add3A_2111 = arith.addi %multiple_of3A_2090, %add3A_2110 : i32
        %dma_start3A_2112 = arith.constant 8 : i32
        %dma_start3A_2113 = tpu.memref_slice %arg11[%dma_start3A_2112, %add3A_2111] : memref<16x6144xf32, #tpu.memory_space<vmem>> -> memref<8x128xf32, #tpu.memory_space<vmem>>
        %dma_start3A_2114 = arith.constant 8 : i32
        %dma_start3A_2115 = tpu.memref_slice %arg6[%dma_start3A_2114, %multiple_of3A_2099] : memref<16x1000000xf32, #tpu.memory_space<hbm>> -> memref<8x128xf32, #tpu.memory_space<hbm>>
        %dma_start3A_2116 = arith.constant 8 : i32
        %dma_start3A_2117 = tpu.memref_slice %arg11[%dma_start3A_2116, %add3A_2111] : memref<16x6144xf32, #tpu.memory_space<vmem>> -> memref<8x128xf32, #tpu.memory_space<vmem>>
        %dma_start3A_2118 = arith.constant 8 : i32
        %dma_start3A_2119 = tpu.memref_slice %arg6[%dma_start3A_2118, %multiple_of3A_2099] : memref<16x1000000xf32, #tpu.memory_space<hbm>> -> memref<8x128xf32, #tpu.memory_space<hbm>>
        tpu.enqueue_dma source(%dma_start3A_2119 : memref<8x128xf32, #tpu.memory_space<hbm>>) target(%dma_start3A_2117 : memref<8x128xf32, #tpu.memory_space<vmem>>) target_semaphore(%arg16 : memref<!tpu.dma_semaphore, #tpu.memory_space<semaphore_mem>>)
        %slice3A_2120 = vector.extract_strided_slice %get3A_2092 {offsets = [1], sizes = [1], strides = [1]} : vector<16xi32> to vector<1xi32>
        %squeeze3A_2121 = vector.extract %slice3A_2120[0] : i32 from vector<1xi32>
        %shift_right_arithmetic3A_2122 = arith.constant 7 : i32
        %shift_right_arithmetic3A_2123 = arith.shrsi %squeeze3A_2121, %shift_right_arithmetic3A_2122 : i32
        %shift_left3A_2124 = arith.constant 7 : i32
        %shift_left3A_2125 = arith.shli %shift_right_arithmetic3A_2123, %shift_left3A_2124 : i32
        %multiple_of3A_2126 = tpu.assume_multiple %shift_left3A_2125, 128 : i32
        %add3A_2127 = arith.constant 128 : i32
        %add3A_2128 = arith.addi %multiple_of3A_2090, %add3A_2127 : i32
        %dma_start3A_2129 = arith.constant 0 : i32
        %dma_start3A_2130 = tpu.memref_slice %arg11[%dma_start3A_2129, %add3A_2128] : memref<16x6144xf32, #tpu.memory_space<vmem>> -> memref<8x128xf32, #tpu.memory_space<vmem>>
        %dma_start3A_2131 = arith.constant 0 : i32
        %dma_start3A_2132 = tpu.memref_slice %arg6[%dma_start3A_2131, %multiple_of3A_2126] : memref<16x1000000xf32, #tpu.memory_space<hbm>> -> memref<8x128xf32, #tpu.memory_space<hbm>>
        %dma_start3A_2133 = arith.constant 0 : i32
        %dma_start3A_2134 = tpu.memref_slice %arg11[%dma_start3A_2133, %add3A_2128] : memref<16x6144xf32, #tpu.memory_space<vmem>> -> memref<8x128xf32, #tpu.memory_space<vmem>>
        %dma_start3A_2135 = arith.constant 0 : i32
        %dma_start3A_2136 = tpu.memref_slice %arg6[%dma_start3A_2135, %multiple_of3A_2126] : memref<16x1000000xf32, #tpu.memory_space<hbm>> -> memref<8x128xf32, #tpu.memory_space<hbm>>
        tpu.enqueue_dma source(%dma_start3A_2136 : memref<8x128xf32, #tpu.memory_space<hbm>>) target(%dma_start3A_2134 : memref<8x128xf32, #tpu.memory_space<vmem>>) target_semaphore(%arg16 : memref<!tpu.dma_semaphore, #tpu.memory_space<semaphore_mem>>)
        %add3A_2137 = arith.constant 128 : i32
        %add3A_2138 = arith.addi %multiple_of3A_2090, %add3A_2137 : i32
        %dma_start3A_2139 = arith.constant 8 : i32
        %dma_start3A_2140 = tpu.memref_slice %arg11[%dma_start3A_2139, %add3A_2138] : memref<16x6144xf32, #tpu.memory_space<vmem>> -> memref<8x128xf32, #tpu.memory_space<vmem>>
        %dma_start3A_2141 = arith.constant 8 : i32
        %dma_start3A_2142 = tpu.memref_slice %arg6[%dma_start3A_2141, %multiple_of3A_2126] : memref<16x1000000xf32, #tpu.memory_space<hbm>> -> memref<8x128xf32, #tpu.memory_space<hbm>>
        %dma_start3A_2143 = arith.constant 8 : i32
        %dma_start3A_2144 = tpu.memref_slice %arg11[%dma_start3A_2143, %add3A_2138] : memref<16x6144xf32, #tpu.memory_space<vmem>> -> memref<8x128xf32, #tpu.memory_space<vmem>>
        %dma_start3A_2145 = arith.constant 8 : i32
        %dma_start3A_2146 = tpu.memref_slice %arg6[%dma_start3A_2145, %multiple_of3A_2126] : memref<16x1000000xf32, #tpu.memory_space<hbm>> -> memref<8x128xf32, #tpu.memory_space<hbm>>
        tpu.enqueue_dma source(%dma_start3A_2146 : memref<8x128xf32, #tpu.memory_space<hbm>>) target(%dma_start3A_2144 : memref<8x128xf32, #tpu.memory_space<vmem>>) target_semaphore(%arg16 : memref<!tpu.dma_semaphore, #tpu.memory_space<semaphore_mem>>)
        %slice3A_2147 = vector.extract_strided_slice %get3A_2092 {offsets = [2], sizes = [1], strides = [1]} : vector<16xi32> to vector<1xi32>
        %squeeze3A_2148 = vector.extract %slice3A_2147[0] : i32 from vector<1xi32>
        %shift_right_arithmetic3A_2149 = arith.constant 7 : i32
        %shift_right_arithmetic3A_2150 = arith.shrsi %squeeze3A_2148, %shift_right_arithmetic3A_2149 : i32
        %shift_left3A_2151 = arith.constant 7 : i32
        %shift_left3A_2152 = arith.shli %shift_right_arithmetic3A_2150, %shift_left3A_2151 : i32
        %multiple_of3A_2153 = tpu.assume_multiple %shift_left3A_2152, 128 : i32
        %add3A_2154 = arith.constant 256 : i32
        %add3A_2155 = arith.addi %multiple_of3A_2090, %add3A_2154 : i32
        %dma_start3A_2156 = arith.constant 0 : i32
        %dma_start3A_2157 = tpu.memref_slice %arg11[%dma_start3A_2156, %add3A_2155] : memref<16x6144xf32, #tpu.memory_space<vmem>> -> memref<8x128xf32, #tpu.memory_space<vmem>>
        %dma_start3A_2158 = arith.constant 0 : i32
        %dma_start3A_2159 = tpu.memref_slice %arg6[%dma_start3A_2158, %multiple_of3A_2153] : memref<16x1000000xf32, #tpu.memory_space<hbm>> -> memref<8x128xf32, #tpu.memory_space<hbm>>
        %dma_start3A_2160 = arith.constant 0 : i32
        %dma_start3A_2161 = tpu.memref_slice %arg11[%dma_start3A_2160, %add3A_2155] : memref<16x6144xf32, #tpu.memory_space<vmem>> -> memref<8x128xf32, #tpu.memory_space<vmem>>
        %dma_start3A_2162 = arith.constant 0 : i32
        %dma_start3A_2163 = tpu.memref_slice %arg6[%dma_start3A_2162, %multiple_of3A_2153] : memref<16x1000000xf32, #tpu.memory_space<hbm>> -> memref<8x128xf32, #tpu.memory_space<hbm>>
        tpu.enqueue_dma source(%dma_start3A_2163 : memref<8x128xf32, #tpu.memory_space<hbm>>) target(%dma_start3A_2161 : memref<8x128xf32, #tpu.memory_space<vmem>>) target_semaphore(%arg16 : memref<!tpu.dma_semaphore, #tpu.memory_space<semaphore_mem>>)
        %add3A_2164 = arith.constant 256 : i32
        %add3A_2165 = arith.addi %multiple_of3A_2090, %add3A_2164 : i32
        %dma_start3A_2166 = arith.constant 8 : i32
        %dma_start3A_2167 = tpu.memref_slice %arg11[%dma_start3A_2166, %add3A_2165] : memref<16x6144xf32, #tpu.memory_space<vmem>> -> memref<8x128xf32, #tpu.memory_space<vmem>>
        %dma_start3A_2168 = arith.constant 8 : i32
        %dma_start3A_2169 = tpu.memref_slice %arg6[%dma_start3A_2168, %multiple_of3A_2153] : memref<16x1000000xf32, #tpu.memory_space<hbm>> -> memref<8x128xf32, #tpu.memory_space<hbm>>
        %dma_start3A_2170 = arith.constant 8 : i32
        %dma_start3A_2171 = tpu.memref_slice %arg11[%dma_start3A_2170, %add3A_2165] : memref<16x6144xf32, #tpu.memory_space<vmem>> -> memref<8x128xf32, #tpu.memory_space<vmem>>
        %dma_start3A_2172 = arith.constant 8 : i32
        %dma_start3A_2173 = tpu.memref_slice %arg6[%dma_start3A_2172, %multiple_of3A_2153] : memref<16x1000000xf32, #tpu.memory_space<hbm>> -> memref<8x128xf32, #tpu.memory_space<hbm>>
        tpu.enqueue_dma source(%dma_start3A_2173 : memref<8x128xf32, #tpu.memory_space<hbm>>) target(%dma_start3A_2171 : memref<8x128xf32, #tpu.memory_space<vmem>>) target_semaphore(%arg16 : memref<!tpu.dma_semaphore, #tpu.memory_space<semaphore_mem>>)
        %slice3A_2174 = vector.extract_strided_slice %get3A_2092 {offsets = [3], sizes = [1], strides = [1]} : vector<16xi32> to vector<1xi32>
        %squeeze3A_2175 = vector.extract %slice3A_2174[0] : i32 from vector<1xi32>
        %shift_right_arithmetic3A_2176 = arith.constant 7 : i32
        %shift_right_arithmetic3A_2177 = arith.shrsi %squeeze3A_2175, %shift_right_arithmetic3A_2176 : i32
        %shift_left3A_2178 = arith.constant 7 : i32
        %shift_left3A_2179 = arith.shli %shift_right_arithmetic3A_2177, %shift_left3A_2178 : i32
        %multiple_of3A_2180 = tpu.assume_multiple %shift_left3A_2179, 128 : i32
        %add3A_2181 = arith.constant 384 : i32
        %add3A_2182 = arith.addi %multiple_of3A_2090, %add3A_2181 : i32
        %dma_start3A_2183 = arith.constant 0 : i32
        %dma_start3A_2184 = tpu.memref_slice %arg11[%dma_start3A_2183, %add3A_2182] : memref<16x6144xf32, #tpu.memory_space<vmem>> -> memref<8x128xf32, #tpu.memory_space<vmem>>
        %dma_start3A_2185 = arith.constant 0 : i32
        %dma_start3A_2186 = tpu.memref_slice %arg6[%dma_start3A_2185, %multiple_of3A_2180] : memref<16x1000000xf32, #tpu.memory_space<hbm>> -> memref<8x128xf32, #tpu.memory_space<hbm>>
        %dma_start3A_2187 = arith.constant 0 : i32
        %dma_start3A_2188 = tpu.memref_slice %arg11[%dma_start3A_2187, %add3A_2182] : memref<16x6144xf32, #tpu.memory_space<vmem>> -> memref<8x128xf32, #tpu.memory_space<vmem>>
        %dma_start3A_2189 = arith.constant 0 : i32
        %dma_start3A_2190 = tpu.memref_slice %arg6[%dma_start3A_2189, %multiple_of3A_2180] : memref<16x1000000xf32, #tpu.memory_space<hbm>> -> memref<8x128xf32, #tpu.memory_space<hbm>>
        tpu.enqueue_dma source(%dma_start3A_2190 : memref<8x128xf32, #tpu.memory_space<hbm>>) target(%dma_start3A_2188 : memref<8x128xf32, #tpu.memory_space<vmem>>) target_semaphore(%arg16 : memref<!tpu.dma_semaphore, #tpu.memory_space<semaphore_mem>>)
        %add3A_2191 = arith.constant 384 : i32
        %add3A_2192 = arith.addi %multiple_of3A_2090, %add3A_2191 : i32
        %dma_start3A_2193 = arith.constant 8 : i32
        %dma_start3A_2194 = tpu.memref_slice %arg11[%dma_start3A_2193, %add3A_2192] : memref<16x6144xf32, #tpu.memory_space<vmem>> -> memref<8x128xf32, #tpu.memory_space<vmem>>
        %dma_start3A_2195 = arith.constant 8 : i32
        %dma_start3A_2196 = tpu.memref_slice %arg6[%dma_start3A_2195, %multiple_of3A_2180] : memref<16x1000000xf32, #tpu.memory_space<hbm>> -> memref<8x128xf32, #tpu.memory_space<hbm>>
        %dma_start3A_2197 = arith.constant 8 : i32
        %dma_start3A_2198 = tpu.memref_slice %arg11[%dma_start3A_2197, %add3A_2192] : memref<16x6144xf32, #tpu.memory_space<vmem>> -> memref<8x128xf32, #tpu.memory_space<vmem>>
        %dma_start3A_2199 = arith.constant 8 : i32
        %dma_start3A_2200 = tpu.memref_slice %arg6[%dma_start3A_2199, %multiple_of3A_2180] : memref<16x1000000xf32, #tpu.memory_space<hbm>> -> memref<8x128xf32, #tpu.memory_space<hbm>>
        tpu.enqueue_dma source(%dma_start3A_2200 : memref<8x128xf32, #tpu.memory_space<hbm>>) target(%dma_start3A_2198 : memref<8x128xf32, #tpu.memory_space<vmem>>) target_semaphore(%arg16 : memref<!tpu.dma_semaphore, #tpu.memory_space<semaphore_mem>>)
        %slice3A_2201 = vector.extract_strided_slice %get3A_2092 {offsets = [4], sizes = [1], strides = [1]} : vector<16xi32> to vector<1xi32>
        %squeeze3A_2202 = vector.extract %slice3A_2201[0] : i32 from vector<1xi32>
        %shift_right_arithmetic3A_2203 = arith.constant 7 : i32
        %shift_right_arithmetic3A_2204 = arith.shrsi %squeeze3A_2202, %shift_right_arithmetic3A_2203 : i32
        %shift_left3A_2205 = arith.constant 7 : i32
        %shift_left3A_2206 = arith.shli %shift_right_arithmetic3A_2204, %shift_left3A_2205 : i32
        %multiple_of3A_2207 = tpu.assume_multiple %shift_left3A_2206, 128 : i32
        %add3A_2208 = arith.constant 512 : i32
        %add3A_2209 = arith.addi %multiple_of3A_2090, %add3A_2208 : i32
        %dma_start3A_2210 = arith.constant 0 : i32
        %dma_start3A_2211 = tpu.memref_slice %arg11[%dma_start3A_2210, %add3A_2209] : memref<16x6144xf32, #tpu.memory_space<vmem>> -> memref<8x128xf32, #tpu.memory_space<vmem>>
        %dma_start3A_2212 = arith.constant 0 : i32
        %dma_start3A_2213 = tpu.memref_slice %arg6[%dma_start3A_2212, %multiple_of3A_2207] : memref<16x1000000xf32, #tpu.memory_space<hbm>> -> memref<8x128xf32, #tpu.memory_space<hbm>>
        %dma_start3A_2214 = arith.constant 0 : i32
        %dma_start3A_2215 = tpu.memref_slice %arg11[%dma_start3A_2214, %add3A_2209] : memref<16x6144xf32, #tpu.memory_space<vmem>> -> memref<8x128xf32, #tpu.memory_space<vmem>>
        %dma_start3A_2216 = arith.constant 0 : i32
        %dma_start3A_2217 = tpu.memref_slice %arg6[%dma_start3A_2216, %multiple_of3A_2207] : memref<16x1000000xf32, #tpu.memory_space<hbm>> -> memref<8x128xf32, #tpu.memory_space<hbm>>
        tpu.enqueue_dma source(%dma_start3A_2217 : memref<8x128xf32, #tpu.memory_space<hbm>>) target(%dma_start3A_2215 : memref<8x128xf32, #tpu.memory_space<vmem>>) target_semaphore(%arg16 : memref<!tpu.dma_semaphore, #tpu.memory_space<semaphore_mem>>)
        %add3A_2218 = arith.constant 512 : i32
        %add3A_2219 = arith.addi %multiple_of3A_2090, %add3A_2218 : i32
        %dma_start3A_2220 = arith.constant 8 : i32
        %dma_start3A_2221 = tpu.memref_slice %arg11[%dma_start3A_2220, %add3A_2219] : memref<16x6144xf32, #tpu.memory_space<vmem>> -> memref<8x128xf32, #tpu.memory_space<vmem>>
        %dma_start3A_2222 = arith.constant 8 : i32
        %dma_start3A_2223 = tpu.memref_slice %arg6[%dma_start3A_2222, %multiple_of3A_2207] : memref<16x1000000xf32, #tpu.memory_space<hbm>> -> memref<8x128xf32, #tpu.memory_space<hbm>>
        %dma_start3A_2224 = arith.constant 8 : i32
        %dma_start3A_2225 = tpu.memref_slice %arg11[%dma_start3A_2224, %add3A_2219] : memref<16x6144xf32, #tpu.memory_space<vmem>> -> memref<8x128xf32, #tpu.memory_space<vmem>>
        %dma_start3A_2226 = arith.constant 8 : i32
        %dma_start3A_2227 = tpu.memref_slice %arg6[%dma_start3A_2226, %multiple_of3A_2207] : memref<16x1000000xf32, #tpu.memory_space<hbm>> -> memref<8x128xf32, #tpu.memory_space<hbm>>
        tpu.enqueue_dma source(%dma_start3A_2227 : memref<8x128xf32, #tpu.memory_space<hbm>>) target(%dma_start3A_2225 : memref<8x128xf32, #tpu.memory_space<vmem>>) target_semaphore(%arg16 : memref<!tpu.dma_semaphore, #tpu.memory_space<semaphore_mem>>)
        %slice3A_2228 = vector.extract_strided_slice %get3A_2092 {offsets = [5], sizes = [1], strides = [1]} : vector<16xi32> to vector<1xi32>
        %squeeze3A_2229 = vector.extract %slice3A_2228[0] : i32 from vector<1xi32>
        %shift_right_arithmetic3A_2230 = arith.constant 7 : i32
        %shift_right_arithmetic3A_2231 = arith.shrsi %squeeze3A_2229, %shift_right_arithmetic3A_2230 : i32
        %shift_left3A_2232 = arith.constant 7 : i32
        %shift_left3A_2233 = arith.shli %shift_right_arithmetic3A_2231, %shift_left3A_2232 : i32
        %multiple_of3A_2234 = tpu.assume_multiple %shift_left3A_2233, 128 : i32
        %add3A_2235 = arith.constant 640 : i32
        %add3A_2236 = arith.addi %multiple_of3A_2090, %add3A_2235 : i32
        %dma_start3A_2237 = arith.constant 0 : i32
        %dma_start3A_2238 = tpu.memref_slice %arg11[%dma_start3A_2237, %add3A_2236] : memref<16x6144xf32, #tpu.memory_space<vmem>> -> memref<8x128xf32, #tpu.memory_space<vmem>>
        %dma_start3A_2239 = arith.constant 0 : i32
        %dma_start3A_2240 = tpu.memref_slice %arg6[%dma_start3A_2239, %multiple_of3A_2234] : memref<16x1000000xf32, #tpu.memory_space<hbm>> -> memref<8x128xf32, #tpu.memory_space<hbm>>
        %dma_start3A_2241 = arith.constant 0 : i32
        %dma_start3A_2242 = tpu.memref_slice %arg11[%dma_start3A_2241, %add3A_2236] : memref<16x6144xf32, #tpu.memory_space<vmem>> -> memref<8x128xf32, #tpu.memory_space<vmem>>
        %dma_start3A_2243 = arith.constant 0 : i32
        %dma_start3A_2244 = tpu.memref_slice %arg6[%dma_start3A_2243, %multiple_of3A_2234] : memref<16x1000000xf32, #tpu.memory_space<hbm>> -> memref<8x128xf32, #tpu.memory_space<hbm>>
        tpu.enqueue_dma source(%dma_start3A_2244 : memref<8x128xf32, #tpu.memory_space<hbm>>) target(%dma_start3A_2242 : memref<8x128xf32, #tpu.memory_space<vmem>>) target_semaphore(%arg16 : memref<!tpu.dma_semaphore, #tpu.memory_space<semaphore_mem>>)
        %add3A_2245 = arith.constant 640 : i32
        %add3A_2246 = arith.addi %multiple_of3A_2090, %add3A_2245 : i32
        %dma_start3A_2247 = arith.constant 8 : i32
        %dma_start3A_2248 = tpu.memref_slice %arg11[%dma_start3A_2247, %add3A_2246] : memref<16x6144xf32, #tpu.memory_space<vmem>> -> memref<8x128xf32, #tpu.memory_space<vmem>>
        %dma_start3A_2249 = arith.constant 8 : i32
        %dma_start3A_2250 = tpu.memref_slice %arg6[%dma_start3A_2249, %multiple_of3A_2234] : memref<16x1000000xf32, #tpu.memory_space<hbm>> -> memref<8x128xf32, #tpu.memory_space<hbm>>
        %dma_start3A_2251 = arith.constant 8 : i32
        %dma_start3A_2252 = tpu.memref_slice %arg11[%dma_start3A_2251, %add3A_2246] : memref<16x6144xf32, #tpu.memory_space<vmem>> -> memref<8x128xf32, #tpu.memory_space<vmem>>
        %dma_start3A_2253 = arith.constant 8 : i32
        %dma_start3A_2254 = tpu.memref_slice %arg6[%dma_start3A_2253, %multiple_of3A_2234] : memref<16x1000000xf32, #tpu.memory_space<hbm>> -> memref<8x128xf32, #tpu.memory_space<hbm>>
        tpu.enqueue_dma source(%dma_start3A_2254 : memref<8x128xf32, #tpu.memory_space<hbm>>) target(%dma_start3A_2252 : memref<8x128xf32, #tpu.memory_space<vmem>>) target_semaphore(%arg16 : memref<!tpu.dma_semaphore, #tpu.memory_space<semaphore_mem>>)
        %slice3A_2255 = vector.extract_strided_slice %get3A_2092 {offsets = [6], sizes = [1], strides = [1]} : vector<16xi32> to vector<1xi32>
        %squeeze3A_2256 = vector.extract %slice3A_2255[0] : i32 from vector<1xi32>
        %shift_right_arithmetic3A_2257 = arith.constant 7 : i32
        %shift_right_arithmetic3A_2258 = arith.shrsi %squeeze3A_2256, %shift_right_arithmetic3A_2257 : i32
        %shift_left3A_2259 = arith.constant 7 : i32
        %shift_left3A_2260 = arith.shli %shift_right_arithmetic3A_2258, %shift_left3A_2259 : i32
        %multiple_of3A_2261 = tpu.assume_multiple %shift_left3A_2260, 128 : i32
        %add3A_2262 = arith.constant 768 : i32
        %add3A_2263 = arith.addi %multiple_of3A_2090, %add3A_2262 : i32
        %dma_start3A_2264 = arith.constant 0 : i32
        %dma_start3A_2265 = tpu.memref_slice %arg11[%dma_start3A_2264, %add3A_2263] : memref<16x6144xf32, #tpu.memory_space<vmem>> -> memref<8x128xf32, #tpu.memory_space<vmem>>
        %dma_start3A_2266 = arith.constant 0 : i32
        %dma_start3A_2267 = tpu.memref_slice %arg6[%dma_start3A_2266, %multiple_of3A_2261] : memref<16x1000000xf32, #tpu.memory_space<hbm>> -> memref<8x128xf32, #tpu.memory_space<hbm>>
        %dma_start3A_2268 = arith.constant 0 : i32
        %dma_start3A_2269 = tpu.memref_slice %arg11[%dma_start3A_2268, %add3A_2263] : memref<16x6144xf32, #tpu.memory_space<vmem>> -> memref<8x128xf32, #tpu.memory_space<vmem>>
        %dma_start3A_2270 = arith.constant 0 : i32
        %dma_start3A_2271 = tpu.memref_slice %arg6[%dma_start3A_2270, %multiple_of3A_2261] : memref<16x1000000xf32, #tpu.memory_space<hbm>> -> memref<8x128xf32, #tpu.memory_space<hbm>>
        tpu.enqueue_dma source(%dma_start3A_2271 : memref<8x128xf32, #tpu.memory_space<hbm>>) target(%dma_start3A_2269 : memref<8x128xf32, #tpu.memory_space<vmem>>) target_semaphore(%arg16 : memref<!tpu.dma_semaphore, #tpu.memory_space<semaphore_mem>>)
        %add3A_2272 = arith.constant 768 : i32
        %add3A_2273 = arith.addi %multiple_of3A_2090, %add3A_2272 : i32
        %dma_start3A_2274 = arith.constant 8 : i32
        %dma_start3A_2275 = tpu.memref_slice %arg11[%dma_start3A_2274, %add3A_2273] : memref<16x6144xf32, #tpu.memory_space<vmem>> -> memref<8x128xf32, #tpu.memory_space<vmem>>
        %dma_start3A_2276 = arith.constant 8 : i32
        %dma_start3A_2277 = tpu.memref_slice %arg6[%dma_start3A_2276, %multiple_of3A_2261] : memref<16x1000000xf32, #tpu.memory_space<hbm>> -> memref<8x128xf32, #tpu.memory_space<hbm>>
        %dma_start3A_2278 = arith.constant 8 : i32
        %dma_start3A_2279 = tpu.memref_slice %arg11[%dma_start3A_2278, %add3A_2273] : memref<16x6144xf32, #tpu.memory_space<vmem>> -> memref<8x128xf32, #tpu.memory_space<vmem>>
        %dma_start3A_2280 = arith.constant 8 : i32
        %dma_start3A_2281 = tpu.memref_slice %arg6[%dma_start3A_2280, %multiple_of3A_2261] : memref<16x1000000xf32, #tpu.memory_space<hbm>> -> memref<8x128xf32, #tpu.memory_space<hbm>>
        tpu.enqueue_dma source(%dma_start3A_2281 : memref<8x128xf32, #tpu.memory_space<hbm>>) target(%dma_start3A_2279 : memref<8x128xf32, #tpu.memory_space<vmem>>) target_semaphore(%arg16 : memref<!tpu.dma_semaphore, #tpu.memory_space<semaphore_mem>>)
        %slice3A_2282 = vector.extract_strided_slice %get3A_2092 {offsets = [7], sizes = [1], strides = [1]} : vector<16xi32> to vector<1xi32>
        %squeeze3A_2283 = vector.extract %slice3A_2282[0] : i32 from vector<1xi32>
        %shift_right_arithmetic3A_2284 = arith.constant 7 : i32
        %shift_right_arithmetic3A_2285 = arith.shrsi %squeeze3A_2283, %shift_right_arithmetic3A_2284 : i32
        %shift_left3A_2286 = arith.constant 7 : i32
        %shift_left3A_2287 = arith.shli %shift_right_arithmetic3A_2285, %shift_left3A_2286 : i32
        %multiple_of3A_2288 = tpu.assume_multiple %shift_left3A_2287, 128 : i32
        %add3A_2289 = arith.constant 896 : i32
        %add3A_2290 = arith.addi %multiple_of3A_2090, %add3A_2289 : i32
        %dma_start3A_2291 = arith.constant 0 : i32
        %dma_start3A_2292 = tpu.memref_slice %arg11[%dma_start3A_2291, %add3A_2290] : memref<16x6144xf32, #tpu.memory_space<vmem>> -> memref<8x128xf32, #tpu.memory_space<vmem>>
        %dma_start3A_2293 = arith.constant 0 : i32
        %dma_start3A_2294 = tpu.memref_slice %arg6[%dma_start3A_2293, %multiple_of3A_2288] : memref<16x1000000xf32, #tpu.memory_space<hbm>> -> memref<8x128xf32, #tpu.memory_space<hbm>>
        %dma_start3A_2295 = arith.constant 0 : i32
        %dma_start3A_2296 = tpu.memref_slice %arg11[%dma_start3A_2295, %add3A_2290] : memref<16x6144xf32, #tpu.memory_space<vmem>> -> memref<8x128xf32, #tpu.memory_space<vmem>>
        %dma_start3A_2297 = arith.constant 0 : i32
        %dma_start3A_2298 = tpu.memref_slice %arg6[%dma_start3A_2297, %multiple_of3A_2288] : memref<16x1000000xf32, #tpu.memory_space<hbm>> -> memref<8x128xf32, #tpu.memory_space<hbm>>
        tpu.enqueue_dma source(%dma_start3A_2298 : memref<8x128xf32, #tpu.memory_space<hbm>>) target(%dma_start3A_2296 : memref<8x128xf32, #tpu.memory_space<vmem>>) target_semaphore(%arg16 : memref<!tpu.dma_semaphore, #tpu.memory_space<semaphore_mem>>)
        %add3A_2299 = arith.constant 896 : i32
        %add3A_2300 = arith.addi %multiple_of3A_2090, %add3A_2299 : i32
        %dma_start3A_2301 = arith.constant 8 : i32
        %dma_start3A_2302 = tpu.memref_slice %arg11[%dma_start3A_2301, %add3A_2300] : memref<16x6144xf32, #tpu.memory_space<vmem>> -> memref<8x128xf32, #tpu.memory_space<vmem>>
        %dma_start3A_2303 = arith.constant 8 : i32
        %dma_start3A_2304 = tpu.memref_slice %arg6[%dma_start3A_2303, %multiple_of3A_2288] : memref<16x1000000xf32, #tpu.memory_space<hbm>> -> memref<8x128xf32, #tpu.memory_space<hbm>>
        %dma_start3A_2305 = arith.constant 8 : i32
        %dma_start3A_2306 = tpu.memref_slice %arg11[%dma_start3A_2305, %add3A_2300] : memref<16x6144xf32, #tpu.memory_space<vmem>> -> memref<8x128xf32, #tpu.memory_space<vmem>>
        %dma_start3A_2307 = arith.constant 8 : i32
        %dma_start3A_2308 = tpu.memref_slice %arg6[%dma_start3A_2307, %multiple_of3A_2288] : memref<16x1000000xf32, #tpu.memory_space<hbm>> -> memref<8x128xf32, #tpu.memory_space<hbm>>
        tpu.enqueue_dma source(%dma_start3A_2308 : memref<8x128xf32, #tpu.memory_space<hbm>>) target(%dma_start3A_2306 : memref<8x128xf32, #tpu.memory_space<vmem>>) target_semaphore(%arg16 : memref<!tpu.dma_semaphore, #tpu.memory_space<semaphore_mem>>)
        %slice3A_2309 = vector.extract_strided_slice %get3A_2092 {offsets = [8], sizes = [1], strides = [1]} : vector<16xi32> to vector<1xi32>
        %squeeze3A_2310 = vector.extract %slice3A_2309[0] : i32 from vector<1xi32>
        %shift_right_arithmetic3A_2311 = arith.constant 7 : i32
        %shift_right_arithmetic3A_2312 = arith.shrsi %squeeze3A_2310, %shift_right_arithmetic3A_2311 : i32
        %shift_left3A_2313 = arith.constant 7 : i32
        %shift_left3A_2314 = arith.shli %shift_right_arithmetic3A_2312, %shift_left3A_2313 : i32
        %multiple_of3A_2315 = tpu.assume_multiple %shift_left3A_2314, 128 : i32
        %add3A_2316 = arith.constant 1024 : i32
        %add3A_2317 = arith.addi %multiple_of3A_2090, %add3A_2316 : i32
        %dma_start3A_2318 = arith.constant 0 : i32
        %dma_start3A_2319 = tpu.memref_slice %arg11[%dma_start3A_2318, %add3A_2317] : memref<16x6144xf32, #tpu.memory_space<vmem>> -> memref<8x128xf32, #tpu.memory_space<vmem>>
        %dma_start3A_2320 = arith.constant 0 : i32
        %dma_start3A_2321 = tpu.memref_slice %arg6[%dma_start3A_2320, %multiple_of3A_2315] : memref<16x1000000xf32, #tpu.memory_space<hbm>> -> memref<8x128xf32, #tpu.memory_space<hbm>>
        %dma_start3A_2322 = arith.constant 0 : i32
        %dma_start3A_2323 = tpu.memref_slice %arg11[%dma_start3A_2322, %add3A_2317] : memref<16x6144xf32, #tpu.memory_space<vmem>> -> memref<8x128xf32, #tpu.memory_space<vmem>>
        %dma_start3A_2324 = arith.constant 0 : i32
        %dma_start3A_2325 = tpu.memref_slice %arg6[%dma_start3A_2324, %multiple_of3A_2315] : memref<16x1000000xf32, #tpu.memory_space<hbm>> -> memref<8x128xf32, #tpu.memory_space<hbm>>
        tpu.enqueue_dma source(%dma_start3A_2325 : memref<8x128xf32, #tpu.memory_space<hbm>>) target(%dma_start3A_2323 : memref<8x128xf32, #tpu.memory_space<vmem>>) target_semaphore(%arg16 : memref<!tpu.dma_semaphore, #tpu.memory_space<semaphore_mem>>)
        %add3A_2326 = arith.constant 1024 : i32
        %add3A_2327 = arith.addi %multiple_of3A_2090, %add3A_2326 : i32
        %dma_start3A_2328 = arith.constant 8 : i32
        %dma_start3A_2329 = tpu.memref_slice %arg11[%dma_start3A_2328, %add3A_2327] : memref<16x6144xf32, #tpu.memory_space<vmem>> -> memref<8x128xf32, #tpu.memory_space<vmem>>
        %dma_start3A_2330 = arith.constant 8 : i32
        %dma_start3A_2331 = tpu.memref_slice %arg6[%dma_start3A_2330, %multiple_of3A_2315] : memref<16x1000000xf32, #tpu.memory_space<hbm>> -> memref<8x128xf32, #tpu.memory_space<hbm>>
        %dma_start3A_2332 = arith.constant 8 : i32
        %dma_start3A_2333 = tpu.memref_slice %arg11[%dma_start3A_2332, %add3A_2327] : memref<16x6144xf32, #tpu.memory_space<vmem>> -> memref<8x128xf32, #tpu.memory_space<vmem>>
        %dma_start3A_2334 = arith.constant 8 : i32
        %dma_start3A_2335 = tpu.memref_slice %arg6[%dma_start3A_2334, %multiple_of3A_2315] : memref<16x1000000xf32, #tpu.memory_space<hbm>> -> memref<8x128xf32, #tpu.memory_space<hbm>>
        tpu.enqueue_dma source(%dma_start3A_2335 : memref<8x128xf32, #tpu.memory_space<hbm>>) target(%dma_start3A_2333 : memref<8x128xf32, #tpu.memory_space<vmem>>) target_semaphore(%arg16 : memref<!tpu.dma_semaphore, #tpu.memory_space<semaphore_mem>>)
        %slice3A_2336 = vector.extract_strided_slice %get3A_2092 {offsets = [9], sizes = [1], strides = [1]} : vector<16xi32> to vector<1xi32>
        %squeeze3A_2337 = vector.extract %slice3A_2336[0] : i32 from vector<1xi32>
        %shift_right_arithmetic3A_2338 = arith.constant 7 : i32
        %shift_right_arithmetic3A_2339 = arith.shrsi %squeeze3A_2337, %shift_right_arithmetic3A_2338 : i32
        %shift_left3A_2340 = arith.constant 7 : i32
        %shift_left3A_2341 = arith.shli %shift_right_arithmetic3A_2339, %shift_left3A_2340 : i32
        %multiple_of3A_2342 = tpu.assume_multiple %shift_left3A_2341, 128 : i32
        %add3A_2343 = arith.constant 1152 : i32
        %add3A_2344 = arith.addi %multiple_of3A_2090, %add3A_2343 : i32
        %dma_start3A_2345 = arith.constant 0 : i32
        %dma_start3A_2346 = tpu.memref_slice %arg11[%dma_start3A_2345, %add3A_2344] : memref<16x6144xf32, #tpu.memory_space<vmem>> -> memref<8x128xf32, #tpu.memory_space<vmem>>
        %dma_start3A_2347 = arith.constant 0 : i32
        %dma_start3A_2348 = tpu.memref_slice %arg6[%dma_start3A_2347, %multiple_of3A_2342] : memref<16x1000000xf32, #tpu.memory_space<hbm>> -> memref<8x128xf32, #tpu.memory_space<hbm>>
        %dma_start3A_2349 = arith.constant 0 : i32
        %dma_start3A_2350 = tpu.memref_slice %arg11[%dma_start3A_2349, %add3A_2344] : memref<16x6144xf32, #tpu.memory_space<vmem>> -> memref<8x128xf32, #tpu.memory_space<vmem>>
        %dma_start3A_2351 = arith.constant 0 : i32
        %dma_start3A_2352 = tpu.memref_slice %arg6[%dma_start3A_2351, %multiple_of3A_2342] : memref<16x1000000xf32, #tpu.memory_space<hbm>> -> memref<8x128xf32, #tpu.memory_space<hbm>>
        tpu.enqueue_dma source(%dma_start3A_2352 : memref<8x128xf32, #tpu.memory_space<hbm>>) target(%dma_start3A_2350 : memref<8x128xf32, #tpu.memory_space<vmem>>) target_semaphore(%arg16 : memref<!tpu.dma_semaphore, #tpu.memory_space<semaphore_mem>>)
        %add3A_2353 = arith.constant 1152 : i32
        %add3A_2354 = arith.addi %multiple_of3A_2090, %add3A_2353 : i32
        %dma_start3A_2355 = arith.constant 8 : i32
        %dma_start3A_2356 = tpu.memref_slice %arg11[%dma_start3A_2355, %add3A_2354] : memref<16x6144xf32, #tpu.memory_space<vmem>> -> memref<8x128xf32, #tpu.memory_space<vmem>>
        %dma_start3A_2357 = arith.constant 8 : i32
        %dma_start3A_2358 = tpu.memref_slice %arg6[%dma_start3A_2357, %multiple_of3A_2342] : memref<16x1000000xf32, #tpu.memory_space<hbm>> -> memref<8x128xf32, #tpu.memory_space<hbm>>
        %dma_start3A_2359 = arith.constant 8 : i32
        %dma_start3A_2360 = tpu.memref_slice %arg11[%dma_start3A_2359, %add3A_2354] : memref<16x6144xf32, #tpu.memory_space<vmem>> -> memref<8x128xf32, #tpu.memory_space<vmem>>
        %dma_start3A_2361 = arith.constant 8 : i32
        %dma_start3A_2362 = tpu.memref_slice %arg6[%dma_start3A_2361, %multiple_of3A_2342] : memref<16x1000000xf32, #tpu.memory_space<hbm>> -> memref<8x128xf32, #tpu.memory_space<hbm>>
        tpu.enqueue_dma source(%dma_start3A_2362 : memref<8x128xf32, #tpu.memory_space<hbm>>) target(%dma_start3A_2360 : memref<8x128xf32, #tpu.memory_space<vmem>>) target_semaphore(%arg16 : memref<!tpu.dma_semaphore, #tpu.memory_space<semaphore_mem>>)
        %slice3A_2363 = vector.extract_strided_slice %get3A_2092 {offsets = [10], sizes = [1], strides = [1]} : vector<16xi32> to vector<1xi32>
        %squeeze3A_2364 = vector.extract %slice3A_2363[0] : i32 from vector<1xi32>
        %shift_right_arithmetic3A_2365 = arith.constant 7 : i32
        %shift_right_arithmetic3A_2366 = arith.shrsi %squeeze3A_2364, %shift_right_arithmetic3A_2365 : i32
        %shift_left3A_2367 = arith.constant 7 : i32
        %shift_left3A_2368 = arith.shli %shift_right_arithmetic3A_2366, %shift_left3A_2367 : i32
        %multiple_of3A_2369 = tpu.assume_multiple %shift_left3A_2368, 128 : i32
        %add3A_2370 = arith.constant 1280 : i32
        %add3A_2371 = arith.addi %multiple_of3A_2090, %add3A_2370 : i32
        %dma_start3A_2372 = arith.constant 0 : i32
        %dma_start3A_2373 = tpu.memref_slice %arg11[%dma_start3A_2372, %add3A_2371] : memref<16x6144xf32, #tpu.memory_space<vmem>> -> memref<8x128xf32, #tpu.memory_space<vmem>>
        %dma_start3A_2374 = arith.constant 0 : i32
        %dma_start3A_2375 = tpu.memref_slice %arg6[%dma_start3A_2374, %multiple_of3A_2369] : memref<16x1000000xf32, #tpu.memory_space<hbm>> -> memref<8x128xf32, #tpu.memory_space<hbm>>
        %dma_start3A_2376 = arith.constant 0 : i32
        %dma_start3A_2377 = tpu.memref_slice %arg11[%dma_start3A_2376, %add3A_2371] : memref<16x6144xf32, #tpu.memory_space<vmem>> -> memref<8x128xf32, #tpu.memory_space<vmem>>
        %dma_start3A_2378 = arith.constant 0 : i32
        %dma_start3A_2379 = tpu.memref_slice %arg6[%dma_start3A_2378, %multiple_of3A_2369] : memref<16x1000000xf32, #tpu.memory_space<hbm>> -> memref<8x128xf32, #tpu.memory_space<hbm>>
        tpu.enqueue_dma source(%dma_start3A_2379 : memref<8x128xf32, #tpu.memory_space<hbm>>) target(%dma_start3A_2377 : memref<8x128xf32, #tpu.memory_space<vmem>>) target_semaphore(%arg16 : memref<!tpu.dma_semaphore, #tpu.memory_space<semaphore_mem>>)
        %add3A_2380 = arith.constant 1280 : i32
        %add3A_2381 = arith.addi %multiple_of3A_2090, %add3A_2380 : i32
        %dma_start3A_2382 = arith.constant 8 : i32
        %dma_start3A_2383 = tpu.memref_slice %arg11[%dma_start3A_2382, %add3A_2381] : memref<16x6144xf32, #tpu.memory_space<vmem>> -> memref<8x128xf32, #tpu.memory_space<vmem>>
        %dma_start3A_2384 = arith.constant 8 : i32
        %dma_start3A_2385 = tpu.memref_slice %arg6[%dma_start3A_2384, %multiple_of3A_2369] : memref<16x1000000xf32, #tpu.memory_space<hbm>> -> memref<8x128xf32, #tpu.memory_space<hbm>>
        %dma_start3A_2386 = arith.constant 8 : i32
        %dma_start3A_2387 = tpu.memref_slice %arg11[%dma_start3A_2386, %add3A_2381] : memref<16x6144xf32, #tpu.memory_space<vmem>> -> memref<8x128xf32, #tpu.memory_space<vmem>>
        %dma_start3A_2388 = arith.constant 8 : i32
        %dma_start3A_2389 = tpu.memref_slice %arg6[%dma_start3A_2388, %multiple_of3A_2369] : memref<16x1000000xf32, #tpu.memory_space<hbm>> -> memref<8x128xf32, #tpu.memory_space<hbm>>
        tpu.enqueue_dma source(%dma_start3A_2389 : memref<8x128xf32, #tpu.memory_space<hbm>>) target(%dma_start3A_2387 : memref<8x128xf32, #tpu.memory_space<vmem>>) target_semaphore(%arg16 : memref<!tpu.dma_semaphore, #tpu.memory_space<semaphore_mem>>)
        %slice3A_2390 = vector.extract_strided_slice %get3A_2092 {offsets = [11], sizes = [1], strides = [1]} : vector<16xi32> to vector<1xi32>
        %squeeze3A_2391 = vector.extract %slice3A_2390[0] : i32 from vector<1xi32>
        %shift_right_arithmetic3A_2392 = arith.constant 7 : i32
        %shift_right_arithmetic3A_2393 = arith.shrsi %squeeze3A_2391, %shift_right_arithmetic3A_2392 : i32
        %shift_left3A_2394 = arith.constant 7 : i32
        %shift_left3A_2395 = arith.shli %shift_right_arithmetic3A_2393, %shift_left3A_2394 : i32
        %multiple_of3A_2396 = tpu.assume_multiple %shift_left3A_2395, 128 : i32
        %add3A_2397 = arith.constant 1408 : i32
        %add3A_2398 = arith.addi %multiple_of3A_2090, %add3A_2397 : i32
        %dma_start3A_2399 = arith.constant 0 : i32
        %dma_start3A_2400 = tpu.memref_slice %arg11[%dma_start3A_2399, %add3A_2398] : memref<16x6144xf32, #tpu.memory_space<vmem>> -> memref<8x128xf32, #tpu.memory_space<vmem>>
        %dma_start3A_2401 = arith.constant 0 : i32
        %dma_start3A_2402 = tpu.memref_slice %arg6[%dma_start3A_2401, %multiple_of3A_2396] : memref<16x1000000xf32, #tpu.memory_space<hbm>> -> memref<8x128xf32, #tpu.memory_space<hbm>>
        %dma_start3A_2403 = arith.constant 0 : i32
        %dma_start3A_2404 = tpu.memref_slice %arg11[%dma_start3A_2403, %add3A_2398] : memref<16x6144xf32, #tpu.memory_space<vmem>> -> memref<8x128xf32, #tpu.memory_space<vmem>>
        %dma_start3A_2405 = arith.constant 0 : i32
        %dma_start3A_2406 = tpu.memref_slice %arg6[%dma_start3A_2405, %multiple_of3A_2396] : memref<16x1000000xf32, #tpu.memory_space<hbm>> -> memref<8x128xf32, #tpu.memory_space<hbm>>
        tpu.enqueue_dma source(%dma_start3A_2406 : memref<8x128xf32, #tpu.memory_space<hbm>>) target(%dma_start3A_2404 : memref<8x128xf32, #tpu.memory_space<vmem>>) target_semaphore(%arg16 : memref<!tpu.dma_semaphore, #tpu.memory_space<semaphore_mem>>)
        %add3A_2407 = arith.constant 1408 : i32
        %add3A_2408 = arith.addi %multiple_of3A_2090, %add3A_2407 : i32
        %dma_start3A_2409 = arith.constant 8 : i32
        %dma_start3A_2410 = tpu.memref_slice %arg11[%dma_start3A_2409, %add3A_2408] : memref<16x6144xf32, #tpu.memory_space<vmem>> -> memref<8x128xf32, #tpu.memory_space<vmem>>
        %dma_start3A_2411 = arith.constant 8 : i32
        %dma_start3A_2412 = tpu.memref_slice %arg6[%dma_start3A_2411, %multiple_of3A_2396] : memref<16x1000000xf32, #tpu.memory_space<hbm>> -> memref<8x128xf32, #tpu.memory_space<hbm>>
        %dma_start3A_2413 = arith.constant 8 : i32
        %dma_start3A_2414 = tpu.memref_slice %arg11[%dma_start3A_2413, %add3A_2408] : memref<16x6144xf32, #tpu.memory_space<vmem>> -> memref<8x128xf32, #tpu.memory_space<vmem>>
        %dma_start3A_2415 = arith.constant 8 : i32
        %dma_start3A_2416 = tpu.memref_slice %arg6[%dma_start3A_2415, %multiple_of3A_2396] : memref<16x1000000xf32, #tpu.memory_space<hbm>> -> memref<8x128xf32, #tpu.memory_space<hbm>>
        tpu.enqueue_dma source(%dma_start3A_2416 : memref<8x128xf32, #tpu.memory_space<hbm>>) target(%dma_start3A_2414 : memref<8x128xf32, #tpu.memory_space<vmem>>) target_semaphore(%arg16 : memref<!tpu.dma_semaphore, #tpu.memory_space<semaphore_mem>>)
        %slice3A_2417 = vector.extract_strided_slice %get3A_2092 {offsets = [12], sizes = [1], strides = [1]} : vector<16xi32> to vector<1xi32>
        %squeeze3A_2418 = vector.extract %slice3A_2417[0] : i32 from vector<1xi32>
        %shift_right_arithmetic3A_2419 = arith.constant 7 : i32
        %shift_right_arithmetic3A_2420 = arith.shrsi %squeeze3A_2418, %shift_right_arithmetic3A_2419 : i32
        %shift_left3A_2421 = arith.constant 7 : i32
        %shift_left3A_2422 = arith.shli %shift_right_arithmetic3A_2420, %shift_left3A_2421 : i32
        %multiple_of3A_2423 = tpu.assume_multiple %shift_left3A_2422, 128 : i32
        %add3A_2424 = arith.constant 1536 : i32
        %add3A_2425 = arith.addi %multiple_of3A_2090, %add3A_2424 : i32
        %dma_start3A_2426 = arith.constant 0 : i32
        %dma_start3A_2427 = tpu.memref_slice %arg11[%dma_start3A_2426, %add3A_2425] : memref<16x6144xf32, #tpu.memory_space<vmem>> -> memref<8x128xf32, #tpu.memory_space<vmem>>
        %dma_start3A_2428 = arith.constant 0 : i32
        %dma_start3A_2429 = tpu.memref_slice %arg6[%dma_start3A_2428, %multiple_of3A_2423] : memref<16x1000000xf32, #tpu.memory_space<hbm>> -> memref<8x128xf32, #tpu.memory_space<hbm>>
        %dma_start3A_2430 = arith.constant 0 : i32
        %dma_start3A_2431 = tpu.memref_slice %arg11[%dma_start3A_2430, %add3A_2425] : memref<16x6144xf32, #tpu.memory_space<vmem>> -> memref<8x128xf32, #tpu.memory_space<vmem>>
        %dma_start3A_2432 = arith.constant 0 : i32
        %dma_start3A_2433 = tpu.memref_slice %arg6[%dma_start3A_2432, %multiple_of3A_2423] : memref<16x1000000xf32, #tpu.memory_space<hbm>> -> memref<8x128xf32, #tpu.memory_space<hbm>>
        tpu.enqueue_dma source(%dma_start3A_2433 : memref<8x128xf32, #tpu.memory_space<hbm>>) target(%dma_start3A_2431 : memref<8x128xf32, #tpu.memory_space<vmem>>) target_semaphore(%arg16 : memref<!tpu.dma_semaphore, #tpu.memory_space<semaphore_mem>>)
        %add3A_2434 = arith.constant 1536 : i32
        %add3A_2435 = arith.addi %multiple_of3A_2090, %add3A_2434 : i32
        %dma_start3A_2436 = arith.constant 8 : i32
        %dma_start3A_2437 = tpu.memref_slice %arg11[%dma_start3A_2436, %add3A_2435] : memref<16x6144xf32, #tpu.memory_space<vmem>> -> memref<8x128xf32, #tpu.memory_space<vmem>>
        %dma_start3A_2438 = arith.constant 8 : i32
        %dma_start3A_2439 = tpu.memref_slice %arg6[%dma_start3A_2438, %multiple_of3A_2423] : memref<16x1000000xf32, #tpu.memory_space<hbm>> -> memref<8x128xf32, #tpu.memory_space<hbm>>
        %dma_start3A_2440 = arith.constant 8 : i32
        %dma_start3A_2441 = tpu.memref_slice %arg11[%dma_start3A_2440, %add3A_2435] : memref<16x6144xf32, #tpu.memory_space<vmem>> -> memref<8x128xf32, #tpu.memory_space<vmem>>
        %dma_start3A_2442 = arith.constant 8 : i32
        %dma_start3A_2443 = tpu.memref_slice %arg6[%dma_start3A_2442, %multiple_of3A_2423] : memref<16x1000000xf32, #tpu.memory_space<hbm>> -> memref<8x128xf32, #tpu.memory_space<hbm>>
        tpu.enqueue_dma source(%dma_start3A_2443 : memref<8x128xf32, #tpu.memory_space<hbm>>) target(%dma_start3A_2441 : memref<8x128xf32, #tpu.memory_space<vmem>>) target_semaphore(%arg16 : memref<!tpu.dma_semaphore, #tpu.memory_space<semaphore_mem>>)
        %slice3A_2444 = vector.extract_strided_slice %get3A_2092 {offsets = [13], sizes = [1], strides = [1]} : vector<16xi32> to vector<1xi32>
        %squeeze3A_2445 = vector.extract %slice3A_2444[0] : i32 from vector<1xi32>
        %shift_right_arithmetic3A_2446 = arith.constant 7 : i32
        %shift_right_arithmetic3A_2447 = arith.shrsi %squeeze3A_2445, %shift_right_arithmetic3A_2446 : i32
        %shift_left3A_2448 = arith.constant 7 : i32
        %shift_left3A_2449 = arith.shli %shift_right_arithmetic3A_2447, %shift_left3A_2448 : i32
        %multiple_of3A_2450 = tpu.assume_multiple %shift_left3A_2449, 128 : i32
        %add3A_2451 = arith.constant 1664 : i32
        %add3A_2452 = arith.addi %multiple_of3A_2090, %add3A_2451 : i32
        %dma_start3A_2453 = arith.constant 0 : i32
        %dma_start3A_2454 = tpu.memref_slice %arg11[%dma_start3A_2453, %add3A_2452] : memref<16x6144xf32, #tpu.memory_space<vmem>> -> memref<8x128xf32, #tpu.memory_space<vmem>>
        %dma_start3A_2455 = arith.constant 0 : i32
        %dma_start3A_2456 = tpu.memref_slice %arg6[%dma_start3A_2455, %multiple_of3A_2450] : memref<16x1000000xf32, #tpu.memory_space<hbm>> -> memref<8x128xf32, #tpu.memory_space<hbm>>
        %dma_start3A_2457 = arith.constant 0 : i32
        %dma_start3A_2458 = tpu.memref_slice %arg11[%dma_start3A_2457, %add3A_2452] : memref<16x6144xf32, #tpu.memory_space<vmem>> -> memref<8x128xf32, #tpu.memory_space<vmem>>
        %dma_start3A_2459 = arith.constant 0 : i32
        %dma_start3A_2460 = tpu.memref_slice %arg6[%dma_start3A_2459, %multiple_of3A_2450] : memref<16x1000000xf32, #tpu.memory_space<hbm>> -> memref<8x128xf32, #tpu.memory_space<hbm>>
        tpu.enqueue_dma source(%dma_start3A_2460 : memref<8x128xf32, #tpu.memory_space<hbm>>) target(%dma_start3A_2458 : memref<8x128xf32, #tpu.memory_space<vmem>>) target_semaphore(%arg16 : memref<!tpu.dma_semaphore, #tpu.memory_space<semaphore_mem>>)
        %add3A_2461 = arith.constant 1664 : i32
        %add3A_2462 = arith.addi %multiple_of3A_2090, %add3A_2461 : i32
        %dma_start3A_2463 = arith.constant 8 : i32
        %dma_start3A_2464 = tpu.memref_slice %arg11[%dma_start3A_2463, %add3A_2462] : memref<16x6144xf32, #tpu.memory_space<vmem>> -> memref<8x128xf32, #tpu.memory_space<vmem>>
        %dma_start3A_2465 = arith.constant 8 : i32
        %dma_start3A_2466 = tpu.memref_slice %arg6[%dma_start3A_2465, %multiple_of3A_2450] : memref<16x1000000xf32, #tpu.memory_space<hbm>> -> memref<8x128xf32, #tpu.memory_space<hbm>>
        %dma_start3A_2467 = arith.constant 8 : i32
        %dma_start3A_2468 = tpu.memref_slice %arg11[%dma_start3A_2467, %add3A_2462] : memref<16x6144xf32, #tpu.memory_space<vmem>> -> memref<8x128xf32, #tpu.memory_space<vmem>>
        %dma_start3A_2469 = arith.constant 8 : i32
        %dma_start3A_2470 = tpu.memref_slice %arg6[%dma_start3A_2469, %multiple_of3A_2450] : memref<16x1000000xf32, #tpu.memory_space<hbm>> -> memref<8x128xf32, #tpu.memory_space<hbm>>
        tpu.enqueue_dma source(%dma_start3A_2470 : memref<8x128xf32, #tpu.memory_space<hbm>>) target(%dma_start3A_2468 : memref<8x128xf32, #tpu.memory_space<vmem>>) target_semaphore(%arg16 : memref<!tpu.dma_semaphore, #tpu.memory_space<semaphore_mem>>)
        %slice3A_2471 = vector.extract_strided_slice %get3A_2092 {offsets = [14], sizes = [1], strides = [1]} : vector<16xi32> to vector<1xi32>
        %squeeze3A_2472 = vector.extract %slice3A_2471[0] : i32 from vector<1xi32>
        %shift_right_arithmetic3A_2473 = arith.constant 7 : i32
        %shift_right_arithmetic3A_2474 = arith.shrsi %squeeze3A_2472, %shift_right_arithmetic3A_2473 : i32
        %shift_left3A_2475 = arith.constant 7 : i32
        %shift_left3A_2476 = arith.shli %shift_right_arithmetic3A_2474, %shift_left3A_2475 : i32
        %multiple_of3A_2477 = tpu.assume_multiple %shift_left3A_2476, 128 : i32
        %add3A_2478 = arith.constant 1792 : i32
        %add3A_2479 = arith.addi %multiple_of3A_2090, %add3A_2478 : i32
        %dma_start3A_2480 = arith.constant 0 : i32
        %dma_start3A_2481 = tpu.memref_slice %arg11[%dma_start3A_2480, %add3A_2479] : memref<16x6144xf32, #tpu.memory_space<vmem>> -> memref<8x128xf32, #tpu.memory_space<vmem>>
        %dma_start3A_2482 = arith.constant 0 : i32
        %dma_start3A_2483 = tpu.memref_slice %arg6[%dma_start3A_2482, %multiple_of3A_2477] : memref<16x1000000xf32, #tpu.memory_space<hbm>> -> memref<8x128xf32, #tpu.memory_space<hbm>>
        %dma_start3A_2484 = arith.constant 0 : i32
        %dma_start3A_2485 = tpu.memref_slice %arg11[%dma_start3A_2484, %add3A_2479] : memref<16x6144xf32, #tpu.memory_space<vmem>> -> memref<8x128xf32, #tpu.memory_space<vmem>>
        %dma_start3A_2486 = arith.constant 0 : i32
        %dma_start3A_2487 = tpu.memref_slice %arg6[%dma_start3A_2486, %multiple_of3A_2477] : memref<16x1000000xf32, #tpu.memory_space<hbm>> -> memref<8x128xf32, #tpu.memory_space<hbm>>
        tpu.enqueue_dma source(%dma_start3A_2487 : memref<8x128xf32, #tpu.memory_space<hbm>>) target(%dma_start3A_2485 : memref<8x128xf32, #tpu.memory_space<vmem>>) target_semaphore(%arg16 : memref<!tpu.dma_semaphore, #tpu.memory_space<semaphore_mem>>)
        %add3A_2488 = arith.constant 1792 : i32
        %add3A_2489 = arith.addi %multiple_of3A_2090, %add3A_2488 : i32
        %dma_start3A_2490 = arith.constant 8 : i32
        %dma_start3A_2491 = tpu.memref_slice %arg11[%dma_start3A_2490, %add3A_2489] : memref<16x6144xf32, #tpu.memory_space<vmem>> -> memref<8x128xf32, #tpu.memory_space<vmem>>
        %dma_start3A_2492 = arith.constant 8 : i32
        %dma_start3A_2493 = tpu.memref_slice %arg6[%dma_start3A_2492, %multiple_of3A_2477] : memref<16x1000000xf32, #tpu.memory_space<hbm>> -> memref<8x128xf32, #tpu.memory_space<hbm>>
        %dma_start3A_2494 = arith.constant 8 : i32
        %dma_start3A_2495 = tpu.memref_slice %arg11[%dma_start3A_2494, %add3A_2489] : memref<16x6144xf32, #tpu.memory_space<vmem>> -> memref<8x128xf32, #tpu.memory_space<vmem>>
        %dma_start3A_2496 = arith.constant 8 : i32
        %dma_start3A_2497 = tpu.memref_slice %arg6[%dma_start3A_2496, %multiple_of3A_2477] : memref<16x1000000xf32, #tpu.memory_space<hbm>> -> memref<8x128xf32, #tpu.memory_space<hbm>>
        tpu.enqueue_dma source(%dma_start3A_2497 : memref<8x128xf32, #tpu.memory_space<hbm>>) target(%dma_start3A_2495 : memref<8x128xf32, #tpu.memory_space<vmem>>) target_semaphore(%arg16 : memref<!tpu.dma_semaphore, #tpu.memory_space<semaphore_mem>>)
        %slice3A_2498 = vector.extract_strided_slice %get3A_2092 {offsets = [15], sizes = [1], strides = [1]} : vector<16xi32> to vector<1xi32>
        %squeeze3A_2499 = vector.extract %slice3A_2498[0] : i32 from vector<1xi32>
        %shift_right_arithmetic3A_2500 = arith.constant 7 : i32
        %shift_right_arithmetic3A_2501 = arith.shrsi %squeeze3A_2499, %shift_right_arithmetic3A_2500 : i32
        %shift_left3A_2502 = arith.constant 7 : i32
        %shift_left3A_2503 = arith.shli %shift_right_arithmetic3A_2501, %shift_left3A_2502 : i32
        %multiple_of3A_2504 = tpu.assume_multiple %shift_left3A_2503, 128 : i32
        %add3A_2505 = arith.constant 1920 : i32
        %add3A_2506 = arith.addi %multiple_of3A_2090, %add3A_2505 : i32
        %dma_start3A_2507 = arith.constant 0 : i32
        %dma_start3A_2508 = tpu.memref_slice %arg11[%dma_start3A_2507, %add3A_2506] : memref<16x6144xf32, #tpu.memory_space<vmem>> -> memref<8x128xf32, #tpu.memory_space<vmem>>
        %dma_start3A_2509 = arith.constant 0 : i32
        %dma_start3A_2510 = tpu.memref_slice %arg6[%dma_start3A_2509, %multiple_of3A_2504] : memref<16x1000000xf32, #tpu.memory_space<hbm>> -> memref<8x128xf32, #tpu.memory_space<hbm>>
        %dma_start3A_2511 = arith.constant 0 : i32
        %dma_start3A_2512 = tpu.memref_slice %arg11[%dma_start3A_2511, %add3A_2506] : memref<16x6144xf32, #tpu.memory_space<vmem>> -> memref<8x128xf32, #tpu.memory_space<vmem>>
        %dma_start3A_2513 = arith.constant 0 : i32
        %dma_start3A_2514 = tpu.memref_slice %arg6[%dma_start3A_2513, %multiple_of3A_2504] : memref<16x1000000xf32, #tpu.memory_space<hbm>> -> memref<8x128xf32, #tpu.memory_space<hbm>>
        tpu.enqueue_dma source(%dma_start3A_2514 : memref<8x128xf32, #tpu.memory_space<hbm>>) target(%dma_start3A_2512 : memref<8x128xf32, #tpu.memory_space<vmem>>) target_semaphore(%arg16 : memref<!tpu.dma_semaphore, #tpu.memory_space<semaphore_mem>>)
        %add3A_2515 = arith.constant 1920 : i32
        %add3A_2516 = arith.addi %multiple_of3A_2090, %add3A_2515 : i32
        %dma_start3A_2517 = arith.constant 8 : i32
        %dma_start3A_2518 = tpu.memref_slice %arg11[%dma_start3A_2517, %add3A_2516] : memref<16x6144xf32, #tpu.memory_space<vmem>> -> memref<8x128xf32, #tpu.memory_space<vmem>>
        %dma_start3A_2519 = arith.constant 8 : i32
        %dma_start3A_2520 = tpu.memref_slice %arg6[%dma_start3A_2519, %multiple_of3A_2504] : memref<16x1000000xf32, #tpu.memory_space<hbm>> -> memref<8x128xf32, #tpu.memory_space<hbm>>
        %dma_start3A_2521 = arith.constant 8 : i32
        %dma_start3A_2522 = tpu.memref_slice %arg11[%dma_start3A_2521, %add3A_2516] : memref<16x6144xf32, #tpu.memory_space<vmem>> -> memref<8x128xf32, #tpu.memory_space<vmem>>
        %dma_start3A_2523 = arith.constant 8 : i32
        %dma_start3A_2524 = tpu.memref_slice %arg6[%dma_start3A_2523, %multiple_of3A_2504] : memref<16x1000000xf32, #tpu.memory_space<hbm>> -> memref<8x128xf32, #tpu.memory_space<hbm>>
        tpu.enqueue_dma source(%dma_start3A_2524 : memref<8x128xf32, #tpu.memory_space<hbm>>) target(%dma_start3A_2522 : memref<8x128xf32, #tpu.memory_space<vmem>>) target_semaphore(%arg16 : memref<!tpu.dma_semaphore, #tpu.memory_space<semaphore_mem>>)
      } else {
      }
      %mul3A_1823 = arith.constant 16 : i32
      %mul3A_1824 = arith.muli %scan3A_1760, %mul3A_1823 : i32
      %multiple_of3A_1825 = tpu.assume_multiple %mul3A_1824, 16 : i32
      %mul3A_1826 = arith.constant 2048 : i32
      %mul3A_1827 = arith.muli %sub3A_1779, %mul3A_1826 : i32
      %multiple_of3A_1828 = tpu.assume_multiple %mul3A_1827, 2048 : i32
      %get3A_1829 = arith.index_cast %multiple_of3A_1825 : i32 to index
      %get3A_1830 = tpu.vector_load %arg10[%get3A_1829] {strides = array<i32>} : memref<512xi32, #tpu.memory_space<vmem>>, vector<16xi32>,
      %and3A_1831 = arith.constant 127 : i32
      %and3A_1832 = vector.broadcast %and3A_1831 : i32 to vector<16xi32>
      %and3A_1833 = arith.andi %get3A_1830, %and3A_1832 : vector<16xi32>
      %add3A_1834 = vector.broadcast %multiple_of3A_1828 : i32 to vector<16xi32>
      %add3A_1835 = arith.addi %add3A_1834, %and3A_1833 : vector<16xi32>
      %mul3A_1836 = arith.constant 128 : i32
      %mul3A_1837 = vector.broadcast %mul3A_1836 : i32 to vector<16xi32>
      %mul3A_1838 = arith.muli %iota3A, %mul3A_1837 : vector<16xi32>
      %add3A_1839 = arith.addi %add3A_1835, %mul3A_1838 : vector<16xi32>
      %broadcast_in_dim3A = arith.constant 0.000000e+00 : f32
      %broadcast_in_dim3A_1840 = vector.broadcast %broadcast_in_dim3A : f32 to vector<16xf32>
      %broadcast_in_dim3A_1841 = arith.constant 0 : i32
      %broadcast_in_dim3A_1842 = vector.broadcast %broadcast_in_dim3A_1841 : i32 to vector<16xi32>
      %gather3A = tpu.vector_load_idx %arg11[%broadcast_in_dim3A_1842, %add3A_1839] : memref<16x6144xf32, #tpu.memory_space<vmem>>[vector<16xi32>, vector<16xi32>], vector<16xf32>,
      %max3A = arith.constant 1.000000e+00 : f32
      %max3A_1843 = vector.broadcast %max3A : f32 to vector<16xf32>
      %max3A_1844 = arith.maximumf %gather3A, %max3A_1843 : vector<16xf32>
      %min3A = arith.constant 5.000000e+00 : f32
      %min3A_1845 = vector.broadcast %min3A : f32 to vector<16xf32>
      %min3A_1846 = arith.minimumf %max3A_1844, %min3A_1845 : vector<16xf32>
      %get3A_1847 = arith.constant 0 : i32
      %get3A_1848 = arith.index_cast %get3A_1847 : i32 to index
      %get3A_1849 = arith.index_cast %multiple_of3A_1825 : i32 to index
      %get3A_1850 = tpu.vector_load %arg12[%get3A_1848, %get3A_1849] {strides = array<i32>} : memref<16x512xf32, #tpu.memory_space<vmem>>, vector<16xf32>,
      %mul3A_1851 = arith.mulf %min3A_1846, %get3A_1850 : vector<16xf32>
      %add3A_1852 = arith.addf %broadcast_in_dim3A_1840, %mul3A_1851 : vector<16xf32>
      %broadcast_in_dim3A_1853 = arith.constant 1 : i32
      %broadcast_in_dim3A_1854 = vector.broadcast %broadcast_in_dim3A_1853 : i32 to vector<16xi32>
      %gather3A_1855 = tpu.vector_load_idx %arg11[%broadcast_in_dim3A_1854, %add3A_1839] : memref<16x6144xf32, #tpu.memory_space<vmem>>[vector<16xi32>, vector<16xi32>], vector<16xf32>,
      %max3A_1856 = arith.constant 1.000000e+00 : f32
      %max3A_1857 = vector.broadcast %max3A_1856 : f32 to vector<16xf32>
      %max3A_1858 = arith.maximumf %gather3A_1855, %max3A_1857 : vector<16xf32>
      %min3A_1859 = arith.constant 5.000000e+00 : f32
      %min3A_1860 = vector.broadcast %min3A_1859 : f32 to vector<16xf32>
      %min3A_1861 = arith.minimumf %max3A_1858, %min3A_1860 : vector<16xf32>
      %get3A_1862 = arith.constant 1 : i32
      %get3A_1863 = arith.index_cast %get3A_1862 : i32 to index
      %get3A_1864 = arith.index_cast %multiple_of3A_1825 : i32 to index
      %get3A_1865 = tpu.vector_load %arg12[%get3A_1863, %get3A_1864] {strides = array<i32>} : memref<16x512xf32, #tpu.memory_space<vmem>>, vector<16xf32>,
      %mul3A_1866 = arith.mulf %min3A_1861, %get3A_1865 : vector<16xf32>
      %add3A_1867 = arith.addf %add3A_1852, %mul3A_1866 : vector<16xf32>
      %broadcast_in_dim3A_1868 = arith.constant 2 : i32
      %broadcast_in_dim3A_1869 = vector.broadcast %broadcast_in_dim3A_1868 : i32 to vector<16xi32>
      %gather3A_1870 = tpu.vector_load_idx %arg11[%broadcast_in_dim3A_1869, %add3A_1839] : memref<16x6144xf32, #tpu.memory_space<vmem>>[vector<16xi32>, vector<16xi32>], vector<16xf32>,
      %max3A_1871 = arith.constant 1.000000e+00 : f32
      %max3A_1872 = vector.broadcast %max3A_1871 : f32 to vector<16xf32>
      %max3A_1873 = arith.maximumf %gather3A_1870, %max3A_1872 : vector<16xf32>
      %min3A_1874 = arith.constant 5.000000e+00 : f32
      %min3A_1875 = vector.broadcast %min3A_1874 : f32 to vector<16xf32>
      %min3A_1876 = arith.minimumf %max3A_1873, %min3A_1875 : vector<16xf32>
      %get3A_1877 = arith.constant 2 : i32
      %get3A_1878 = arith.index_cast %get3A_1877 : i32 to index
      %get3A_1879 = arith.index_cast %multiple_of3A_1825 : i32 to index
      %get3A_1880 = tpu.vector_load %arg12[%get3A_1878, %get3A_1879] {strides = array<i32>} : memref<16x512xf32, #tpu.memory_space<vmem>>, vector<16xf32>,
      %mul3A_1881 = arith.mulf %min3A_1876, %get3A_1880 : vector<16xf32>
      %add3A_1882 = arith.addf %add3A_1867, %mul3A_1881 : vector<16xf32>
      %broadcast_in_dim3A_1883 = arith.constant 3 : i32
      %broadcast_in_dim3A_1884 = vector.broadcast %broadcast_in_dim3A_1883 : i32 to vector<16xi32>
      %gather3A_1885 = tpu.vector_load_idx %arg11[%broadcast_in_dim3A_1884, %add3A_1839] : memref<16x6144xf32, #tpu.memory_space<vmem>>[vector<16xi32>, vector<16xi32>], vector<16xf32>,
      %max3A_1886 = arith.constant 1.000000e+00 : f32
      %max3A_1887 = vector.broadcast %max3A_1886 : f32 to vector<16xf32>
      %max3A_1888 = arith.maximumf %gather3A_1885, %max3A_1887 : vector<16xf32>
      %min3A_1889 = arith.constant 5.000000e+00 : f32
      %min3A_1890 = vector.broadcast %min3A_1889 : f32 to vector<16xf32>
      %min3A_1891 = arith.minimumf %max3A_1888, %min3A_1890 : vector<16xf32>
      %get3A_1892 = arith.constant 3 : i32
      %get3A_1893 = arith.index_cast %get3A_1892 : i32 to index
      %get3A_1894 = arith.index_cast %multiple_of3A_1825 : i32 to index
      %get3A_1895 = tpu.vector_load %arg12[%get3A_1893, %get3A_1894] {strides = array<i32>} : memref<16x512xf32, #tpu.memory_space<vmem>>, vector<16xf32>,
      %mul3A_1896 = arith.mulf %min3A_1891, %get3A_1895 : vector<16xf32>
      %add3A_1897 = arith.addf %add3A_1882, %mul3A_1896 : vector<16xf32>
      %broadcast_in_dim3A_1898 = arith.constant 4 : i32
      %broadcast_in_dim3A_1899 = vector.broadcast %broadcast_in_dim3A_1898 : i32 to vector<16xi32>
      %gather3A_1900 = tpu.vector_load_idx %arg11[%broadcast_in_dim3A_1899, %add3A_1839] : memref<16x6144xf32, #tpu.memory_space<vmem>>[vector<16xi32>, vector<16xi32>], vector<16xf32>,
      %max3A_1901 = arith.constant 1.000000e+00 : f32
      %max3A_1902 = vector.broadcast %max3A_1901 : f32 to vector<16xf32>
      %max3A_1903 = arith.maximumf %gather3A_1900, %max3A_1902 : vector<16xf32>
      %min3A_1904 = arith.constant 5.000000e+00 : f32
      %min3A_1905 = vector.broadcast %min3A_1904 : f32 to vector<16xf32>
      %min3A_1906 = arith.minimumf %max3A_1903, %min3A_1905 : vector<16xf32>
      %get3A_1907 = arith.constant 4 : i32
      %get3A_1908 = arith.index_cast %get3A_1907 : i32 to index
      %get3A_1909 = arith.index_cast %multiple_of3A_1825 : i32 to index
      %get3A_1910 = tpu.vector_load %arg12[%get3A_1908, %get3A_1909] {strides = array<i32>} : memref<16x512xf32, #tpu.memory_space<vmem>>, vector<16xf32>,
      %mul3A_1911 = arith.mulf %min3A_1906, %get3A_1910 : vector<16xf32>
      %add3A_1912 = arith.addf %add3A_1897, %mul3A_1911 : vector<16xf32>
      %broadcast_in_dim3A_1913 = arith.constant 5 : i32
      %broadcast_in_dim3A_1914 = vector.broadcast %broadcast_in_dim3A_1913 : i32 to vector<16xi32>
      %gather3A_1915 = tpu.vector_load_idx %arg11[%broadcast_in_dim3A_1914, %add3A_1839] : memref<16x6144xf32, #tpu.memory_space<vmem>>[vector<16xi32>, vector<16xi32>], vector<16xf32>,
      %max3A_1916 = arith.constant 1.000000e+00 : f32
      %max3A_1917 = vector.broadcast %max3A_1916 : f32 to vector<16xf32>
      %max3A_1918 = arith.maximumf %gather3A_1915, %max3A_1917 : vector<16xf32>
      %min3A_1919 = arith.constant 5.000000e+00 : f32
      %min3A_1920 = vector.broadcast %min3A_1919 : f32 to vector<16xf32>
      %min3A_1921 = arith.minimumf %max3A_1918, %min3A_1920 : vector<16xf32>
      %get3A_1922 = arith.constant 5 : i32
      %get3A_1923 = arith.index_cast %get3A_1922 : i32 to index
      %get3A_1924 = arith.index_cast %multiple_of3A_1825 : i32 to index
      %get3A_1925 = tpu.vector_load %arg12[%get3A_1923, %get3A_1924] {strides = array<i32>} : memref<16x512xf32, #tpu.memory_space<vmem>>, vector<16xf32>,
      %mul3A_1926 = arith.mulf %min3A_1921, %get3A_1925 : vector<16xf32>
      %add3A_1927 = arith.addf %add3A_1912, %mul3A_1926 : vector<16xf32>
      %broadcast_in_dim3A_1928 = arith.constant 6 : i32
      %broadcast_in_dim3A_1929 = vector.broadcast %broadcast_in_dim3A_1928 : i32 to vector<16xi32>
      %gather3A_1930 = tpu.vector_load_idx %arg11[%broadcast_in_dim3A_1929, %add3A_1839] : memref<16x6144xf32, #tpu.memory_space<vmem>>[vector<16xi32>, vector<16xi32>], vector<16xf32>,
      %max3A_1931 = arith.constant 1.000000e+00 : f32
      %max3A_1932 = vector.broadcast %max3A_1931 : f32 to vector<16xf32>
      %max3A_1933 = arith.maximumf %gather3A_1930, %max3A_1932 : vector<16xf32>
      %min3A_1934 = arith.constant 5.000000e+00 : f32
      %min3A_1935 = vector.broadcast %min3A_1934 : f32 to vector<16xf32>
      %min3A_1936 = arith.minimumf %max3A_1933, %min3A_1935 : vector<16xf32>
      %get3A_1937 = arith.constant 6 : i32
      %get3A_1938 = arith.index_cast %get3A_1937 : i32 to index
      %get3A_1939 = arith.index_cast %multiple_of3A_1825 : i32 to index
      %get3A_1940 = tpu.vector_load %arg12[%get3A_1938, %get3A_1939] {strides = array<i32>} : memref<16x512xf32, #tpu.memory_space<vmem>>, vector<16xf32>,
      %mul3A_1941 = arith.mulf %min3A_1936, %get3A_1940 : vector<16xf32>
      %add3A_1942 = arith.addf %add3A_1927, %mul3A_1941 : vector<16xf32>
      %broadcast_in_dim3A_1943 = arith.constant 7 : i32
      %broadcast_in_dim3A_1944 = vector.broadcast %broadcast_in_dim3A_1943 : i32 to vector<16xi32>
      %gather3A_1945 = tpu.vector_load_idx %arg11[%broadcast_in_dim3A_1944, %add3A_1839] : memref<16x6144xf32, #tpu.memory_space<vmem>>[vector<16xi32>, vector<16xi32>], vector<16xf32>,
      %max3A_1946 = arith.constant 1.000000e+00 : f32
      %max3A_1947 = vector.broadcast %max3A_1946 : f32 to vector<16xf32>
      %max3A_1948 = arith.maximumf %gather3A_1945, %max3A_1947 : vector<16xf32>
      %min3A_1949 = arith.constant 5.000000e+00 : f32
      %min3A_1950 = vector.broadcast %min3A_1949 : f32 to vector<16xf32>
      %min3A_1951 = arith.minimumf %max3A_1948, %min3A_1950 : vector<16xf32>
      %get3A_1952 = arith.constant 7 : i32
      %get3A_1953 = arith.index_cast %get3A_1952 : i32 to index
      %get3A_1954 = arith.index_cast %multiple_of3A_1825 : i32 to index
      %get3A_1955 = tpu.vector_load %arg12[%get3A_1953, %get3A_1954] {strides = array<i32>} : memref<16x512xf32, #tpu.memory_space<vmem>>, vector<16xf32>,
      %mul3A_1956 = arith.mulf %min3A_1951, %get3A_1955 : vector<16xf32>
      %add3A_1957 = arith.addf %add3A_1942, %mul3A_1956 : vector<16xf32>
      %broadcast_in_dim3A_1958 = arith.constant 8 : i32
      %broadcast_in_dim3A_1959 = vector.broadcast %broadcast_in_dim3A_1958 : i32 to vector<16xi32>
      %gather3A_1960 = tpu.vector_load_idx %arg11[%broadcast_in_dim3A_1959, %add3A_1839] : memref<16x6144xf32, #tpu.memory_space<vmem>>[vector<16xi32>, vector<16xi32>], vector<16xf32>,
      %max3A_1961 = arith.constant 1.000000e+00 : f32
      %max3A_1962 = vector.broadcast %max3A_1961 : f32 to vector<16xf32>
      %max3A_1963 = arith.maximumf %gather3A_1960, %max3A_1962 : vector<16xf32>
      %min3A_1964 = arith.constant 5.000000e+00 : f32
      %min3A_1965 = vector.broadcast %min3A_1964 : f32 to vector<16xf32>
      %min3A_1966 = arith.minimumf %max3A_1963, %min3A_1965 : vector<16xf32>
      %get3A_1967 = arith.constant 8 : i32
      %get3A_1968 = arith.index_cast %get3A_1967 : i32 to index
      %get3A_1969 = arith.index_cast %multiple_of3A_1825 : i32 to index
      %get3A_1970 = tpu.vector_load %arg12[%get3A_1968, %get3A_1969] {strides = array<i32>} : memref<16x512xf32, #tpu.memory_space<vmem>>, vector<16xf32>,
      %mul3A_1971 = arith.mulf %min3A_1966, %get3A_1970 : vector<16xf32>
      %add3A_1972 = arith.addf %add3A_1957, %mul3A_1971 : vector<16xf32>
      %broadcast_in_dim3A_1973 = arith.constant 9 : i32
      %broadcast_in_dim3A_1974 = vector.broadcast %broadcast_in_dim3A_1973 : i32 to vector<16xi32>
      %gather3A_1975 = tpu.vector_load_idx %arg11[%broadcast_in_dim3A_1974, %add3A_1839] : memref<16x6144xf32, #tpu.memory_space<vmem>>[vector<16xi32>, vector<16xi32>], vector<16xf32>,
      %max3A_1976 = arith.constant 1.000000e+00 : f32
      %max3A_1977 = vector.broadcast %max3A_1976 : f32 to vector<16xf32>
      %max3A_1978 = arith.maximumf %gather3A_1975, %max3A_1977 : vector<16xf32>
      %min3A_1979 = arith.constant 5.000000e+00 : f32
      %min3A_1980 = vector.broadcast %min3A_1979 : f32 to vector<16xf32>
      %min3A_1981 = arith.minimumf %max3A_1978, %min3A_1980 : vector<16xf32>
      %get3A_1982 = arith.constant 9 : i32
      %get3A_1983 = arith.index_cast %get3A_1982 : i32 to index
      %get3A_1984 = arith.index_cast %multiple_of3A_1825 : i32 to index
      %get3A_1985 = tpu.vector_load %arg12[%get3A_1983, %get3A_1984] {strides = array<i32>} : memref<16x512xf32, #tpu.memory_space<vmem>>, vector<16xf32>,
      %mul3A_1986 = arith.mulf %min3A_1981, %get3A_1985 : vector<16xf32>
      %add3A_1987 = arith.addf %add3A_1972, %mul3A_1986 : vector<16xf32>
      %broadcast_in_dim3A_1988 = arith.constant 10 : i32
      %broadcast_in_dim3A_1989 = vector.broadcast %broadcast_in_dim3A_1988 : i32 to vector<16xi32>
      %gather3A_1990 = tpu.vector_load_idx %arg11[%broadcast_in_dim3A_1989, %add3A_1839] : memref<16x6144xf32, #tpu.memory_space<vmem>>[vector<16xi32>, vector<16xi32>], vector<16xf32>,
      %max3A_1991 = arith.constant 1.000000e+00 : f32
      %max3A_1992 = vector.broadcast %max3A_1991 : f32 to vector<16xf32>
      %max3A_1993 = arith.maximumf %gather3A_1990, %max3A_1992 : vector<16xf32>
      %min3A_1994 = arith.constant 5.000000e+00 : f32
      %min3A_1995 = vector.broadcast %min3A_1994 : f32 to vector<16xf32>
      %min3A_1996 = arith.minimumf %max3A_1993, %min3A_1995 : vector<16xf32>
      %get3A_1997 = arith.constant 10 : i32
      %get3A_1998 = arith.index_cast %get3A_1997 : i32 to index
      %get3A_1999 = arith.index_cast %multiple_of3A_1825 : i32 to index
      %get3A_2000 = tpu.vector_load %arg12[%get3A_1998, %get3A_1999] {strides = array<i32>} : memref<16x512xf32, #tpu.memory_space<vmem>>, vector<16xf32>,
      %mul3A_2001 = arith.mulf %min3A_1996, %get3A_2000 : vector<16xf32>
      %add3A_2002 = arith.addf %add3A_1987, %mul3A_2001 : vector<16xf32>
      %broadcast_in_dim3A_2003 = arith.constant 11 : i32
      %broadcast_in_dim3A_2004 = vector.broadcast %broadcast_in_dim3A_2003 : i32 to vector<16xi32>
      %gather3A_2005 = tpu.vector_load_idx %arg11[%broadcast_in_dim3A_2004, %add3A_1839] : memref<16x6144xf32, #tpu.memory_space<vmem>>[vector<16xi32>, vector<16xi32>], vector<16xf32>,
      %max3A_2006 = arith.constant 1.000000e+00 : f32
      %max3A_2007 = vector.broadcast %max3A_2006 : f32 to vector<16xf32>
      %max3A_2008 = arith.maximumf %gather3A_2005, %max3A_2007 : vector<16xf32>
      %min3A_2009 = arith.constant 5.000000e+00 : f32
      %min3A_2010 = vector.broadcast %min3A_2009 : f32 to vector<16xf32>
      %min3A_2011 = arith.minimumf %max3A_2008, %min3A_2010 : vector<16xf32>
      %get3A_2012 = arith.constant 11 : i32
      %get3A_2013 = arith.index_cast %get3A_2012 : i32 to index
      %get3A_2014 = arith.index_cast %multiple_of3A_1825 : i32 to index
      %get3A_2015 = tpu.vector_load %arg12[%get3A_2013, %get3A_2014] {strides = array<i32>} : memref<16x512xf32, #tpu.memory_space<vmem>>, vector<16xf32>,
      %mul3A_2016 = arith.mulf %min3A_2011, %get3A_2015 : vector<16xf32>
      %add3A_2017 = arith.addf %add3A_2002, %mul3A_2016 : vector<16xf32>
      %broadcast_in_dim3A_2018 = arith.constant 12 : i32
      %broadcast_in_dim3A_2019 = vector.broadcast %broadcast_in_dim3A_2018 : i32 to vector<16xi32>
      %gather3A_2020 = tpu.vector_load_idx %arg11[%broadcast_in_dim3A_2019, %add3A_1839] : memref<16x6144xf32, #tpu.memory_space<vmem>>[vector<16xi32>, vector<16xi32>], vector<16xf32>,
      %max3A_2021 = arith.constant 1.000000e+00 : f32
      %max3A_2022 = vector.broadcast %max3A_2021 : f32 to vector<16xf32>
      %max3A_2023 = arith.maximumf %gather3A_2020, %max3A_2022 : vector<16xf32>
      %min3A_2024 = arith.constant 5.000000e+00 : f32
      %min3A_2025 = vector.broadcast %min3A_2024 : f32 to vector<16xf32>
      %min3A_2026 = arith.minimumf %max3A_2023, %min3A_2025 : vector<16xf32>
      %get3A_2027 = arith.constant 12 : i32
      %get3A_2028 = arith.index_cast %get3A_2027 : i32 to index
      %get3A_2029 = arith.index_cast %multiple_of3A_1825 : i32 to index
      %get3A_2030 = tpu.vector_load %arg12[%get3A_2028, %get3A_2029] {strides = array<i32>} : memref<16x512xf32, #tpu.memory_space<vmem>>, vector<16xf32>,
      %mul3A_2031 = arith.mulf %min3A_2026, %get3A_2030 : vector<16xf32>
      %add3A_2032 = arith.addf %add3A_2017, %mul3A_2031 : vector<16xf32>
      %broadcast_in_dim3A_2033 = arith.constant 13 : i32
      %broadcast_in_dim3A_2034 = vector.broadcast %broadcast_in_dim3A_2033 : i32 to vector<16xi32>
      %gather3A_2035 = tpu.vector_load_idx %arg11[%broadcast_in_dim3A_2034, %add3A_1839] : memref<16x6144xf32, #tpu.memory_space<vmem>>[vector<16xi32>, vector<16xi32>], vector<16xf32>,
      %max3A_2036 = arith.constant 1.000000e+00 : f32
      %max3A_2037 = vector.broadcast %max3A_2036 : f32 to vector<16xf32>
      %max3A_2038 = arith.maximumf %gather3A_2035, %max3A_2037 : vector<16xf32>
      %min3A_2039 = arith.constant 5.000000e+00 : f32
      %min3A_2040 = vector.broadcast %min3A_2039 : f32 to vector<16xf32>
      %min3A_2041 = arith.minimumf %max3A_2038, %min3A_2040 : vector<16xf32>
      %get3A_2042 = arith.constant 13 : i32
      %get3A_2043 = arith.index_cast %get3A_2042 : i32 to index
      %get3A_2044 = arith.index_cast %multiple_of3A_1825 : i32 to index
      %get3A_2045 = tpu.vector_load %arg12[%get3A_2043, %get3A_2044] {strides = array<i32>} : memref<16x512xf32, #tpu.memory_space<vmem>>, vector<16xf32>,
      %mul3A_2046 = arith.mulf %min3A_2041, %get3A_2045 : vector<16xf32>
      %add3A_2047 = arith.addf %add3A_2032, %mul3A_2046 : vector<16xf32>
      %broadcast_in_dim3A_2048 = arith.constant 14 : i32
      %broadcast_in_dim3A_2049 = vector.broadcast %broadcast_in_dim3A_2048 : i32 to vector<16xi32>
      %gather3A_2050 = tpu.vector_load_idx %arg11[%broadcast_in_dim3A_2049, %add3A_1839] : memref<16x6144xf32, #tpu.memory_space<vmem>>[vector<16xi32>, vector<16xi32>], vector<16xf32>,
      %max3A_2051 = arith.constant 1.000000e+00 : f32
      %max3A_2052 = vector.broadcast %max3A_2051 : f32 to vector<16xf32>
      %max3A_2053 = arith.maximumf %gather3A_2050, %max3A_2052 : vector<16xf32>
      %min3A_2054 = arith.constant 5.000000e+00 : f32
      %min3A_2055 = vector.broadcast %min3A_2054 : f32 to vector<16xf32>
      %min3A_2056 = arith.minimumf %max3A_2053, %min3A_2055 : vector<16xf32>
      %get3A_2057 = arith.constant 14 : i32
      %get3A_2058 = arith.index_cast %get3A_2057 : i32 to index
      %get3A_2059 = arith.index_cast %multiple_of3A_1825 : i32 to index
      %get3A_2060 = tpu.vector_load %arg12[%get3A_2058, %get3A_2059] {strides = array<i32>} : memref<16x512xf32, #tpu.memory_space<vmem>>, vector<16xf32>,
      %mul3A_2061 = arith.mulf %min3A_2056, %get3A_2060 : vector<16xf32>
      %add3A_2062 = arith.addf %add3A_2047, %mul3A_2061 : vector<16xf32>
      %broadcast_in_dim3A_2063 = arith.constant 15 : i32
      %broadcast_in_dim3A_2064 = vector.broadcast %broadcast_in_dim3A_2063 : i32 to vector<16xi32>
      %gather3A_2065 = tpu.vector_load_idx %arg11[%broadcast_in_dim3A_2064, %add3A_1839] : memref<16x6144xf32, #tpu.memory_space<vmem>>[vector<16xi32>, vector<16xi32>], vector<16xf32>,
      %max3A_2066 = arith.constant 1.000000e+00 : f32
      %max3A_2067 = vector.broadcast %max3A_2066 : f32 to vector<16xf32>
      %max3A_2068 = arith.maximumf %gather3A_2065, %max3A_2067 : vector<16xf32>
      %min3A_2069 = arith.constant 5.000000e+00 : f32
      %min3A_2070 = vector.broadcast %min3A_2069 : f32 to vector<16xf32>
      %min3A_2071 = arith.minimumf %max3A_2068, %min3A_2070 : vector<16xf32>
      %get3A_2072 = arith.constant 15 : i32
      %get3A_2073 = arith.index_cast %get3A_2072 : i32 to index
      %get3A_2074 = arith.index_cast %multiple_of3A_1825 : i32 to index
      %get3A_2075 = tpu.vector_load %arg12[%get3A_2073, %get3A_2074] {strides = array<i32>} : memref<16x512xf32, #tpu.memory_space<vmem>>, vector<16xf32>,
      %mul3A_2076 = arith.mulf %min3A_2071, %get3A_2075 : vector<16xf32>
      %add3A_2077 = arith.addf %add3A_2062, %mul3A_2076 : vector<16xf32>
      %mul3A_2078 = arith.constant 1.000000e+00 : f32
      %mul3A_2079 = vector.broadcast %mul3A_2078 : f32 to vector<16xf32>
      %mul3A_2080 = arith.mulf %add3A_2077, %mul3A_2079 : vector<16xf32>
      %add3A_2081 = arith.constant 0.000000e+00 : f32
      %add3A_2082 = vector.broadcast %add3A_2081 : f32 to vector<16xf32>
      %add3A_2083 = arith.addf %mul3A_2080, %add3A_2082 : vector<16xf32>
      %swap3A = arith.index_cast %multiple_of3A_1825 : i32 to index
      %swap3A_2084 = tpu.vector_load %arg15[%swap3A] {strides = array<i32>} : memref<512xf32, #tpu.memory_space<vmem>>, vector<16xf32>,
      tpu.vector_store %arg15[%swap3A], %add3A_2083 {strides = array<i32>} : memref<512xf32, #tpu.memory_space<vmem>>, vector<16xf32>,
    }
    %scan3A_1759 = arith.constant 32 : i32
    "tpu.region"() ({
      %run_scoped3A = tpu.sem_alloc : memref<!tpu.dma_semaphore, #tpu.memory_space<semaphore_mem>>
      %dma_start3A_1760 = tpu.memref_slice %arg7[%multiple_of3A] : memref<16384xf32, #tpu.memory_space<hbm>> -> memref<512xf32, #tpu.memory_space<hbm>>
      %dma_start3A_1761 = tpu.memref_slice %arg7[%multiple_of3A] : memref<16384xf32, #tpu.memory_space<hbm>> -> memref<512xf32, #tpu.memory_space<hbm>>
      tpu.enqueue_dma source(%arg14 : memref<512xf32, #tpu.memory_space<vmem>>) target(%dma_start3A_1761 : memref<512xf32, #tpu.memory_space<hbm>>) target_semaphore(%run_scoped3A : memref<!tpu.dma_semaphore, #tpu.memory_space<semaphore_mem>>)
      %dma_wait3A = tpu.memref_slice %arg7[%multiple_of3A] : memref<16384xf32, #tpu.memory_space<hbm>> -> memref<512xf32, #tpu.memory_space<hbm>>
      %dma_wait3A_1762 = tpu.memref_slice %arg7[%multiple_of3A] : memref<16384xf32, #tpu.memory_space<hbm>> -> memref<512xf32, #tpu.memory_space<hbm>>
      tpu.wait_dma2 semaphore(%run_scoped3A : memref<!tpu.dma_semaphore, #tpu.memory_space<semaphore_mem>>) src(%arg14 : memref<512xf32, #tpu.memory_space<vmem>>) dst(%dma_wait3A_1762 : memref<512xf32, #tpu.memory_space<hbm>>)
      tpu.yield
    }) : () -> ()
    "tpu.region"() ({
      %run_scoped3A = tpu.sem_alloc : memref<!tpu.dma_semaphore, #tpu.memory_space<semaphore_mem>>
      %dma_start3A_1760 = tpu.memref_slice %arg8[%multiple_of3A] : memref<16384xf32, #tpu.memory_space<hbm>> -> memref<512xf32, #tpu.memory_space<hbm>>
      %dma_start3A_1761 = tpu.memref_slice %arg8[%multiple_of3A] : memref<16384xf32, #tpu.memory_space<hbm>> -> memref<512xf32, #tpu.memory_space<hbm>>
      tpu.enqueue_dma source(%arg15 : memref<512xf32, #tpu.memory_space<vmem>>) target(%dma_start3A_1761 : memref<512xf32, #tpu.memory_space<hbm>>) target_semaphore(%run_scoped3A : memref<!tpu.dma_semaphore, #tpu.memory_space<semaphore_mem>>)
      %dma_wait3A = tpu.memref_slice %arg8[%multiple_of3A] : memref<16384xf32, #tpu.memory_space<hbm>> -> memref<512xf32, #tpu.memory_space<hbm>>
      %dma_wait3A_1762 = tpu.memref_slice %arg8[%multiple_of3A] : memref<16384xf32, #tpu.memory_space<hbm>> -> memref<512xf32, #tpu.memory_space<hbm>>
      tpu.wait_dma2 semaphore(%run_scoped3A : memref<!tpu.dma_semaphore, #tpu.memory_space<semaphore_mem>>) src(%arg15 : memref<512xf32, #tpu.memory_space<vmem>>) dst(%dma_wait3A_1762 : memref<512xf32, #tpu.memory_space<hbm>>)
      tpu.yield
    }) : () -> ()
    return
  }
}

</mosaic_0001>

<sc_bundles>
// kernel: kernel.3.cloned.1.call-start
scs
__scs_entry_jumppad:
0x0: {  	(pc) =	sbr.rel $0x88, $3  }
0x1: {  	(tag) =	ssettag $0x0;
	lr =	simm.s32 $0x1  }
0x2: {  	[smem:$0x3F9C] =	sst lr;
	_ =	strace $0xD0000000  }
0x3: {  	_ = 	snop  }
0x4: {  	_ = 	snop  }
0x5: {  	_ = 	snop  }
0x6: {  	_ = 	snop  }
0x7: {  	_ = 	snop  }
__scs_overlays_trampoline_lowered:
0x8: {  	[smem:$0x3FAB] =	sst s0  }
0x9: {  	[smem:$0x3FAC] =	sst s1  }
0xa: {  	[smem:$0x3FAD] =	sst s2  }
0xb: {  	[smem:$0x3FAE] =	sst s3  }
0xc: {  	[smem:$0x3FAF] =	sst s4  }
0xd: {  	[smem:$0x3FB0] =	sst s5  }
0xe: {  	[smem:$0x3FB1] =	sst s6  }
0xf: {  	[smem:$0x3FB2] =	sst s7  }
0x10: {  	[smem:$0x3FB3] =	sst s8  }
0x11: {  	[smem:$0x3FB4] =	sst s9;
	s0 =	simm.s32 @!p0 $0x0  }
0x12: {  	s1 =	sld [smem:$0x3F9A];
	s0 =	simm.s32 @p0 $0x1  }
0x13: {  	[smem:$0x3FB5] =	sst s0;
	s0 =	simm.s32 @!p1 $0x0  }
0x14: {  	s2 =	sld [smem:$0x3F99];
	s0 =	simm.s32 @p1 $0x1  }
0x15: {  	[smem:$0x3FB6] =	sst s0;
	s0 =	simm.s32 @!p2 $0x0  }
0x16: {  	s3 =	sld [smem:$0x3FDB];
	s0 =	simm.s32 @p2 $0x1  }
0x17: {  	s4 =	simm.s32 $0x1BF5;
	[smem:$0x3FB8] =	sst s0  }
0x18: {  	s0 =	sld [smem:$0x3F9B];
	_ =	swait.ge [sflag:s4], $0x0  }
0x19: {  	s7 =	sld [smem:$0x3F9C]  }
0x1a: {  	s8 =	sadd.s32 $0xFFFFE003, lr  }
0x1b: {  	s9 =	sadd.s32 $0xFFFFFEF7, lr;
	s5 =	simm.s32 $0xFFFFFFFF;
	p2 =	slt.u32 s8, $0xFFFFF086  }
0x1c: {  	p1 =	slt.u32 s9, $0xF7A;
	s5 =	simm.s32 @!p2 $0x0  }
0x1d: {  	s5 =	simm.s32 @p1 $0x1;
	p0 =	seq.s32 s7, s2  }
0x1e: {  	s7 =	smul.u32 @!p0 $0xF7A, s2;
	p2 =	seq.s32 @!p0 s5, $0x0  }
0x1f: {  	s9 =	smul.u32 $0xF7A, s1;
	s8 =	simm.s32 @!p0 $0x1BF5;
	p2 =	por !p2, p0  }
0x20: {  	[sflag:s8] =	ssyncset.s32 @!p0 $0xFFFFF086;
	s6 =	sadd.s32 @!p0 s3, s7;
	s7 =	simm.s32 @!p0 $0x108  }
0x21: {  	s3 =	sadd.s32 s3, s9;
	s6 =	sadd.s32 @!p0 $0x88, s6;
	s7 =	simm.s32 @p2 $0x1082  }
0x22: {  	[simem:s7], [sflag:s8] =	dma.local @!p0 [hbm:s6], $0xF7A  }
0x23: {  	s9 =	sor.u32 $0xD0000000, s2;
	s6 =	simm.s32 $0x108;
	_ =	swait.ge @!p0 [sflag:s8], $0x0  }
0x24: {  	s3 =	sadd.s32 $0x88, s3;
	s6 =	simm.s32 @!p1 $0x1082;
	[sflag:s4] =	ssyncset.s32 $0xFFFFF086  }
0x25: {  	[simem:s6], [sflag:s4] =	dma.local [hbm:s3], $0xF7A  }
0x26: {  	[smem:$0x3F9C] =	sst s1;
	(tag) =	ssettag s2;
	_ =	strace s9  }
0x27: {  	s1 =	sld [smem:$0x3FAC]  }
0x28: {  	s2 =	sld [smem:$0x3FAD]  }
0x29: {  	s4 =	sld [smem:$0x3FAF]  }
0x2a: {  	p0 =	seq.s32 s5, $0x0;
	s5 =	sld [smem:$0x3FB0]  }
0x2b: {  	s6 =	sld [smem:$0x3FB1]  }
0x2c: {  	s7 =	sld [smem:$0x3FB2]  }
0x2d: {  	s3 =	simm.s32 $0x108;
	s8 =	sld [smem:$0x3FB3]  }
0x2e: {  	s3 =	simm.s32 @!p0 $0x1082;
	s9 =	sld [smem:$0x3FB4]  }
0x2f: {  	lr =	sadd.s32 s0, s3;
	s0 =	sld [smem:$0x3FAB]  }
0x30: {  	s3 =	sld [smem:$0x3FAE]  }
0x31: {  	[smem:$0x3FB7] =	sst s10  }
0x32: {  	s10 =	sld [smem:$0x3FB5];
	_ =	sdelay $0x3  }
0x33: {  	p0 =	seq.s32 s10, $0x1;
	s10 =	sld [smem:$0x3FB7];
	_ =	sdelay $0x3  }
0x34: {  	[smem:$0x3FB7] =	sst s10  }
0x35: {  	s10 =	sld [smem:$0x3FB6];
	_ =	sdelay $0x3  }
0x36: {  	p1 =	seq.s32 s10, $0x1;
	s10 =	sld [smem:$0x3FB7];
	_ =	sdelay $0x3  }
0x37: {  	[smem:$0x3FB7] =	sst s10  }
0x38: {  	s10 =	sld [smem:$0x3FB8]  }
0x39: {  	_ = 	snop;
	(pc) =	sbr.ind lr, $3  }
0x3a: {  	_ = 	snop  }
0x3b: {  	_ = 	snop  }
0x3c: {  	p2 =	seq.s32 s10, $0x1;
	s10 =	sld [smem:$0x3FB7]  }
0x3d: {  	_ =	shalt  }
0x3e: {  	_ =	shalt  }
0x3f: {  	_ =	shalt  }
0x40: {  	_ =	shalt  }
0x41: {  	_ =	shalt  }
0x42: {  	_ =	shalt  }
0x43: {  	_ =	shalt  }
0x44: {  	_ =	shalt  }
0x45: {  	_ =	shalt  }
0x46: {  	_ =	shalt  }
0x47: {  	_ =	shalt  }
0x48: {  	_ =	shalt  }
0x49: {  	_ =	shalt  }
0x4a: {  	_ =	shalt  }
0x4b: {  	_ =	shalt  }
0x4c: {  	_ =	shalt  }
0x4d: {  	_ =	shalt  }
0x4e: {  	_ =	shalt  }
0x4f: {  	_ =	shalt  }
0x50: {  	_ =	shalt  }
0x51: {  	_ =	shalt  }
0x52: {  	_ =	shalt  }
0x53: {  	_ =	shalt  }
0x54: {  	_ =	shalt  }
0x55: {  	_ =	shalt  }
0x56: {  	_ =	shalt  }
0x57: {  	_ =	shalt  }
0x58: {  	_ =	shalt  }
0x59: {  	_ =	shalt  }
0x5a: {  	_ =	shalt  }
0x5b: {  	_ =	shalt  }
0x5c: {  	_ =	shalt  }
0x5d: {  	_ =	shalt  }
0x5e: {  	_ =	shalt  }
0x5f: {  	_ =	shalt  }
0x60: {  	_ =	shalt  }
0x61: {  	_ =	shalt  }
0x62: {  	_ =	shalt  }
0x63: {  	_ =	shalt  }
0x64: {  	_ =	shalt  }
0x65: {  	_ =	shalt  }
0x66: {  	_ =	shalt  }
0x67: {  	_ =	shalt  }
0x68: {  	_ =	shalt  }
0x69: {  	_ =	shalt  }
0x6a: {  	_ =	shalt  }
0x6b: {  	_ =	shalt  }
0x6c: {  	_ =	shalt  }
0x6d: {  	_ =	shalt  }
0x6e: {  	_ =	shalt  }
0x6f: {  	_ =	shalt  }
0x70: {  	_ =	shalt  }
0x71: {  	_ =	shalt  }
0x72: {  	_ =	shalt  }
0x73: {  	_ =	shalt  }
0x74: {  	_ =	shalt  }
0x75: {  	_ =	shalt  }
0x76: {  	_ =	shalt  }
0x77: {  	_ =	shalt  }
0x78: {  	_ =	shalt  }
0x79: {  	_ =	shalt  }
0x7a: {  	_ =	shalt  }
0x7b: {  	_ =	shalt  }
0x7c: {  	_ =	shalt  }
0x7d: {  	_ =	shalt  }
0x7e: {  	_ =	shalt  }
0x7f: {  	_ =	shalt  }
0x80: {  	_ =	shalt  }
0x81: {  	_ =	shalt  }
0x82: {  	_ =	shalt  }
0x83: {  	_ =	shalt  }
0x84: {  	_ =	shalt  }
0x85: {  	_ =	shalt  }
0x86: {  	_ =	shalt  }
0x87: {  	_ =	shalt  }
.Lfunc_end0:
.L_simem_size_0:
called_computation_lowered:
.L_overlay_start_0:
0x88: {  	s2 =	sld [smem:$0x3FD9]  }
0x89: {  	s3 =	sld [smem:$0x3FFE];
	_ =	sdelay $0x1  }
0x8a: {  	s1 =	srdreg.scid  }
0x8b: {  	s0 =	sand.u32 $0x1, s1  }
0x8c: {  	s15 =	sshll.u32 s0, $0xA;
	s2 =	sadd.s32 s3, s2  }
0x8d: {  	s2 =	sadd.s32 s2, s15  }
0x8e: {  	[smem:$0x3FC3] =	sst s2  }
0x8f: {  	_ = 	snop  }
0x90: {  	s2 =	sld [smem:$0x3FC9]  }
0x91: {  	s16 =	sld [smem:$0x3FC8]  }
0x92: {  	s4 =	sld [smem:$0x3FD0]  }
0x93: {  	s5 =	sld [smem:$0x3FC7]  }
0x94: {  	s6 =	sld [smem:$0x3FC6]  }
0x95: {  	s8 =	simm.s32 $0xA;
	s9 =	simm.s32 $0x10;
	s7 =	sld [smem:$0x3FC5]  }
0x96: {  	[smem:s9], [sflag:s8] =	dma.local [hbm:s4], $0x1  }
0x97: {  	_ =	swait.eq [sflag:s8], $0x1  }
0x98: {  	[sflag:s8] =	ssyncset.done $0x0  }
0x99: {  	s17 =	sld [smem:$0x10];
	[sflag:s8] =	ssyncadd.s32 $0xFFFFFFFF  }
0x9a: {  	s18 =	sld [smem:$0x11];
	(tm) =	ssettm $0x1  }
0x9b: {  	s19 =	sld [smem:$0x3FFB];
	_ =	sdelay $0x3  }
0x9c: {  	_ =	strace s19  }
0x9d: {  	s9 =	sld [smem:$0x3FFC];
	_ =	sdelay $0x3  }
0x9e: {  	_ =	strace s9  }
0x9f: {  	s9 =	sld [smem:$0x3FFD];
	_ =	sdelay $0x3  }
0xa0: {  	_ =	strace s9  }
0xa1: {  	_ =	strace $0x8FFFFFFF  }
0xa2: {  	s20 =	sld [smem:$0x3FDB];
	_ =	sdelay $0x1  }
0xa3: {  	s10 =	simm.s32 $_scs_section_size  }
0xa4: {  	s11 =	simm.s32 $_size__tile_overlayer_lowered;
	s12 =	simm.s32 $_tile_overlayer_lowered  }
0xa5: {  	s23 =	simm.s32 $0x1BFF;
	s22 =	sshll.u32 s12, $0x1;
	s9 =	sadd.s32 s10, s20  }
0xa6: {  	s13 =	simm.s32 $0x0;
	s21 =	sshll.u32 s11, $0x1;
	s11 =	sadd.s32 s22, s9  }
0xa7: {  	[timem:s13], [sflag:s23] =	dma.local [hbm:s11], s21  }
0xa8: {  	_ =	swait.ge [sflag:s23], s21  }
0xa9: {  	s10 =	ssub.s32 $0x0, s21;
	[sflag:s23] =	ssyncset.done $0x0  }
0xaa: {  	[sflag:s23] =	ssyncadd.s32 s10;
	_ =	sdelay $0x1  }
0xab: {  	s24 =	simm.s32 $0x1B8B  }
0xac: {  	_ =	swait.ge [sflag:s24], $0x1  }
0xad: {  	[sflag:s24] =	ssyncset.done $0x0  }
0xae: {  	s25 =	simm.s32 $0x1B8E;
	[sflag:s24] =	ssyncadd.s32 $0xFFFFFFFF  }
0xaf: {  	s26 =	simm.s32 $execute0_lowered;
	[smem:$0x3FD2] =	sst s25  }
0xb0: {  	s10 =	sshll.u32 s26, $0x1;
	_ =	strace $0x80000046;
	[dreg:$0x1] =	wrdreg $0xFFFFFFFF  }
0xb1: {  	s28 =	simm.s32 $_size_execute0_lowered;
	s9 =	sadd.s32 s9, s10;
	[dreg:$0x0] =	wrdreg $0x0  }
0xb2: {  	s10 =	sshll.u32 s28, $0x1;
	[dreg:$0x2] =	wrdreg s9  }
0xb3: {  	[dreg:$0x3] =	wrdreg s10  }
0xb4: {  	[dreg:$0x4] =	wrdreg $0xC0  }
0xb5: {  	_ =	task [dreg:s13], $0x5FFFF  }
0xb6: {  	[dreg:$0x1] =	wrdreg $0xFFFFFFFF  }
0xb7: {  	[dreg:$0x0] =	wrdreg $0x60  }
0xb8: {  	[dreg:$0x2] =	wrdreg s2  }
0xb9: {  	[dreg:$0x3] =	wrdreg s16  }
0xba: {  	[dreg:$0x4] =	wrdreg s5  }
0xbb: {  	[dreg:$0x5] =	wrdreg s6  }
0xbc: {  	[dreg:$0x6] =	wrdreg s7  }
0xbd: {  	[dreg:$0x7] =	wrdreg s17  }
0xbe: {  	[dreg:$0x8] =	wrdreg s18  }
0xbf: {  	[dreg:$0x9] =	wrdreg $0x9  }
0xc0: {  	_ =	task.clear_ibuf [dreg:s13], $0xAFFFF;
	_ =	strace $0x90000046  }
0xc1: {  	s29 =	simm.s32 $0x9;
	_ =	strace $0x80000048  }
0xc2: {  	_ =	swait.ge [sflag:s29], $0x1  }
0xc3: {  	[sflag:s29] =	ssyncadd.s32 $0xFFFFFFFF  }
0xc4: {  	_ =	strace $0x90000048  }
0xc5: {  	_ =	sfence  }
0xc6: {  	s30 =	sld [smem:$0x0];
	_ =	sdelay $0x2  }
0xc7: {  	s31 =	sshll.u32 s1, $0xD;
	s1 =	sshrl.u32 s1, $0x2  }
0xc8: {  	s3 =	sand.u32 $0x4000, s31;
	s1 =	sadd.s32 s1, s30  }
0xc9: {  	s0 =	sor.u32 s3, s0;
	s1 =	sshll.u32 s1, $0x11  }
0xca: {  	s0 =	sor.u32 s1, s0  }
0xcb: {  	s0 =	sadd.s32 $0x8F2B, s0  }
0xcc: {  	[sflag:s0] =	ssyncadd.remote.s32 $0x1  }
0xcd: {  	_ =	sfence.sel $0xFFFF  }
0xce: {  	[dreg:$0x0] =	wrdreg $0xFFFFFFFF;
	(pc) =	sbr.abs _section_cstart, $3  }
0xcf: {  	[dreg:$0x1] =	wrdreg $0xFFFFFFFF  }
0xd0: {  	_ =	task.clear_ibuf [dreg:s13], $0x2FFFF;
	_ =	strace $0x9FFFFFFF  }
0xd1: {  	(tm) =	ssettm $0x7FFFFFFF  }
tec
execute0_lowered:
.L_overlay_start_1:
0x0: {  	(tag) =	ssettag $0x1  }
0x1: {  	s0 =	rddreg [dreg:$0x0]  }
0x2: {  	s3 =	rddreg [dreg:$0x1]  }
0x3: {  	s5 =	rddreg [dreg:$0x2]  }
0x4: {  	s1 =	rddreg [dreg:$0x3]  }
0x5: {  	s2 =	rddreg [dreg:$0x4]  }
0x6: {  	s6 =	rddreg [dreg:$0x5]  }
0x7: {  	s7 =	rddreg [dreg:$0x6];
	s8 =	srdreg.scid  }
0x8: {  	s4 =	simm.s32 $0x0;
	s10 =	stileid.u32;
	s12 =	simm.s32 $0x1000  }
0x9: {  	s15 =	simm.s32 $0x400;
	s21 =	simm.s32 $0xC400;
	s31 =	simm.s32 $0x800  }
0xa: {  	s22 =	simm.s32 $0x7000;
	s28 =	simm.s32 $0x14000;
	s8 =	sand.u32 $0x1, s8  }
0xb: {  	s29 =	simm.s32 $0x2;
	s10 =	sshll.u32 s10, $0xA;
	s9 =	ssub.s32 $0x2, s8  }
0xc: {  	[smem:$0x7FF] =	sst s4;
	s8 =	sshll.u32 s8, $0x9;
	s11 =	sshrl.u32 s9, $0x1  }
0xd: {  	_ =	strace $0x80000047;
	s8 =	sor.u32 s8, s10;
	s9 =	ssub.s32 s9, s11  }
0xe: {  	s10 =	sshrl.u32 s8, $0x3;
	s24 =	sadd.s32 s5, s8;
	s5 =	simm.s32 $0x7400  }
0xf: {  	s8 =	simm.s32 $0x8000;
	s0 =	sadd.s32 s0, s10;
	[dreg:$0xa] =	wrdreg s24  }
0x10: {  	s23 =	sadd.s32 s3, s10;
	s25 =	sadd.s32 s6, s10;
	[dreg:$0x8] =	wrdreg s0  }
.Ltmp0:
0x11: {  	s26 =	sadd.s32 s7, s10;
	[dreg:$0x9] =	wrdreg s23;
	(pc) =	sbr.rel .LBB2_1-.Ltmp0, $4  }
0x12: {  	s30 =	smax.u32 s9, $0x1;
	s24 =	simm.s32 $0x13400;
	[dreg:$0xb] =	wrdreg s25  }
0x13: {  	s6 =	simm.s32 $0x7800;
	s7 =	simm.s32 $0x7C00;
	[dreg:$0xc] =	wrdreg s26  }
0x14: {  	v0 =	vlaneseq.u32;
	s9 =	simm.s32 $0x1;
	s10 =	simm.s32 $0x0;
	[dreg:$0xd] =	wrdreg s30  }
0x15: {  	v0 =	vmul.u32 $0x400, v0;
	s23 =	simm.s32 $0x13000;
	s25 =	simm.s32 $0x13800;
	s26 =	simm.s32 $0x13C00  }
.LBB2_9:
0x16: {  	s0 =	rddreg [dreg:$0xb];
	s3 =	simm.s32 $0x1C400  }
0x17: {  	[hbm4b:s0+s4] =	stream.linear.scatter [tilespmem:s3], [sflag:$0x2], $0x200, $0x38;
	[tilespmem:$0x1C800] =	vst v63  }
0x18: {  	_ =	swait.ge [sflag:s29], $0x200  }
0x19: {  	[sflag:s29] =	ssyncset.done $0x0  }
0x1a: {  	s20 =	simm.s32 $0x1C600;
	s19 =	rddreg [dreg:$0xc];
	[sflag:s29] =	ssyncadd.s32 $0xFFFFFE00  }
0x1b: {  	[hbm4b:s19+s4] =	stream.linear.scatter [tilespmem:s20], [sflag:$0x2], $0x200, $0x38;
	[tilespmem:$0x1C800] =	vst v63  }
0x1c: {  	_ =	swait.ge [sflag:s29], $0x200  }
0x1d: {  	s10 =	sadd.s32 $0x1, s10;
	s30 =	rddreg [dreg:$0xd]  }
0x1e: {  	p0 =	sne.s32 s10, s30  }
.Ltmp1:
0x1f: {  	_ = 	snop;
	(pc) =	sbr.rel @!p0 .LBB2_10-.Ltmp1, $3  }
0x20: {  	_ =	sdelay $0x1  }
0x21: {  	[sflag:s29] =	ssyncset.done $0x0  }
0x22: {  	[sflag:s29] =	ssyncadd.s32 $0xFFFFFE00  }
.LBB2_1:
0x23: {  	s0 =	rddreg [dreg:$0x8]  }
0x24: {  	[tilespmem:s4], [sflag:$0x2] =	stream.linear.gather [hbm4b:s0+s4], $0x200, $0x38;
	[tilespmem:$0x1C800] =	vst v63  }
0x25: {  	_ =	swait.ge [sflag:s29], $0x200  }
0x26: {  	[sflag:s29] =	ssyncset.done $0x0  }
0x27: {  	s3 =	simm.s32 $0x200;
	s17 =	rddreg [dreg:$0x9];
	[sflag:s29] =	ssyncadd.s32 $0xFFFFFE00  }
0x28: {  	[tilespmem:s3], [sflag:$0x2] =	stream.linear.gather [hbm4b:s17+s4], $0x200, $0x38;
	[tilespmem:$0x1C800] =	vst v63  }
0x29: {  	_ =	swait.ge [sflag:s29], $0x200  }
0x2a: {  	s19 =	simm.s32 $0x20000;
	[sflag:s29] =	ssyncset.done $0x0  }
0x2b: {  	s11 =	simm.s32 $0x1A400;
	s18 =	rddreg [dreg:$0xa];
	[sflag:s29] =	ssyncadd.s32 $0xFFFFFE00  }
0x2c: {  	[tilespmem:s11], [sflag:$0x2] =	stream.strided.gather [hbm4b:s18+s12], $0x2000, s19, s12, $0x38;
	[tilespmem:$0x1C800] =	vst v63  }
0x2d: {  	_ =	swait.ge [sflag:s29], $0x2000  }
0x2e: {  	[sflag:s29] =	ssyncset.done $0x0  }
0x2f: {  	[sflag:s29] =	ssyncadd.s32 $0xFFFFE000  }
0x30: {  	v1 =	vld [tilespmem:$0x0];
	_ =	sdelay $0x4  }
0x31: {  	(v2sf) =	vpush v1, $0x0;
	_ =	sdelay $0x3  }
0x32: {  	(v2sf) =	vpush v1, $0x1;
	_ =	sdelay $0x4  }
0x33: {  	(v2sf) =	vpush v1, $0x2;
	_ =	sdelay $0x5  }
0x34: {  	s20 =	spop (v2sf)  }
0x35: {  	(v2sf) =	vpush v1, $0x3;
	s0 =	sand.u32 $0xFFFFF80, s20  }
0x36: {  	s0 =	sadd.s32 s1, s0  }
0x37: {  	[tilespmem:s15], [sflag:$0x1] =	stream.linear.gather [hbm4b:s0+s4], $0x400, $0x38;
	[tilespmem:$0x1C800] =	vst v63  }
0x38: {  	s3 =	spop (v2sf);
	s0 =	sadd.s32 $0xF4280, s0  }
0x39: {  	(v2sf) =	vpush v1, $0x4;
	[tilespmem:s21], [sflag:$0x1] =	stream.linear.gather [hbm4b:s0+s4], $0x400, $0x38;
	[tilespmem:$0x1C800] =	vst v63  }
0x3a: {  	s0 =	sand.u32 $0xFFFFF80, s3  }
0x3b: {  	s0 =	sadd.s32 s1, s0  }
0x3c: {  	[tilespmem:s31], [sflag:$0x1] =	stream.linear.gather [hbm4b:s0+s4], $0x400, $0x38;
	[tilespmem:$0x1C800] =	vst v63  }
0x3d: {  	s11 =	simm.s32 $0xC800;
	s13 =	spop (v2sf);
	s0 =	sadd.s32 $0xF4280, s0  }
0x3e: {  	(v2sf) =	vpush v1, $0x5;
	[tilespmem:s11], [sflag:$0x1] =	stream.linear.gather [hbm4b:s0+s4], $0x400, $0x38;
	[tilespmem:$0x1C800] =	vst v63  }
0x3f: {  	s0 =	sand.u32 $0xFFFFF80, s13  }
0x40: {  	s14 =	simm.s32 $0xC00;
	s0 =	sadd.s32 s1, s0  }
0x41: {  	[tilespmem:s14], [sflag:$0x1] =	stream.linear.gather [hbm4b:s0+s4], $0x400, $0x38;
	[tilespmem:$0x1C800] =	vst v63  }
0x42: {  	s16 =	simm.s32 $0xCC00;
	s0 =	sadd.s32 $0xF4280, s0  }
0x43: {  	[tilespmem:s16], [sflag:$0x1] =	stream.linear.gather [hbm4b:s0+s4], $0x400, $0x38;
	[tilespmem:$0x1C800] =	vst v63  }
0x44: {  	s17 =	spop (v2sf)  }
0x45: {  	(v2sf) =	vpush v1, $0x6;
	s0 =	sand.u32 $0xFFFFF80, s17  }
0x46: {  	s0 =	sadd.s32 s1, s0  }
0x47: {  	[tilespmem:s12], [sflag:$0x1] =	stream.linear.gather [hbm4b:s0+s4], $0x400, $0x38;
	[tilespmem:$0x1C800] =	vst v63  }
0x48: {  	s18 =	simm.s32 $0xD000;
	s19 =	spop (v2sf);
	s0 =	sadd.s32 $0xF4280, s0  }
0x49: {  	(v2sf) =	vpush v1, $0x7;
	[tilespmem:s18], [sflag:$0x1] =	stream.linear.gather [hbm4b:s0+s4], $0x400, $0x38;
	[tilespmem:$0x1C800] =	vst v63  }
0x4a: {  	s0 =	sand.u32 $0xFFFFF80, s19  }
0x4b: {  	s20 =	simm.s32 $0x1400;
	s0 =	sadd.s32 s1, s0  }
0x4c: {  	[tilespmem:s20], [sflag:$0x1] =	stream.linear.gather [hbm4b:s0+s4], $0x400, $0x38;
	[tilespmem:$0x1C800] =	vst v63  }
0x4d: {  	s21 =	simm.s32 $0xD400;
	s11 =	spop (v2sf);
	s0 =	sadd.s32 $0xF4280, s0  }
0x4e: {  	(v2sf) =	vpush v1, $0x8;
	[tilespmem:s21], [sflag:$0x1] =	stream.linear.gather [hbm4b:s0+s4], $0x400, $0x38;
	[tilespmem:$0x1C800] =	vst v63  }
0x4f: {  	s0 =	sand.u32 $0xFFFFF80, s11  }
0x50: {  	s13 =	simm.s32 $0x1800;
	s0 =	sadd.s32 s1, s0  }
0x51: {  	[tilespmem:s13], [sflag:$0x1] =	stream.linear.gather [hbm4b:s0+s4], $0x400, $0x38;
	[tilespmem:$0x1C800] =	vst v63  }
0x52: {  	s14 =	simm.s32 $0xD800;
	s0 =	sadd.s32 $0xF4280, s0  }
0x53: {  	[tilespmem:s14], [sflag:$0x1] =	stream.linear.gather [hbm4b:s0+s4], $0x400, $0x38;
	[tilespmem:$0x1C800] =	vst v63  }
0x54: {  	s16 =	spop (v2sf)  }
0x55: {  	(v2sf) =	vpush v1, $0x9;
	s0 =	sand.u32 $0xFFFFF80, s16  }
0x56: {  	s17 =	simm.s32 $0x1C00;
	s0 =	sadd.s32 s1, s0  }
0x57: {  	[tilespmem:s17], [sflag:$0x1] =	stream.linear.gather [hbm4b:s0+s4], $0x400, $0x38;
	[tilespmem:$0x1C800] =	vst v63  }
0x58: {  	s18 =	simm.s32 $0xDC00;
	s19 =	spop (v2sf);
	s0 =	sadd.s32 $0xF4280, s0  }
0x59: {  	(v2sf) =	vpush v1, $0xA;
	[tilespmem:s18], [sflag:$0x1] =	stream.linear.gather [hbm4b:s0+s4], $0x400, $0x38;
	[tilespmem:$0x1C800] =	vst v63  }
0x5a: {  	s0 =	sand.u32 $0xFFFFF80, s19  }
0x5b: {  	s20 =	simm.s32 $0x2000;
	s0 =	sadd.s32 s1, s0  }
0x5c: {  	[tilespmem:s20], [sflag:$0x1] =	stream.linear.gather [hbm4b:s0+s4], $0x400, $0x38;
	[tilespmem:$0x1C800] =	vst v63  }
0x5d: {  	s21 =	simm.s32 $0xE000;
	s11 =	spop (v2sf);
	s0 =	sadd.s32 $0xF4280, s0  }
0x5e: {  	(v2sf) =	vpush v1, $0xB;
	[tilespmem:s21], [sflag:$0x1] =	stream.linear.gather [hbm4b:s0+s4], $0x400, $0x38;
	[tilespmem:$0x1C800] =	vst v63  }
0x5f: {  	s0 =	sand.u32 $0xFFFFF80, s11  }
0x60: {  	s13 =	simm.s32 $0x2400;
	s0 =	sadd.s32 s1, s0  }
0x61: {  	[tilespmem:s13], [sflag:$0x1] =	stream.linear.gather [hbm4b:s0+s4], $0x400, $0x38;
	[tilespmem:$0x1C800] =	vst v63  }
0x62: {  	s14 =	simm.s32 $0xE400;
	s0 =	sadd.s32 $0xF4280, s0  }
0x63: {  	[tilespmem:s14], [sflag:$0x1] =	stream.linear.gather [hbm4b:s0+s4], $0x400, $0x38;
	[tilespmem:$0x1C800] =	vst v63  }
0x64: {  	s16 =	spop (v2sf)  }
0x65: {  	(v2sf) =	vpush v1, $0xC;
	s0 =	sand.u32 $0xFFFFF80, s16  }
0x66: {  	s17 =	simm.s32 $0x2800;
	s0 =	sadd.s32 s1, s0  }
0x67: {  	[tilespmem:s17], [sflag:$0x1] =	stream.linear.gather [hbm4b:s0+s4], $0x400, $0x38;
	[tilespmem:$0x1C800] =	vst v63  }
0x68: {  	s18 =	simm.s32 $0xE800;
	s19 =	spop (v2sf);
	s0 =	sadd.s32 $0xF4280, s0  }
0x69: {  	(v2sf) =	vpush v1, $0xD;
	[tilespmem:s18], [sflag:$0x1] =	stream.linear.gather [hbm4b:s0+s4], $0x400, $0x38;
	[tilespmem:$0x1C800] =	vst v63  }
0x6a: {  	s0 =	sand.u32 $0xFFFFF80, s19  }
0x6b: {  	s20 =	simm.s32 $0x2C00;
	s0 =	sadd.s32 s1, s0  }
0x6c: {  	[tilespmem:s20], [sflag:$0x1] =	stream.linear.gather [hbm4b:s0+s4], $0x400, $0x38;
	[tilespmem:$0x1C800] =	vst v63  }
0x6d: {  	s21 =	simm.s32 $0xEC00;
	s11 =	spop (v2sf);
	s0 =	sadd.s32 $0xF4280, s0  }
0x6e: {  	(v2sf) =	vpush v1, $0xE;
	[tilespmem:s21], [sflag:$0x1] =	stream.linear.gather [hbm4b:s0+s4], $0x400, $0x38;
	[tilespmem:$0x1C800] =	vst v63  }
0x6f: {  	s0 =	sand.u32 $0xFFFFF80, s11  }
0x70: {  	s13 =	simm.s32 $0x3000;
	s0 =	sadd.s32 s1, s0  }
0x71: {  	[tilespmem:s13], [sflag:$0x1] =	stream.linear.gather [hbm4b:s0+s4], $0x400, $0x38;
	[tilespmem:$0x1C800] =	vst v63  }
0x72: {  	s14 =	simm.s32 $0xF000;
	s0 =	sadd.s32 $0xF4280, s0  }
0x73: {  	[tilespmem:s14], [sflag:$0x1] =	stream.linear.gather [hbm4b:s0+s4], $0x400, $0x38;
	[tilespmem:$0x1C800] =	vst v63  }
0x74: {  	s16 =	spop (v2sf)  }
0x75: {  	(v2sf) =	vpush v1, $0xF;
	s0 =	sand.u32 $0xFFFFF80, s16  }
0x76: {  	s17 =	simm.s32 $0x3400;
	s0 =	sadd.s32 s1, s0  }
0x77: {  	[tilespmem:s17], [sflag:$0x1] =	stream.linear.gather [hbm4b:s0+s4], $0x400, $0x38;
	[tilespmem:$0x1C800] =	vst v63  }
0x78: {  	s18 =	simm.s32 $0xF400;
	s19 =	spop (v2sf);
	s0 =	sadd.s32 $0xF4280, s0  }
0x79: {  	[tilespmem:s18], [sflag:$0x1] =	stream.linear.gather [hbm4b:s0+s4], $0x400, $0x38;
	[tilespmem:$0x1C800] =	vst v63  }
0x7a: {  	s0 =	sand.u32 $0xFFFFF80, s19  }
0x7b: {  	s20 =	simm.s32 $0x3800;
	s0 =	sadd.s32 s1, s0  }
0x7c: {  	[tilespmem:s20], [sflag:$0x1] =	stream.linear.gather [hbm4b:s0+s4], $0x400, $0x38;
	[tilespmem:$0x1C800] =	vst v63  }
0x7d: {  	s21 =	simm.s32 $0xF800;
	s11 =	spop (v2sf);
	s0 =	sadd.s32 $0xF4280, s0  }
0x7e: {  	[tilespmem:s21], [sflag:$0x1] =	stream.linear.gather [hbm4b:s0+s4], $0x400, $0x38;
	[tilespmem:$0x1C800] =	vst v63  }
0x7f: {  	s0 =	sand.u32 $0xFFFFF80, s11  }
0x80: {  	s13 =	simm.s32 $0x3C00;
	s0 =	sadd.s32 s1, s0  }
0x81: {  	[tilespmem:s13], [sflag:$0x1] =	stream.linear.gather [hbm4b:s0+s4], $0x400, $0x38;
	[tilespmem:$0x1C800] =	vst v63  }
0x82: {  	s14 =	simm.s32 $0xFC00;
	s0 =	sadd.s32 $0xF4280, s0  }
0x83: {  	[tilespmem:s14], [sflag:$0x1] =	stream.linear.gather [hbm4b:s0+s4], $0x400, $0x38;
	[tilespmem:$0x1C800] =	vst v63  }
0x84: {  	s16 =	spop (v2sf)  }
0x85: {  	s0 =	sand.u32 $0xFFFFF80, s16  }
0x86: {  	s17 =	simm.s32 $0x4000;
	s0 =	sadd.s32 s1, s0  }
0x87: {  	[tilespmem:s17], [sflag:$0x1] =	stream.linear.gather [hbm4b:s0+s4], $0x400, $0x38;
	[tilespmem:$0x1C800] =	vst v63  }
0x88: {  	s18 =	simm.s32 $0x10000;
	s0 =	sadd.s32 $0xF4280, s0  }
0x89: {  	[tilespmem:s18], [sflag:$0x1] =	stream.linear.gather [hbm4b:s0+s4], $0x400, $0x38;
	[tilespmem:$0x1C800] =	vst v63  }
0x8a: {  	v1 =	vld [tilespmem:$0x10];
	_ =	sdelay $0x4  }
0x8b: {  	(v2sf) =	vpush v1, $0x0;
	_ =	sdelay $0x2  }
0x8c: {  	(v2sf) =	vpush v1, $0x1;
	_ =	sdelay $0x3  }
0x8d: {  	(v2sf) =	vpush v1, $0x2;
	_ =	sdelay $0x7  }
0x8e: {  	s19 =	spop (v2sf);
	(v2sf) =	vpush v1, $0x3;
	_ =	sdelay $0x1  }
0x8f: {  	s0 =	sand.u32 $0xFFFFF80, s19  }
0x90: {  	s20 =	simm.s32 $0x4400;
	s11 =	spop (v2sf);
	(v2sf) =	vpush v1, $0x4;
	s0 =	sadd.s32 s1, s0  }
0x91: {  	[tilespmem:s20], [sflag:$0x1] =	stream.linear.gather [hbm4b:s0+s4], $0x400, $0x38;
	[tilespmem:$0x1C800] =	vst v63  }
0x92: {  	s21 =	simm.s32 $0x10400;
	s0 =	sadd.s32 $0xF4280, s0  }
0x93: {  	[tilespmem:s21], [sflag:$0x1] =	stream.linear.gather [hbm4b:s0+s4], $0x400, $0x38;
	[tilespmem:$0x1C800] =	vst v63  }
0x94: {  	s16 =	spop (v2sf);
	(v2sf) =	vpush v1, $0x5;
	s0 =	sand.u32 $0xFFFFF80, s11  }
0x95: {  	s13 =	simm.s32 $0x4800;
	s0 =	sadd.s32 s1, s0  }
0x96: {  	[tilespmem:s13], [sflag:$0x1] =	stream.linear.gather [hbm4b:s0+s4], $0x400, $0x38;
	[tilespmem:$0x1C800] =	vst v63  }
0x97: {  	s14 =	simm.s32 $0x10800;
	s0 =	sadd.s32 $0xF4280, s0  }
0x98: {  	[tilespmem:s14], [sflag:$0x1] =	stream.linear.gather [hbm4b:s0+s4], $0x400, $0x38;
	[tilespmem:$0x1C800] =	vst v63  }
0x99: {  	s0 =	sand.u32 $0xFFFFF80, s16  }
0x9a: {  	s17 =	simm.s32 $0x4C00;
	s0 =	sadd.s32 s1, s0  }
0x9b: {  	[tilespmem:s17], [sflag:$0x1] =	stream.linear.gather [hbm4b:s0+s4], $0x400, $0x38;
	[tilespmem:$0x1C800] =	vst v63  }
0x9c: {  	s18 =	simm.s32 $0x10C00;
	s0 =	sadd.s32 $0xF4280, s0;
	s19 =	spop (v2sf);
	(v2sf) =	vpush v1, $0x6  }
0x9d: {  	[tilespmem:s18], [sflag:$0x1] =	stream.linear.gather [hbm4b:s0+s4], $0x400, $0x38;
	[tilespmem:$0x1C800] =	vst v63  }
0x9e: {  	s0 =	sand.u32 $0xFFFFF80, s19  }
0x9f: {  	s20 =	simm.s32 $0x5000;
	s11 =	spop (v2sf);
	(v2sf) =	vpush v1, $0x7;
	s0 =	sadd.s32 s1, s0  }
0xa0: {  	[tilespmem:s20], [sflag:$0x1] =	stream.linear.gather [hbm4b:s0+s4], $0x400, $0x38;
	[tilespmem:$0x1C800] =	vst v63  }
0xa1: {  	s21 =	simm.s32 $0x11000;
	s0 =	sadd.s32 $0xF4280, s0  }
0xa2: {  	[tilespmem:s21], [sflag:$0x1] =	stream.linear.gather [hbm4b:s0+s4], $0x400, $0x38;
	[tilespmem:$0x1C800] =	vst v63  }
0xa3: {  	s16 =	spop (v2sf);
	(v2sf) =	vpush v1, $0x8;
	s0 =	sand.u32 $0xFFFFF80, s11  }
0xa4: {  	s13 =	simm.s32 $0x5400;
	s0 =	sadd.s32 s1, s0  }
0xa5: {  	[tilespmem:s13], [sflag:$0x1] =	stream.linear.gather [hbm4b:s0+s4], $0x400, $0x38;
	[tilespmem:$0x1C800] =	vst v63  }
0xa6: {  	s14 =	simm.s32 $0x11400;
	s0 =	sadd.s32 $0xF4280, s0  }
0xa7: {  	[tilespmem:s14], [sflag:$0x1] =	stream.linear.gather [hbm4b:s0+s4], $0x400, $0x38;
	[tilespmem:$0x1C800] =	vst v63  }
0xa8: {  	s0 =	sand.u32 $0xFFFFF80, s16  }
0xa9: {  	s17 =	simm.s32 $0x5800;
	s0 =	sadd.s32 s1, s0  }
0xaa: {  	[tilespmem:s17], [sflag:$0x1] =	stream.linear.gather [hbm4b:s0+s4], $0x400, $0x38;
	[tilespmem:$0x1C800] =	vst v63  }
0xab: {  	s18 =	simm.s32 $0x11800;
	s0 =	sadd.s32 $0xF4280, s0;
	s19 =	spop (v2sf);
	(v2sf) =	vpush v1, $0x9  }
0xac: {  	[tilespmem:s18], [sflag:$0x1] =	stream.linear.gather [hbm4b:s0+s4], $0x400, $0x38;
	[tilespmem:$0x1C800] =	vst v63  }
0xad: {  	s0 =	sand.u32 $0xFFFFF80, s19  }
0xae: {  	s20 =	simm.s32 $0x5C00;
	s11 =	spop (v2sf);
	(v2sf) =	vpush v1, $0xA;
	s0 =	sadd.s32 s1, s0  }
0xaf: {  	[tilespmem:s20], [sflag:$0x1] =	stream.linear.gather [hbm4b:s0+s4], $0x400, $0x38;
	[tilespmem:$0x1C800] =	vst v63  }
0xb0: {  	s21 =	simm.s32 $0x11C00;
	s0 =	sadd.s32 $0xF4280, s0  }
0xb1: {  	[tilespmem:s21], [sflag:$0x1] =	stream.linear.gather [hbm4b:s0+s4], $0x400, $0x38;
	[tilespmem:$0x1C800] =	vst v63  }
0xb2: {  	s16 =	spop (v2sf);
	(v2sf) =	vpush v1, $0xB;
	s0 =	sand.u32 $0xFFFFF80, s11  }
0xb3: {  	s13 =	simm.s32 $0x6000;
	s0 =	sadd.s32 s1, s0  }
0xb4: {  	[tilespmem:s13], [sflag:$0x1] =	stream.linear.gather [hbm4b:s0+s4], $0x400, $0x38;
	[tilespmem:$0x1C800] =	vst v63  }
0xb5: {  	s14 =	simm.s32 $0x12000;
	s0 =	sadd.s32 $0xF4280, s0  }
0xb6: {  	[tilespmem:s14], [sflag:$0x1] =	stream.linear.gather [hbm4b:s0+s4], $0x400, $0x38;
	[tilespmem:$0x1C800] =	vst v63  }
0xb7: {  	s0 =	sand.u32 $0xFFFFF80, s16  }
0xb8: {  	s17 =	simm.s32 $0x6400;
	s0 =	sadd.s32 s1, s0  }
0xb9: {  	[tilespmem:s17], [sflag:$0x1] =	stream.linear.gather [hbm4b:s0+s4], $0x400, $0x38;
	[tilespmem:$0x1C800] =	vst v63  }
0xba: {  	s18 =	simm.s32 $0x12400;
	s0 =	sadd.s32 $0xF4280, s0;
	s19 =	spop (v2sf);
	(v2sf) =	vpush v1, $0xC  }
0xbb: {  	[tilespmem:s18], [sflag:$0x1] =	stream.linear.gather [hbm4b:s0+s4], $0x400, $0x38;
	[tilespmem:$0x1C800] =	vst v63  }
0xbc: {  	s0 =	sand.u32 $0xFFFFF80, s19  }
0xbd: {  	s20 =	simm.s32 $0x6800;
	s3 =	spop (v2sf);
	(v2sf) =	vpush v1, $0xD;
	s0 =	sadd.s32 s1, s0  }
0xbe: {  	[tilespmem:s20], [sflag:$0x1] =	stream.linear.gather [hbm4b:s0+s4], $0x400, $0x38;
	[tilespmem:$0x1C800] =	vst v63  }
0xbf: {  	s21 =	simm.s32 $0x12800;
	s0 =	sadd.s32 $0xF4280, s0  }
0xc0: {  	[tilespmem:s21], [sflag:$0x1] =	stream.linear.gather [hbm4b:s0+s4], $0x400, $0x38;
	[tilespmem:$0x1C800] =	vst v63  }
0xc1: {  	s14 =	spop (v2sf);
	(v2sf) =	vpush v1, $0xE;
	s0 =	sand.u32 $0xFFFFF80, s3  }
0xc2: {  	s11 =	simm.s32 $0x6C00;
	s0 =	sadd.s32 s1, s0  }
0xc3: {  	[tilespmem:s11], [sflag:$0x1] =	stream.linear.gather [hbm4b:s0+s4], $0x400, $0x38;
	[tilespmem:$0x1C800] =	vst v63  }
0xc4: {  	s13 =	simm.s32 $0x12C00;
	s0 =	sadd.s32 $0xF4280, s0  }
0xc5: {  	[tilespmem:s13], [sflag:$0x1] =	stream.linear.gather [hbm4b:s0+s4], $0x400, $0x38;
	[tilespmem:$0x1C800] =	vst v63  }
0xc6: {  	s0 =	sand.u32 $0xFFFFF80, s14  }
0xc7: {  	s0 =	sadd.s32 s1, s0  }
0xc8: {  	[tilespmem:s22], [sflag:$0x1] =	stream.linear.gather [hbm4b:s0+s4], $0x400, $0x38;
	[tilespmem:$0x1C800] =	vst v63  }
0xc9: {  	s0 =	sadd.s32 $0xF4280, s0;
	s16 =	spop (v2sf);
	(v2sf) =	vpush v1, $0xF  }
0xca: {  	[tilespmem:s23], [sflag:$0x1] =	stream.linear.gather [hbm4b:s0+s4], $0x400, $0x38;
	[tilespmem:$0x1C800] =	vst v63  }
0xcb: {  	s0 =	sand.u32 $0xFFFFF80, s16  }
0xcc: {  	s17 =	spop (v2sf);
	s0 =	sadd.s32 s1, s0  }
0xcd: {  	[tilespmem:s5], [sflag:$0x1] =	stream.linear.gather [hbm4b:s0+s4], $0x400, $0x38;
	[tilespmem:$0x1C800] =	vst v63  }
0xce: {  	s18 =	sand.u32 $0xFFFFF80, s17;
	s0 =	sadd.s32 $0xF4280, s0  }
0xcf: {  	[tilespmem:s24], [sflag:$0x1] =	stream.linear.gather [hbm4b:s0+s4], $0x400, $0x38;
	[tilespmem:$0x1C800] =	vst v63  }
0xd0: {  	s19 =	spop (v2sf);
	s0 =	sadd.s32 s1, s18  }
0xd1: {  	[tilespmem:s6], [sflag:$0x1] =	stream.linear.gather [hbm4b:s0+s4], $0x400, $0x38;
	[tilespmem:$0x1C800] =	vst v63  }
0xd2: {  	s20 =	sand.u32 $0xFFFFF80, s19;
	s0 =	sadd.s32 $0xF4280, s0  }
0xd3: {  	[tilespmem:s25], [sflag:$0x1] =	stream.linear.gather [hbm4b:s0+s4], $0x400, $0x38;
	[tilespmem:$0x1C800] =	vst v63  }
0xd4: {  	s0 =	sadd.s32 s1, s20  }
0xd5: {  	[tilespmem:s7], [sflag:$0x1] =	stream.linear.gather [hbm4b:s0+s4], $0x400, $0x38;
	[tilespmem:$0x1C800] =	vst v63  }
0xd6: {  	s0 =	sadd.s32 $0xF4280, s0  }
0xd7: {  	[tilespmem:s26], [sflag:$0x1] =	stream.linear.gather [hbm4b:s0+s4], $0x400, $0x38;
	[tilespmem:$0x1C800] =	vst v63  }
0xd8: {  	s30 =	simm.s32 $0xFFFFFE00;
	s21 =	spop (v2sf)  }
0xd9: {  	s31 =	simm.s32 $0x20;
	s3 =	simm.s32 $0x1C400;
	s0 =	sand.u32 $0xFFFFF80, s21  }
.Ltmp2:
0xda: {  	s11 =	simm.s32 $0x0;
	s0 =	sadd.s32 s1, s0;
	(pc) =	sbr.rel .LBB2_2-.Ltmp2, $4  }
0xdb: {  	[tilespmem:s8], [sflag:$0x1] =	stream.linear.gather [hbm4b:s0+s4], $0x400, $0x38;
	[tilespmem:$0x1C800] =	vst v63  }
0xdc: {  	s13 =	simm.s32 $0x0;
	s14 =	simm.s32 $0x0;
	s0 =	sadd.s32 $0xF4280, s0  }
0xdd: {  	[tilespmem:s28], [sflag:$0x1] =	stream.linear.gather [hbm4b:s0+s4], $0x400, $0x38;
	[tilespmem:$0x1C800] =	vst v63  }
0xde: {  	s16 =	simm.s32 $0x2;
	s17 =	simm.s32 $0x0;
	s0 =	simm.s32 $0x0  }
.LBB2_4:
0xdf: {  	s18 =	smulhi.u32 $0xAAAAAAAB, s17;
	_ =	sdelay $0x1  }
0xe0: {  	s18 =	sshrl.u32 s18, $0x1  }
0xe1: {  	v1 =	vld [tilespmem:s31+$0xFFFFFFE0];
	s18 =	smul.u32 $0x1800, s18;
	_ =	sdelay $0x1  }
0xe2: {  	s18 =	ssub.s32 s0, s18  }
0xe3: {  	v2 =	vmov s18  }
0xe4: {  	v2 =	vshll.u32 v2, $0x3  }
0xe5: {  	v1 =	vand.u32 $0x7F, v1;
	v2 =	vor.u32 v0, v2  }
0xe6: {  	v3 =	vor.u32 v2, v1;
	_ =	sdelay $0x4  }
0xe7: {  	v4 =	vld.idx.msk [tilespmem:v3+s15+$0x0], $0xffff;
	_ =	sdelay $0x2  }
0xe8: {  	v5 =	vor.u32 $0x80, v3  }
0xe9: {  	s19 =	sadd.s32 $0x200, s30  }
0xea: {  	s20 =	sand.u32 $0xC00, s13;
	s21 =	sand.u32 $0x70, s19;
	v4 =	vmax.f32 v4, $1.000000000e+00  }
0xeb: {  	s18 =	sor.u32 s21, s20;
	v4 =	vmin.f32 v4, $5.000000000e+00  }
0xec: {  	[tilespmem:s18+$0x18400] =	vst v4  }
0xed: {  	v5 =	vld.idx.msk [tilespmem:v5+s15+$0x0], $0xffff;
	_ =	sdelay $0x2  }
0xee: {  	v6 =	vor.u32 $0x100, v3;
	_ =	sdelay $0x1  }
0xef: {  	v5 =	vmax.f32 v5, $1.000000000e+00  }
0xf0: {  	v5 =	vmin.f32 v5, $5.000000000e+00  }
0xf1: {  	[tilespmem:s18+$0x18480] =	vst v5  }
0xf2: {  	v6 =	vld.idx.msk [tilespmem:v6+s15+$0x0], $0xffff;
	_ =	sdelay $0x2  }
0xf3: {  	v7 =	vor.u32 $0x180, v3;
	_ =	sdelay $0x1  }
0xf4: {  	v6 =	vmax.f32 v6, $1.000000000e+00  }
0xf5: {  	v6 =	vmin.f32 v6, $5.000000000e+00  }
0xf6: {  	[tilespmem:s18+$0x18500] =	vst v6  }
0xf7: {  	v7 =	vld.idx.msk [tilespmem:v7+s15+$0x0], $0xffff;
	_ =	sdelay $0x2  }
0xf8: {  	v8 =	vor.u32 $0x200, v3  }
0xf9: {  	s21 =	sand.u32 $0xFFFFFC00, s13  }
0xfa: {  	v9 =	vld [tilespmem:s18+$0x1A400];
	s20 =	sadd.s32 s21, s11;
	v7 =	vmax.f32 v7, $1.000000000e+00  }
0xfb: {  	v10 =	vld [tilespmem:s18+$0x1A480];
	s21 =	sor.u32 $0x180, s20;
	v7 =	vmin.f32 v7, $5.000000000e+00  }
0xfc: {  	v11 =	vld [tilespmem:s18+$0x1A500];
	[tilespmem:s21+$0x18400] =	vst v7  }
0xfd: {  	v8 =	vld.idx.msk [tilespmem:v8+s15+$0x0], $0xffff;
	_ =	sdelay $0x2  }
0xfe: {  	v12 =	vor.u32 $0x280, v3;
	_ =	sdelay $0x1  }
0xff: {  	v8 =	vmax.f32 v8, $1.000000000e+00  }
0x100: {  	v8 =	vmin.f32 v8, $5.000000000e+00  }
0x101: {  	v13 =	vld [tilespmem:s21+$0x1A400];
	[tilespmem:s18+$0x18600] =	vst v8  }
0x102: {  	v12 =	vld.idx.msk [tilespmem:v12+s15+$0x0], $0xffff;
	_ =	sdelay $0x2  }
0x103: {  	v14 =	vor.u32 $0x300, v3;
	_ =	sdelay $0x1  }
0x104: {  	v12 =	vmax.f32 v12, $1.000000000e+00  }
0x105: {  	v12 =	vmin.f32 v12, $5.000000000e+00  }
0x106: {  	[tilespmem:s18+$0x18680] =	vst v12  }
0x107: {  	v14 =	vld.idx.msk [tilespmem:v14+s15+$0x0], $0xffff;
	_ =	sdelay $0x2  }
0x108: {  	v3 =	vor.u32 $0x380, v3;
	_ =	sdelay $0x1  }
0x109: {  	v14 =	vmax.f32 v14, $1.000000000e+00  }
0x10a: {  	v14 =	vmin.f32 v14, $5.000000000e+00  }
0x10b: {  	[tilespmem:s18+$0x18700] =	vst v14  }
0x10c: {  	v3 =	vld.idx.msk [tilespmem:v3+s15+$0x0], $0xffff;
	_ =	sdelay $0x1  }
0x10d: {  	v1 =	vadd.s32 v1, v2  }
0x10e: {  	v2 =	vadd.s32 $0xC000, v1;
	_ =	sdelay $0x1  }
0x10f: {  	s19 =	sor.u32 s19, s13;
	v15 =	vld [tilespmem:s18+$0x1A600];
	v3 =	vmax.f32 v3, $1.000000000e+00  }
0x110: {  	s21 =	sor.u32 $0x380, s19;
	v16 =	vld [tilespmem:s18+$0x1A680];
	v3 =	vmin.f32 v3, $5.000000000e+00  }
0x111: {  	v17 =	vld [tilespmem:s18+$0x1A700];
	[tilespmem:s21+$0x18400] =	vst v3  }
0x112: {  	v2 =	vld.idx.msk [tilespmem:v2+s15+$0x0], $0xffff;
	_ =	sdelay $0x2  }
0x113: {  	v18 =	vadd.s32 $0xC080, v1;
	_ =	sdelay $0x1  }
0x114: {  	v2 =	vmax.f32 v2, $1.000000000e+00  }
0x115: {  	v2 =	vmin.f32 v2, $5.000000000e+00  }
0x116: {  	v19 =	vld [tilespmem:s21+$0x1A400];
	[tilespmem:s18+$0x19400] =	vst v2  }
0x117: {  	v18 =	vld.idx.msk [tilespmem:v18+s15+$0x0], $0xffff;
	_ =	sdelay $0x2  }
0x118: {  	v20 =	vadd.s32 $0xC100, v1;
	_ =	sdelay $0x1  }
0x119: {  	v18 =	vmax.f32 v18, $1.000000000e+00  }
0x11a: {  	v18 =	vmin.f32 v18, $5.000000000e+00  }
0x11b: {  	[tilespmem:s18+$0x19480] =	vst v18  }
0x11c: {  	v20 =	vld.idx.msk [tilespmem:v20+s15+$0x0], $0xffff;
	_ =	sdelay $0x2  }
0x11d: {  	v21 =	vadd.s32 $0xC180, v1;
	_ =	sdelay $0x1  }
0x11e: {  	v20 =	vmax.f32 v20, $1.000000000e+00  }
0x11f: {  	v20 =	vmin.f32 v20, $5.000000000e+00  }
0x120: {  	[tilespmem:s18+$0x19500] =	vst v20  }
0x121: {  	v21 =	vld.idx.msk [tilespmem:v21+s15+$0x0], $0xffff;
	_ =	sdelay $0x2  }
0x122: {  	v22 =	vadd.s32 $0xC200, v1;
	_ =	sdelay $0x1  }
0x123: {  	v23 =	vld [tilespmem:s18+$0x1B400];
	v21 =	vmax.f32 v21, $1.000000000e+00  }
0x124: {  	s20 =	sor.u32 $0x1180, s20;
	v24 =	vld [tilespmem:s18+$0x1B480];
	v21 =	vmin.f32 v21, $5.000000000e+00  }
0x125: {  	v25 =	vld [tilespmem:s18+$0x1B500];
	[tilespmem:s20+$0x18400] =	vst v21  }
0x126: {  	v22 =	vld.idx.msk [tilespmem:v22+s15+$0x0], $0xffff  }
0x127: {  	v4 =	vmul.f32 v9, v4;
	_ =	sdelay $0x1  }
0x128: {  	v49 =	vadd.s32 $0xC280, v1;
	v4 =	vadd.f32 $0.0e+00, v4;
	v5 =	vmul.f32 v10, v5;
	_ =	sdelay $0x1  }
0x129: {  	v4 =	vadd.f32 v5, v4;
	v50 =	vmul.f32 v11, v6;
	v51 =	vmax.f32 v22, $1.000000000e+00  }
0x12a: {  	v6 =	vmin.f32 v51, $5.000000000e+00  }
0x12b: {  	v4 =	vadd.f32 v50, v4;
	v53 =	vmul.f32 v13, v7;
	v52 =	vld [tilespmem:s20+$0x1A400];
	[tilespmem:s18+$0x19600] =	vst v6  }
0x12c: {  	v54 =	vld.idx.msk [tilespmem:v49+s15+$0x0], $0xffff  }
0x12d: {  	v4 =	vadd.f32 v53, v4;
	v55 =	vmul.f32 v15, v8;
	_ =	sdelay $0x1  }
0x12e: {  	v57 =	vadd.s32 $0xC300, v1;
	v4 =	vadd.f32 v55, v4;
	v56 =	vmul.f32 v16, v12;
	_ =	sdelay $0x1  }
0x12f: {  	v4 =	vadd.f32 v56, v4;
	v58 =	vmul.f32 v17, v14;
	v7 =	vmax.f32 v54, $1.000000000e+00  }
0x130: {  	v7 =	vmin.f32 v7, $5.000000000e+00  }
0x131: {  	v4 =	vadd.f32 v58, v4;
	v3 =	vmul.f32 v19, v3;
	[tilespmem:s18+$0x19680] =	vst v7  }
0x132: {  	v59 =	vld.idx.msk [tilespmem:v57+s15+$0x0], $0xffff  }
0x133: {  	v3 =	vadd.f32 v3, v4;
	v2 =	vmul.f32 v23, v2;
	_ =	sdelay $0x1  }
0x134: {  	v1 =	vadd.s32 $0xC380, v1;
	v2 =	vadd.f32 v2, v3;
	v3 =	vmul.f32 v24, v18  }
0x135: {  	v60 =	vld [tilespmem:s18+$0x1B600]  }
0x136: {  	v2 =	vadd.f32 v3, v2;
	v3 =	vmul.f32 v25, v20;
	v5 =	vmax.f32 v59, $1.000000000e+00  }
0x137: {  	v61 =	vld [tilespmem:s18+$0x1B680];
	v5 =	vmin.f32 v5, $5.000000000e+00  }
0x138: {  	v2 =	vadd.f32 v3, v2;
	v3 =	vmul.f32 v52, v21;
	v62 =	vld [tilespmem:s18+$0x1B700];
	[tilespmem:s18+$0x19700] =	vst v5  }
0x139: {  	v1 =	vld.idx.msk [tilespmem:v1+s15+$0x0], $0xffff  }
0x13a: {  	s21 =	sor.u32 $0x1380, s19;
	v2 =	vadd.f32 v3, v2;
	v3 =	vmul.f32 v60, v6  }
0x13b: {  	v63 =	vld [tilespmem:s21+$0x1A400]  }
0x13c: {  	v2 =	vadd.f32 v3, v2;
	v3 =	vmul.f32 v61, v7;
	_ =	sdelay $0x1  }
0x13d: {  	v2 =	vadd.f32 v3, v2;
	v3 =	vmul.f32 v62, v5;
	v1 =	vmax.f32 v1, $1.000000000e+00  }
0x13e: {  	v1 =	vmin.f32 v1, $5.000000000e+00  }
0x13f: {  	s14 =	sadd.s32 $0x10000, s14;
	v2 =	vadd.f32 v3, v2;
	v3 =	vmul.f32 v63, v1  }
0x140: {  	p0 =	sne.s32 s14, $0x200000  }
.Ltmp3:
0x141: {  	v2 =	vadd.f32 v3, v2;
	(pc) =	sbr.rel @!p0 .LBB2_5-.Ltmp3, $4  }
0x142: {  	_ = 	snop  }
0x143: {  	s17 =	sadd.s32 $0x1, s17;
	s16 =	sadd.s32 $0x1, s16;
	v2 =	vadd.f32 $0.0e+00, v2  }
0x144: {  	s30 =	sadd.s32 $0x10, s30;
	s31 =	sadd.s32 $0x10, s31;
	s0 =	sadd.s32 $0x800, s0;
	[tilespmem:s21+$0x18400] =	vst v1  }
0x145: {  	s13 =	sadd.s32 $0x80, s13;
	s11 =	sadd.s32 $0x10, s11;
	[tilespmem:s3+$0x0] =	vst v2;
	s3 =	sadd.s32 $0x10, s3  }
.LBB2_2:
0x146: {  	s18 =	sadd.s32 $0xFFFFFFFE, s16  }
0x147: {  	p0 =	sgt.u32 s18, $0x1D  }
.Ltmp4:
0x148: {  	_ = 	snop;
	(pc) =	sbr.rel @p0 .LBB2_4-.Ltmp4, $4  }
0x149: {  	_ = 	snop  }
0x14a: {  	_ =	swait.ge [sflag:s9], $0x8000  }
0x14b: {  	[sflag:s9] =	ssyncset.done $0x0  }
0x14c: {  	[sflag:s9] =	ssyncadd.s32 $0xFFFF8000  }
0x14d: {  	v1 =	vld [tilespmem:s31+$0x0];
	_ =	sdelay $0x4  }
0x14e: {  	(v2sf) =	vpush v1, $0x0;
	_ =	sdelay $0x3  }
0x14f: {  	(v2sf) =	vpush v1, $0x1;
	_ =	sdelay $0x4  }
0x150: {  	s18 =	smulhi.u32 $0xAAAAAAAB, s16;
	(v2sf) =	vpush v1, $0x2;
	_ =	sdelay $0x1  }
0x151: {  	s18 =	sshrl.u32 s18, $0x1  }
0x152: {  	s18 =	smul.u32 $0xFFFD0000, s18;
	_ =	sdelay $0x1  }
0x153: {  	s18 =	sshra.s32 s18, $0x2  }
0x154: {  	s20 =	sshra.s32 s14, $0x2;
	s18 =	sor.u32 $0x400, s18;
	s19 =	spop (v2sf)  }
0x155: {  	s18 =	sadd.s32 s20, s18;
	(v2sf) =	vpush v1, $0x3;
	s19 =	sand.u32 $0xFFFFF80, s19  }
0x156: {  	s20 =	sadd.s32 $0x8000, s18;
	s19 =	sadd.s32 s1, s19  }
0x157: {  	[tilespmem:s20], [sflag:$0x1] =	stream.linear.gather [hbm4b:s19+s4], $0x400, $0x38;
	[tilespmem:$0x1C800] =	vst v63  }
0x158: {  	s21 =	sadd.s32 $0x14000, s18;
	s19 =	sadd.s32 $0xF4280, s19;
	s20 =	spop (v2sf)  }
0x159: {  	(v2sf) =	vpush v1, $0x4;
	[tilespmem:s21], [sflag:$0x1] =	stream.linear.gather [hbm4b:s19+s4], $0x400, $0x38;
	[tilespmem:$0x1C800] =	vst v63  }
0x15a: {  	s19 =	sand.u32 $0xFFFFF80, s20  }
0x15b: {  	s21 =	sadd.s32 $0x8400, s18;
	s19 =	sadd.s32 s1, s19  }
0x15c: {  	[tilespmem:s21], [sflag:$0x1] =	stream.linear.gather [hbm4b:s19+s4], $0x400, $0x38;
	[tilespmem:$0x1C800] =	vst v63  }
0x15d: {  	s20 =	spop (v2sf);
	s19 =	sadd.s32 $0xF4280, s19;
	s21 =	sadd.s32 $0x14400, s18  }
0x15e: {  	(v2sf) =	vpush v1, $0x5;
	[tilespmem:s21], [sflag:$0x1] =	stream.linear.gather [hbm4b:s19+s4], $0x400, $0x38;
	[tilespmem:$0x1C800] =	vst v63  }
0x15f: {  	s19 =	sand.u32 $0xFFFFF80, s20  }
0x160: {  	s21 =	sadd.s32 $0x8800, s18;
	s19 =	sadd.s32 s1, s19  }
0x161: {  	[tilespmem:s21], [sflag:$0x1] =	stream.linear.gather [hbm4b:s19+s4], $0x400, $0x38;
	[tilespmem:$0x1C800] =	vst v63  }
0x162: {  	s19 =	sadd.s32 $0xF4280, s19;
	s21 =	sadd.s32 $0x14800, s18  }
0x163: {  	[tilespmem:s21], [sflag:$0x1] =	stream.linear.gather [hbm4b:s19+s4], $0x400, $0x38;
	[tilespmem:$0x1C800] =	vst v63  }
0x164: {  	s20 =	spop (v2sf)  }
0x165: {  	(v2sf) =	vpush v1, $0x6;
	s19 =	sand.u32 $0xFFFFF80, s20  }
0x166: {  	s21 =	sadd.s32 $0x8C00, s18;
	s19 =	sadd.s32 s1, s19  }
0x167: {  	[tilespmem:s21], [sflag:$0x1] =	stream.linear.gather [hbm4b:s19+s4], $0x400, $0x38;
	[tilespmem:$0x1C800] =	vst v63  }
0x168: {  	s19 =	sadd.s32 $0xF4280, s19;
	s21 =	sadd.s32 $0x14C00, s18;
	s20 =	spop (v2sf)  }
0x169: {  	(v2sf) =	vpush v1, $0x7;
	[tilespmem:s21], [sflag:$0x1] =	stream.linear.gather [hbm4b:s19+s4], $0x400, $0x38;
	[tilespmem:$0x1C800] =	vst v63  }
0x16a: {  	s19 =	sand.u32 $0xFFFFF80, s20  }
0x16b: {  	s21 =	sadd.s32 $0x9000, s18;
	s19 =	sadd.s32 s1, s19  }
0x16c: {  	[tilespmem:s21], [sflag:$0x1] =	stream.linear.gather [hbm4b:s19+s4], $0x400, $0x38;
	[tilespmem:$0x1C800] =	vst v63  }
0x16d: {  	s20 =	spop (v2sf);
	s19 =	sadd.s32 $0xF4280, s19;
	s21 =	sadd.s32 $0x15000, s18  }
0x16e: {  	(v2sf) =	vpush v1, $0x8;
	[tilespmem:s21], [sflag:$0x1] =	stream.linear.gather [hbm4b:s19+s4], $0x400, $0x38;
	[tilespmem:$0x1C800] =	vst v63  }
0x16f: {  	s19 =	sand.u32 $0xFFFFF80, s20  }
0x170: {  	s21 =	sadd.s32 $0x9400, s18;
	s19 =	sadd.s32 s1, s19  }
0x171: {  	[tilespmem:s21], [sflag:$0x1] =	stream.linear.gather [hbm4b:s19+s4], $0x400, $0x38;
	[tilespmem:$0x1C800] =	vst v63  }
0x172: {  	s19 =	sadd.s32 $0xF4280, s19;
	s21 =	sadd.s32 $0x15400, s18  }
0x173: {  	[tilespmem:s21], [sflag:$0x1] =	stream.linear.gather [hbm4b:s19+s4], $0x400, $0x38;
	[tilespmem:$0x1C800] =	vst v63  }
0x174: {  	s20 =	spop (v2sf)  }
0x175: {  	(v2sf) =	vpush v1, $0x9;
	s19 =	sand.u32 $0xFFFFF80, s20  }
0x176: {  	s21 =	sadd.s32 $0x9800, s18;
	s19 =	sadd.s32 s1, s19  }
0x177: {  	[tilespmem:s21], [sflag:$0x1] =	stream.linear.gather [hbm4b:s19+s4], $0x400, $0x38;
	[tilespmem:$0x1C800] =	vst v63  }
0x178: {  	s19 =	sadd.s32 $0xF4280, s19;
	s21 =	sadd.s32 $0x15800, s18;
	s20 =	spop (v2sf)  }
0x179: {  	(v2sf) =	vpush v1, $0xA;
	[tilespmem:s21], [sflag:$0x1] =	stream.linear.gather [hbm4b:s19+s4], $0x400, $0x38;
	[tilespmem:$0x1C800] =	vst v63  }
0x17a: {  	s19 =	sand.u32 $0xFFFFF80, s20  }
0x17b: {  	s21 =	sadd.s32 $0x9C00, s18;
	s19 =	sadd.s32 s1, s19  }
0x17c: {  	[tilespmem:s21], [sflag:$0x1] =	stream.linear.gather [hbm4b:s19+s4], $0x400, $0x38;
	[tilespmem:$0x1C800] =	vst v63  }
0x17d: {  	s20 =	spop (v2sf);
	s19 =	sadd.s32 $0xF4280, s19;
	s21 =	sadd.s32 $0x15C00, s18  }
0x17e: {  	(v2sf) =	vpush v1, $0xB;
	[tilespmem:s21], [sflag:$0x1] =	stream.linear.gather [hbm4b:s19+s4], $0x400, $0x38;
	[tilespmem:$0x1C800] =	vst v63  }
0x17f: {  	s19 =	sand.u32 $0xFFFFF80, s20  }
0x180: {  	s21 =	sadd.s32 $0xA000, s18;
	s19 =	sadd.s32 s1, s19  }
0x181: {  	[tilespmem:s21], [sflag:$0x1] =	stream.linear.gather [hbm4b:s19+s4], $0x400, $0x38;
	[tilespmem:$0x1C800] =	vst v63  }
0x182: {  	s19 =	sadd.s32 $0xF4280, s19;
	s21 =	sadd.s32 $0x16000, s18  }
0x183: {  	[tilespmem:s21], [sflag:$0x1] =	stream.linear.gather [hbm4b:s19+s4], $0x400, $0x38;
	[tilespmem:$0x1C800] =	vst v63  }
0x184: {  	s20 =	spop (v2sf)  }
0x185: {  	(v2sf) =	vpush v1, $0xC;
	s19 =	sand.u32 $0xFFFFF80, s20  }
0x186: {  	s21 =	sadd.s32 $0xA400, s18;
	s19 =	sadd.s32 s1, s19  }
0x187: {  	[tilespmem:s21], [sflag:$0x1] =	stream.linear.gather [hbm4b:s19+s4], $0x400, $0x38;
	[tilespmem:$0x1C800] =	vst v63  }
0x188: {  	s19 =	sadd.s32 $0xF4280, s19;
	s21 =	sadd.s32 $0x16400, s18;
	s20 =	spop (v2sf)  }
0x189: {  	(v2sf) =	vpush v1, $0xD;
	[tilespmem:s21], [sflag:$0x1] =	stream.linear.gather [hbm4b:s19+s4], $0x400, $0x38;
	[tilespmem:$0x1C800] =	vst v63  }
0x18a: {  	s19 =	sand.u32 $0xFFFFF80, s20  }
0x18b: {  	s21 =	sadd.s32 $0xA800, s18;
	s19 =	sadd.s32 s1, s19  }
0x18c: {  	[tilespmem:s21], [sflag:$0x1] =	stream.linear.gather [hbm4b:s19+s4], $0x400, $0x38;
	[tilespmem:$0x1C800] =	vst v63  }
0x18d: {  	s20 =	spop (v2sf);
	s19 =	sadd.s32 $0xF4280, s19;
	s21 =	sadd.s32 $0x16800, s18  }
0x18e: {  	(v2sf) =	vpush v1, $0xE;
	[tilespmem:s21], [sflag:$0x1] =	stream.linear.gather [hbm4b:s19+s4], $0x400, $0x38;
	[tilespmem:$0x1C800] =	vst v63  }
0x18f: {  	s19 =	sand.u32 $0xFFFFF80, s20  }
0x190: {  	s21 =	sadd.s32 $0xAC00, s18;
	s19 =	sadd.s32 s1, s19  }
0x191: {  	[tilespmem:s21], [sflag:$0x1] =	stream.linear.gather [hbm4b:s19+s4], $0x400, $0x38;
	[tilespmem:$0x1C800] =	vst v63  }
0x192: {  	s19 =	sadd.s32 $0xF4280, s19;
	s21 =	sadd.s32 $0x16C00, s18  }
0x193: {  	[tilespmem:s21], [sflag:$0x1] =	stream.linear.gather [hbm4b:s19+s4], $0x400, $0x38;
	[tilespmem:$0x1C800] =	vst v63  }
0x194: {  	s20 =	spop (v2sf)  }
0x195: {  	(v2sf) =	vpush v1, $0xF;
	s19 =	sand.u32 $0xFFFFF80, s20  }
0x196: {  	s21 =	sadd.s32 $0xB000, s18;
	s19 =	sadd.s32 s1, s19  }
0x197: {  	[tilespmem:s21], [sflag:$0x1] =	stream.linear.gather [hbm4b:s19+s4], $0x400, $0x38;
	[tilespmem:$0x1C800] =	vst v63  }
0x198: {  	s19 =	sadd.s32 $0xF4280, s19;
	s21 =	sadd.s32 $0x17000, s18;
	s20 =	spop (v2sf)  }
0x199: {  	[tilespmem:s21], [sflag:$0x1] =	stream.linear.gather [hbm4b:s19+s4], $0x400, $0x38;
	[tilespmem:$0x1C800] =	vst v63  }
0x19a: {  	s19 =	sand.u32 $0xFFFFF80, s20  }
0x19b: {  	s21 =	sadd.s32 $0xB400, s18;
	s19 =	sadd.s32 s1, s19  }
0x19c: {  	[tilespmem:s21], [sflag:$0x1] =	stream.linear.gather [hbm4b:s19+s4], $0x400, $0x38;
	[tilespmem:$0x1C800] =	vst v63  }
0x19d: {  	s20 =	spop (v2sf);
	s19 =	sadd.s32 $0xF4280, s19;
	s21 =	sadd.s32 $0x17400, s18  }
0x19e: {  	[tilespmem:s21], [sflag:$0x1] =	stream.linear.gather [hbm4b:s19+s4], $0x400, $0x38;
	[tilespmem:$0x1C800] =	vst v63  }
0x19f: {  	s19 =	sand.u32 $0xFFFFF80, s20  }
0x1a0: {  	s21 =	sadd.s32 $0xB800, s18;
	s19 =	sadd.s32 s1, s19  }
0x1a1: {  	[tilespmem:s21], [sflag:$0x1] =	stream.linear.gather [hbm4b:s19+s4], $0x400, $0x38;
	[tilespmem:$0x1C800] =	vst v63  }
0x1a2: {  	s19 =	sadd.s32 $0xF4280, s19;
	s21 =	sadd.s32 $0x17800, s18  }
0x1a3: {  	[tilespmem:s21], [sflag:$0x1] =	stream.linear.gather [hbm4b:s19+s4], $0x400, $0x38;
	[tilespmem:$0x1C800] =	vst v63  }
0x1a4: {  	s20 =	spop (v2sf)  }
.Ltmp5:
0x1a5: {  	s19 =	sand.u32 $0xFFFFF80, s20;
	(pc) =	sbr.rel .LBB2_4-.Ltmp5, $4  }
0x1a6: {  	s21 =	sadd.s32 $0xBC00, s18;
	s19 =	sadd.s32 s1, s19  }
0x1a7: {  	[tilespmem:s21], [sflag:$0x1] =	stream.linear.gather [hbm4b:s19+s4], $0x400, $0x38;
	[tilespmem:$0x1C800] =	vst v63  }
0x1a8: {  	s18 =	sadd.s32 $0x17C00, s18;
	s19 =	sadd.s32 $0xF4280, s19  }
0x1a9: {  	[tilespmem:s18], [sflag:$0x1] =	stream.linear.gather [hbm4b:s19+s4], $0x400, $0x38;
	[tilespmem:$0x1C800] =	vst v63  }
.LBB2_5:
0x1aa: {  	v1 =	vld [tilespmem:$0x200];
	_ =	sdelay $0x4  }
0x1ab: {  	(v2sf) =	vpush v1, $0x0;
	_ =	sdelay $0x3  }
0x1ac: {  	(v2sf) =	vpush v1, $0x1;
	_ =	sdelay $0x4  }
0x1ad: {  	(v2sf) =	vpush v1, $0x2;
	_ =	sdelay $0x5  }
0x1ae: {  	s0 =	spop (v2sf)  }
0x1af: {  	(v2sf) =	vpush v1, $0x3;
	s0 =	sand.u32 $0xFFFFF80, s0  }
0x1b0: {  	s30 =	simm.s32 $0x0;
	s0 =	sadd.s32 s2, s0  }
0x1b1: {  	[tilespmem:s15], [sflag:$0x1] =	stream.linear.gather [hbm4b:s0+s30], $0x400, $0x38;
	[tilespmem:$0x1C800] =	vst v63  }
0x1b2: {  	s21 =	simm.s32 $0xC400;
	s17 =	spop (v2sf);
	s0 =	sadd.s32 $0xF4280, s0  }
0x1b3: {  	(v2sf) =	vpush v1, $0x4;
	[tilespmem:s21], [sflag:$0x1] =	stream.linear.gather [hbm4b:s0+s30], $0x400, $0x38;
	[tilespmem:$0x1C800] =	vst v63  }
0x1b4: {  	s0 =	sand.u32 $0xFFFFF80, s17  }
0x1b5: {  	s31 =	simm.s32 $0x800;
	s0 =	sadd.s32 s2, s0  }
0x1b6: {  	[tilespmem:s31], [sflag:$0x1] =	stream.linear.gather [hbm4b:s0+s30], $0x400, $0x38;
	[tilespmem:$0x1C800] =	vst v63  }
0x1b7: {  	s3 =	simm.s32 $0xC800;
	s18 =	spop (v2sf);
	s0 =	sadd.s32 $0xF4280, s0  }
0x1b8: {  	(v2sf) =	vpush v1, $0x5;
	[tilespmem:s3], [sflag:$0x1] =	stream.linear.gather [hbm4b:s0+s30], $0x400, $0x38;
	[tilespmem:$0x1C800] =	vst v63  }
0x1b9: {  	s0 =	sand.u32 $0xFFFFF80, s18  }
0x1ba: {  	s19 =	simm.s32 $0xC00;
	s0 =	sadd.s32 s2, s0  }
0x1bb: {  	[tilespmem:s19], [sflag:$0x1] =	stream.linear.gather [hbm4b:s0+s30], $0x400, $0x38;
	[tilespmem:$0x1C800] =	vst v63  }
0x1bc: {  	s20 =	simm.s32 $0xCC00;
	s0 =	sadd.s32 $0xF4280, s0  }
0x1bd: {  	[tilespmem:s20], [sflag:$0x1] =	stream.linear.gather [hbm4b:s0+s30], $0x400, $0x38;
	[tilespmem:$0x1C800] =	vst v63  }
0x1be: {  	s11 =	spop (v2sf)  }
0x1bf: {  	(v2sf) =	vpush v1, $0x6;
	s0 =	sand.u32 $0xFFFFF80, s11  }
0x1c0: {  	s0 =	sadd.s32 s2, s0  }
0x1c1: {  	[tilespmem:s12], [sflag:$0x1] =	stream.linear.gather [hbm4b:s0+s30], $0x400, $0x38;
	[tilespmem:$0x1C800] =	vst v63  }
0x1c2: {  	s13 =	simm.s32 $0xD000;
	s14 =	spop (v2sf);
	s0 =	sadd.s32 $0xF4280, s0  }
0x1c3: {  	(v2sf) =	vpush v1, $0x7;
	[tilespmem:s13], [sflag:$0x1] =	stream.linear.gather [hbm4b:s0+s30], $0x400, $0x38;
	[tilespmem:$0x1C800] =	vst v63  }
0x1c4: {  	s0 =	sand.u32 $0xFFFFF80, s14  }
0x1c5: {  	s16 =	simm.s32 $0x1400;
	s0 =	sadd.s32 s2, s0  }
0x1c6: {  	[tilespmem:s16], [sflag:$0x1] =	stream.linear.gather [hbm4b:s0+s30], $0x400, $0x38;
	[tilespmem:$0x1C800] =	vst v63  }
0x1c7: {  	s17 =	simm.s32 $0xD400;
	s18 =	spop (v2sf);
	s0 =	sadd.s32 $0xF4280, s0  }
0x1c8: {  	(v2sf) =	vpush v1, $0x8;
	[tilespmem:s17], [sflag:$0x1] =	stream.linear.gather [hbm4b:s0+s30], $0x400, $0x38;
	[tilespmem:$0x1C800] =	vst v63  }
0x1c9: {  	s0 =	sand.u32 $0xFFFFF80, s18  }
0x1ca: {  	s19 =	simm.s32 $0x1800;
	s0 =	sadd.s32 s2, s0  }
0x1cb: {  	[tilespmem:s19], [sflag:$0x1] =	stream.linear.gather [hbm4b:s0+s30], $0x400, $0x38;
	[tilespmem:$0x1C800] =	vst v63  }
0x1cc: {  	s20 =	simm.s32 $0xD800;
	s0 =	sadd.s32 $0xF4280, s0  }
0x1cd: {  	[tilespmem:s20], [sflag:$0x1] =	stream.linear.gather [hbm4b:s0+s30], $0x400, $0x38;
	[tilespmem:$0x1C800] =	vst v63  }
0x1ce: {  	s3 =	spop (v2sf)  }
0x1cf: {  	(v2sf) =	vpush v1, $0x9;
	s0 =	sand.u32 $0xFFFFF80, s3  }
0x1d0: {  	s11 =	simm.s32 $0x1C00;
	s0 =	sadd.s32 s2, s0  }
0x1d1: {  	[tilespmem:s11], [sflag:$0x1] =	stream.linear.gather [hbm4b:s0+s30], $0x400, $0x38;
	[tilespmem:$0x1C800] =	vst v63  }
0x1d2: {  	s13 =	simm.s32 $0xDC00;
	s14 =	spop (v2sf);
	s0 =	sadd.s32 $0xF4280, s0  }
0x1d3: {  	(v2sf) =	vpush v1, $0xA;
	[tilespmem:s13], [sflag:$0x1] =	stream.linear.gather [hbm4b:s0+s30], $0x400, $0x38;
	[tilespmem:$0x1C800] =	vst v63  }
0x1d4: {  	s0 =	sand.u32 $0xFFFFF80, s14  }
0x1d5: {  	s16 =	simm.s32 $0x2000;
	s0 =	sadd.s32 s2, s0  }
0x1d6: {  	[tilespmem:s16], [sflag:$0x1] =	stream.linear.gather [hbm4b:s0+s30], $0x400, $0x38;
	[tilespmem:$0x1C800] =	vst v63  }
0x1d7: {  	s17 =	simm.s32 $0xE000;
	s18 =	spop (v2sf);
	s0 =	sadd.s32 $0xF4280, s0  }
0x1d8: {  	(v2sf) =	vpush v1, $0xB;
	[tilespmem:s17], [sflag:$0x1] =	stream.linear.gather [hbm4b:s0+s30], $0x400, $0x38;
	[tilespmem:$0x1C800] =	vst v63  }
0x1d9: {  	s0 =	sand.u32 $0xFFFFF80, s18  }
0x1da: {  	s19 =	simm.s32 $0x2400;
	s0 =	sadd.s32 s2, s0  }
0x1db: {  	[tilespmem:s19], [sflag:$0x1] =	stream.linear.gather [hbm4b:s0+s30], $0x400, $0x38;
	[tilespmem:$0x1C800] =	vst v63  }
0x1dc: {  	s20 =	simm.s32 $0xE400;
	s0 =	sadd.s32 $0xF4280, s0  }
0x1dd: {  	[tilespmem:s20], [sflag:$0x1] =	stream.linear.gather [hbm4b:s0+s30], $0x400, $0x38;
	[tilespmem:$0x1C800] =	vst v63  }
0x1de: {  	s3 =	spop (v2sf)  }
0x1df: {  	(v2sf) =	vpush v1, $0xC;
	s0 =	sand.u32 $0xFFFFF80, s3  }
0x1e0: {  	s11 =	simm.s32 $0x2800;
	s0 =	sadd.s32 s2, s0  }
0x1e1: {  	[tilespmem:s11], [sflag:$0x1] =	stream.linear.gather [hbm4b:s0+s30], $0x400, $0x38;
	[tilespmem:$0x1C800] =	vst v63  }
0x1e2: {  	s13 =	simm.s32 $0xE800;
	s14 =	spop (v2sf);
	s0 =	sadd.s32 $0xF4280, s0  }
0x1e3: {  	(v2sf) =	vpush v1, $0xD;
	[tilespmem:s13], [sflag:$0x1] =	stream.linear.gather [hbm4b:s0+s30], $0x400, $0x38;
	[tilespmem:$0x1C800] =	vst v63  }
0x1e4: {  	s0 =	sand.u32 $0xFFFFF80, s14  }
0x1e5: {  	s16 =	simm.s32 $0x2C00;
	s0 =	sadd.s32 s2, s0  }
0x1e6: {  	[tilespmem:s16], [sflag:$0x1] =	stream.linear.gather [hbm4b:s0+s30], $0x400, $0x38;
	[tilespmem:$0x1C800] =	vst v63  }
0x1e7: {  	s17 =	simm.s32 $0xEC00;
	s18 =	spop (v2sf);
	s0 =	sadd.s32 $0xF4280, s0  }
0x1e8: {  	(v2sf) =	vpush v1, $0xE;
	[tilespmem:s17], [sflag:$0x1] =	stream.linear.gather [hbm4b:s0+s30], $0x400, $0x38;
	[tilespmem:$0x1C800] =	vst v63  }
0x1e9: {  	s0 =	sand.u32 $0xFFFFF80, s18  }
0x1ea: {  	s19 =	simm.s32 $0x3000;
	s0 =	sadd.s32 s2, s0  }
0x1eb: {  	[tilespmem:s19], [sflag:$0x1] =	stream.linear.gather [hbm4b:s0+s30], $0x400, $0x38;
	[tilespmem:$0x1C800] =	vst v63  }
0x1ec: {  	s20 =	simm.s32 $0xF000;
	s0 =	sadd.s32 $0xF4280, s0  }
0x1ed: {  	[tilespmem:s20], [sflag:$0x1] =	stream.linear.gather [hbm4b:s0+s30], $0x400, $0x38;
	[tilespmem:$0x1C800] =	vst v63  }
0x1ee: {  	s3 =	spop (v2sf)  }
0x1ef: {  	(v2sf) =	vpush v1, $0xF;
	s0 =	sand.u32 $0xFFFFF80, s3  }
0x1f0: {  	s11 =	simm.s32 $0x3400;
	s0 =	sadd.s32 s2, s0  }
0x1f1: {  	[tilespmem:s11], [sflag:$0x1] =	stream.linear.gather [hbm4b:s0+s30], $0x400, $0x38;
	[tilespmem:$0x1C800] =	vst v63  }
0x1f2: {  	s13 =	simm.s32 $0xF400;
	s14 =	spop (v2sf);
	s0 =	sadd.s32 $0xF4280, s0  }
0x1f3: {  	[tilespmem:s13], [sflag:$0x1] =	stream.linear.gather [hbm4b:s0+s30], $0x400, $0x38;
	[tilespmem:$0x1C800] =	vst v63  }
0x1f4: {  	s0 =	sand.u32 $0xFFFFF80, s14  }
0x1f5: {  	s16 =	simm.s32 $0x3800;
	s0 =	sadd.s32 s2, s0  }
0x1f6: {  	[tilespmem:s16], [sflag:$0x1] =	stream.linear.gather [hbm4b:s0+s30], $0x400, $0x38;
	[tilespmem:$0x1C800] =	vst v63  }
0x1f7: {  	s17 =	simm.s32 $0xF800;
	s18 =	spop (v2sf);
	s0 =	sadd.s32 $0xF4280, s0  }
0x1f8: {  	[tilespmem:s17], [sflag:$0x1] =	stream.linear.gather [hbm4b:s0+s30], $0x400, $0x38;
	[tilespmem:$0x1C800] =	vst v63  }
0x1f9: {  	s0 =	sand.u32 $0xFFFFF80, s18  }
0x1fa: {  	s19 =	simm.s32 $0x3C00;
	s0 =	sadd.s32 s2, s0  }
0x1fb: {  	[tilespmem:s19], [sflag:$0x1] =	stream.linear.gather [hbm4b:s0+s30], $0x400, $0x38;
	[tilespmem:$0x1C800] =	vst v63  }
0x1fc: {  	s20 =	simm.s32 $0xFC00;
	s0 =	sadd.s32 $0xF4280, s0  }
0x1fd: {  	[tilespmem:s20], [sflag:$0x1] =	stream.linear.gather [hbm4b:s0+s30], $0x400, $0x38;
	[tilespmem:$0x1C800] =	vst v63  }
0x1fe: {  	s3 =	spop (v2sf)  }
0x1ff: {  	s0 =	sand.u32 $0xFFFFF80, s3  }
0x200: {  	s11 =	simm.s32 $0x4000;
	s0 =	sadd.s32 s2, s0  }
0x201: {  	[tilespmem:s11], [sflag:$0x1] =	stream.linear.gather [hbm4b:s0+s30], $0x400, $0x38;
	[tilespmem:$0x1C800] =	vst v63  }
0x202: {  	s13 =	simm.s32 $0x10000;
	s0 =	sadd.s32 $0xF4280, s0  }
0x203: {  	[tilespmem:s13], [sflag:$0x1] =	stream.linear.gather [hbm4b:s0+s30], $0x400, $0x38;
	[tilespmem:$0x1C800] =	vst v63  }
0x204: {  	v1 =	vld [tilespmem:$0x210];
	_ =	sdelay $0x4  }
0x205: {  	(v2sf) =	vpush v1, $0x0;
	_ =	sdelay $0x2  }
0x206: {  	(v2sf) =	vpush v1, $0x1;
	_ =	sdelay $0x3  }
0x207: {  	(v2sf) =	vpush v1, $0x2;
	_ =	sdelay $0x7  }
0x208: {  	s14 =	spop (v2sf);
	(v2sf) =	vpush v1, $0x3;
	_ =	sdelay $0x1  }
0x209: {  	s0 =	sand.u32 $0xFFFFF80, s14  }
0x20a: {  	s16 =	simm.s32 $0x4400;
	s18 =	spop (v2sf);
	(v2sf) =	vpush v1, $0x4;
	s0 =	sadd.s32 s2, s0  }
0x20b: {  	[tilespmem:s16], [sflag:$0x1] =	stream.linear.gather [hbm4b:s0+s30], $0x400, $0x38;
	[tilespmem:$0x1C800] =	vst v63  }
0x20c: {  	s17 =	simm.s32 $0x10400;
	s0 =	sadd.s32 $0xF4280, s0  }
0x20d: {  	[tilespmem:s17], [sflag:$0x1] =	stream.linear.gather [hbm4b:s0+s30], $0x400, $0x38;
	[tilespmem:$0x1C800] =	vst v63  }
0x20e: {  	s3 =	spop (v2sf);
	(v2sf) =	vpush v1, $0x5;
	s0 =	sand.u32 $0xFFFFF80, s18  }
0x20f: {  	s19 =	simm.s32 $0x4800;
	s0 =	sadd.s32 s2, s0  }
0x210: {  	[tilespmem:s19], [sflag:$0x1] =	stream.linear.gather [hbm4b:s0+s30], $0x400, $0x38;
	[tilespmem:$0x1C800] =	vst v63  }
0x211: {  	s20 =	simm.s32 $0x10800;
	s0 =	sadd.s32 $0xF4280, s0  }
0x212: {  	[tilespmem:s20], [sflag:$0x1] =	stream.linear.gather [hbm4b:s0+s30], $0x400, $0x38;
	[tilespmem:$0x1C800] =	vst v63  }
0x213: {  	s0 =	sand.u32 $0xFFFFF80, s3  }
0x214: {  	s11 =	simm.s32 $0x4C00;
	s0 =	sadd.s32 s2, s0  }
0x215: {  	[tilespmem:s11], [sflag:$0x1] =	stream.linear.gather [hbm4b:s0+s30], $0x400, $0x38;
	[tilespmem:$0x1C800] =	vst v63  }
0x216: {  	s13 =	simm.s32 $0x10C00;
	s0 =	sadd.s32 $0xF4280, s0;
	s14 =	spop (v2sf);
	(v2sf) =	vpush v1, $0x6  }
0x217: {  	[tilespmem:s13], [sflag:$0x1] =	stream.linear.gather [hbm4b:s0+s30], $0x400, $0x38;
	[tilespmem:$0x1C800] =	vst v63  }
0x218: {  	s0 =	sand.u32 $0xFFFFF80, s14  }
0x219: {  	s16 =	simm.s32 $0x5000;
	s18 =	spop (v2sf);
	(v2sf) =	vpush v1, $0x7;
	s0 =	sadd.s32 s2, s0  }
0x21a: {  	[tilespmem:s16], [sflag:$0x1] =	stream.linear.gather [hbm4b:s0+s30], $0x400, $0x38;
	[tilespmem:$0x1C800] =	vst v63  }
0x21b: {  	s17 =	simm.s32 $0x11000;
	s0 =	sadd.s32 $0xF4280, s0  }
0x21c: {  	[tilespmem:s17], [sflag:$0x1] =	stream.linear.gather [hbm4b:s0+s30], $0x400, $0x38;
	[tilespmem:$0x1C800] =	vst v63  }
0x21d: {  	s3 =	spop (v2sf);
	(v2sf) =	vpush v1, $0x8;
	s0 =	sand.u32 $0xFFFFF80, s18  }
0x21e: {  	s19 =	simm.s32 $0x5400;
	s0 =	sadd.s32 s2, s0  }
0x21f: {  	[tilespmem:s19], [sflag:$0x1] =	stream.linear.gather [hbm4b:s0+s30], $0x400, $0x38;
	[tilespmem:$0x1C800] =	vst v63  }
0x220: {  	s20 =	simm.s32 $0x11400;
	s0 =	sadd.s32 $0xF4280, s0  }
0x221: {  	[tilespmem:s20], [sflag:$0x1] =	stream.linear.gather [hbm4b:s0+s30], $0x400, $0x38;
	[tilespmem:$0x1C800] =	vst v63  }
0x222: {  	s0 =	sand.u32 $0xFFFFF80, s3  }
0x223: {  	s11 =	simm.s32 $0x5800;
	s0 =	sadd.s32 s2, s0  }
0x224: {  	[tilespmem:s11], [sflag:$0x1] =	stream.linear.gather [hbm4b:s0+s30], $0x400, $0x38;
	[tilespmem:$0x1C800] =	vst v63  }
0x225: {  	s13 =	simm.s32 $0x11800;
	s0 =	sadd.s32 $0xF4280, s0;
	s14 =	spop (v2sf);
	(v2sf) =	vpush v1, $0x9  }
0x226: {  	[tilespmem:s13], [sflag:$0x1] =	stream.linear.gather [hbm4b:s0+s30], $0x400, $0x38;
	[tilespmem:$0x1C800] =	vst v63  }
0x227: {  	s0 =	sand.u32 $0xFFFFF80, s14  }
0x228: {  	s16 =	simm.s32 $0x5C00;
	s18 =	spop (v2sf);
	(v2sf) =	vpush v1, $0xA;
	s0 =	sadd.s32 s2, s0  }
0x229: {  	[tilespmem:s16], [sflag:$0x1] =	stream.linear.gather [hbm4b:s0+s30], $0x400, $0x38;
	[tilespmem:$0x1C800] =	vst v63  }
0x22a: {  	s17 =	simm.s32 $0x11C00;
	s0 =	sadd.s32 $0xF4280, s0  }
0x22b: {  	[tilespmem:s17], [sflag:$0x1] =	stream.linear.gather [hbm4b:s0+s30], $0x400, $0x38;
	[tilespmem:$0x1C800] =	vst v63  }
0x22c: {  	s11 =	spop (v2sf);
	(v2sf) =	vpush v1, $0xB;
	s0 =	sand.u32 $0xFFFFF80, s18  }
0x22d: {  	s19 =	simm.s32 $0x6000;
	s0 =	sadd.s32 s2, s0  }
0x22e: {  	[tilespmem:s19], [sflag:$0x1] =	stream.linear.gather [hbm4b:s0+s30], $0x400, $0x38;
	[tilespmem:$0x1C800] =	vst v63  }
0x22f: {  	s20 =	simm.s32 $0x12000;
	s0 =	sadd.s32 $0xF4280, s0  }
0x230: {  	[tilespmem:s20], [sflag:$0x1] =	stream.linear.gather [hbm4b:s0+s30], $0x400, $0x38;
	[tilespmem:$0x1C800] =	vst v63  }
0x231: {  	s0 =	sand.u32 $0xFFFFF80, s11  }
0x232: {  	s13 =	simm.s32 $0x6400;
	s0 =	sadd.s32 s2, s0  }
0x233: {  	[tilespmem:s13], [sflag:$0x1] =	stream.linear.gather [hbm4b:s0+s30], $0x400, $0x38;
	[tilespmem:$0x1C800] =	vst v63  }
0x234: {  	s14 =	simm.s32 $0x12400;
	s0 =	sadd.s32 $0xF4280, s0;
	s16 =	spop (v2sf);
	(v2sf) =	vpush v1, $0xC  }
0x235: {  	[tilespmem:s14], [sflag:$0x1] =	stream.linear.gather [hbm4b:s0+s30], $0x400, $0x38;
	[tilespmem:$0x1C800] =	vst v63  }
0x236: {  	s0 =	sand.u32 $0xFFFFF80, s16  }
0x237: {  	s17 =	simm.s32 $0x6800;
	s19 =	spop (v2sf);
	(v2sf) =	vpush v1, $0xD;
	s0 =	sadd.s32 s2, s0  }
0x238: {  	[tilespmem:s17], [sflag:$0x1] =	stream.linear.gather [hbm4b:s0+s30], $0x400, $0x38;
	[tilespmem:$0x1C800] =	vst v63  }
0x239: {  	s18 =	simm.s32 $0x12800;
	s0 =	sadd.s32 $0xF4280, s0  }
0x23a: {  	[tilespmem:s18], [sflag:$0x1] =	stream.linear.gather [hbm4b:s0+s30], $0x400, $0x38;
	[tilespmem:$0x1C800] =	vst v63  }
0x23b: {  	s13 =	spop (v2sf);
	(v2sf) =	vpush v1, $0xE;
	s0 =	sand.u32 $0xFFFFF80, s19  }
0x23c: {  	s20 =	simm.s32 $0x6C00;
	s0 =	sadd.s32 s2, s0  }
0x23d: {  	[tilespmem:s20], [sflag:$0x1] =	stream.linear.gather [hbm4b:s0+s30], $0x400, $0x38;
	[tilespmem:$0x1C800] =	vst v63  }
0x23e: {  	s11 =	simm.s32 $0x12C00;
	s0 =	sadd.s32 $0xF4280, s0  }
0x23f: {  	[tilespmem:s11], [sflag:$0x1] =	stream.linear.gather [hbm4b:s0+s30], $0x400, $0x38;
	[tilespmem:$0x1C800] =	vst v63  }
0x240: {  	s0 =	sand.u32 $0xFFFFF80, s13  }
0x241: {  	s0 =	sadd.s32 s2, s0  }
0x242: {  	[tilespmem:s22], [sflag:$0x1] =	stream.linear.gather [hbm4b:s0+s30], $0x400, $0x38;
	[tilespmem:$0x1C800] =	vst v63  }
0x243: {  	s0 =	sadd.s32 $0xF4280, s0;
	s14 =	spop (v2sf);
	(v2sf) =	vpush v1, $0xF  }
0x244: {  	[tilespmem:s23], [sflag:$0x1] =	stream.linear.gather [hbm4b:s0+s30], $0x400, $0x38;
	[tilespmem:$0x1C800] =	vst v63  }
0x245: {  	s0 =	sand.u32 $0xFFFFF80, s14  }
0x246: {  	s16 =	spop (v2sf);
	s0 =	sadd.s32 s2, s0  }
0x247: {  	[tilespmem:s5], [sflag:$0x1] =	stream.linear.gather [hbm4b:s0+s30], $0x400, $0x38;
	[tilespmem:$0x1C800] =	vst v63  }
0x248: {  	s17 =	sand.u32 $0xFFFFF80, s16;
	s0 =	sadd.s32 $0xF4280, s0  }
0x249: {  	[tilespmem:s24], [sflag:$0x1] =	stream.linear.gather [hbm4b:s0+s30], $0x400, $0x38;
	[tilespmem:$0x1C800] =	vst v63  }
0x24a: {  	s18 =	spop (v2sf);
	s0 =	sadd.s32 s2, s17  }
0x24b: {  	[tilespmem:s6], [sflag:$0x1] =	stream.linear.gather [hbm4b:s0+s30], $0x400, $0x38;
	[tilespmem:$0x1C800] =	vst v63  }
0x24c: {  	s19 =	sand.u32 $0xFFFFF80, s18;
	s0 =	sadd.s32 $0xF4280, s0  }
0x24d: {  	[tilespmem:s25], [sflag:$0x1] =	stream.linear.gather [hbm4b:s0+s30], $0x400, $0x38;
	[tilespmem:$0x1C800] =	vst v63  }
0x24e: {  	s0 =	sadd.s32 s2, s19  }
0x24f: {  	[tilespmem:s7], [sflag:$0x1] =	stream.linear.gather [hbm4b:s0+s30], $0x400, $0x38;
	[tilespmem:$0x1C800] =	vst v63  }
0x250: {  	s0 =	sadd.s32 $0xF4280, s0  }
0x251: {  	[tilespmem:s26], [sflag:$0x1] =	stream.linear.gather [hbm4b:s0+s30], $0x400, $0x38;
	[tilespmem:$0x1C800] =	vst v63  }
0x252: {  	s20 =	spop (v2sf)  }
0x253: {  	s3 =	simm.s32 $0x220;
	s0 =	sand.u32 $0xFFFFF80, s20  }
.Ltmp6:
0x254: {  	s11 =	simm.s32 $0x1C600;
	s0 =	sadd.s32 s2, s0;
	(pc) =	sbr.rel .LBB2_6-.Ltmp6, $4  }
0x255: {  	[tilespmem:s8], [sflag:$0x1] =	stream.linear.gather [hbm4b:s0+s30], $0x400, $0x38;
	[tilespmem:$0x1C800] =	vst v63  }
0x256: {  	s13 =	simm.s32 $0x0;
	s14 =	simm.s32 $0x0;
	s0 =	sadd.s32 $0xF4280, s0  }
0x257: {  	[tilespmem:s28], [sflag:$0x1] =	stream.linear.gather [hbm4b:s0+s30], $0x400, $0x38;
	[tilespmem:$0x1C800] =	vst v63  }
0x258: {  	s16 =	simm.s32 $0x0;
	s17 =	simm.s32 $0x0;
	s0 =	simm.s32 $0x2  }
.LBB2_8:
0x259: {  	s18 =	smulhi.u32 $0xAAAAAAAB, s17;
	_ =	sdelay $0x1  }
0x25a: {  	s18 =	sshrl.u32 s18, $0x1  }
0x25b: {  	v1 =	vld [tilespmem:s3+$0xFFFFFFE0];
	s18 =	smul.u32 $0x1800, s18;
	_ =	sdelay $0x1  }
0x25c: {  	s18 =	ssub.s32 s30, s18  }
0x25d: {  	v2 =	vmov s18  }
0x25e: {  	v2 =	vshll.u32 v2, $0x3  }
0x25f: {  	v1 =	vand.u32 $0x7F, v1;
	v2 =	vor.u32 v0, v2  }
0x260: {  	v3 =	vor.u32 v2, v1;
	_ =	sdelay $0x1  }
0x261: {  	v4 =	vor.u32 $0x80, v3;
	_ =	sdelay $0x1  }
0x262: {  	s20 =	sand.u32 $0x70, s13;
	s19 =	sand.u32 $0xC00, s14;
	v6 =	vor.u32 $0x100, v3  }
0x263: {  	s18 =	sor.u32 s20, s19;
	v5 =	vld.idx.msk [tilespmem:v3+s15+$0x0], $0xffff  }
0x264: {  	v7 =	vld [tilespmem:s18+$0x18400];
	v8 =	vor.u32 $0x180, v3  }
0x265: {  	s19 =	sadd.s32 $0x18400, s18;
	v4 =	vld.idx.msk [tilespmem:v4+s15+$0x0], $0xffff  }
0x266: {  	v9 =	vld [tilespmem:s19+$0x80];
	v10 =	vor.u32 $0x200, v3  }
0x267: {  	v6 =	vld.idx.msk [tilespmem:v6+s15+$0x0], $0xffff  }
0x268: {  	v11 =	vld [tilespmem:s19+$0x100];
	v12 =	vor.u32 $0x280, v3;
	v5 =	vmax.f32 v5, $1.000000000e+00  }
0x269: {  	v20 =	vld.idx.msk [tilespmem:v8+s15+$0x0], $0xffff;
	v5 =	vmin.f32 v5, $5.000000000e+00  }
0x26a: {  	v21 =	vld [tilespmem:s19+$0x180];
	v13 =	vor.u32 $0x300, v3;
	v4 =	vmax.f32 v4, $1.000000000e+00;
	v5 =	vmul.f32 v5, v7  }
0x26b: {  	v1 =	vadd.s32 v1, v2;
	v3 =	vor.u32 $0x380, v3;
	v22 =	vld.idx.msk [tilespmem:v10+s15+$0x0], $0xffff;
	v4 =	vmin.f32 v4, $5.000000000e+00  }
0x26c: {  	v23 =	vld [tilespmem:s19+$0x200];
	v6 =	vmax.f32 v6, $1.000000000e+00;
	v4 =	vmul.f32 v4, v9;
	v5 =	vadd.f32 $0.0e+00, v5  }
0x26d: {  	v28 =	vadd.s32 $0xC000, v1;
	v25 =	vld.idx.msk [tilespmem:v12+s15+$0x0], $0xffff;
	v24 =	vmin.f32 v6, $5.000000000e+00  }
0x26e: {  	v27 =	vld [tilespmem:s19+$0x280];
	v26 =	vmax.f32 v20, $1.000000000e+00;
	v2 =	vmul.f32 v24, v11;
	v4 =	vadd.f32 v4, v5  }
0x26f: {  	v29 =	vld.idx.msk [tilespmem:v13+s15+$0x0], $0xffff;
	v5 =	vmin.f32 v26, $5.000000000e+00  }
0x270: {  	s20 =	sor.u32 s14, s13;
	v32 =	vld [tilespmem:s19+$0x300];
	v31 =	vmax.f32 v22, $1.000000000e+00;
	v30 =	vmul.f32 v5, v21;
	v2 =	vadd.f32 v2, v4  }
0x271: {  	s19 =	sor.u32 $0x380, s20;
	v33 =	vadd.s32 $0xC080, v1;
	v3 =	vld.idx.msk [tilespmem:v3+s15+$0x0], $0xffff;
	v5 =	vmin.f32 v31, $5.000000000e+00  }
0x272: {  	v36 =	vld [tilespmem:s19+$0x18400];
	v35 =	vmax.f32 v25, $1.000000000e+00;
	v34 =	vmul.f32 v5, v23;
	v2 =	vadd.f32 v30, v2  }
0x273: {  	v38 =	vadd.s32 $0xC100, v1;
	v37 =	vld.idx.msk [tilespmem:v28+s15+$0x0], $0xffff;
	v5 =	vmin.f32 v35, $5.000000000e+00  }
0x274: {  	v40 =	vmax.f32 v29, $1.000000000e+00;
	v39 =	vmul.f32 v5, v27;
	v2 =	vadd.f32 v34, v2  }
0x275: {  	v41 =	vld [tilespmem:s18+$0x19400];
	v42 =	vadd.s32 $0xC180, v1;
	v5 =	vmin.f32 v40, $5.000000000e+00  }
0x276: {  	v44 =	vld.idx.msk [tilespmem:v33+s15+$0x0], $0xffff;
	v3 =	vmax.f32 v3, $1.000000000e+00;
	v43 =	vmul.f32 v5, v32;
	v2 =	vadd.f32 v39, v2  }
0x277: {  	v45 =	vld [tilespmem:s18+$0x19480];
	v46 =	vadd.s32 $0xC200, v1;
	v3 =	vmin.f32 v3, $5.000000000e+00  }
0x278: {  	v48 =	vld.idx.msk [tilespmem:v38+s15+$0x0], $0xffff;
	v47 =	vmax.f32 v37, $1.000000000e+00;
	v3 =	vmul.f32 v3, v36;
	v2 =	vadd.f32 v43, v2  }
0x279: {  	v49 =	vld [tilespmem:s18+$0x19500];
	v50 =	vadd.s32 $0xC280, v1;
	v4 =	vmin.f32 v47, $5.000000000e+00  }
0x27a: {  	v51 =	vld.idx.msk [tilespmem:v42+s15+$0x0], $0xffff;
	v2 =	vadd.f32 v3, v2;
	v3 =	vmul.f32 v4, v41  }
0x27b: {  	v52 =	vld [tilespmem:s18+$0x19580];
	v53 =	vadd.s32 $0xC300, v1;
	v5 =	vmax.f32 v44, $1.000000000e+00  }
0x27c: {  	v54 =	vld.idx.msk [tilespmem:v46+s15+$0x0], $0xffff;
	v2 =	vadd.f32 v3, v2;
	v3 =	vmin.f32 v5, $5.000000000e+00  }
0x27d: {  	v55 =	vld [tilespmem:s18+$0x19600];
	v1 =	vadd.s32 $0xC380, v1;
	v6 =	vmax.f32 v48, $1.000000000e+00;
	v3 =	vmul.f32 v3, v45  }
0x27e: {  	v56 =	vld.idx.msk [tilespmem:v50+s15+$0x0], $0xffff;
	v6 =	vmin.f32 v6, $5.000000000e+00  }
0x27f: {  	v57 =	vld [tilespmem:s18+$0x19680];
	v4 =	vmax.f32 v51, $1.000000000e+00;
	v2 =	vadd.f32 v3, v2;
	v3 =	vmul.f32 v6, v49  }
0x280: {  	v58 =	vld.idx.msk [tilespmem:v53+s15+$0x0], $0xffff;
	v4 =	vmin.f32 v4, $5.000000000e+00  }
0x281: {  	v60 =	vld [tilespmem:s18+$0x19700];
	v59 =	vmax.f32 v54, $1.000000000e+00;
	v2 =	vadd.f32 v3, v2;
	v3 =	vmul.f32 v4, v52  }
0x282: {  	v1 =	vld.idx.msk [tilespmem:v1+s15+$0x0], $0xffff;
	v4 =	vmin.f32 v59, $5.000000000e+00  }
0x283: {  	v61 =	vmax.f32 v56, $1.000000000e+00;
	v2 =	vadd.f32 v3, v2;
	v3 =	vmul.f32 v4, v55  }
0x284: {  	v62 =	vld [tilespmem:s18+$0x19780];
	v4 =	vmin.f32 v61, $5.000000000e+00  }
0x285: {  	v63 =	vmax.f32 v58, $1.000000000e+00;
	v2 =	vadd.f32 v3, v2;
	v3 =	vmul.f32 v4, v57  }
0x286: {  	v4 =	vmin.f32 v63, $5.000000000e+00  }
0x287: {  	v1 =	vmax.f32 v1, $1.000000000e+00;
	v2 =	vadd.f32 v3, v2;
	v3 =	vmul.f32 v4, v60  }
0x288: {  	v1 =	vmin.f32 v1, $5.000000000e+00  }
0x289: {  	s16 =	sadd.s32 $0x10000, s16;
	v1 =	vmul.f32 v1, v62;
	v2 =	vadd.f32 v3, v2  }
0x28a: {  	p0 =	sne.s32 s16, $0x200000  }
.Ltmp7:
0x28b: {  	v1 =	vadd.f32 v1, v2;
	(pc) =	sbr.rel @!p0 .LBB2_9-.Ltmp7, $4  }
0x28c: {  	_ = 	snop  }
0x28d: {  	s17 =	sadd.s32 $0x1, s17;
	v1 =	vadd.f32 $0.0e+00, v1  }
0x28e: {  	s0 =	sadd.s32 $0x1, s0;
	s3 =	sadd.s32 $0x10, s3;
	s30 =	sadd.s32 $0x800, s30  }
0x28f: {  	s14 =	sadd.s32 $0x80, s14;
	s13 =	sadd.s32 $0x10, s13;
	[tilespmem:s11+$0x0] =	vst v1;
	s11 =	sadd.s32 $0x10, s11  }
.LBB2_6:
0x290: {  	s18 =	sadd.s32 $0xFFFFFFFE, s0  }
0x291: {  	p0 =	sgt.u32 s18, $0x1D  }
.Ltmp8:
0x292: {  	_ = 	snop;
	(pc) =	sbr.rel @p0 .LBB2_8-.Ltmp8, $4  }
0x293: {  	_ = 	snop  }
0x294: {  	_ =	swait.ge [sflag:s9], $0x8000  }
0x295: {  	[sflag:s9] =	ssyncset.done $0x0  }
0x296: {  	[sflag:s9] =	ssyncadd.s32 $0xFFFF8000  }
0x297: {  	v1 =	vld [tilespmem:s3+$0x0];
	_ =	sdelay $0x4  }
0x298: {  	(v2sf) =	vpush v1, $0x0;
	_ =	sdelay $0x5  }
0x299: {  	(v2sf) =	vpush v1, $0x1;
	_ =	sdelay $0x2  }
0x29a: {  	s18 =	smulhi.u32 $0xAAAAAAAB, s0;
	_ =	sdelay $0x1  }
0x29b: {  	s18 =	sshrl.u32 s18, $0x1  }
0x29c: {  	s18 =	smul.u32 $0xFFFD0000, s18;
	(v2sf) =	vpush v1, $0x2;
	_ =	sdelay $0x1  }
0x29d: {  	s18 =	sshra.s32 s18, $0x2  }
0x29e: {  	s20 =	sshra.s32 s16, $0x2;
	s18 =	sor.u32 $0x400, s18;
	s19 =	spop (v2sf)  }
0x29f: {  	s18 =	sadd.s32 s20, s18;
	s19 =	sand.u32 $0xFFFFF80, s19  }
0x2a0: {  	s20 =	sadd.s32 $0x8000, s18;
	s19 =	sadd.s32 s2, s19  }
0x2a1: {  	(v2sf) =	vpush v1, $0x3;
	[tilespmem:s20], [sflag:$0x1] =	stream.linear.gather [hbm4b:s19+s4], $0x400, $0x38;
	[tilespmem:$0x1C800] =	vst v63  }
0x2a2: {  	s19 =	sadd.s32 $0xF4280, s19;
	s20 =	sadd.s32 $0x14000, s18  }
0x2a3: {  	[tilespmem:s20], [sflag:$0x1] =	stream.linear.gather [hbm4b:s19+s4], $0x400, $0x38;
	[tilespmem:$0x1C800] =	vst v63  }
0x2a4: {  	s20 =	spop (v2sf)  }
0x2a5: {  	s19 =	sand.u32 $0xFFFFF80, s20  }
0x2a6: {  	s20 =	sadd.s32 $0x8400, s18;
	s19 =	sadd.s32 s2, s19  }
0x2a7: {  	(v2sf) =	vpush v1, $0x4;
	[tilespmem:s20], [sflag:$0x1] =	stream.linear.gather [hbm4b:s19+s4], $0x400, $0x38;
	[tilespmem:$0x1C800] =	vst v63  }
0x2a8: {  	s19 =	sadd.s32 $0xF4280, s19;
	s20 =	sadd.s32 $0x14400, s18  }
0x2a9: {  	[tilespmem:s20], [sflag:$0x1] =	stream.linear.gather [hbm4b:s19+s4], $0x400, $0x38;
	[tilespmem:$0x1C800] =	vst v63  }
0x2aa: {  	s20 =	spop (v2sf)  }
0x2ab: {  	s19 =	sand.u32 $0xFFFFF80, s20  }
0x2ac: {  	s20 =	sadd.s32 $0x8800, s18;
	s19 =	sadd.s32 s2, s19  }
0x2ad: {  	(v2sf) =	vpush v1, $0x5;
	[tilespmem:s20], [sflag:$0x1] =	stream.linear.gather [hbm4b:s19+s4], $0x400, $0x38;
	[tilespmem:$0x1C800] =	vst v63  }
0x2ae: {  	s19 =	sadd.s32 $0xF4280, s19;
	s20 =	sadd.s32 $0x14800, s18  }
0x2af: {  	[tilespmem:s20], [sflag:$0x1] =	stream.linear.gather [hbm4b:s19+s4], $0x400, $0x38;
	[tilespmem:$0x1C800] =	vst v63  }
0x2b0: {  	s20 =	spop (v2sf)  }
0x2b1: {  	s19 =	sand.u32 $0xFFFFF80, s20  }
0x2b2: {  	s20 =	sadd.s32 $0x8C00, s18;
	s19 =	sadd.s32 s2, s19  }
0x2b3: {  	(v2sf) =	vpush v1, $0x6;
	[tilespmem:s20], [sflag:$0x1] =	stream.linear.gather [hbm4b:s19+s4], $0x400, $0x38;
	[tilespmem:$0x1C800] =	vst v63  }
0x2b4: {  	s19 =	sadd.s32 $0xF4280, s19;
	s20 =	sadd.s32 $0x14C00, s18  }
0x2b5: {  	[tilespmem:s20], [sflag:$0x1] =	stream.linear.gather [hbm4b:s19+s4], $0x400, $0x38;
	[tilespmem:$0x1C800] =	vst v63  }
0x2b6: {  	s20 =	spop (v2sf)  }
0x2b7: {  	s19 =	sand.u32 $0xFFFFF80, s20  }
0x2b8: {  	s20 =	sadd.s32 $0x9000, s18;
	s19 =	sadd.s32 s2, s19  }
0x2b9: {  	(v2sf) =	vpush v1, $0x7;
	[tilespmem:s20], [sflag:$0x1] =	stream.linear.gather [hbm4b:s19+s4], $0x400, $0x38;
	[tilespmem:$0x1C800] =	vst v63  }
0x2ba: {  	s19 =	sadd.s32 $0xF4280, s19;
	s20 =	sadd.s32 $0x15000, s18  }
0x2bb: {  	[tilespmem:s20], [sflag:$0x1] =	stream.linear.gather [hbm4b:s19+s4], $0x400, $0x38;
	[tilespmem:$0x1C800] =	vst v63  }
0x2bc: {  	s20 =	spop (v2sf)  }
0x2bd: {  	s19 =	sand.u32 $0xFFFFF80, s20  }
0x2be: {  	s20 =	sadd.s32 $0x9400, s18;
	s19 =	sadd.s32 s2, s19  }
0x2bf: {  	(v2sf) =	vpush v1, $0x8;
	[tilespmem:s20], [sflag:$0x1] =	stream.linear.gather [hbm4b:s19+s4], $0x400, $0x38;
	[tilespmem:$0x1C800] =	vst v63  }
0x2c0: {  	s19 =	sadd.s32 $0xF4280, s19;
	s20 =	sadd.s32 $0x15400, s18  }
0x2c1: {  	[tilespmem:s20], [sflag:$0x1] =	stream.linear.gather [hbm4b:s19+s4], $0x400, $0x38;
	[tilespmem:$0x1C800] =	vst v63  }
0x2c2: {  	s20 =	spop (v2sf)  }
0x2c3: {  	s19 =	sand.u32 $0xFFFFF80, s20  }
0x2c4: {  	s20 =	sadd.s32 $0x9800, s18;
	s19 =	sadd.s32 s2, s19  }
0x2c5: {  	(v2sf) =	vpush v1, $0x9;
	[tilespmem:s20], [sflag:$0x1] =	stream.linear.gather [hbm4b:s19+s4], $0x400, $0x38;
	[tilespmem:$0x1C800] =	vst v63  }
0x2c6: {  	s19 =	sadd.s32 $0xF4280, s19;
	s20 =	sadd.s32 $0x15800, s18  }
0x2c7: {  	[tilespmem:s20], [sflag:$0x1] =	stream.linear.gather [hbm4b:s19+s4], $0x400, $0x38;
	[tilespmem:$0x1C800] =	vst v63  }
0x2c8: {  	s20 =	spop (v2sf)  }
0x2c9: {  	s19 =	sand.u32 $0xFFFFF80, s20  }
0x2ca: {  	s20 =	sadd.s32 $0x9C00, s18;
	s19 =	sadd.s32 s2, s19  }
0x2cb: {  	(v2sf) =	vpush v1, $0xA;
	[tilespmem:s20], [sflag:$0x1] =	stream.linear.gather [hbm4b:s19+s4], $0x400, $0x38;
	[tilespmem:$0x1C800] =	vst v63  }
0x2cc: {  	s19 =	sadd.s32 $0xF4280, s19;
	s20 =	sadd.s32 $0x15C00, s18  }
0x2cd: {  	[tilespmem:s20], [sflag:$0x1] =	stream.linear.gather [hbm4b:s19+s4], $0x400, $0x38;
	[tilespmem:$0x1C800] =	vst v63  }
0x2ce: {  	s20 =	spop (v2sf)  }
0x2cf: {  	s19 =	sand.u32 $0xFFFFF80, s20  }
0x2d0: {  	s20 =	sadd.s32 $0xA000, s18;
	s19 =	sadd.s32 s2, s19  }
0x2d1: {  	(v2sf) =	vpush v1, $0xB;
	[tilespmem:s20], [sflag:$0x1] =	stream.linear.gather [hbm4b:s19+s4], $0x400, $0x38;
	[tilespmem:$0x1C800] =	vst v63  }
0x2d2: {  	s19 =	sadd.s32 $0xF4280, s19;
	s20 =	sadd.s32 $0x16000, s18  }
0x2d3: {  	[tilespmem:s20], [sflag:$0x1] =	stream.linear.gather [hbm4b:s19+s4], $0x400, $0x38;
	[tilespmem:$0x1C800] =	vst v63  }
0x2d4: {  	s20 =	spop (v2sf)  }
0x2d5: {  	s19 =	sand.u32 $0xFFFFF80, s20  }
0x2d6: {  	s20 =	sadd.s32 $0xA400, s18;
	s19 =	sadd.s32 s2, s19  }
0x2d7: {  	(v2sf) =	vpush v1, $0xC;
	[tilespmem:s20], [sflag:$0x1] =	stream.linear.gather [hbm4b:s19+s4], $0x400, $0x38;
	[tilespmem:$0x1C800] =	vst v63  }
0x2d8: {  	s19 =	sadd.s32 $0xF4280, s19;
	s20 =	sadd.s32 $0x16400, s18  }
0x2d9: {  	[tilespmem:s20], [sflag:$0x1] =	stream.linear.gather [hbm4b:s19+s4], $0x400, $0x38;
	[tilespmem:$0x1C800] =	vst v63  }
0x2da: {  	s20 =	spop (v2sf)  }
0x2db: {  	s19 =	sand.u32 $0xFFFFF80, s20  }
0x2dc: {  	s20 =	sadd.s32 $0xA800, s18;
	s19 =	sadd.s32 s2, s19  }
0x2dd: {  	(v2sf) =	vpush v1, $0xD;
	[tilespmem:s20], [sflag:$0x1] =	stream.linear.gather [hbm4b:s19+s4], $0x400, $0x38;
	[tilespmem:$0x1C800] =	vst v63  }
0x2de: {  	s19 =	sadd.s32 $0xF4280, s19;
	s20 =	sadd.s32 $0x16800, s18  }
0x2df: {  	[tilespmem:s20], [sflag:$0x1] =	stream.linear.gather [hbm4b:s19+s4], $0x400, $0x38;
	[tilespmem:$0x1C800] =	vst v63  }
0x2e0: {  	s20 =	spop (v2sf)  }
0x2e1: {  	s19 =	sand.u32 $0xFFFFF80, s20  }
0x2e2: {  	s20 =	sadd.s32 $0xAC00, s18;
	s19 =	sadd.s32 s2, s19  }
0x2e3: {  	(v2sf) =	vpush v1, $0xE;
	[tilespmem:s20], [sflag:$0x1] =	stream.linear.gather [hbm4b:s19+s4], $0x400, $0x38;
	[tilespmem:$0x1C800] =	vst v63  }
0x2e4: {  	s19 =	sadd.s32 $0xF4280, s19;
	s20 =	sadd.s32 $0x16C00, s18  }
0x2e5: {  	[tilespmem:s20], [sflag:$0x1] =	stream.linear.gather [hbm4b:s19+s4], $0x400, $0x38;
	[tilespmem:$0x1C800] =	vst v63  }
0x2e6: {  	s20 =	spop (v2sf)  }
0x2e7: {  	s19 =	sand.u32 $0xFFFFF80, s20  }
0x2e8: {  	s20 =	sadd.s32 $0xB000, s18;
	s19 =	sadd.s32 s2, s19  }
0x2e9: {  	(v2sf) =	vpush v1, $0xF;
	[tilespmem:s20], [sflag:$0x1] =	stream.linear.gather [hbm4b:s19+s4], $0x400, $0x38;
	[tilespmem:$0x1C800] =	vst v63  }
0x2ea: {  	s19 =	sadd.s32 $0xF4280, s19;
	s20 =	sadd.s32 $0x17000, s18  }
0x2eb: {  	[tilespmem:s20], [sflag:$0x1] =	stream.linear.gather [hbm4b:s19+s4], $0x400, $0x38;
	[tilespmem:$0x1C800] =	vst v63  }
0x2ec: {  	s20 =	spop (v2sf)  }
0x2ed: {  	s19 =	sand.u32 $0xFFFFF80, s20  }
0x2ee: {  	s20 =	sadd.s32 $0xB400, s18;
	s19 =	sadd.s32 s2, s19  }
0x2ef: {  	[tilespmem:s20], [sflag:$0x1] =	stream.linear.gather [hbm4b:s19+s4], $0x400, $0x38;
	[tilespmem:$0x1C800] =	vst v63  }
0x2f0: {  	s19 =	sadd.s32 $0xF4280, s19;
	s20 =	sadd.s32 $0x17400, s18  }
0x2f1: {  	[tilespmem:s20], [sflag:$0x1] =	stream.linear.gather [hbm4b:s19+s4], $0x400, $0x38;
	[tilespmem:$0x1C800] =	vst v63  }
0x2f2: {  	s20 =	spop (v2sf)  }
0x2f3: {  	s19 =	sand.u32 $0xFFFFF80, s20  }
0x2f4: {  	s20 =	sadd.s32 $0xB800, s18;
	s19 =	sadd.s32 s2, s19  }
0x2f5: {  	[tilespmem:s20], [sflag:$0x1] =	stream.linear.gather [hbm4b:s19+s4], $0x400, $0x38;
	[tilespmem:$0x1C800] =	vst v63  }
0x2f6: {  	s19 =	sadd.s32 $0xF4280, s19;
	s20 =	sadd.s32 $0x17800, s18  }
0x2f7: {  	[tilespmem:s20], [sflag:$0x1] =	stream.linear.gather [hbm4b:s19+s4], $0x400, $0x38;
	[tilespmem:$0x1C800] =	vst v63  }
0x2f8: {  	s20 =	spop (v2sf)  }
.Ltmp9:
0x2f9: {  	s19 =	sand.u32 $0xFFFFF80, s20;
	(pc) =	sbr.rel .LBB2_8-.Ltmp9, $4  }
0x2fa: {  	s20 =	sadd.s32 $0xBC00, s18;
	s19 =	sadd.s32 s2, s19  }
0x2fb: {  	[tilespmem:s20], [sflag:$0x1] =	stream.linear.gather [hbm4b:s19+s4], $0x400, $0x38;
	[tilespmem:$0x1C800] =	vst v63  }
0x2fc: {  	s18 =	sadd.s32 $0x17C00, s18;
	s19 =	sadd.s32 $0xF4280, s19  }
0x2fd: {  	[tilespmem:s18], [sflag:$0x1] =	stream.linear.gather [hbm4b:s19+s4], $0x400, $0x38;
	[tilespmem:$0x1C800] =	vst v63  }
.LBB2_10:
0x2fe: {  	_ =	sfence.sel $0x180000  }
0x2ff: {  	[bflag:$0x0] =	sbarrier.arrive $0xFFFF  }
0x300: {  	_ =	strace $0x90000047  }
0x301: {  	s0 =	stileid.u32;
	[bflag:$0x2] =	sbarrier.arrive $0xFFFF  }
0x302: {  	p0 =	sne.s32 s0, $0x0;
	s0 =	rddreg [dreg:$0x7]  }
0x303: {  	s0 =	sadd.s32 @!p0 $0x100000, s0  }
0x304: {  	[sflag:s0] =	ssyncadd.tile.s32 @!p0 $0x1;
	_ =	shalt  }
.Lfunc_end2:
_tile_overlayer_lowered:
.L_overlay_start_2:
0x305: {  	(tag) =	ssettag $0x2  }
0x306: {  	s0 =	rddreg [dreg:$0x0];
	s2 =	stileid.u32  }
0x307: {  	s1 =	rddreg [dreg:$0x1];
	p0 =	sne.s32 s2, $0x0  }
0x308: {  	s3 =	rddreg [dreg:$0x2];
	[bflag:$0x3] =	sbarrier.arrive $0xFFFF;
	s2 =	simm.s32 @!p0 $0x1C02  }
0x309: {  	[timem:s3], [sflag:s2] =	dma.local @!p0 [hbm:s0], s1  }
0x30a: {  	s0 =	simm.s32 @!p0 $0x2  }
0x30b: {  	_ =	swait.ge @!p0 [sflag:s0], s1  }
0x30c: {  	s1 =	ssub.s32 @!p0 $0x0, s1;
	[sflag:s0] =	ssyncset.done @!p0 $0x0  }
0x30d: {  	[sflag:s0] =	ssyncadd.s32 @!p0 s1  }
0x30e: {  	[bflag:$0x3] =	sbarrier.arrive $0xFFFF  }
0x30f: {  	_ =	shalt  }

</sc_bundles>
